<compile_context>
chip_gen: v7x
topology: tpu7x:2x2x1
jax: 0.10.2.dev20260603
libtpu: 0.0.44.dev20260713+nightly
codegen_flags: <defaults>
</compile_context>

<pallas_src>
import functools

import jax
import jax.numpy as jnp
from jax import lax
from jax.experimental import pallas as pl
from jax.experimental.pallas import tpu as pltpu
from jax.experimental.pallas import tpu_sc as plsc

N = 10000
E = 320000
D = 128
C = 64
NC, NS, LANES = 2, 16, 16
NW = NC * NS
K = 128
CPW = 80
EPW = K * CPW
EPAD = EPW * NW
NCH_ALL = EPAD // K
NPAD = 10240
NPT = NPAD // NS
MMB = 400

_SC_PARAMS = pltpu.CompilerParams(needs_layout_passes=False)


def _mesh():
    return plsc.VectorSubcoreMesh(core_axis_name="c", subcore_axis_name="s")


def _splat(v):
    return jnp.zeros((LANES,), jnp.int32) + v


@functools.partial(
    pl.kernel,
    out_type=jax.ShapeDtypeStruct((NC, NPAD), jnp.float32),
    mesh=_mesh(),
    compiler_params=_SC_PARAMS,
    scratch_types=[
        pltpu.VMEM((NPAD,), jnp.float32),
        pltpu.VMEM((CPW, K), jnp.int32),
        pltpu.VMEM((CPW, K), jnp.float32),
        pltpu.VMEM((NS, NPT), jnp.float32),
        pltpu.VMEM_SHARED((NS, NPAD), jnp.float32),
    ],
)
def _deg_kernel(dpack_hbm, wpack_hbm, degp, acc, dbig, wbig, rbuf, shared):
    cid = lax.axis_index("c")
    sid = lax.axis_index("s")
    wid = cid * NS + sid

    def zero_body(i, c):
        acc[pl.ds(i * LANES, LANES)] = jnp.zeros((LANES,), jnp.float32)
        return c

    lax.fori_loop(0, NPAD // LANES, zero_body, 0)
    slab = pl.ds(pl.multiple_of(wid * CPW, 8), CPW)
    pltpu.sync_copy(dpack_hbm.at[slab], dbig)
    pltpu.sync_copy(wpack_hbm.at[slab], wbig)

    def chunk_body(c, carry):
        for i in range(K // LANES):
            idx = dbig[c, pl.ds(i * LANES, LANES)]
            val = wbig[c, pl.ds(i * LANES, LANES)]
            plsc.addupdate_scatter(acc, [idx], val)
        return carry

    lax.fori_loop(0, CPW, chunk_body, 0)

    pltpu.sync_copy(acc, shared.at[sid])
    plsc.subcore_barrier()
    col0 = pl.multiple_of(sid * NPT, 8)
    for r in range(NS):
        pltpu.sync_copy(shared.at[r, pl.ds(col0, NPT)], rbuf.at[r])

    def red_body(i, carry):
        s = rbuf[0, pl.ds(i * LANES, LANES)]
        for r in range(1, NS):
            s = s + rbuf[r, pl.ds(i * LANES, LANES)]
        acc[pl.ds(i * LANES, LANES)] = s
        return carry

    lax.fori_loop(0, NPT // LANES, red_body, 0)
    pltpu.sync_copy(acc.at[pl.ds(0, NPT)], degp.at[cid, pl.ds(col0, NPT)])


@functools.partial(
    pl.kernel,
    out_type=jax.ShapeDtypeStruct((NC, NPAD, D), jnp.float32),
    mesh=_mesh(),
    compiler_params=_SC_PARAMS,
    scratch_types=[
        [pltpu.VMEM((K,), jnp.int32) for _ in range(2)],
        [pltpu.VMEM((K,), jnp.int32) for _ in range(2)],
        pltpu.VMEM((CPW, K), jnp.float32),
        [pltpu.VMEM((K, D), jnp.float32) for _ in range(2)],
        pltpu.VMEM((32, D), jnp.float32),
        pltpu.VMEM_SHARED((NPAD, D), jnp.float32),
        [pltpu.SemaphoreType.DMA for _ in range(2)],
    ],
)
def _prop_kernel(h_hbm, spack_hbm, dpack_hbm, wpack_hbm, part,
                 sidx, didx, wbig, rows, zbuf, acc, gsem):
    cid = lax.axis_index("c")
    sid = lax.axis_index("s")
    wid = cid * NS + sid

    def zfill(i, c):
        for j in range(D // LANES):
            zbuf[i, pl.ds(j * LANES, LANES)] = jnp.zeros((LANES,), jnp.float32)
        return c

    lax.fori_loop(0, 32, zfill, 0)
    row0 = pl.multiple_of(sid * NPT, 8)

    def zcopy(k, carry):
        pltpu.sync_copy(zbuf, acc.at[pl.ds(pl.multiple_of(row0 + k * 32, 8),
                                           32)])
        return carry

    lax.fori_loop(0, NPT // 32, zcopy, 0)
    plsc.subcore_barrier()

    slab = pl.ds(pl.multiple_of(wid * CPW, 8), CPW)
    pltpu.sync_copy(wpack_hbm.at[slab], wbig)
    ebase = wid * EPW

    def gather_start(c, b):
        off = pl.multiple_of(ebase + c * K, 8)
        pltpu.sync_copy(spack_hbm.at[pl.ds(off, K)], sidx[b])
        pltpu.sync_copy(dpack_hbm.at[pl.ds(off, K)], didx[b])
        pltpu.async_copy(h_hbm.at[sidx[b]], rows[b], gsem[b])

    def gather_wait(c, b):
        pltpu.make_async_copy(h_hbm.at[sidx[b]], rows[b], gsem[b]).wait()

    def process(c, b):
        gather_wait(c, b)
        c16 = _splat(c)

        def sbody(e, cc):
            s = plsc.load_gather(wbig, [c16, _splat(e)])
            for j in range(D // LANES):
                rows[b][e, pl.ds(j * LANES, LANES)] = (
                    rows[b][e, pl.ds(j * LANES, LANES)] * s)
            return cc

        lax.fori_loop(0, K, sbody, 0)
        pltpu.sync_copy(rows[b], acc.at[didx[b]], add=True)

    gather_start(0, 0)

    def loop_body(i, carry):
        c = i * 2
        gather_start(c + 1, 1)
        process(c, 0)

        @pl.when(c + 2 < CPW)
        def _():
            gather_start(c + 2, 0)

        process(c + 1, 1)
        return carry

    lax.fori_loop(0, CPW // 2, loop_body, 0)
    plsc.subcore_barrier()

    def wb_body(k, carry):
        r = pl.multiple_of(row0 + k * 64, 8)
        pltpu.sync_copy(acc.at[pl.ds(r, 64)], part.at[cid, pl.ds(r, 64)])
        return carry

    lax.fori_loop(0, NPT // 64, wb_body, 0)


def _prep_body(degp_ref, dinv_ref):
    deg = degp_ref[0] + degp_ref[1] + 1.0
    dinv_ref[...] = lax.rsqrt(deg)


_prep = pl.pallas_call(
    _prep_body,
    out_shape=jax.ShapeDtypeStruct((NPAD // 128, 128), jnp.float32),
)


def _mm_body(a_ref, w_ref, dv_ref, o_ref):
    o_ref[...] = dv_ref[...] * jnp.dot(a_ref[...], w_ref[...],
                                       preferred_element_type=jnp.float32,
                                       precision=lax.Precision.HIGHEST)


_mm = pl.pallas_call(
    _mm_body,
    grid=(N // MMB,),
    in_specs=[pl.BlockSpec((MMB, D), lambda i: (i, 0)),
              pl.BlockSpec((D, D), lambda i: (0, 0)),
              pl.BlockSpec((MMB, 1), lambda i: (i, 0))],
    out_specs=pl.BlockSpec((MMB, D), lambda i: (i, 0)),
    out_shape=jax.ShapeDtypeStruct((N, D), jnp.float32),
)


def _fuse_mm_body(p0_ref, p1_ref, h_ref, dv_ref, b_ref, w_ref, o_ref):
    a = dv_ref[...] * (p0_ref[0] + p1_ref[0] + h_ref[...]) + b_ref[...]
    a = jnp.maximum(a, 0.0)
    o_ref[...] = dv_ref[...] * jnp.dot(a, w_ref[...],
                                       preferred_element_type=jnp.float32,
                                       precision=lax.Precision.HIGHEST)


_fuse_mm = pl.pallas_call(
    _fuse_mm_body,
    grid=(N // MMB,),
    in_specs=[pl.BlockSpec((1, MMB, D), lambda i: (0, i, 0)),
              pl.BlockSpec((1, MMB, D), lambda i: (1, i, 0)),
              pl.BlockSpec((MMB, D), lambda i: (i, 0)),
              pl.BlockSpec((MMB, 1), lambda i: (i, 0)),
              pl.BlockSpec((1, D), lambda i: (0, 0)),
              pl.BlockSpec((D, D), lambda i: (0, 0))],
    out_specs=pl.BlockSpec((MMB, D), lambda i: (i, 0)),
    out_shape=jax.ShapeDtypeStruct((N, D), jnp.float32),
)


def _final_body(p0_ref, p1_ref, h_ref, dv_ref, b_ref, w_ref, bo_ref, o_ref):
    a = dv_ref[...] * (p0_ref[0] + p1_ref[0] + h_ref[...]) + b_ref[...]
    a = jnp.maximum(a, 0.0)
    logits = jnp.dot(a, w_ref[...],
                     preferred_element_type=jnp.float32,
                     precision=lax.Precision.HIGHEST) + bo_ref[...]
    col = lax.broadcasted_iota(jnp.int32, (MMB, 128), 1)
    lm = jnp.where(col < C, logits, jnp.float32(-1e30))
    m = jnp.max(lm, axis=1, keepdims=True)
    ex = jnp.where(col < C, jnp.exp(lm - m), 0.0)
    o_ref[...] = ex / jnp.sum(ex, axis=1, keepdims=True)


_final = pl.pallas_call(
    _final_body,
    grid=(N // MMB,),
    in_specs=[pl.BlockSpec((1, MMB, D), lambda i: (0, i, 0)),
              pl.BlockSpec((1, MMB, D), lambda i: (1, i, 0)),
              pl.BlockSpec((MMB, D), lambda i: (i, 0)),
              pl.BlockSpec((MMB, 1), lambda i: (i, 0)),
              pl.BlockSpec((1, D), lambda i: (0, 0)),
              pl.BlockSpec((D, 128), lambda i: (0, 0)),
              pl.BlockSpec((1, 128), lambda i: (0, 0))],
    out_specs=pl.BlockSpec((MMB, 128), lambda i: (i, 0)),
    out_shape=jax.ShapeDtypeStruct((N, 128), jnp.float32),
)


def kernel(x, edge_index, edge_weight, W1, b1, W2, b2, Wout, bout):
    src = edge_index[0].astype(jnp.int32)
    dst = edge_index[1].astype(jnp.int32)
    w = edge_weight.astype(jnp.float32)
    pad = EPAD - E
    spack = jnp.concatenate([src, jnp.zeros((pad,), jnp.int32)]).reshape(
        NCH_ALL, K)
    dpack = jnp.concatenate([dst, jnp.zeros((pad,), jnp.int32)]).reshape(
        NCH_ALL, K)
    wpack = jnp.concatenate([w, jnp.zeros((pad,), jnp.float32)]).reshape(
        NCH_ALL, K)
    degp = _deg_kernel(dpack, wpack)
    dinv = _prep(degp.reshape(NC, NPAD // 128, 128))
    dinv_col = dinv.reshape(NPAD)[:N, None]

    h1 = _mm(x, W1, dinv_col)
    part1 = _prop_kernel(h1, spack.reshape(EPAD), dpack.reshape(EPAD), wpack)
    h2 = _fuse_mm(part1, part1, h1, dinv_col, b1.reshape(1, D), W2)
    part2 = _prop_kernel(h2, spack.reshape(EPAD), dpack.reshape(EPAD), wpack)
    Wout_pad = jnp.pad(Wout, ((0, 0), (0, 128 - C)))
    bout_pad = jnp.pad(bout, (0, 128 - C)).reshape(1, 128)
    outp = _final(part2, part2, h2, dinv_col, b2.reshape(1, D),
                  Wout_pad, bout_pad)
    return outp[:, :C]

# --- scband reference (transcript-rebuilt; emitter-appended) ---
"""Pipeline reference for scband-gcn-69114613729586 (READ-ONLY COPY).

The authoritative reference and input builder live on the scoring server;
editing this copy changes nothing except your own understanding.
"""

import jax, jax.numpy as jnp
import numpy as np

N_NODES = 10000
N_EDGES = 320000
D_FEAT = 128
HIDDEN = 128
N_CLASSES = 64


def setup_inputs(seed: int = 0) -> dict:
    key = jax.random.key(seed)
    ks = jax.random.split(key, 9)
    x = jax.random.normal(ks[0], (N_NODES, D_FEAT), dtype=jnp.float32)
    edge_index = jax.random.randint(ks[1], (2, N_EDGES), 0, N_NODES, dtype=jnp.int64)
    edge_weight = jax.random.uniform(ks[2], (N_EDGES,), dtype=jnp.float32)
    s1 = 1.0 / np.sqrt(D_FEAT)
    s2 = 1.0 / np.sqrt(HIDDEN)
    W1 = jax.random.uniform(ks[3], (D_FEAT, HIDDEN), dtype=jnp.float32, minval=-s1, maxval=s1)
    b1 = jnp.zeros((HIDDEN,), dtype=jnp.float32)
    W2 = jax.random.uniform(ks[4], (HIDDEN, HIDDEN), dtype=jnp.float32, minval=-s2, maxval=s2)
    b2 = jnp.zeros((HIDDEN,), dtype=jnp.float32)
    Wout = jax.random.uniform(ks[5], (HIDDEN, N_CLASSES), dtype=jnp.float32, minval=-s2, maxval=s2)
    bout = jax.random.uniform(ks[6], (N_CLASSES,), dtype=jnp.float32, minval=-s2, maxval=s2)
    return {"x": x, "edge_index": edge_index, "edge_weight": edge_weight,
            "W1": W1, "b1": b1, "W2": W2, "b2": b2, "Wout": Wout, "bout": bout}


def _gcn_conv(x, edge_index, edge_weight, W, b):
    # Faithful PyG GCNConv: add self-loops (weight 1), symmetric normalization,
    # linear transform (no bias), propagate (scatter-add to dst), add bias.
    N = x.shape[0]
    src = edge_index[0]
    dst = edge_index[1]
    loop = jnp.arange(N, dtype=edge_index.dtype)
    src2 = jnp.concatenate([src, loop])
    dst2 = jnp.concatenate([dst, loop])
    w2 = jnp.concatenate([edge_weight, jnp.ones((N,), dtype=x.dtype)])
    deg = jax.ops.segment_sum(w2, dst2, num_segments=N)
    dinv = jnp.where(deg > 0, jax.lax.rsqrt(deg), 0.0)
    norm = dinv[src2] * w2 * dinv[dst2]
    h = x @ W
    msg = norm[:, None] * jnp.take(h, src2, axis=0)
    out = jax.ops.segment_sum(msg, dst2, num_segments=N) + b
    return out


def reference(x, edge_index, edge_weight, W1, b1, W2, b2, Wout, bout):
    h = jax.nn.relu(_gcn_conv(x, edge_index, edge_weight, W1, b1))
    # dropout p=0.5 is identity in eval mode
    h = jax.nn.relu(_gcn_conv(h, edge_index, edge_weight, W2, b2))
    logits = h @ Wout + bout
    return jax.nn.softmax(logits, axis=1)

if __name__ == "__main__":
    import jax
    _d = setup_inputs()
    print(jax.jit(kernel)(*tuple(_d.values())))

</pallas_src>

<mosaic_0001>
#map = affine_map<(d0, d1) -> (0, 0)>
#map1 = affine_map<(d0, d1) -> (0)>
#map2 = affine_map<(d0, d1) -> (0, 0, 0)>
module attributes {stable_mosaic.version = 14 : i64} {
  func.func @_prop_kernel(%arg0: i32, %arg1: i32, %arg2: memref<10000x128xf32, #tpu.memory_space<hbm>>, %arg3: memref<327680xi32, #tpu.memory_space<hbm>>, %arg4: memref<327680xi32, #tpu.memory_space<hbm>>, %arg5: memref<2560x128xf32, #tpu.memory_space<hbm>>, %arg6: memref<2x10240x128xf32, #tpu.memory_space<hbm>>, %arg7: memref<128xi32, #tpu.memory_space<vmem>>, %arg8: memref<128xi32, #tpu.memory_space<vmem>>, %arg9: memref<128xi32, #tpu.memory_space<vmem>>, %arg10: memref<128xi32, #tpu.memory_space<vmem>>, %arg11: memref<80x128xf32, #tpu.memory_space<vmem>>, %arg12: memref<128x128xf32, #tpu.memory_space<vmem>>, %arg13: memref<128x128xf32, #tpu.memory_space<vmem>>, %arg14: memref<32x128xf32, #tpu.memory_space<vmem>>, %arg15: memref<10240x128xf32, #tpu.memory_space<vmem_shared>>, %arg16: memref<!tpu.dma_semaphore, #tpu.memory_space<semaphore_mem>>, %arg17: memref<!tpu.dma_semaphore, #tpu.memory_space<semaphore_mem>>) attributes {dimension_semantics = [#tpu.dimension_semantics<core_parallel>, #tpu.dimension_semantics<subcore_parallel>], iteration_bounds = array<i64: 2, 16>, scalar_prefetch = 0 : i64, scratch_operands = 11 : i64, tpu.core_type = #tpu.core_type<sc_vector_subcore>, window_params = [{transform_indices = #map}, {transform_indices = #map1}, {transform_indices = #map1}, {transform_indices = #map}, {transform_indices = #map2}]} {
    %mul3A = arith.constant 16 : i32
    %mul3A_0 = arith.muli %arg0, %mul3A : i32
    %add3A = arith.addi %mul3A_0, %arg1 : i32
    %scan3A = arith.constant 0 : i32
    %scan3A_1 = arith.constant 0 : i32
    %scan3A_2 = arith.constant 32 : i32
    %scan3A_3 = arith.addi %scan3A_1, %scan3A_2 : i32
    %scan3A_4 = arith.constant 1 : i32
    scf.for %scan3A_37 = %scan3A_1 to %scan3A_3 step %scan3A_4  : i32 {
      %broadcast_in_dim3A = arith.constant 0.000000e+00 : f32
      %broadcast_in_dim3A_38 = vector.broadcast %broadcast_in_dim3A : f32 to vector<16xf32>
      %swap3A = arith.index_cast %scan3A_37 : i32 to index
      %swap3A_39 = arith.constant 0 : index
      %swap3A_40 = tpu.vector_load %arg14[%swap3A, %swap3A_39] {strides = array<i32>} : memref<32x128xf32, #tpu.memory_space<vmem>>, vector<16xf32>,
      tpu.vector_store %arg14[%swap3A, %swap3A_39], %broadcast_in_dim3A_38 {strides = array<i32>} : memref<32x128xf32, #tpu.memory_space<vmem>>, vector<16xf32>,
      %broadcast_in_dim3A_41 = arith.constant 0.000000e+00 : f32
      %broadcast_in_dim3A_42 = vector.broadcast %broadcast_in_dim3A_41 : f32 to vector<16xf32>
      %swap3A_43 = arith.index_cast %scan3A_37 : i32 to index
      %swap3A_44 = arith.constant 16 : index
      %swap3A_45 = tpu.vector_load %arg14[%swap3A_43, %swap3A_44] {strides = array<i32>} : memref<32x128xf32, #tpu.memory_space<vmem>>, vector<16xf32>,
      tpu.vector_store %arg14[%swap3A_43, %swap3A_44], %broadcast_in_dim3A_42 {strides = array<i32>} : memref<32x128xf32, #tpu.memory_space<vmem>>, vector<16xf32>,
      %broadcast_in_dim3A_46 = arith.constant 0.000000e+00 : f32
      %broadcast_in_dim3A_47 = vector.broadcast %broadcast_in_dim3A_46 : f32 to vector<16xf32>
      %swap3A_48 = arith.index_cast %scan3A_37 : i32 to index
      %swap3A_49 = arith.constant 32 : index
      %swap3A_50 = tpu.vector_load %arg14[%swap3A_48, %swap3A_49] {strides = array<i32>} : memref<32x128xf32, #tpu.memory_space<vmem>>, vector<16xf32>,
      tpu.vector_store %arg14[%swap3A_48, %swap3A_49], %broadcast_in_dim3A_47 {strides = array<i32>} : memref<32x128xf32, #tpu.memory_space<vmem>>, vector<16xf32>,
      %broadcast_in_dim3A_51 = arith.constant 0.000000e+00 : f32
      %broadcast_in_dim3A_52 = vector.broadcast %broadcast_in_dim3A_51 : f32 to vector<16xf32>
      %swap3A_53 = arith.index_cast %scan3A_37 : i32 to index
      %swap3A_54 = arith.constant 48 : index
      %swap3A_55 = tpu.vector_load %arg14[%swap3A_53, %swap3A_54] {strides = array<i32>} : memref<32x128xf32, #tpu.memory_space<vmem>>, vector<16xf32>,
      tpu.vector_store %arg14[%swap3A_53, %swap3A_54], %broadcast_in_dim3A_52 {strides = array<i32>} : memref<32x128xf32, #tpu.memory_space<vmem>>, vector<16xf32>,
      %broadcast_in_dim3A_56 = arith.constant 0.000000e+00 : f32
      %broadcast_in_dim3A_57 = vector.broadcast %broadcast_in_dim3A_56 : f32 to vector<16xf32>
      %swap3A_58 = arith.index_cast %scan3A_37 : i32 to index
      %swap3A_59 = arith.constant 64 : index
      %swap3A_60 = tpu.vector_load %arg14[%swap3A_58, %swap3A_59] {strides = array<i32>} : memref<32x128xf32, #tpu.memory_space<vmem>>, vector<16xf32>,
      tpu.vector_store %arg14[%swap3A_58, %swap3A_59], %broadcast_in_dim3A_57 {strides = array<i32>} : memref<32x128xf32, #tpu.memory_space<vmem>>, vector<16xf32>,
      %broadcast_in_dim3A_61 = arith.constant 0.000000e+00 : f32
      %broadcast_in_dim3A_62 = vector.broadcast %broadcast_in_dim3A_61 : f32 to vector<16xf32>
      %swap3A_63 = arith.index_cast %scan3A_37 : i32 to index
      %swap3A_64 = arith.constant 80 : index
      %swap3A_65 = tpu.vector_load %arg14[%swap3A_63, %swap3A_64] {strides = array<i32>} : memref<32x128xf32, #tpu.memory_space<vmem>>, vector<16xf32>,
      tpu.vector_store %arg14[%swap3A_63, %swap3A_64], %broadcast_in_dim3A_62 {strides = array<i32>} : memref<32x128xf32, #tpu.memory_space<vmem>>, vector<16xf32>,
      %broadcast_in_dim3A_66 = arith.constant 0.000000e+00 : f32
      %broadcast_in_dim3A_67 = vector.broadcast %broadcast_in_dim3A_66 : f32 to vector<16xf32>
      %swap3A_68 = arith.index_cast %scan3A_37 : i32 to index
      %swap3A_69 = arith.constant 96 : index
      %swap3A_70 = tpu.vector_load %arg14[%swap3A_68, %swap3A_69] {strides = array<i32>} : memref<32x128xf32, #tpu.memory_space<vmem>>, vector<16xf32>,
      tpu.vector_store %arg14[%swap3A_68, %swap3A_69], %broadcast_in_dim3A_67 {strides = array<i32>} : memref<32x128xf32, #tpu.memory_space<vmem>>, vector<16xf32>,
      %broadcast_in_dim3A_71 = arith.constant 0.000000e+00 : f32
      %broadcast_in_dim3A_72 = vector.broadcast %broadcast_in_dim3A_71 : f32 to vector<16xf32>
      %swap3A_73 = arith.index_cast %scan3A_37 : i32 to index
      %swap3A_74 = arith.constant 112 : index
      %swap3A_75 = tpu.vector_load %arg14[%swap3A_73, %swap3A_74] {strides = array<i32>} : memref<32x128xf32, #tpu.memory_space<vmem>>, vector<16xf32>,
      tpu.vector_store %arg14[%swap3A_73, %swap3A_74], %broadcast_in_dim3A_72 {strides = array<i32>} : memref<32x128xf32, #tpu.memory_space<vmem>>, vector<16xf32>,
    }
    %scan3A_5 = arith.constant 32 : i32
    %mul3A_6 = arith.constant 640 : i32
    %mul3A_7 = arith.muli %arg1, %mul3A_6 : i32
    %multiple_of3A = tpu.assume_multiple %mul3A_7, 8 : i32
    %scan3A_8 = arith.constant 0 : i32
    %scan3A_9 = arith.constant 0 : i32
    %scan3A_10 = arith.constant 20 : i32
    %scan3A_11 = arith.addi %scan3A_9, %scan3A_10 : i32
    %scan3A_12 = arith.constant 1 : i32
    scf.for %scan3A_37 = %scan3A_9 to %scan3A_11 step %scan3A_12  : i32 {
      %mul3A_38 = arith.constant 32 : i32
      %mul3A_39 = arith.muli %scan3A_37, %mul3A_38 : i32
      %add3A_40 = arith.addi %multiple_of3A, %mul3A_39 : i32
      %multiple_of3A_41 = tpu.assume_multiple %add3A_40, 8 : i32
      "tpu.region"() ({
        %run_scoped3A = tpu.sem_alloc : memref<!tpu.dma_semaphore, #tpu.memory_space<semaphore_mem>>
        %dma_start3A_42 = arith.constant 0 : i32
        %dma_start3A_43 = tpu.memref_slice %arg15[%multiple_of3A_41, %dma_start3A_42] : memref<10240x128xf32, #tpu.memory_space<vmem_shared>> -> memref<32x128xf32, #tpu.memory_space<vmem_shared>>
        %dma_start3A_44 = arith.constant 0 : i32
        %dma_start3A_45 = tpu.memref_slice %arg15[%multiple_of3A_41, %dma_start3A_44] : memref<10240x128xf32, #tpu.memory_space<vmem_shared>> -> memref<32x128xf32, #tpu.memory_space<vmem_shared>>
        tpu.enqueue_dma source(%arg14 : memref<32x128xf32, #tpu.memory_space<vmem>>) target(%dma_start3A_45 : memref<32x128xf32, #tpu.memory_space<vmem_shared>>) target_semaphore(%run_scoped3A : memref<!tpu.dma_semaphore, #tpu.memory_space<semaphore_mem>>)
        %dma_wait3A = arith.constant 0 : i32
        %dma_wait3A_46 = tpu.memref_slice %arg15[%multiple_of3A_41, %dma_wait3A] : memref<10240x128xf32, #tpu.memory_space<vmem_shared>> -> memref<32x128xf32, #tpu.memory_space<vmem_shared>>
        %dma_wait3A_47 = arith.constant 0 : i32
        %dma_wait3A_48 = tpu.memref_slice %arg15[%multiple_of3A_41, %dma_wait3A_47] : memref<10240x128xf32, #tpu.memory_space<vmem_shared>> -> memref<32x128xf32, #tpu.memory_space<vmem_shared>>
        tpu.wait_dma2 semaphore(%run_scoped3A : memref<!tpu.dma_semaphore, #tpu.memory_space<semaphore_mem>>) src(%arg14 : memref<32x128xf32, #tpu.memory_space<vmem>>) dst(%dma_wait3A_48 : memref<32x128xf32, #tpu.memory_space<vmem_shared>>)
        tpu.yield
      }) : () -> ()
    }
    %scan3A_13 = arith.constant 20 : i32
    %barrier3A = arith.constant 0 : index
    tpu.barrier barrier_id(%barrier3A)
    %mul3A_14 = arith.constant 80 : i32
    %mul3A_15 = arith.muli %add3A, %mul3A_14 : i32
    %multiple_of3A_16 = tpu.assume_multiple %mul3A_15, 8 : i32
    "tpu.region"() ({
      %run_scoped3A = tpu.sem_alloc : memref<!tpu.dma_semaphore, #tpu.memory_space<semaphore_mem>>
      %dma_start3A_37 = arith.constant 0 : i32
      %dma_start3A_38 = tpu.memref_slice %arg5[%multiple_of3A_16, %dma_start3A_37] : memref<2560x128xf32, #tpu.memory_space<hbm>> -> memref<80x128xf32, #tpu.memory_space<hbm>>
      %dma_start3A_39 = arith.constant 0 : i32
      %dma_start3A_40 = tpu.memref_slice %arg5[%multiple_of3A_16, %dma_start3A_39] : memref<2560x128xf32, #tpu.memory_space<hbm>> -> memref<80x128xf32, #tpu.memory_space<hbm>>
      tpu.enqueue_dma source(%dma_start3A_40 : memref<80x128xf32, #tpu.memory_space<hbm>>) target(%arg11 : memref<80x128xf32, #tpu.memory_space<vmem>>) target_semaphore(%run_scoped3A : memref<!tpu.dma_semaphore, #tpu.memory_space<semaphore_mem>>)
      %dma_wait3A = arith.constant 0 : i32
      %dma_wait3A_41 = tpu.memref_slice %arg5[%multiple_of3A_16, %dma_wait3A] : memref<2560x128xf32, #tpu.memory_space<hbm>> -> memref<80x128xf32, #tpu.memory_space<hbm>>
      %dma_wait3A_42 = arith.constant 0 : i32
      %dma_wait3A_43 = tpu.memref_slice %arg5[%multiple_of3A_16, %dma_wait3A_42] : memref<2560x128xf32, #tpu.memory_space<hbm>> -> memref<80x128xf32, #tpu.memory_space<hbm>>
      tpu.wait_dma2 semaphore(%run_scoped3A : memref<!tpu.dma_semaphore, #tpu.memory_space<semaphore_mem>>) src(%dma_wait3A_43 : memref<80x128xf32, #tpu.memory_space<hbm>>) dst(%arg11 : memref<80x128xf32, #tpu.memory_space<vmem>>)
      tpu.yield
    }) : () -> ()
    %mul3A_17 = arith.constant 10240 : i32
    %mul3A_18 = arith.muli %add3A, %mul3A_17 : i32
    %add3A_19 = arith.constant 0 : i32
    %add3A_20 = arith.addi %mul3A_18, %add3A_19 : i32
    %multiple_of3A_21 = tpu.assume_multiple %add3A_20, 8 : i32
    "tpu.region"() ({
      %run_scoped3A = tpu.sem_alloc : memref<!tpu.dma_semaphore, #tpu.memory_space<semaphore_mem>>
      %dma_start3A_37 = tpu.memref_slice %arg3[%multiple_of3A_21] : memref<327680xi32, #tpu.memory_space<hbm>> -> memref<128xi32, #tpu.memory_space<hbm>>
      %dma_start3A_38 = tpu.memref_slice %arg3[%multiple_of3A_21] : memref<327680xi32, #tpu.memory_space<hbm>> -> memref<128xi32, #tpu.memory_space<hbm>>
      tpu.enqueue_dma source(%dma_start3A_38 : memref<128xi32, #tpu.memory_space<hbm>>) target(%arg7 : memref<128xi32, #tpu.memory_space<vmem>>) target_semaphore(%run_scoped3A : memref<!tpu.dma_semaphore, #tpu.memory_space<semaphore_mem>>)
      %dma_wait3A = tpu.memref_slice %arg3[%multiple_of3A_21] : memref<327680xi32, #tpu.memory_space<hbm>> -> memref<128xi32, #tpu.memory_space<hbm>>
      %dma_wait3A_39 = tpu.memref_slice %arg3[%multiple_of3A_21] : memref<327680xi32, #tpu.memory_space<hbm>> -> memref<128xi32, #tpu.memory_space<hbm>>
      tpu.wait_dma2 semaphore(%run_scoped3A : memref<!tpu.dma_semaphore, #tpu.memory_space<semaphore_mem>>) src(%dma_wait3A_39 : memref<128xi32, #tpu.memory_space<hbm>>) dst(%arg7 : memref<128xi32, #tpu.memory_space<vmem>>)
      tpu.yield
    }) : () -> ()
    "tpu.region"() ({
      %run_scoped3A = tpu.sem_alloc : memref<!tpu.dma_semaphore, #tpu.memory_space<semaphore_mem>>
      %dma_start3A_37 = tpu.memref_slice %arg4[%multiple_of3A_21] : memref<327680xi32, #tpu.memory_space<hbm>> -> memref<128xi32, #tpu.memory_space<hbm>>
      %dma_start3A_38 = tpu.memref_slice %arg4[%multiple_of3A_21] : memref<327680xi32, #tpu.memory_space<hbm>> -> memref<128xi32, #tpu.memory_space<hbm>>
      tpu.enqueue_dma source(%dma_start3A_38 : memref<128xi32, #tpu.memory_space<hbm>>) target(%arg9 : memref<128xi32, #tpu.memory_space<vmem>>) target_semaphore(%run_scoped3A : memref<!tpu.dma_semaphore, #tpu.memory_space<semaphore_mem>>)
      %dma_wait3A = tpu.memref_slice %arg4[%multiple_of3A_21] : memref<327680xi32, #tpu.memory_space<hbm>> -> memref<128xi32, #tpu.memory_space<hbm>>
      %dma_wait3A_39 = tpu.memref_slice %arg4[%multiple_of3A_21] : memref<327680xi32, #tpu.memory_space<hbm>> -> memref<128xi32, #tpu.memory_space<hbm>>
      tpu.wait_dma2 semaphore(%run_scoped3A : memref<!tpu.dma_semaphore, #tpu.memory_space<semaphore_mem>>) src(%dma_wait3A_39 : memref<128xi32, #tpu.memory_space<hbm>>) dst(%arg9 : memref<128xi32, #tpu.memory_space<vmem>>)
      tpu.yield
    }) : () -> ()
    %dma_start3A = arith.constant 0 : i32
    %dma_start3A_22 = arith.constant 0 : i32
    %dma_start3A_23 = tpu.memref_slice %arg2[%dma_start3A, %dma_start3A_22] : memref<10000x128xf32, #tpu.memory_space<hbm>> -> memref<10000x128xf32, #tpu.memory_space<hbm>>
    tpu.enqueue_indirect_dma source(%dma_start3A_23 : memref<10000x128xf32, #tpu.memory_space<hbm>>) target(%arg12 : memref<128x128xf32, #tpu.memory_space<vmem>>) offsets(%arg7 : memref<128xi32, #tpu.memory_space<vmem>>) semaphore(%arg16 : memref<!tpu.dma_semaphore, #tpu.memory_space<semaphore_mem>>)
    %scan3A_24 = arith.constant 0 : i32
    %scan3A_25 = arith.constant 0 : i32
    %scan3A_26 = arith.constant 40 : i32
    %scan3A_27 = arith.addi %scan3A_25, %scan3A_26 : i32
    %scan3A_28 = arith.constant 1 : i32
    scf.for %scan3A_37 = %scan3A_25 to %scan3A_27 step %scan3A_28  : i32 {
      %mul3A_38 = arith.constant 2 : i32
      %mul3A_39 = arith.muli %scan3A_37, %mul3A_38 : i32
      %add3A_40 = arith.constant 1 : i32
      %add3A_41 = arith.addi %mul3A_39, %add3A_40 : i32
      %mul3A_42 = arith.constant 128 : i32
      %mul3A_43 = arith.muli %add3A_41, %mul3A_42 : i32
      %add3A_44 = arith.addi %mul3A_18, %mul3A_43 : i32
      %multiple_of3A_45 = tpu.assume_multiple %add3A_44, 8 : i32
      "tpu.region"() ({
        %run_scoped3A = tpu.sem_alloc : memref<!tpu.dma_semaphore, #tpu.memory_space<semaphore_mem>>
        %dma_start3A_79 = tpu.memref_slice %arg3[%multiple_of3A_45] : memref<327680xi32, #tpu.memory_space<hbm>> -> memref<128xi32, #tpu.memory_space<hbm>>
        %dma_start3A_80 = tpu.memref_slice %arg3[%multiple_of3A_45] : memref<327680xi32, #tpu.memory_space<hbm>> -> memref<128xi32, #tpu.memory_space<hbm>>
        tpu.enqueue_dma source(%dma_start3A_80 : memref<128xi32, #tpu.memory_space<hbm>>) target(%arg8 : memref<128xi32, #tpu.memory_space<vmem>>) target_semaphore(%run_scoped3A : memref<!tpu.dma_semaphore, #tpu.memory_space<semaphore_mem>>)
        %dma_wait3A_81 = tpu.memref_slice %arg3[%multiple_of3A_45] : memref<327680xi32, #tpu.memory_space<hbm>> -> memref<128xi32, #tpu.memory_space<hbm>>
        %dma_wait3A_82 = tpu.memref_slice %arg3[%multiple_of3A_45] : memref<327680xi32, #tpu.memory_space<hbm>> -> memref<128xi32, #tpu.memory_space<hbm>>
        tpu.wait_dma2 semaphore(%run_scoped3A : memref<!tpu.dma_semaphore, #tpu.memory_space<semaphore_mem>>) src(%dma_wait3A_82 : memref<128xi32, #tpu.memory_space<hbm>>) dst(%arg8 : memref<128xi32, #tpu.memory_space<vmem>>)
        tpu.yield
      }) : () -> ()
      "tpu.region"() ({
        %run_scoped3A = tpu.sem_alloc : memref<!tpu.dma_semaphore, #tpu.memory_space<semaphore_mem>>
        %dma_start3A_79 = tpu.memref_slice %arg4[%multiple_of3A_45] : memref<327680xi32, #tpu.memory_space<hbm>> -> memref<128xi32, #tpu.memory_space<hbm>>
        %dma_start3A_80 = tpu.memref_slice %arg4[%multiple_of3A_45] : memref<327680xi32, #tpu.memory_space<hbm>> -> memref<128xi32, #tpu.memory_space<hbm>>
        tpu.enqueue_dma source(%dma_start3A_80 : memref<128xi32, #tpu.memory_space<hbm>>) target(%arg10 : memref<128xi32, #tpu.memory_space<vmem>>) target_semaphore(%run_scoped3A : memref<!tpu.dma_semaphore, #tpu.memory_space<semaphore_mem>>)
        %dma_wait3A_81 = tpu.memref_slice %arg4[%multiple_of3A_45] : memref<327680xi32, #tpu.memory_space<hbm>> -> memref<128xi32, #tpu.memory_space<hbm>>
        %dma_wait3A_82 = tpu.memref_slice %arg4[%multiple_of3A_45] : memref<327680xi32, #tpu.memory_space<hbm>> -> memref<128xi32, #tpu.memory_space<hbm>>
        tpu.wait_dma2 semaphore(%run_scoped3A : memref<!tpu.dma_semaphore, #tpu.memory_space<semaphore_mem>>) src(%dma_wait3A_82 : memref<128xi32, #tpu.memory_space<hbm>>) dst(%arg10 : memref<128xi32, #tpu.memory_space<vmem>>)
        tpu.yield
      }) : () -> ()
      %dma_start3A_46 = arith.constant 0 : i32
      %dma_start3A_47 = arith.constant 0 : i32
      %dma_start3A_48 = tpu.memref_slice %arg2[%dma_start3A_46, %dma_start3A_47] : memref<10000x128xf32, #tpu.memory_space<hbm>> -> memref<10000x128xf32, #tpu.memory_space<hbm>>
      tpu.enqueue_indirect_dma source(%dma_start3A_48 : memref<10000x128xf32, #tpu.memory_space<hbm>>) target(%arg13 : memref<128x128xf32, #tpu.memory_space<vmem>>) offsets(%arg8 : memref<128xi32, #tpu.memory_space<vmem>>) semaphore(%arg17 : memref<!tpu.dma_semaphore, #tpu.memory_space<semaphore_mem>>)
      %dma_wait3A = arith.constant 0 : i32
      %dma_wait3A_49 = arith.constant 0 : i32
      %dma_wait3A_50 = tpu.memref_slice %arg2[%dma_wait3A, %dma_wait3A_49] : memref<10000x128xf32, #tpu.memory_space<hbm>> -> memref<10000x128xf32, #tpu.memory_space<hbm>>
      tpu.wait_indirect_dma semaphore(%arg16 : memref<!tpu.dma_semaphore, #tpu.memory_space<semaphore_mem>>) src(%dma_wait3A_50 : memref<10000x128xf32, #tpu.memory_space<hbm>>) dst(%arg12 : memref<128x128xf32, #tpu.memory_space<vmem>>)
      %broadcast_in_dim3A = arith.constant 0 : i32
      %broadcast_in_dim3A_51 = vector.broadcast %broadcast_in_dim3A : i32 to vector<16xi32>
      %add3A_52 = vector.broadcast %mul3A_39 : i32 to vector<16xi32>
      %add3A_53 = arith.addi %broadcast_in_dim3A_51, %add3A_52 : vector<16xi32>
      %scan3A_54 = arith.constant 0 : i32
      %scan3A_55 = arith.constant 0 : i32
      %scan3A_56 = arith.constant 128 : i32
      %scan3A_57 = arith.addi %scan3A_55, %scan3A_56 : i32
      %scan3A_58 = arith.constant 1 : i32
      scf.for %scan3A_79 = %scan3A_55 to %scan3A_57 step %scan3A_58  : i32 {
        %broadcast_in_dim3A_80 = arith.constant 0 : i32
        %broadcast_in_dim3A_81 = vector.broadcast %broadcast_in_dim3A_80 : i32 to vector<16xi32>
        %add3A_82 = vector.broadcast %scan3A_79 : i32 to vector<16xi32>
        %add3A_83 = arith.addi %broadcast_in_dim3A_81, %add3A_82 : vector<16xi32>
        %gather3A = tpu.vector_load_idx %arg11[%add3A_53, %add3A_83] : memref<80x128xf32, #tpu.memory_space<vmem>>[vector<16xi32>, vector<16xi32>], vector<16xf32>,
        %get3A = arith.index_cast %scan3A_79 : i32 to index
        %get3A_84 = arith.constant 0 : index
        %get3A_85 = tpu.vector_load %arg12[%get3A, %get3A_84] {strides = array<i32>} : memref<128x128xf32, #tpu.memory_space<vmem>>, vector<16xf32>,
        %mul3A_86 = arith.mulf %get3A_85, %gather3A : vector<16xf32>
        %swap3A = arith.index_cast %scan3A_79 : i32 to index
        %swap3A_87 = arith.constant 0 : index
        %swap3A_88 = tpu.vector_load %arg12[%swap3A, %swap3A_87] {strides = array<i32>} : memref<128x128xf32, #tpu.memory_space<vmem>>, vector<16xf32>,
        tpu.vector_store %arg12[%swap3A, %swap3A_87], %mul3A_86 {strides = array<i32>} : memref<128x128xf32, #tpu.memory_space<vmem>>, vector<16xf32>,
        %get3A_89 = arith.index_cast %scan3A_79 : i32 to index
        %get3A_90 = arith.constant 16 : index
        %get3A_91 = tpu.vector_load %arg12[%get3A_89, %get3A_90] {strides = array<i32>} : memref<128x128xf32, #tpu.memory_space<vmem>>, vector<16xf32>,
        %mul3A_92 = arith.mulf %get3A_91, %gather3A : vector<16xf32>
        %swap3A_93 = arith.index_cast %scan3A_79 : i32 to index
        %swap3A_94 = arith.constant 16 : index
        %swap3A_95 = tpu.vector_load %arg12[%swap3A_93, %swap3A_94] {strides = array<i32>} : memref<128x128xf32, #tpu.memory_space<vmem>>, vector<16xf32>,
        tpu.vector_store %arg12[%swap3A_93, %swap3A_94], %mul3A_92 {strides = array<i32>} : memref<128x128xf32, #tpu.memory_space<vmem>>, vector<16xf32>,
        %get3A_96 = arith.index_cast %scan3A_79 : i32 to index
        %get3A_97 = arith.constant 32 : index
        %get3A_98 = tpu.vector_load %arg12[%get3A_96, %get3A_97] {strides = array<i32>} : memref<128x128xf32, #tpu.memory_space<vmem>>, vector<16xf32>,
        %mul3A_99 = arith.mulf %get3A_98, %gather3A : vector<16xf32>
        %swap3A_100 = arith.index_cast %scan3A_79 : i32 to index
        %swap3A_101 = arith.constant 32 : index
        %swap3A_102 = tpu.vector_load %arg12[%swap3A_100, %swap3A_101] {strides = array<i32>} : memref<128x128xf32, #tpu.memory_space<vmem>>, vector<16xf32>,
        tpu.vector_store %arg12[%swap3A_100, %swap3A_101], %mul3A_99 {strides = array<i32>} : memref<128x128xf32, #tpu.memory_space<vmem>>, vector<16xf32>,
        %get3A_103 = arith.index_cast %scan3A_79 : i32 to index
        %get3A_104 = arith.constant 48 : index
        %get3A_105 = tpu.vector_load %arg12[%get3A_103, %get3A_104] {strides = array<i32>} : memref<128x128xf32, #tpu.memory_space<vmem>>, vector<16xf32>,
        %mul3A_106 = arith.mulf %get3A_105, %gather3A : vector<16xf32>
        %swap3A_107 = arith.index_cast %scan3A_79 : i32 to index
        %swap3A_108 = arith.constant 48 : index
        %swap3A_109 = tpu.vector_load %arg12[%swap3A_107, %swap3A_108] {strides = array<i32>} : memref<128x128xf32, #tpu.memory_space<vmem>>, vector<16xf32>,
        tpu.vector_store %arg12[%swap3A_107, %swap3A_108], %mul3A_106 {strides = array<i32>} : memref<128x128xf32, #tpu.memory_space<vmem>>, vector<16xf32>,
        %get3A_110 = arith.index_cast %scan3A_79 : i32 to index
        %get3A_111 = arith.constant 64 : index
        %get3A_112 = tpu.vector_load %arg12[%get3A_110, %get3A_111] {strides = array<i32>} : memref<128x128xf32, #tpu.memory_space<vmem>>, vector<16xf32>,
        %mul3A_113 = arith.mulf %get3A_112, %gather3A : vector<16xf32>
        %swap3A_114 = arith.index_cast %scan3A_79 : i32 to index
        %swap3A_115 = arith.constant 64 : index
        %swap3A_116 = tpu.vector_load %arg12[%swap3A_114, %swap3A_115] {strides = array<i32>} : memref<128x128xf32, #tpu.memory_space<vmem>>, vector<16xf32>,
        tpu.vector_store %arg12[%swap3A_114, %swap3A_115], %mul3A_113 {strides = array<i32>} : memref<128x128xf32, #tpu.memory_space<vmem>>, vector<16xf32>,
        %get3A_117 = arith.index_cast %scan3A_79 : i32 to index
        %get3A_118 = arith.constant 80 : index
        %get3A_119 = tpu.vector_load %arg12[%get3A_117, %get3A_118] {strides = array<i32>} : memref<128x128xf32, #tpu.memory_space<vmem>>, vector<16xf32>,
        %mul3A_120 = arith.mulf %get3A_119, %gather3A : vector<16xf32>
        %swap3A_121 = arith.index_cast %scan3A_79 : i32 to index
        %swap3A_122 = arith.constant 80 : index
        %swap3A_123 = tpu.vector_load %arg12[%swap3A_121, %swap3A_122] {strides = array<i32>} : memref<128x128xf32, #tpu.memory_space<vmem>>, vector<16xf32>,
        tpu.vector_store %arg12[%swap3A_121, %swap3A_122], %mul3A_120 {strides = array<i32>} : memref<128x128xf32, #tpu.memory_space<vmem>>, vector<16xf32>,
        %get3A_124 = arith.index_cast %scan3A_79 : i32 to index
        %get3A_125 = arith.constant 96 : index
        %get3A_126 = tpu.vector_load %arg12[%get3A_124, %get3A_125] {strides = array<i32>} : memref<128x128xf32, #tpu.memory_space<vmem>>, vector<16xf32>,
        %mul3A_127 = arith.mulf %get3A_126, %gather3A : vector<16xf32>
        %swap3A_128 = arith.index_cast %scan3A_79 : i32 to index
        %swap3A_129 = arith.constant 96 : index
        %swap3A_130 = tpu.vector_load %arg12[%swap3A_128, %swap3A_129] {strides = array<i32>} : memref<128x128xf32, #tpu.memory_space<vmem>>, vector<16xf32>,
        tpu.vector_store %arg12[%swap3A_128, %swap3A_129], %mul3A_127 {strides = array<i32>} : memref<128x128xf32, #tpu.memory_space<vmem>>, vector<16xf32>,
        %get3A_131 = arith.index_cast %scan3A_79 : i32 to index
        %get3A_132 = arith.constant 112 : index
        %get3A_133 = tpu.vector_load %arg12[%get3A_131, %get3A_132] {strides = array<i32>} : memref<128x128xf32, #tpu.memory_space<vmem>>, vector<16xf32>,
        %mul3A_134 = arith.mulf %get3A_133, %gather3A : vector<16xf32>
        %swap3A_135 = arith.index_cast %scan3A_79 : i32 to index
        %swap3A_136 = arith.constant 112 : index
        %swap3A_137 = tpu.vector_load %arg12[%swap3A_135, %swap3A_136] {strides = array<i32>} : memref<128x128xf32, #tpu.memory_space<vmem>>, vector<16xf32>,
        tpu.vector_store %arg12[%swap3A_135, %swap3A_136], %mul3A_134 {strides = array<i32>} : memref<128x128xf32, #tpu.memory_space<vmem>>, vector<16xf32>,
      }
      %scan3A_59 = arith.constant 128 : i32
      "tpu.region"() ({
        %run_scoped3A = tpu.sem_alloc : memref<!tpu.dma_semaphore, #tpu.memory_space<semaphore_mem>>
        %dma_start3A_79 = arith.constant 0 : i32
        %dma_start3A_80 = arith.constant 0 : i32
        %dma_start3A_81 = tpu.memref_slice %arg15[%dma_start3A_79, %dma_start3A_80] : memref<10240x128xf32, #tpu.memory_space<vmem_shared>> -> memref<10240x128xf32, #tpu.memory_space<vmem_shared>>
        tpu.enqueue_indirect_dma source(%arg12 : memref<128x128xf32, #tpu.memory_space<vmem>>) target(%dma_start3A_81 : memref<10240x128xf32, #tpu.memory_space<vmem_shared>>) offsets(%arg9 : memref<128xi32, #tpu.memory_space<vmem>>) semaphore(%run_scoped3A : memref<!tpu.dma_semaphore, #tpu.memory_space<semaphore_mem>>) {add = true}
        %dma_wait3A_82 = arith.constant 0 : i32
        %dma_wait3A_83 = arith.constant 0 : i32
        %dma_wait3A_84 = tpu.memref_slice %arg15[%dma_wait3A_82, %dma_wait3A_83] : memref<10240x128xf32, #tpu.memory_space<vmem_shared>> -> memref<10240x128xf32, #tpu.memory_space<vmem_shared>>
        tpu.wait_indirect_dma semaphore(%run_scoped3A : memref<!tpu.dma_semaphore, #tpu.memory_space<semaphore_mem>>) src(%arg12 : memref<128x128xf32, #tpu.memory_space<vmem>>) dst(%dma_wait3A_84 : memref<10240x128xf32, #tpu.memory_space<vmem_shared>>)
        tpu.yield
      }) : () -> ()
      %add3A_60 = arith.constant 2 : i32
      %add3A_61 = arith.addi %mul3A_39, %add3A_60 : i32
      %lt3A = arith.constant 80 : i32
      %lt3A_62 = arith.cmpi slt, %add3A_61, %lt3A : i32
      %convert_element_type3A = arith.extui %lt3A_62 : i1 to i32
      %cond3A = arith.constant 0 : i32
      %cond3A_63 = arith.cmpi ne, %convert_element_type3A, %cond3A : i32
      scf.if %cond3A_63 {
        %add3A_79 = arith.constant 2 : i32
        %add3A_80 = arith.addi %mul3A_39, %add3A_79 : i32
        %mul3A_81 = arith.constant 128 : i32
        %mul3A_82 = arith.muli %add3A_80, %mul3A_81 : i32
        %add3A_83 = arith.addi %mul3A_18, %mul3A_82 : i32
        %multiple_of3A_84 = tpu.assume_multiple %add3A_83, 8 : i32
        "tpu.region"() ({
          %run_scoped3A = tpu.sem_alloc : memref<!tpu.dma_semaphore, #tpu.memory_space<semaphore_mem>>
          %dma_start3A_88 = tpu.memref_slice %arg3[%multiple_of3A_84] : memref<327680xi32, #tpu.memory_space<hbm>> -> memref<128xi32, #tpu.memory_space<hbm>>
          %dma_start3A_89 = tpu.memref_slice %arg3[%multiple_of3A_84] : memref<327680xi32, #tpu.memory_space<hbm>> -> memref<128xi32, #tpu.memory_space<hbm>>
          tpu.enqueue_dma source(%dma_start3A_89 : memref<128xi32, #tpu.memory_space<hbm>>) target(%arg7 : memref<128xi32, #tpu.memory_space<vmem>>) target_semaphore(%run_scoped3A : memref<!tpu.dma_semaphore, #tpu.memory_space<semaphore_mem>>)
          %dma_wait3A_90 = tpu.memref_slice %arg3[%multiple_of3A_84] : memref<327680xi32, #tpu.memory_space<hbm>> -> memref<128xi32, #tpu.memory_space<hbm>>
          %dma_wait3A_91 = tpu.memref_slice %arg3[%multiple_of3A_84] : memref<327680xi32, #tpu.memory_space<hbm>> -> memref<128xi32, #tpu.memory_space<hbm>>
          tpu.wait_dma2 semaphore(%run_scoped3A : memref<!tpu.dma_semaphore, #tpu.memory_space<semaphore_mem>>) src(%dma_wait3A_91 : memref<128xi32, #tpu.memory_space<hbm>>) dst(%arg7 : memref<128xi32, #tpu.memory_space<vmem>>)
          tpu.yield
        }) : () -> ()
        "tpu.region"() ({
          %run_scoped3A = tpu.sem_alloc : memref<!tpu.dma_semaphore, #tpu.memory_space<semaphore_mem>>
          %dma_start3A_88 = tpu.memref_slice %arg4[%multiple_of3A_84] : memref<327680xi32, #tpu.memory_space<hbm>> -> memref<128xi32, #tpu.memory_space<hbm>>
          %dma_start3A_89 = tpu.memref_slice %arg4[%multiple_of3A_84] : memref<327680xi32, #tpu.memory_space<hbm>> -> memref<128xi32, #tpu.memory_space<hbm>>
          tpu.enqueue_dma source(%dma_start3A_89 : memref<128xi32, #tpu.memory_space<hbm>>) target(%arg9 : memref<128xi32, #tpu.memory_space<vmem>>) target_semaphore(%run_scoped3A : memref<!tpu.dma_semaphore, #tpu.memory_space<semaphore_mem>>)
          %dma_wait3A_90 = tpu.memref_slice %arg4[%multiple_of3A_84] : memref<327680xi32, #tpu.memory_space<hbm>> -> memref<128xi32, #tpu.memory_space<hbm>>
          %dma_wait3A_91 = tpu.memref_slice %arg4[%multiple_of3A_84] : memref<327680xi32, #tpu.memory_space<hbm>> -> memref<128xi32, #tpu.memory_space<hbm>>
          tpu.wait_dma2 semaphore(%run_scoped3A : memref<!tpu.dma_semaphore, #tpu.memory_space<semaphore_mem>>) src(%dma_wait3A_91 : memref<128xi32, #tpu.memory_space<hbm>>) dst(%arg9 : memref<128xi32, #tpu.memory_space<vmem>>)
          tpu.yield
        }) : () -> ()
        %dma_start3A_85 = arith.constant 0 : i32
        %dma_start3A_86 = arith.constant 0 : i32
        %dma_start3A_87 = tpu.memref_slice %arg2[%dma_start3A_85, %dma_start3A_86] : memref<10000x128xf32, #tpu.memory_space<hbm>> -> memref<10000x128xf32, #tpu.memory_space<hbm>>
        tpu.enqueue_indirect_dma source(%dma_start3A_87 : memref<10000x128xf32, #tpu.memory_space<hbm>>) target(%arg12 : memref<128x128xf32, #tpu.memory_space<vmem>>) offsets(%arg7 : memref<128xi32, #tpu.memory_space<vmem>>) semaphore(%arg16 : memref<!tpu.dma_semaphore, #tpu.memory_space<semaphore_mem>>)
      } else {
      }
      %add3A_64 = arith.constant 1 : i32
      %add3A_65 = arith.addi %mul3A_39, %add3A_64 : i32
      %dma_wait3A_66 = arith.constant 0 : i32
      %dma_wait3A_67 = arith.constant 0 : i32
      %dma_wait3A_68 = tpu.memref_slice %arg2[%dma_wait3A_66, %dma_wait3A_67] : memref<10000x128xf32, #tpu.memory_space<hbm>> -> memref<10000x128xf32, #tpu.memory_space<hbm>>
      tpu.wait_indirect_dma semaphore(%arg17 : memref<!tpu.dma_semaphore, #tpu.memory_space<semaphore_mem>>) src(%dma_wait3A_68 : memref<10000x128xf32, #tpu.memory_space<hbm>>) dst(%arg13 : memref<128x128xf32, #tpu.memory_space<vmem>>)
      %broadcast_in_dim3A_69 = arith.constant 0 : i32
      %broadcast_in_dim3A_70 = vector.broadcast %broadcast_in_dim3A_69 : i32 to vector<16xi32>
      %add3A_71 = vector.broadcast %add3A_65 : i32 to vector<16xi32>
      %add3A_72 = arith.addi %broadcast_in_dim3A_70, %add3A_71 : vector<16xi32>
      %scan3A_73 = arith.constant 0 : i32
      %scan3A_74 = arith.constant 0 : i32
      %scan3A_75 = arith.constant 128 : i32
      %scan3A_76 = arith.addi %scan3A_74, %scan3A_75 : i32
      %scan3A_77 = arith.constant 1 : i32
      scf.for %scan3A_79 = %scan3A_74 to %scan3A_76 step %scan3A_77  : i32 {
        %broadcast_in_dim3A_80 = arith.constant 0 : i32
        %broadcast_in_dim3A_81 = vector.broadcast %broadcast_in_dim3A_80 : i32 to vector<16xi32>
        %add3A_82 = vector.broadcast %scan3A_79 : i32 to vector<16xi32>
        %add3A_83 = arith.addi %broadcast_in_dim3A_81, %add3A_82 : vector<16xi32>
        %gather3A = tpu.vector_load_idx %arg11[%add3A_72, %add3A_83] : memref<80x128xf32, #tpu.memory_space<vmem>>[vector<16xi32>, vector<16xi32>], vector<16xf32>,
        %get3A = arith.index_cast %scan3A_79 : i32 to index
        %get3A_84 = arith.constant 0 : index
        %get3A_85 = tpu.vector_load %arg13[%get3A, %get3A_84] {strides = array<i32>} : memref<128x128xf32, #tpu.memory_space<vmem>>, vector<16xf32>,
        %mul3A_86 = arith.mulf %get3A_85, %gather3A : vector<16xf32>
        %swap3A = arith.index_cast %scan3A_79 : i32 to index
        %swap3A_87 = arith.constant 0 : index
        %swap3A_88 = tpu.vector_load %arg13[%swap3A, %swap3A_87] {strides = array<i32>} : memref<128x128xf32, #tpu.memory_space<vmem>>, vector<16xf32>,
        tpu.vector_store %arg13[%swap3A, %swap3A_87], %mul3A_86 {strides = array<i32>} : memref<128x128xf32, #tpu.memory_space<vmem>>, vector<16xf32>,
        %get3A_89 = arith.index_cast %scan3A_79 : i32 to index
        %get3A_90 = arith.constant 16 : index
        %get3A_91 = tpu.vector_load %arg13[%get3A_89, %get3A_90] {strides = array<i32>} : memref<128x128xf32, #tpu.memory_space<vmem>>, vector<16xf32>,
        %mul3A_92 = arith.mulf %get3A_91, %gather3A : vector<16xf32>
        %swap3A_93 = arith.index_cast %scan3A_79 : i32 to index
        %swap3A_94 = arith.constant 16 : index
        %swap3A_95 = tpu.vector_load %arg13[%swap3A_93, %swap3A_94] {strides = array<i32>} : memref<128x128xf32, #tpu.memory_space<vmem>>, vector<16xf32>,
        tpu.vector_store %arg13[%swap3A_93, %swap3A_94], %mul3A_92 {strides = array<i32>} : memref<128x128xf32, #tpu.memory_space<vmem>>, vector<16xf32>,
        %get3A_96 = arith.index_cast %scan3A_79 : i32 to index
        %get3A_97 = arith.constant 32 : index
        %get3A_98 = tpu.vector_load %arg13[%get3A_96, %get3A_97] {strides = array<i32>} : memref<128x128xf32, #tpu.memory_space<vmem>>, vector<16xf32>,
        %mul3A_99 = arith.mulf %get3A_98, %gather3A : vector<16xf32>
        %swap3A_100 = arith.index_cast %scan3A_79 : i32 to index
        %swap3A_101 = arith.constant 32 : index
        %swap3A_102 = tpu.vector_load %arg13[%swap3A_100, %swap3A_101] {strides = array<i32>} : memref<128x128xf32, #tpu.memory_space<vmem>>, vector<16xf32>,
        tpu.vector_store %arg13[%swap3A_100, %swap3A_101], %mul3A_99 {strides = array<i32>} : memref<128x128xf32, #tpu.memory_space<vmem>>, vector<16xf32>,
        %get3A_103 = arith.index_cast %scan3A_79 : i32 to index
        %get3A_104 = arith.constant 48 : index
        %get3A_105 = tpu.vector_load %arg13[%get3A_103, %get3A_104] {strides = array<i32>} : memref<128x128xf32, #tpu.memory_space<vmem>>, vector<16xf32>,
        %mul3A_106 = arith.mulf %get3A_105, %gather3A : vector<16xf32>
        %swap3A_107 = arith.index_cast %scan3A_79 : i32 to index
        %swap3A_108 = arith.constant 48 : index
        %swap3A_109 = tpu.vector_load %arg13[%swap3A_107, %swap3A_108] {strides = array<i32>} : memref<128x128xf32, #tpu.memory_space<vmem>>, vector<16xf32>,
        tpu.vector_store %arg13[%swap3A_107, %swap3A_108], %mul3A_106 {strides = array<i32>} : memref<128x128xf32, #tpu.memory_space<vmem>>, vector<16xf32>,
        %get3A_110 = arith.index_cast %scan3A_79 : i32 to index
        %get3A_111 = arith.constant 64 : index
        %get3A_112 = tpu.vector_load %arg13[%get3A_110, %get3A_111] {strides = array<i32>} : memref<128x128xf32, #tpu.memory_space<vmem>>, vector<16xf32>,
        %mul3A_113 = arith.mulf %get3A_112, %gather3A : vector<16xf32>
        %swap3A_114 = arith.index_cast %scan3A_79 : i32 to index
        %swap3A_115 = arith.constant 64 : index
        %swap3A_116 = tpu.vector_load %arg13[%swap3A_114, %swap3A_115] {strides = array<i32>} : memref<128x128xf32, #tpu.memory_space<vmem>>, vector<16xf32>,
        tpu.vector_store %arg13[%swap3A_114, %swap3A_115], %mul3A_113 {strides = array<i32>} : memref<128x128xf32, #tpu.memory_space<vmem>>, vector<16xf32>,
        %get3A_117 = arith.index_cast %scan3A_79 : i32 to index
        %get3A_118 = arith.constant 80 : index
        %get3A_119 = tpu.vector_load %arg13[%get3A_117, %get3A_118] {strides = array<i32>} : memref<128x128xf32, #tpu.memory_space<vmem>>, vector<16xf32>,
        %mul3A_120 = arith.mulf %get3A_119, %gather3A : vector<16xf32>
        %swap3A_121 = arith.index_cast %scan3A_79 : i32 to index
        %swap3A_122 = arith.constant 80 : index
        %swap3A_123 = tpu.vector_load %arg13[%swap3A_121, %swap3A_122] {strides = array<i32>} : memref<128x128xf32, #tpu.memory_space<vmem>>, vector<16xf32>,
        tpu.vector_store %arg13[%swap3A_121, %swap3A_122], %mul3A_120 {strides = array<i32>} : memref<128x128xf32, #tpu.memory_space<vmem>>, vector<16xf32>,
        %get3A_124 = arith.index_cast %scan3A_79 : i32 to index
        %get3A_125 = arith.constant 96 : index
        %get3A_126 = tpu.vector_load %arg13[%get3A_124, %get3A_125] {strides = array<i32>} : memref<128x128xf32, #tpu.memory_space<vmem>>, vector<16xf32>,
        %mul3A_127 = arith.mulf %get3A_126, %gather3A : vector<16xf32>
        %swap3A_128 = arith.index_cast %scan3A_79 : i32 to index
        %swap3A_129 = arith.constant 96 : index
        %swap3A_130 = tpu.vector_load %arg13[%swap3A_128, %swap3A_129] {strides = array<i32>} : memref<128x128xf32, #tpu.memory_space<vmem>>, vector<16xf32>,
        tpu.vector_store %arg13[%swap3A_128, %swap3A_129], %mul3A_127 {strides = array<i32>} : memref<128x128xf32, #tpu.memory_space<vmem>>, vector<16xf32>,
        %get3A_131 = arith.index_cast %scan3A_79 : i32 to index
        %get3A_132 = arith.constant 112 : index
        %get3A_133 = tpu.vector_load %arg13[%get3A_131, %get3A_132] {strides = array<i32>} : memref<128x128xf32, #tpu.memory_space<vmem>>, vector<16xf32>,
        %mul3A_134 = arith.mulf %get3A_133, %gather3A : vector<16xf32>
        %swap3A_135 = arith.index_cast %scan3A_79 : i32 to index
        %swap3A_136 = arith.constant 112 : index
        %swap3A_137 = tpu.vector_load %arg13[%swap3A_135, %swap3A_136] {strides = array<i32>} : memref<128x128xf32, #tpu.memory_space<vmem>>, vector<16xf32>,
        tpu.vector_store %arg13[%swap3A_135, %swap3A_136], %mul3A_134 {strides = array<i32>} : memref<128x128xf32, #tpu.memory_space<vmem>>, vector<16xf32>,
      }
      %scan3A_78 = arith.constant 128 : i32
      "tpu.region"() ({
        %run_scoped3A = tpu.sem_alloc : memref<!tpu.dma_semaphore, #tpu.memory_space<semaphore_mem>>
        %dma_start3A_79 = arith.constant 0 : i32
        %dma_start3A_80 = arith.constant 0 : i32
        %dma_start3A_81 = tpu.memref_slice %arg15[%dma_start3A_79, %dma_start3A_80] : memref<10240x128xf32, #tpu.memory_space<vmem_shared>> -> memref<10240x128xf32, #tpu.memory_space<vmem_shared>>
        tpu.enqueue_indirect_dma source(%arg13 : memref<128x128xf32, #tpu.memory_space<vmem>>) target(%dma_start3A_81 : memref<10240x128xf32, #tpu.memory_space<vmem_shared>>) offsets(%arg10 : memref<128xi32, #tpu.memory_space<vmem>>) semaphore(%run_scoped3A : memref<!tpu.dma_semaphore, #tpu.memory_space<semaphore_mem>>) {add = true}
        %dma_wait3A_82 = arith.constant 0 : i32
        %dma_wait3A_83 = arith.constant 0 : i32
        %dma_wait3A_84 = tpu.memref_slice %arg15[%dma_wait3A_82, %dma_wait3A_83] : memref<10240x128xf32, #tpu.memory_space<vmem_shared>> -> memref<10240x128xf32, #tpu.memory_space<vmem_shared>>
        tpu.wait_indirect_dma semaphore(%run_scoped3A : memref<!tpu.dma_semaphore, #tpu.memory_space<semaphore_mem>>) src(%arg13 : memref<128x128xf32, #tpu.memory_space<vmem>>) dst(%dma_wait3A_84 : memref<10240x128xf32, #tpu.memory_space<vmem_shared>>)
        tpu.yield
      }) : () -> ()
    }
    %scan3A_29 = arith.constant 40 : i32
    %barrier3A_30 = arith.constant 0 : index
    tpu.barrier barrier_id(%barrier3A_30)
    %scan3A_31 = arith.constant 0 : i32
    %scan3A_32 = arith.constant 0 : i32
    %scan3A_33 = arith.constant 10 : i32
    %scan3A_34 = arith.addi %scan3A_32, %scan3A_33 : i32
    %scan3A_35 = arith.constant 1 : i32
    scf.for %scan3A_37 = %scan3A_32 to %scan3A_34 step %scan3A_35  : i32 {
      %mul3A_38 = arith.constant 64 : i32
      %mul3A_39 = arith.muli %scan3A_37, %mul3A_38 : i32
      %add3A_40 = arith.addi %multiple_of3A, %mul3A_39 : i32
      %multiple_of3A_41 = tpu.assume_multiple %add3A_40, 8 : i32
      "tpu.region"() ({
        %run_scoped3A = tpu.sem_alloc : memref<!tpu.dma_semaphore, #tpu.memory_space<semaphore_mem>>
        %dma_start3A_42 = arith.constant 0 : i32
        %dma_start3A_43 = tpu.memref_slice %arg6[%arg0, %multiple_of3A_41, %dma_start3A_42] : memref<2x10240x128xf32, #tpu.memory_space<hbm>> -> memref<1x64x128xf32, #tpu.memory_space<hbm>>
        %dma_start3A_44 = tpu.memref_squeeze %dma_start3A_43 : memref<1x64x128xf32, #tpu.memory_space<hbm>> -> memref<64x128xf32, #tpu.memory_space<hbm>>
        %dma_start3A_45 = arith.constant 0 : i32
        %dma_start3A_46 = tpu.memref_slice %arg15[%multiple_of3A_41, %dma_start3A_45] : memref<10240x128xf32, #tpu.memory_space<vmem_shared>> -> memref<64x128xf32, #tpu.memory_space<vmem_shared>>
        tpu.enqueue_dma source(%dma_start3A_46 : memref<64x128xf32, #tpu.memory_space<vmem_shared>>) target(%dma_start3A_44 : memref<64x128xf32, #tpu.memory_space<hbm>>) target_semaphore(%run_scoped3A : memref<!tpu.dma_semaphore, #tpu.memory_space<semaphore_mem>>)
        %dma_wait3A = arith.constant 0 : i32
        %dma_wait3A_47 = tpu.memref_slice %arg6[%arg0, %multiple_of3A_41, %dma_wait3A] : memref<2x10240x128xf32, #tpu.memory_space<hbm>> -> memref<1x64x128xf32, #tpu.memory_space<hbm>>
        %dma_wait3A_48 = tpu.memref_squeeze %dma_wait3A_47 : memref<1x64x128xf32, #tpu.memory_space<hbm>> -> memref<64x128xf32, #tpu.memory_space<hbm>>
        %dma_wait3A_49 = arith.constant 0 : i32
        %dma_wait3A_50 = tpu.memref_slice %arg15[%multiple_of3A_41, %dma_wait3A_49] : memref<10240x128xf32, #tpu.memory_space<vmem_shared>> -> memref<64x128xf32, #tpu.memory_space<vmem_shared>>
        tpu.wait_dma2 semaphore(%run_scoped3A : memref<!tpu.dma_semaphore, #tpu.memory_space<semaphore_mem>>) src(%dma_wait3A_50 : memref<64x128xf32, #tpu.memory_space<vmem_shared>>) dst(%dma_wait3A_48 : memref<64x128xf32, #tpu.memory_space<hbm>>)
        tpu.yield
      }) : () -> ()
    }
    %scan3A_36 = arith.constant 10 : i32
    return
  }
}

#map = affine_map<(d0, d1) -> (0, 0)>
module attributes {stable_mosaic.version = 14 : i64} {
  func.func @_deg_kernel(%arg0: i32, %arg1: i32, %arg2: memref<2560x128xi32, #tpu.memory_space<hbm>>, %arg3: memref<2560x128xf32, #tpu.memory_space<hbm>>, %arg4: memref<2x10240xf32, #tpu.memory_space<hbm>>, %arg5: memref<10240xf32, #tpu.memory_space<vmem>>, %arg6: memref<80x128xi32, #tpu.memory_space<vmem>>, %arg7: memref<80x128xf32, #tpu.memory_space<vmem>>, %arg8: memref<16x640xf32, #tpu.memory_space<vmem>>, %arg9: memref<16x10240xf32, #tpu.memory_space<vmem_shared>>) attributes {dimension_semantics = [#tpu.dimension_semantics<core_parallel>, #tpu.dimension_semantics<subcore_parallel>], iteration_bounds = array<i64: 2, 16>, scalar_prefetch = 0 : i64, scratch_operands = 5 : i64, tpu.core_type = #tpu.core_type<sc_vector_subcore>, window_params = [{transform_indices = #map}, {transform_indices = #map}, {transform_indices = #map}]} {
    %mul3A = arith.constant 16 : i32
    %mul3A_0 = arith.muli %arg0, %mul3A : i32
    %add3A = arith.addi %mul3A_0, %arg1 : i32
    %scan3A = arith.constant 0 : i32
    %scan3A_1 = arith.constant 0 : i32
    %scan3A_2 = arith.constant 640 : i32
    %scan3A_3 = arith.addi %scan3A_1, %scan3A_2 : i32
    %scan3A_4 = arith.constant 1 : i32
    scf.for %scan3A_54 = %scan3A_1 to %scan3A_3 step %scan3A_4  : i32 {
      %broadcast_in_dim3A = arith.constant 0.000000e+00 : f32
      %broadcast_in_dim3A_55 = vector.broadcast %broadcast_in_dim3A : f32 to vector<16xf32>
      %mul3A_56 = arith.constant 16 : i32
      %mul3A_57 = arith.muli %scan3A_54, %mul3A_56 : i32
      %swap3A = arith.index_cast %mul3A_57 : i32 to index
      %swap3A_58 = tpu.vector_load %arg5[%swap3A] {strides = array<i32>} : memref<10240xf32, #tpu.memory_space<vmem>>, vector<16xf32>,
      tpu.vector_store %arg5[%swap3A], %broadcast_in_dim3A_55 {strides = array<i32>} : memref<10240xf32, #tpu.memory_space<vmem>>, vector<16xf32>,
    }
    %scan3A_5 = arith.constant 640 : i32
    %mul3A_6 = arith.constant 80 : i32
    %mul3A_7 = arith.muli %add3A, %mul3A_6 : i32
    %multiple_of3A = tpu.assume_multiple %mul3A_7, 8 : i32
    "tpu.region"() ({
      %run_scoped3A_54 = tpu.sem_alloc : memref<!tpu.dma_semaphore, #tpu.memory_space<semaphore_mem>>
      %dma_start3A = arith.constant 0 : i32
      %dma_start3A_55 = tpu.memref_slice %arg2[%multiple_of3A, %dma_start3A] : memref<2560x128xi32, #tpu.memory_space<hbm>> -> memref<80x128xi32, #tpu.memory_space<hbm>>
      %dma_start3A_56 = arith.constant 0 : i32
      %dma_start3A_57 = tpu.memref_slice %arg2[%multiple_of3A, %dma_start3A_56] : memref<2560x128xi32, #tpu.memory_space<hbm>> -> memref<80x128xi32, #tpu.memory_space<hbm>>
      tpu.enqueue_dma source(%dma_start3A_57 : memref<80x128xi32, #tpu.memory_space<hbm>>) target(%arg6 : memref<80x128xi32, #tpu.memory_space<vmem>>) target_semaphore(%run_scoped3A_54 : memref<!tpu.dma_semaphore, #tpu.memory_space<semaphore_mem>>)
      %dma_wait3A = arith.constant 0 : i32
      %dma_wait3A_58 = tpu.memref_slice %arg2[%multiple_of3A, %dma_wait3A] : memref<2560x128xi32, #tpu.memory_space<hbm>> -> memref<80x128xi32, #tpu.memory_space<hbm>>
      %dma_wait3A_59 = arith.constant 0 : i32
      %dma_wait3A_60 = tpu.memref_slice %arg2[%multiple_of3A, %dma_wait3A_59] : memref<2560x128xi32, #tpu.memory_space<hbm>> -> memref<80x128xi32, #tpu.memory_space<hbm>>
      tpu.wait_dma2 semaphore(%run_scoped3A_54 : memref<!tpu.dma_semaphore, #tpu.memory_space<semaphore_mem>>) src(%dma_wait3A_60 : memref<80x128xi32, #tpu.memory_space<hbm>>) dst(%arg6 : memref<80x128xi32, #tpu.memory_space<vmem>>)
      tpu.yield
    }) : () -> ()
    "tpu.region"() ({
      %run_scoped3A_54 = tpu.sem_alloc : memref<!tpu.dma_semaphore, #tpu.memory_space<semaphore_mem>>
      %dma_start3A = arith.constant 0 : i32
      %dma_start3A_55 = tpu.memref_slice %arg3[%multiple_of3A, %dma_start3A] : memref<2560x128xf32, #tpu.memory_space<hbm>> -> memref<80x128xf32, #tpu.memory_space<hbm>>
      %dma_start3A_56 = arith.constant 0 : i32
      %dma_start3A_57 = tpu.memref_slice %arg3[%multiple_of3A, %dma_start3A_56] : memref<2560x128xf32, #tpu.memory_space<hbm>> -> memref<80x128xf32, #tpu.memory_space<hbm>>
      tpu.enqueue_dma source(%dma_start3A_57 : memref<80x128xf32, #tpu.memory_space<hbm>>) target(%arg7 : memref<80x128xf32, #tpu.memory_space<vmem>>) target_semaphore(%run_scoped3A_54 : memref<!tpu.dma_semaphore, #tpu.memory_space<semaphore_mem>>)
      %dma_wait3A = arith.constant 0 : i32
      %dma_wait3A_58 = tpu.memref_slice %arg3[%multiple_of3A, %dma_wait3A] : memref<2560x128xf32, #tpu.memory_space<hbm>> -> memref<80x128xf32, #tpu.memory_space<hbm>>
      %dma_wait3A_59 = arith.constant 0 : i32
      %dma_wait3A_60 = tpu.memref_slice %arg3[%multiple_of3A, %dma_wait3A_59] : memref<2560x128xf32, #tpu.memory_space<hbm>> -> memref<80x128xf32, #tpu.memory_space<hbm>>
      tpu.wait_dma2 semaphore(%run_scoped3A_54 : memref<!tpu.dma_semaphore, #tpu.memory_space<semaphore_mem>>) src(%dma_wait3A_60 : memref<80x128xf32, #tpu.memory_space<hbm>>) dst(%arg7 : memref<80x128xf32, #tpu.memory_space<vmem>>)
      tpu.yield
    }) : () -> ()
    %scan3A_8 = arith.constant 0 : i32
    %scan3A_9 = arith.constant 0 : i32
    %scan3A_10 = arith.constant 80 : i32
    %scan3A_11 = arith.addi %scan3A_9, %scan3A_10 : i32
    %scan3A_12 = arith.constant 1 : i32
    scf.for %scan3A_54 = %scan3A_9 to %scan3A_11 step %scan3A_12  : i32 {
      %get3A = arith.index_cast %scan3A_54 : i32 to index
      %get3A_55 = arith.constant 0 : index
      %get3A_56 = tpu.vector_load %arg6[%get3A, %get3A_55] {strides = array<i32>} : memref<80x128xi32, #tpu.memory_space<vmem>>, vector<16xi32>,
      %get3A_57 = arith.index_cast %scan3A_54 : i32 to index
      %get3A_58 = arith.constant 0 : index
      %get3A_59 = tpu.vector_load %arg7[%get3A_57, %get3A_58] {strides = array<i32>} : memref<80x128xf32, #tpu.memory_space<vmem>>, vector<16xf32>,
      tpu.vector_store_idx %arg5[%get3A_56], %get3A_59 {add = true} : memref<10240xf32, #tpu.memory_space<vmem>>[vector<16xi32>], vector<16xf32>,
      %get3A_60 = arith.index_cast %scan3A_54 : i32 to index
      %get3A_61 = arith.constant 16 : index
      %get3A_62 = tpu.vector_load %arg6[%get3A_60, %get3A_61] {strides = array<i32>} : memref<80x128xi32, #tpu.memory_space<vmem>>, vector<16xi32>,
      %get3A_63 = arith.index_cast %scan3A_54 : i32 to index
      %get3A_64 = arith.constant 16 : index
      %get3A_65 = tpu.vector_load %arg7[%get3A_63, %get3A_64] {strides = array<i32>} : memref<80x128xf32, #tpu.memory_space<vmem>>, vector<16xf32>,
      tpu.vector_store_idx %arg5[%get3A_62], %get3A_65 {add = true} : memref<10240xf32, #tpu.memory_space<vmem>>[vector<16xi32>], vector<16xf32>,
      %get3A_66 = arith.index_cast %scan3A_54 : i32 to index
      %get3A_67 = arith.constant 32 : index
      %get3A_68 = tpu.vector_load %arg6[%get3A_66, %get3A_67] {strides = array<i32>} : memref<80x128xi32, #tpu.memory_space<vmem>>, vector<16xi32>,
      %get3A_69 = arith.index_cast %scan3A_54 : i32 to index
      %get3A_70 = arith.constant 32 : index
      %get3A_71 = tpu.vector_load %arg7[%get3A_69, %get3A_70] {strides = array<i32>} : memref<80x128xf32, #tpu.memory_space<vmem>>, vector<16xf32>,
      tpu.vector_store_idx %arg5[%get3A_68], %get3A_71 {add = true} : memref<10240xf32, #tpu.memory_space<vmem>>[vector<16xi32>], vector<16xf32>,
      %get3A_72 = arith.index_cast %scan3A_54 : i32 to index
      %get3A_73 = arith.constant 48 : index
      %get3A_74 = tpu.vector_load %arg6[%get3A_72, %get3A_73] {strides = array<i32>} : memref<80x128xi32, #tpu.memory_space<vmem>>, vector<16xi32>,
      %get3A_75 = arith.index_cast %scan3A_54 : i32 to index
      %get3A_76 = arith.constant 48 : index
      %get3A_77 = tpu.vector_load %arg7[%get3A_75, %get3A_76] {strides = array<i32>} : memref<80x128xf32, #tpu.memory_space<vmem>>, vector<16xf32>,
      tpu.vector_store_idx %arg5[%get3A_74], %get3A_77 {add = true} : memref<10240xf32, #tpu.memory_space<vmem>>[vector<16xi32>], vector<16xf32>,
      %get3A_78 = arith.index_cast %scan3A_54 : i32 to index
      %get3A_79 = arith.constant 64 : index
      %get3A_80 = tpu.vector_load %arg6[%get3A_78, %get3A_79] {strides = array<i32>} : memref<80x128xi32, #tpu.memory_space<vmem>>, vector<16xi32>,
      %get3A_81 = arith.index_cast %scan3A_54 : i32 to index
      %get3A_82 = arith.constant 64 : index
      %get3A_83 = tpu.vector_load %arg7[%get3A_81, %get3A_82] {strides = array<i32>} : memref<80x128xf32, #tpu.memory_space<vmem>>, vector<16xf32>,
      tpu.vector_store_idx %arg5[%get3A_80], %get3A_83 {add = true} : memref<10240xf32, #tpu.memory_space<vmem>>[vector<16xi32>], vector<16xf32>,
      %get3A_84 = arith.index_cast %scan3A_54 : i32 to index
      %get3A_85 = arith.constant 80 : index
      %get3A_86 = tpu.vector_load %arg6[%get3A_84, %get3A_85] {strides = array<i32>} : memref<80x128xi32, #tpu.memory_space<vmem>>, vector<16xi32>,
      %get3A_87 = arith.index_cast %scan3A_54 : i32 to index
      %get3A_88 = arith.constant 80 : index
      %get3A_89 = tpu.vector_load %arg7[%get3A_87, %get3A_88] {strides = array<i32>} : memref<80x128xf32, #tpu.memory_space<vmem>>, vector<16xf32>,
      tpu.vector_store_idx %arg5[%get3A_86], %get3A_89 {add = true} : memref<10240xf32, #tpu.memory_space<vmem>>[vector<16xi32>], vector<16xf32>,
      %get3A_90 = arith.index_cast %scan3A_54 : i32 to index
      %get3A_91 = arith.constant 96 : index
      %get3A_92 = tpu.vector_load %arg6[%get3A_90, %get3A_91] {strides = array<i32>} : memref<80x128xi32, #tpu.memory_space<vmem>>, vector<16xi32>,
      %get3A_93 = arith.index_cast %scan3A_54 : i32 to index
      %get3A_94 = arith.constant 96 : index
      %get3A_95 = tpu.vector_load %arg7[%get3A_93, %get3A_94] {strides = array<i32>} : memref<80x128xf32, #tpu.memory_space<vmem>>, vector<16xf32>,
      tpu.vector_store_idx %arg5[%get3A_92], %get3A_95 {add = true} : memref<10240xf32, #tpu.memory_space<vmem>>[vector<16xi32>], vector<16xf32>,
      %get3A_96 = arith.index_cast %scan3A_54 : i32 to index
      %get3A_97 = arith.constant 112 : index
      %get3A_98 = tpu.vector_load %arg6[%get3A_96, %get3A_97] {strides = array<i32>} : memref<80x128xi32, #tpu.memory_space<vmem>>, vector<16xi32>,
      %get3A_99 = arith.index_cast %scan3A_54 : i32 to index
      %get3A_100 = arith.constant 112 : index
      %get3A_101 = tpu.vector_load %arg7[%get3A_99, %get3A_100] {strides = array<i32>} : memref<80x128xf32, #tpu.memory_space<vmem>>, vector<16xf32>,
      tpu.vector_store_idx %arg5[%get3A_98], %get3A_101 {add = true} : memref<10240xf32, #tpu.memory_space<vmem>>[vector<16xi32>], vector<16xf32>,
    }
    %scan3A_13 = arith.constant 80 : i32
    "tpu.region"() ({
      %run_scoped3A_54 = tpu.sem_alloc : memref<!tpu.dma_semaphore, #tpu.memory_space<semaphore_mem>>
      %dma_start3A = arith.constant 0 : i32
      %dma_start3A_55 = tpu.memref_slice %arg9[%arg1, %dma_start3A] : memref<16x10240xf32, #tpu.memory_space<vmem_shared>> -> memref<1x10240xf32, #tpu.memory_space<vmem_shared>>
      %dma_start3A_56 = tpu.memref_squeeze %dma_start3A_55 : memref<1x10240xf32, #tpu.memory_space<vmem_shared>> -> memref<10240xf32, #tpu.memory_space<vmem_shared>>
      %dma_start3A_57 = arith.constant 0 : i32
      %dma_start3A_58 = tpu.memref_slice %arg9[%arg1, %dma_start3A_57] : memref<16x10240xf32, #tpu.memory_space<vmem_shared>> -> memref<1x10240xf32, #tpu.memory_space<vmem_shared>>
      %dma_start3A_59 = tpu.memref_squeeze %dma_start3A_58 : memref<1x10240xf32, #tpu.memory_space<vmem_shared>> -> memref<10240xf32, #tpu.memory_space<vmem_shared>>
      tpu.enqueue_dma source(%arg5 : memref<10240xf32, #tpu.memory_space<vmem>>) target(%dma_start3A_59 : memref<10240xf32, #tpu.memory_space<vmem_shared>>) target_semaphore(%run_scoped3A_54 : memref<!tpu.dma_semaphore, #tpu.memory_space<semaphore_mem>>)
      %dma_wait3A = arith.constant 0 : i32
      %dma_wait3A_60 = tpu.memref_slice %arg9[%arg1, %dma_wait3A] : memref<16x10240xf32, #tpu.memory_space<vmem_shared>> -> memref<1x10240xf32, #tpu.memory_space<vmem_shared>>
      %dma_wait3A_61 = tpu.memref_squeeze %dma_wait3A_60 : memref<1x10240xf32, #tpu.memory_space<vmem_shared>> -> memref<10240xf32, #tpu.memory_space<vmem_shared>>
      %dma_wait3A_62 = arith.constant 0 : i32
      %dma_wait3A_63 = tpu.memref_slice %arg9[%arg1, %dma_wait3A_62] : memref<16x10240xf32, #tpu.memory_space<vmem_shared>> -> memref<1x10240xf32, #tpu.memory_space<vmem_shared>>
      %dma_wait3A_64 = tpu.memref_squeeze %dma_wait3A_63 : memref<1x10240xf32, #tpu.memory_space<vmem_shared>> -> memref<10240xf32, #tpu.memory_space<vmem_shared>>
      tpu.wait_dma2 semaphore(%run_scoped3A_54 : memref<!tpu.dma_semaphore, #tpu.memory_space<semaphore_mem>>) src(%arg5 : memref<10240xf32, #tpu.memory_space<vmem>>) dst(%dma_wait3A_64 : memref<10240xf32, #tpu.memory_space<vmem_shared>>)
      tpu.yield
    }) : () -> ()
    %barrier3A = arith.constant 0 : index
    tpu.barrier barrier_id(%barrier3A)
    %mul3A_14 = arith.constant 640 : i32
    %mul3A_15 = arith.muli %arg1, %mul3A_14 : i32
    %multiple_of3A_16 = tpu.assume_multiple %mul3A_15, 8 : i32
    %run_scoped3A = arith.constant 0 : i32
    %run_scoped3A_17 = arith.constant 0 : i32
    "tpu.region"() ({
      %run_scoped3A_54 = tpu.sem_alloc : memref<!tpu.dma_semaphore, #tpu.memory_space<semaphore_mem>>
      %dma_start3A = arith.constant 0 : i32
      %dma_start3A_55 = tpu.memref_slice %arg8[%run_scoped3A_17, %dma_start3A] : memref<16x640xf32, #tpu.memory_space<vmem>> -> memref<1x640xf32, #tpu.memory_space<vmem>>
      %dma_start3A_56 = tpu.memref_squeeze %dma_start3A_55 : memref<1x640xf32, #tpu.memory_space<vmem>> -> memref<640xf32, #tpu.memory_space<vmem>>
      %dma_start3A_57 = tpu.memref_slice %arg9[%run_scoped3A, %multiple_of3A_16] : memref<16x10240xf32, #tpu.memory_space<vmem_shared>> -> memref<1x640xf32, #tpu.memory_space<vmem_shared>>
      %dma_start3A_58 = tpu.memref_squeeze %dma_start3A_57 : memref<1x640xf32, #tpu.memory_space<vmem_shared>> -> memref<640xf32, #tpu.memory_space<vmem_shared>>
      %dma_start3A_59 = arith.constant 0 : i32
      %dma_start3A_60 = tpu.memref_slice %arg8[%run_scoped3A_17, %dma_start3A_59] : memref<16x640xf32, #tpu.memory_space<vmem>> -> memref<1x640xf32, #tpu.memory_space<vmem>>
      %dma_start3A_61 = tpu.memref_squeeze %dma_start3A_60 : memref<1x640xf32, #tpu.memory_space<vmem>> -> memref<640xf32, #tpu.memory_space<vmem>>
      %dma_start3A_62 = tpu.memref_slice %arg9[%run_scoped3A, %multiple_of3A_16] : memref<16x10240xf32, #tpu.memory_space<vmem_shared>> -> memref<1x640xf32, #tpu.memory_space<vmem_shared>>
      %dma_start3A_63 = tpu.memref_squeeze %dma_start3A_62 : memref<1x640xf32, #tpu.memory_space<vmem_shared>> -> memref<640xf32, #tpu.memory_space<vmem_shared>>
      tpu.enqueue_dma source(%dma_start3A_63 : memref<640xf32, #tpu.memory_space<vmem_shared>>) target(%dma_start3A_61 : memref<640xf32, #tpu.memory_space<vmem>>) target_semaphore(%run_scoped3A_54 : memref<!tpu.dma_semaphore, #tpu.memory_space<semaphore_mem>>)
      %dma_wait3A = arith.constant 0 : i32
      %dma_wait3A_64 = tpu.memref_slice %arg8[%run_scoped3A_17, %dma_wait3A] : memref<16x640xf32, #tpu.memory_space<vmem>> -> memref<1x640xf32, #tpu.memory_space<vmem>>
      %dma_wait3A_65 = tpu.memref_squeeze %dma_wait3A_64 : memref<1x640xf32, #tpu.memory_space<vmem>> -> memref<640xf32, #tpu.memory_space<vmem>>
      %dma_wait3A_66 = tpu.memref_slice %arg9[%run_scoped3A, %multiple_of3A_16] : memref<16x10240xf32, #tpu.memory_space<vmem_shared>> -> memref<1x640xf32, #tpu.memory_space<vmem_shared>>
      %dma_wait3A_67 = tpu.memref_squeeze %dma_wait3A_66 : memref<1x640xf32, #tpu.memory_space<vmem_shared>> -> memref<640xf32, #tpu.memory_space<vmem_shared>>
      %dma_wait3A_68 = arith.constant 0 : i32
      %dma_wait3A_69 = tpu.memref_slice %arg8[%run_scoped3A_17, %dma_wait3A_68] : memref<16x640xf32, #tpu.memory_space<vmem>> -> memref<1x640xf32, #tpu.memory_space<vmem>>
      %dma_wait3A_70 = tpu.memref_squeeze %dma_wait3A_69 : memref<1x640xf32, #tpu.memory_space<vmem>> -> memref<640xf32, #tpu.memory_space<vmem>>
      %dma_wait3A_71 = tpu.memref_slice %arg9[%run_scoped3A, %multiple_of3A_16] : memref<16x10240xf32, #tpu.memory_space<vmem_shared>> -> memref<1x640xf32, #tpu.memory_space<vmem_shared>>
      %dma_wait3A_72 = tpu.memref_squeeze %dma_wait3A_71 : memref<1x640xf32, #tpu.memory_space<vmem_shared>> -> memref<640xf32, #tpu.memory_space<vmem_shared>>
      tpu.wait_dma2 semaphore(%run_scoped3A_54 : memref<!tpu.dma_semaphore, #tpu.memory_space<semaphore_mem>>) src(%dma_wait3A_72 : memref<640xf32, #tpu.memory_space<vmem_shared>>) dst(%dma_wait3A_70 : memref<640xf32, #tpu.memory_space<vmem>>)
      tpu.yield
    }) : () -> ()
    %run_scoped3A_18 = arith.constant 1 : i32
    %run_scoped3A_19 = arith.constant 1 : i32
    "tpu.region"() ({
      %run_scoped3A_54 = tpu.sem_alloc : memref<!tpu.dma_semaphore, #tpu.memory_space<semaphore_mem>>
      %dma_start3A = arith.constant 0 : i32
      %dma_start3A_55 = tpu.memref_slice %arg8[%run_scoped3A_19, %dma_start3A] : memref<16x640xf32, #tpu.memory_space<vmem>> -> memref<1x640xf32, #tpu.memory_space<vmem>>
      %dma_start3A_56 = tpu.memref_squeeze %dma_start3A_55 : memref<1x640xf32, #tpu.memory_space<vmem>> -> memref<640xf32, #tpu.memory_space<vmem>>
      %dma_start3A_57 = tpu.memref_slice %arg9[%run_scoped3A_18, %multiple_of3A_16] : memref<16x10240xf32, #tpu.memory_space<vmem_shared>> -> memref<1x640xf32, #tpu.memory_space<vmem_shared>>
      %dma_start3A_58 = tpu.memref_squeeze %dma_start3A_57 : memref<1x640xf32, #tpu.memory_space<vmem_shared>> -> memref<640xf32, #tpu.memory_space<vmem_shared>>
      %dma_start3A_59 = arith.constant 0 : i32
      %dma_start3A_60 = tpu.memref_slice %arg8[%run_scoped3A_19, %dma_start3A_59] : memref<16x640xf32, #tpu.memory_space<vmem>> -> memref<1x640xf32, #tpu.memory_space<vmem>>
      %dma_start3A_61 = tpu.memref_squeeze %dma_start3A_60 : memref<1x640xf32, #tpu.memory_space<vmem>> -> memref<640xf32, #tpu.memory_space<vmem>>
      %dma_start3A_62 = tpu.memref_slice %arg9[%run_scoped3A_18, %multiple_of3A_16] : memref<16x10240xf32, #tpu.memory_space<vmem_shared>> -> memref<1x640xf32, #tpu.memory_space<vmem_shared>>
      %dma_start3A_63 = tpu.memref_squeeze %dma_start3A_62 : memref<1x640xf32, #tpu.memory_space<vmem_shared>> -> memref<640xf32, #tpu.memory_space<vmem_shared>>
      tpu.enqueue_dma source(%dma_start3A_63 : memref<640xf32, #tpu.memory_space<vmem_shared>>) target(%dma_start3A_61 : memref<640xf32, #tpu.memory_space<vmem>>) target_semaphore(%run_scoped3A_54 : memref<!tpu.dma_semaphore, #tpu.memory_space<semaphore_mem>>)
      %dma_wait3A = arith.constant 0 : i32
      %dma_wait3A_64 = tpu.memref_slice %arg8[%run_scoped3A_19, %dma_wait3A] : memref<16x640xf32, #tpu.memory_space<vmem>> -> memref<1x640xf32, #tpu.memory_space<vmem>>
      %dma_wait3A_65 = tpu.memref_squeeze %dma_wait3A_64 : memref<1x640xf32, #tpu.memory_space<vmem>> -> memref<640xf32, #tpu.memory_space<vmem>>
      %dma_wait3A_66 = tpu.memref_slice %arg9[%run_scoped3A_18, %multiple_of3A_16] : memref<16x10240xf32, #tpu.memory_space<vmem_shared>> -> memref<1x640xf32, #tpu.memory_space<vmem_shared>>
      %dma_wait3A_67 = tpu.memref_squeeze %dma_wait3A_66 : memref<1x640xf32, #tpu.memory_space<vmem_shared>> -> memref<640xf32, #tpu.memory_space<vmem_shared>>
      %dma_wait3A_68 = arith.constant 0 : i32
      %dma_wait3A_69 = tpu.memref_slice %arg8[%run_scoped3A_19, %dma_wait3A_68] : memref<16x640xf32, #tpu.memory_space<vmem>> -> memref<1x640xf32, #tpu.memory_space<vmem>>
      %dma_wait3A_70 = tpu.memref_squeeze %dma_wait3A_69 : memref<1x640xf32, #tpu.memory_space<vmem>> -> memref<640xf32, #tpu.memory_space<vmem>>
      %dma_wait3A_71 = tpu.memref_slice %arg9[%run_scoped3A_18, %multiple_of3A_16] : memref<16x10240xf32, #tpu.memory_space<vmem_shared>> -> memref<1x640xf32, #tpu.memory_space<vmem_shared>>
      %dma_wait3A_72 = tpu.memref_squeeze %dma_wait3A_71 : memref<1x640xf32, #tpu.memory_space<vmem_shared>> -> memref<640xf32, #tpu.memory_space<vmem_shared>>
      tpu.wait_dma2 semaphore(%run_scoped3A_54 : memref<!tpu.dma_semaphore, #tpu.memory_space<semaphore_mem>>) src(%dma_wait3A_72 : memref<640xf32, #tpu.memory_space<vmem_shared>>) dst(%dma_wait3A_70 : memref<640xf32, #tpu.memory_space<vmem>>)
      tpu.yield
    }) : () -> ()
    %run_scoped3A_20 = arith.constant 2 : i32
    %run_scoped3A_21 = arith.constant 2 : i32
    "tpu.region"() ({
      %run_scoped3A_54 = tpu.sem_alloc : memref<!tpu.dma_semaphore, #tpu.memory_space<semaphore_mem>>
      %dma_start3A = arith.constant 0 : i32
      %dma_start3A_55 = tpu.memref_slice %arg8[%run_scoped3A_21, %dma_start3A] : memref<16x640xf32, #tpu.memory_space<vmem>> -> memref<1x640xf32, #tpu.memory_space<vmem>>
      %dma_start3A_56 = tpu.memref_squeeze %dma_start3A_55 : memref<1x640xf32, #tpu.memory_space<vmem>> -> memref<640xf32, #tpu.memory_space<vmem>>
      %dma_start3A_57 = tpu.memref_slice %arg9[%run_scoped3A_20, %multiple_of3A_16] : memref<16x10240xf32, #tpu.memory_space<vmem_shared>> -> memref<1x640xf32, #tpu.memory_space<vmem_shared>>
      %dma_start3A_58 = tpu.memref_squeeze %dma_start3A_57 : memref<1x640xf32, #tpu.memory_space<vmem_shared>> -> memref<640xf32, #tpu.memory_space<vmem_shared>>
      %dma_start3A_59 = arith.constant 0 : i32
      %dma_start3A_60 = tpu.memref_slice %arg8[%run_scoped3A_21, %dma_start3A_59] : memref<16x640xf32, #tpu.memory_space<vmem>> -> memref<1x640xf32, #tpu.memory_space<vmem>>
      %dma_start3A_61 = tpu.memref_squeeze %dma_start3A_60 : memref<1x640xf32, #tpu.memory_space<vmem>> -> memref<640xf32, #tpu.memory_space<vmem>>
      %dma_start3A_62 = tpu.memref_slice %arg9[%run_scoped3A_20, %multiple_of3A_16] : memref<16x10240xf32, #tpu.memory_space<vmem_shared>> -> memref<1x640xf32, #tpu.memory_space<vmem_shared>>
      %dma_start3A_63 = tpu.memref_squeeze %dma_start3A_62 : memref<1x640xf32, #tpu.memory_space<vmem_shared>> -> memref<640xf32, #tpu.memory_space<vmem_shared>>
      tpu.enqueue_dma source(%dma_start3A_63 : memref<640xf32, #tpu.memory_space<vmem_shared>>) target(%dma_start3A_61 : memref<640xf32, #tpu.memory_space<vmem>>) target_semaphore(%run_scoped3A_54 : memref<!tpu.dma_semaphore, #tpu.memory_space<semaphore_mem>>)
      %dma_wait3A = arith.constant 0 : i32
      %dma_wait3A_64 = tpu.memref_slice %arg8[%run_scoped3A_21, %dma_wait3A] : memref<16x640xf32, #tpu.memory_space<vmem>> -> memref<1x640xf32, #tpu.memory_space<vmem>>
      %dma_wait3A_65 = tpu.memref_squeeze %dma_wait3A_64 : memref<1x640xf32, #tpu.memory_space<vmem>> -> memref<640xf32, #tpu.memory_space<vmem>>
      %dma_wait3A_66 = tpu.memref_slice %arg9[%run_scoped3A_20, %multiple_of3A_16] : memref<16x10240xf32, #tpu.memory_space<vmem_shared>> -> memref<1x640xf32, #tpu.memory_space<vmem_shared>>
      %dma_wait3A_67 = tpu.memref_squeeze %dma_wait3A_66 : memref<1x640xf32, #tpu.memory_space<vmem_shared>> -> memref<640xf32, #tpu.memory_space<vmem_shared>>
      %dma_wait3A_68 = arith.constant 0 : i32
      %dma_wait3A_69 = tpu.memref_slice %arg8[%run_scoped3A_21, %dma_wait3A_68] : memref<16x640xf32, #tpu.memory_space<vmem>> -> memref<1x640xf32, #tpu.memory_space<vmem>>
      %dma_wait3A_70 = tpu.memref_squeeze %dma_wait3A_69 : memref<1x640xf32, #tpu.memory_space<vmem>> -> memref<640xf32, #tpu.memory_space<vmem>>
      %dma_wait3A_71 = tpu.memref_slice %arg9[%run_scoped3A_20, %multiple_of3A_16] : memref<16x10240xf32, #tpu.memory_space<vmem_shared>> -> memref<1x640xf32, #tpu.memory_space<vmem_shared>>
      %dma_wait3A_72 = tpu.memref_squeeze %dma_wait3A_71 : memref<1x640xf32, #tpu.memory_space<vmem_shared>> -> memref<640xf32, #tpu.memory_space<vmem_shared>>
      tpu.wait_dma2 semaphore(%run_scoped3A_54 : memref<!tpu.dma_semaphore, #tpu.memory_space<semaphore_mem>>) src(%dma_wait3A_72 : memref<640xf32, #tpu.memory_space<vmem_shared>>) dst(%dma_wait3A_70 : memref<640xf32, #tpu.memory_space<vmem>>)
      tpu.yield
    }) : () -> ()
    %run_scoped3A_22 = arith.constant 3 : i32
    %run_scoped3A_23 = arith.constant 3 : i32
    "tpu.region"() ({
      %run_scoped3A_54 = tpu.sem_alloc : memref<!tpu.dma_semaphore, #tpu.memory_space<semaphore_mem>>
      %dma_start3A = arith.constant 0 : i32
      %dma_start3A_55 = tpu.memref_slice %arg8[%run_scoped3A_23, %dma_start3A] : memref<16x640xf32, #tpu.memory_space<vmem>> -> memref<1x640xf32, #tpu.memory_space<vmem>>
      %dma_start3A_56 = tpu.memref_squeeze %dma_start3A_55 : memref<1x640xf32, #tpu.memory_space<vmem>> -> memref<640xf32, #tpu.memory_space<vmem>>
      %dma_start3A_57 = tpu.memref_slice %arg9[%run_scoped3A_22, %multiple_of3A_16] : memref<16x10240xf32, #tpu.memory_space<vmem_shared>> -> memref<1x640xf32, #tpu.memory_space<vmem_shared>>
      %dma_start3A_58 = tpu.memref_squeeze %dma_start3A_57 : memref<1x640xf32, #tpu.memory_space<vmem_shared>> -> memref<640xf32, #tpu.memory_space<vmem_shared>>
      %dma_start3A_59 = arith.constant 0 : i32
      %dma_start3A_60 = tpu.memref_slice %arg8[%run_scoped3A_23, %dma_start3A_59] : memref<16x640xf32, #tpu.memory_space<vmem>> -> memref<1x640xf32, #tpu.memory_space<vmem>>
      %dma_start3A_61 = tpu.memref_squeeze %dma_start3A_60 : memref<1x640xf32, #tpu.memory_space<vmem>> -> memref<640xf32, #tpu.memory_space<vmem>>
      %dma_start3A_62 = tpu.memref_slice %arg9[%run_scoped3A_22, %multiple_of3A_16] : memref<16x10240xf32, #tpu.memory_space<vmem_shared>> -> memref<1x640xf32, #tpu.memory_space<vmem_shared>>
      %dma_start3A_63 = tpu.memref_squeeze %dma_start3A_62 : memref<1x640xf32, #tpu.memory_space<vmem_shared>> -> memref<640xf32, #tpu.memory_space<vmem_shared>>
      tpu.enqueue_dma source(%dma_start3A_63 : memref<640xf32, #tpu.memory_space<vmem_shared>>) target(%dma_start3A_61 : memref<640xf32, #tpu.memory_space<vmem>>) target_semaphore(%run_scoped3A_54 : memref<!tpu.dma_semaphore, #tpu.memory_space<semaphore_mem>>)
      %dma_wait3A = arith.constant 0 : i32
      %dma_wait3A_64 = tpu.memref_slice %arg8[%run_scoped3A_23, %dma_wait3A] : memref<16x640xf32, #tpu.memory_space<vmem>> -> memref<1x640xf32, #tpu.memory_space<vmem>>
      %dma_wait3A_65 = tpu.memref_squeeze %dma_wait3A_64 : memref<1x640xf32, #tpu.memory_space<vmem>> -> memref<640xf32, #tpu.memory_space<vmem>>
      %dma_wait3A_66 = tpu.memref_slice %arg9[%run_scoped3A_22, %multiple_of3A_16] : memref<16x10240xf32, #tpu.memory_space<vmem_shared>> -> memref<1x640xf32, #tpu.memory_space<vmem_shared>>
      %dma_wait3A_67 = tpu.memref_squeeze %dma_wait3A_66 : memref<1x640xf32, #tpu.memory_space<vmem_shared>> -> memref<640xf32, #tpu.memory_space<vmem_shared>>
      %dma_wait3A_68 = arith.constant 0 : i32
      %dma_wait3A_69 = tpu.memref_slice %arg8[%run_scoped3A_23, %dma_wait3A_68] : memref<16x640xf32, #tpu.memory_space<vmem>> -> memref<1x640xf32, #tpu.memory_space<vmem>>
      %dma_wait3A_70 = tpu.memref_squeeze %dma_wait3A_69 : memref<1x640xf32, #tpu.memory_space<vmem>> -> memref<640xf32, #tpu.memory_space<vmem>>
      %dma_wait3A_71 = tpu.memref_slice %arg9[%run_scoped3A_22, %multiple_of3A_16] : memref<16x10240xf32, #tpu.memory_space<vmem_shared>> -> memref<1x640xf32, #tpu.memory_space<vmem_shared>>
      %dma_wait3A_72 = tpu.memref_squeeze %dma_wait3A_71 : memref<1x640xf32, #tpu.memory_space<vmem_shared>> -> memref<640xf32, #tpu.memory_space<vmem_shared>>
      tpu.wait_dma2 semaphore(%run_scoped3A_54 : memref<!tpu.dma_semaphore, #tpu.memory_space<semaphore_mem>>) src(%dma_wait3A_72 : memref<640xf32, #tpu.memory_space<vmem_shared>>) dst(%dma_wait3A_70 : memref<640xf32, #tpu.memory_space<vmem>>)
      tpu.yield
    }) : () -> ()
    %run_scoped3A_24 = arith.constant 4 : i32
    %run_scoped3A_25 = arith.constant 4 : i32
    "tpu.region"() ({
      %run_scoped3A_54 = tpu.sem_alloc : memref<!tpu.dma_semaphore, #tpu.memory_space<semaphore_mem>>
      %dma_start3A = arith.constant 0 : i32
      %dma_start3A_55 = tpu.memref_slice %arg8[%run_scoped3A_25, %dma_start3A] : memref<16x640xf32, #tpu.memory_space<vmem>> -> memref<1x640xf32, #tpu.memory_space<vmem>>
      %dma_start3A_56 = tpu.memref_squeeze %dma_start3A_55 : memref<1x640xf32, #tpu.memory_space<vmem>> -> memref<640xf32, #tpu.memory_space<vmem>>
      %dma_start3A_57 = tpu.memref_slice %arg9[%run_scoped3A_24, %multiple_of3A_16] : memref<16x10240xf32, #tpu.memory_space<vmem_shared>> -> memref<1x640xf32, #tpu.memory_space<vmem_shared>>
      %dma_start3A_58 = tpu.memref_squeeze %dma_start3A_57 : memref<1x640xf32, #tpu.memory_space<vmem_shared>> -> memref<640xf32, #tpu.memory_space<vmem_shared>>
      %dma_start3A_59 = arith.constant 0 : i32
      %dma_start3A_60 = tpu.memref_slice %arg8[%run_scoped3A_25, %dma_start3A_59] : memref<16x640xf32, #tpu.memory_space<vmem>> -> memref<1x640xf32, #tpu.memory_space<vmem>>
      %dma_start3A_61 = tpu.memref_squeeze %dma_start3A_60 : memref<1x640xf32, #tpu.memory_space<vmem>> -> memref<640xf32, #tpu.memory_space<vmem>>
      %dma_start3A_62 = tpu.memref_slice %arg9[%run_scoped3A_24, %multiple_of3A_16] : memref<16x10240xf32, #tpu.memory_space<vmem_shared>> -> memref<1x640xf32, #tpu.memory_space<vmem_shared>>
      %dma_start3A_63 = tpu.memref_squeeze %dma_start3A_62 : memref<1x640xf32, #tpu.memory_space<vmem_shared>> -> memref<640xf32, #tpu.memory_space<vmem_shared>>
      tpu.enqueue_dma source(%dma_start3A_63 : memref<640xf32, #tpu.memory_space<vmem_shared>>) target(%dma_start3A_61 : memref<640xf32, #tpu.memory_space<vmem>>) target_semaphore(%run_scoped3A_54 : memref<!tpu.dma_semaphore, #tpu.memory_space<semaphore_mem>>)
      %dma_wait3A = arith.constant 0 : i32
      %dma_wait3A_64 = tpu.memref_slice %arg8[%run_scoped3A_25, %dma_wait3A] : memref<16x640xf32, #tpu.memory_space<vmem>> -> memref<1x640xf32, #tpu.memory_space<vmem>>
      %dma_wait3A_65 = tpu.memref_squeeze %dma_wait3A_64 : memref<1x640xf32, #tpu.memory_space<vmem>> -> memref<640xf32, #tpu.memory_space<vmem>>
      %dma_wait3A_66 = tpu.memref_slice %arg9[%run_scoped3A_24, %multiple_of3A_16] : memref<16x10240xf32, #tpu.memory_space<vmem_shared>> -> memref<1x640xf32, #tpu.memory_space<vmem_shared>>
      %dma_wait3A_67 = tpu.memref_squeeze %dma_wait3A_66 : memref<1x640xf32, #tpu.memory_space<vmem_shared>> -> memref<640xf32, #tpu.memory_space<vmem_shared>>
      %dma_wait3A_68 = arith.constant 0 : i32
      %dma_wait3A_69 = tpu.memref_slice %arg8[%run_scoped3A_25, %dma_wait3A_68] : memref<16x640xf32, #tpu.memory_space<vmem>> -> memref<1x640xf32, #tpu.memory_space<vmem>>
      %dma_wait3A_70 = tpu.memref_squeeze %dma_wait3A_69 : memref<1x640xf32, #tpu.memory_space<vmem>> -> memref<640xf32, #tpu.memory_space<vmem>>
      %dma_wait3A_71 = tpu.memref_slice %arg9[%run_scoped3A_24, %multiple_of3A_16] : memref<16x10240xf32, #tpu.memory_space<vmem_shared>> -> memref<1x640xf32, #tpu.memory_space<vmem_shared>>
      %dma_wait3A_72 = tpu.memref_squeeze %dma_wait3A_71 : memref<1x640xf32, #tpu.memory_space<vmem_shared>> -> memref<640xf32, #tpu.memory_space<vmem_shared>>
      tpu.wait_dma2 semaphore(%run_scoped3A_54 : memref<!tpu.dma_semaphore, #tpu.memory_space<semaphore_mem>>) src(%dma_wait3A_72 : memref<640xf32, #tpu.memory_space<vmem_shared>>) dst(%dma_wait3A_70 : memref<640xf32, #tpu.memory_space<vmem>>)
      tpu.yield
    }) : () -> ()
    %run_scoped3A_26 = arith.constant 5 : i32
    %run_scoped3A_27 = arith.constant 5 : i32
    "tpu.region"() ({
      %run_scoped3A_54 = tpu.sem_alloc : memref<!tpu.dma_semaphore, #tpu.memory_space<semaphore_mem>>
      %dma_start3A = arith.constant 0 : i32
      %dma_start3A_55 = tpu.memref_slice %arg8[%run_scoped3A_27, %dma_start3A] : memref<16x640xf32, #tpu.memory_space<vmem>> -> memref<1x640xf32, #tpu.memory_space<vmem>>
      %dma_start3A_56 = tpu.memref_squeeze %dma_start3A_55 : memref<1x640xf32, #tpu.memory_space<vmem>> -> memref<640xf32, #tpu.memory_space<vmem>>
      %dma_start3A_57 = tpu.memref_slice %arg9[%run_scoped3A_26, %multiple_of3A_16] : memref<16x10240xf32, #tpu.memory_space<vmem_shared>> -> memref<1x640xf32, #tpu.memory_space<vmem_shared>>
      %dma_start3A_58 = tpu.memref_squeeze %dma_start3A_57 : memref<1x640xf32, #tpu.memory_space<vmem_shared>> -> memref<640xf32, #tpu.memory_space<vmem_shared>>
      %dma_start3A_59 = arith.constant 0 : i32
      %dma_start3A_60 = tpu.memref_slice %arg8[%run_scoped3A_27, %dma_start3A_59] : memref<16x640xf32, #tpu.memory_space<vmem>> -> memref<1x640xf32, #tpu.memory_space<vmem>>
      %dma_start3A_61 = tpu.memref_squeeze %dma_start3A_60 : memref<1x640xf32, #tpu.memory_space<vmem>> -> memref<640xf32, #tpu.memory_space<vmem>>
      %dma_start3A_62 = tpu.memref_slice %arg9[%run_scoped3A_26, %multiple_of3A_16] : memref<16x10240xf32, #tpu.memory_space<vmem_shared>> -> memref<1x640xf32, #tpu.memory_space<vmem_shared>>
      %dma_start3A_63 = tpu.memref_squeeze %dma_start3A_62 : memref<1x640xf32, #tpu.memory_space<vmem_shared>> -> memref<640xf32, #tpu.memory_space<vmem_shared>>
      tpu.enqueue_dma source(%dma_start3A_63 : memref<640xf32, #tpu.memory_space<vmem_shared>>) target(%dma_start3A_61 : memref<640xf32, #tpu.memory_space<vmem>>) target_semaphore(%run_scoped3A_54 : memref<!tpu.dma_semaphore, #tpu.memory_space<semaphore_mem>>)
      %dma_wait3A = arith.constant 0 : i32
      %dma_wait3A_64 = tpu.memref_slice %arg8[%run_scoped3A_27, %dma_wait3A] : memref<16x640xf32, #tpu.memory_space<vmem>> -> memref<1x640xf32, #tpu.memory_space<vmem>>
      %dma_wait3A_65 = tpu.memref_squeeze %dma_wait3A_64 : memref<1x640xf32, #tpu.memory_space<vmem>> -> memref<640xf32, #tpu.memory_space<vmem>>
      %dma_wait3A_66 = tpu.memref_slice %arg9[%run_scoped3A_26, %multiple_of3A_16] : memref<16x10240xf32, #tpu.memory_space<vmem_shared>> -> memref<1x640xf32, #tpu.memory_space<vmem_shared>>
      %dma_wait3A_67 = tpu.memref_squeeze %dma_wait3A_66 : memref<1x640xf32, #tpu.memory_space<vmem_shared>> -> memref<640xf32, #tpu.memory_space<vmem_shared>>
      %dma_wait3A_68 = arith.constant 0 : i32
      %dma_wait3A_69 = tpu.memref_slice %arg8[%run_scoped3A_27, %dma_wait3A_68] : memref<16x640xf32, #tpu.memory_space<vmem>> -> memref<1x640xf32, #tpu.memory_space<vmem>>
      %dma_wait3A_70 = tpu.memref_squeeze %dma_wait3A_69 : memref<1x640xf32, #tpu.memory_space<vmem>> -> memref<640xf32, #tpu.memory_space<vmem>>
      %dma_wait3A_71 = tpu.memref_slice %arg9[%run_scoped3A_26, %multiple_of3A_16] : memref<16x10240xf32, #tpu.memory_space<vmem_shared>> -> memref<1x640xf32, #tpu.memory_space<vmem_shared>>
      %dma_wait3A_72 = tpu.memref_squeeze %dma_wait3A_71 : memref<1x640xf32, #tpu.memory_space<vmem_shared>> -> memref<640xf32, #tpu.memory_space<vmem_shared>>
      tpu.wait_dma2 semaphore(%run_scoped3A_54 : memref<!tpu.dma_semaphore, #tpu.memory_space<semaphore_mem>>) src(%dma_wait3A_72 : memref<640xf32, #tpu.memory_space<vmem_shared>>) dst(%dma_wait3A_70 : memref<640xf32, #tpu.memory_space<vmem>>)
      tpu.yield
    }) : () -> ()
    %run_scoped3A_28 = arith.constant 6 : i32
    %run_scoped3A_29 = arith.constant 6 : i32
    "tpu.region"() ({
      %run_scoped3A_54 = tpu.sem_alloc : memref<!tpu.dma_semaphore, #tpu.memory_space<semaphore_mem>>
      %dma_start3A = arith.constant 0 : i32
      %dma_start3A_55 = tpu.memref_slice %arg8[%run_scoped3A_29, %dma_start3A] : memref<16x640xf32, #tpu.memory_space<vmem>> -> memref<1x640xf32, #tpu.memory_space<vmem>>
      %dma_start3A_56 = tpu.memref_squeeze %dma_start3A_55 : memref<1x640xf32, #tpu.memory_space<vmem>> -> memref<640xf32, #tpu.memory_space<vmem>>
      %dma_start3A_57 = tpu.memref_slice %arg9[%run_scoped3A_28, %multiple_of3A_16] : memref<16x10240xf32, #tpu.memory_space<vmem_shared>> -> memref<1x640xf32, #tpu.memory_space<vmem_shared>>
      %dma_start3A_58 = tpu.memref_squeeze %dma_start3A_57 : memref<1x640xf32, #tpu.memory_space<vmem_shared>> -> memref<640xf32, #tpu.memory_space<vmem_shared>>
      %dma_start3A_59 = arith.constant 0 : i32
      %dma_start3A_60 = tpu.memref_slice %arg8[%run_scoped3A_29, %dma_start3A_59] : memref<16x640xf32, #tpu.memory_space<vmem>> -> memref<1x640xf32, #tpu.memory_space<vmem>>
      %dma_start3A_61 = tpu.memref_squeeze %dma_start3A_60 : memref<1x640xf32, #tpu.memory_space<vmem>> -> memref<640xf32, #tpu.memory_space<vmem>>
      %dma_start3A_62 = tpu.memref_slice %arg9[%run_scoped3A_28, %multiple_of3A_16] : memref<16x10240xf32, #tpu.memory_space<vmem_shared>> -> memref<1x640xf32, #tpu.memory_space<vmem_shared>>
      %dma_start3A_63 = tpu.memref_squeeze %dma_start3A_62 : memref<1x640xf32, #tpu.memory_space<vmem_shared>> -> memref<640xf32, #tpu.memory_space<vmem_shared>>
      tpu.enqueue_dma source(%dma_start3A_63 : memref<640xf32, #tpu.memory_space<vmem_shared>>) target(%dma_start3A_61 : memref<640xf32, #tpu.memory_space<vmem>>) target_semaphore(%run_scoped3A_54 : memref<!tpu.dma_semaphore, #tpu.memory_space<semaphore_mem>>)
      %dma_wait3A = arith.constant 0 : i32
      %dma_wait3A_64 = tpu.memref_slice %arg8[%run_scoped3A_29, %dma_wait3A] : memref<16x640xf32, #tpu.memory_space<vmem>> -> memref<1x640xf32, #tpu.memory_space<vmem>>
      %dma_wait3A_65 = tpu.memref_squeeze %dma_wait3A_64 : memref<1x640xf32, #tpu.memory_space<vmem>> -> memref<640xf32, #tpu.memory_space<vmem>>
      %dma_wait3A_66 = tpu.memref_slice %arg9[%run_scoped3A_28, %multiple_of3A_16] : memref<16x10240xf32, #tpu.memory_space<vmem_shared>> -> memref<1x640xf32, #tpu.memory_space<vmem_shared>>
      %dma_wait3A_67 = tpu.memref_squeeze %dma_wait3A_66 : memref<1x640xf32, #tpu.memory_space<vmem_shared>> -> memref<640xf32, #tpu.memory_space<vmem_shared>>
      %dma_wait3A_68 = arith.constant 0 : i32
      %dma_wait3A_69 = tpu.memref_slice %arg8[%run_scoped3A_29, %dma_wait3A_68] : memref<16x640xf32, #tpu.memory_space<vmem>> -> memref<1x640xf32, #tpu.memory_space<vmem>>
      %dma_wait3A_70 = tpu.memref_squeeze %dma_wait3A_69 : memref<1x640xf32, #tpu.memory_space<vmem>> -> memref<640xf32, #tpu.memory_space<vmem>>
      %dma_wait3A_71 = tpu.memref_slice %arg9[%run_scoped3A_28, %multiple_of3A_16] : memref<16x10240xf32, #tpu.memory_space<vmem_shared>> -> memref<1x640xf32, #tpu.memory_space<vmem_shared>>
      %dma_wait3A_72 = tpu.memref_squeeze %dma_wait3A_71 : memref<1x640xf32, #tpu.memory_space<vmem_shared>> -> memref<640xf32, #tpu.memory_space<vmem_shared>>
      tpu.wait_dma2 semaphore(%run_scoped3A_54 : memref<!tpu.dma_semaphore, #tpu.memory_space<semaphore_mem>>) src(%dma_wait3A_72 : memref<640xf32, #tpu.memory_space<vmem_shared>>) dst(%dma_wait3A_70 : memref<640xf32, #tpu.memory_space<vmem>>)
      tpu.yield
    }) : () -> ()
    %run_scoped3A_30 = arith.constant 7 : i32
    %run_scoped3A_31 = arith.constant 7 : i32
    "tpu.region"() ({
      %run_scoped3A_54 = tpu.sem_alloc : memref<!tpu.dma_semaphore, #tpu.memory_space<semaphore_mem>>
      %dma_start3A = arith.constant 0 : i32
      %dma_start3A_55 = tpu.memref_slice %arg8[%run_scoped3A_31, %dma_start3A] : memref<16x640xf32, #tpu.memory_space<vmem>> -> memref<1x640xf32, #tpu.memory_space<vmem>>
      %dma_start3A_56 = tpu.memref_squeeze %dma_start3A_55 : memref<1x640xf32, #tpu.memory_space<vmem>> -> memref<640xf32, #tpu.memory_space<vmem>>
      %dma_start3A_57 = tpu.memref_slice %arg9[%run_scoped3A_30, %multiple_of3A_16] : memref<16x10240xf32, #tpu.memory_space<vmem_shared>> -> memref<1x640xf32, #tpu.memory_space<vmem_shared>>
      %dma_start3A_58 = tpu.memref_squeeze %dma_start3A_57 : memref<1x640xf32, #tpu.memory_space<vmem_shared>> -> memref<640xf32, #tpu.memory_space<vmem_shared>>
      %dma_start3A_59 = arith.constant 0 : i32
      %dma_start3A_60 = tpu.memref_slice %arg8[%run_scoped3A_31, %dma_start3A_59] : memref<16x640xf32, #tpu.memory_space<vmem>> -> memref<1x640xf32, #tpu.memory_space<vmem>>
      %dma_start3A_61 = tpu.memref_squeeze %dma_start3A_60 : memref<1x640xf32, #tpu.memory_space<vmem>> -> memref<640xf32, #tpu.memory_space<vmem>>
      %dma_start3A_62 = tpu.memref_slice %arg9[%run_scoped3A_30, %multiple_of3A_16] : memref<16x10240xf32, #tpu.memory_space<vmem_shared>> -> memref<1x640xf32, #tpu.memory_space<vmem_shared>>
      %dma_start3A_63 = tpu.memref_squeeze %dma_start3A_62 : memref<1x640xf32, #tpu.memory_space<vmem_shared>> -> memref<640xf32, #tpu.memory_space<vmem_shared>>
      tpu.enqueue_dma source(%dma_start3A_63 : memref<640xf32, #tpu.memory_space<vmem_shared>>) target(%dma_start3A_61 : memref<640xf32, #tpu.memory_space<vmem>>) target_semaphore(%run_scoped3A_54 : memref<!tpu.dma_semaphore, #tpu.memory_space<semaphore_mem>>)
      %dma_wait3A = arith.constant 0 : i32
      %dma_wait3A_64 = tpu.memref_slice %arg8[%run_scoped3A_31, %dma_wait3A] : memref<16x640xf32, #tpu.memory_space<vmem>> -> memref<1x640xf32, #tpu.memory_space<vmem>>
      %dma_wait3A_65 = tpu.memref_squeeze %dma_wait3A_64 : memref<1x640xf32, #tpu.memory_space<vmem>> -> memref<640xf32, #tpu.memory_space<vmem>>
      %dma_wait3A_66 = tpu.memref_slice %arg9[%run_scoped3A_30, %multiple_of3A_16] : memref<16x10240xf32, #tpu.memory_space<vmem_shared>> -> memref<1x640xf32, #tpu.memory_space<vmem_shared>>
      %dma_wait3A_67 = tpu.memref_squeeze %dma_wait3A_66 : memref<1x640xf32, #tpu.memory_space<vmem_shared>> -> memref<640xf32, #tpu.memory_space<vmem_shared>>
      %dma_wait3A_68 = arith.constant 0 : i32
      %dma_wait3A_69 = tpu.memref_slice %arg8[%run_scoped3A_31, %dma_wait3A_68] : memref<16x640xf32, #tpu.memory_space<vmem>> -> memref<1x640xf32, #tpu.memory_space<vmem>>
      %dma_wait3A_70 = tpu.memref_squeeze %dma_wait3A_69 : memref<1x640xf32, #tpu.memory_space<vmem>> -> memref<640xf32, #tpu.memory_space<vmem>>
      %dma_wait3A_71 = tpu.memref_slice %arg9[%run_scoped3A_30, %multiple_of3A_16] : memref<16x10240xf32, #tpu.memory_space<vmem_shared>> -> memref<1x640xf32, #tpu.memory_space<vmem_shared>>
      %dma_wait3A_72 = tpu.memref_squeeze %dma_wait3A_71 : memref<1x640xf32, #tpu.memory_space<vmem_shared>> -> memref<640xf32, #tpu.memory_space<vmem_shared>>
      tpu.wait_dma2 semaphore(%run_scoped3A_54 : memref<!tpu.dma_semaphore, #tpu.memory_space<semaphore_mem>>) src(%dma_wait3A_72 : memref<640xf32, #tpu.memory_space<vmem_shared>>) dst(%dma_wait3A_70 : memref<640xf32, #tpu.memory_space<vmem>>)
      tpu.yield
    }) : () -> ()
    %run_scoped3A_32 = arith.constant 8 : i32
    %run_scoped3A_33 = arith.constant 8 : i32
    "tpu.region"() ({
      %run_scoped3A_54 = tpu.sem_alloc : memref<!tpu.dma_semaphore, #tpu.memory_space<semaphore_mem>>
      %dma_start3A = arith.constant 0 : i32
      %dma_start3A_55 = tpu.memref_slice %arg8[%run_scoped3A_33, %dma_start3A] : memref<16x640xf32, #tpu.memory_space<vmem>> -> memref<1x640xf32, #tpu.memory_space<vmem>>
      %dma_start3A_56 = tpu.memref_squeeze %dma_start3A_55 : memref<1x640xf32, #tpu.memory_space<vmem>> -> memref<640xf32, #tpu.memory_space<vmem>>
      %dma_start3A_57 = tpu.memref_slice %arg9[%run_scoped3A_32, %multiple_of3A_16] : memref<16x10240xf32, #tpu.memory_space<vmem_shared>> -> memref<1x640xf32, #tpu.memory_space<vmem_shared>>
      %dma_start3A_58 = tpu.memref_squeeze %dma_start3A_57 : memref<1x640xf32, #tpu.memory_space<vmem_shared>> -> memref<640xf32, #tpu.memory_space<vmem_shared>>
      %dma_start3A_59 = arith.constant 0 : i32
      %dma_start3A_60 = tpu.memref_slice %arg8[%run_scoped3A_33, %dma_start3A_59] : memref<16x640xf32, #tpu.memory_space<vmem>> -> memref<1x640xf32, #tpu.memory_space<vmem>>
      %dma_start3A_61 = tpu.memref_squeeze %dma_start3A_60 : memref<1x640xf32, #tpu.memory_space<vmem>> -> memref<640xf32, #tpu.memory_space<vmem>>
      %dma_start3A_62 = tpu.memref_slice %arg9[%run_scoped3A_32, %multiple_of3A_16] : memref<16x10240xf32, #tpu.memory_space<vmem_shared>> -> memref<1x640xf32, #tpu.memory_space<vmem_shared>>
      %dma_start3A_63 = tpu.memref_squeeze %dma_start3A_62 : memref<1x640xf32, #tpu.memory_space<vmem_shared>> -> memref<640xf32, #tpu.memory_space<vmem_shared>>
      tpu.enqueue_dma source(%dma_start3A_63 : memref<640xf32, #tpu.memory_space<vmem_shared>>) target(%dma_start3A_61 : memref<640xf32, #tpu.memory_space<vmem>>) target_semaphore(%run_scoped3A_54 : memref<!tpu.dma_semaphore, #tpu.memory_space<semaphore_mem>>)
      %dma_wait3A = arith.constant 0 : i32
      %dma_wait3A_64 = tpu.memref_slice %arg8[%run_scoped3A_33, %dma_wait3A] : memref<16x640xf32, #tpu.memory_space<vmem>> -> memref<1x640xf32, #tpu.memory_space<vmem>>
      %dma_wait3A_65 = tpu.memref_squeeze %dma_wait3A_64 : memref<1x640xf32, #tpu.memory_space<vmem>> -> memref<640xf32, #tpu.memory_space<vmem>>
      %dma_wait3A_66 = tpu.memref_slice %arg9[%run_scoped3A_32, %multiple_of3A_16] : memref<16x10240xf32, #tpu.memory_space<vmem_shared>> -> memref<1x640xf32, #tpu.memory_space<vmem_shared>>
      %dma_wait3A_67 = tpu.memref_squeeze %dma_wait3A_66 : memref<1x640xf32, #tpu.memory_space<vmem_shared>> -> memref<640xf32, #tpu.memory_space<vmem_shared>>
      %dma_wait3A_68 = arith.constant 0 : i32
      %dma_wait3A_69 = tpu.memref_slice %arg8[%run_scoped3A_33, %dma_wait3A_68] : memref<16x640xf32, #tpu.memory_space<vmem>> -> memref<1x640xf32, #tpu.memory_space<vmem>>
      %dma_wait3A_70 = tpu.memref_squeeze %dma_wait3A_69 : memref<1x640xf32, #tpu.memory_space<vmem>> -> memref<640xf32, #tpu.memory_space<vmem>>
      %dma_wait3A_71 = tpu.memref_slice %arg9[%run_scoped3A_32, %multiple_of3A_16] : memref<16x10240xf32, #tpu.memory_space<vmem_shared>> -> memref<1x640xf32, #tpu.memory_space<vmem_shared>>
      %dma_wait3A_72 = tpu.memref_squeeze %dma_wait3A_71 : memref<1x640xf32, #tpu.memory_space<vmem_shared>> -> memref<640xf32, #tpu.memory_space<vmem_shared>>
      tpu.wait_dma2 semaphore(%run_scoped3A_54 : memref<!tpu.dma_semaphore, #tpu.memory_space<semaphore_mem>>) src(%dma_wait3A_72 : memref<640xf32, #tpu.memory_space<vmem_shared>>) dst(%dma_wait3A_70 : memref<640xf32, #tpu.memory_space<vmem>>)
      tpu.yield
    }) : () -> ()
    %run_scoped3A_34 = arith.constant 9 : i32
    %run_scoped3A_35 = arith.constant 9 : i32
    "tpu.region"() ({
      %run_scoped3A_54 = tpu.sem_alloc : memref<!tpu.dma_semaphore, #tpu.memory_space<semaphore_mem>>
      %dma_start3A = arith.constant 0 : i32
      %dma_start3A_55 = tpu.memref_slice %arg8[%run_scoped3A_35, %dma_start3A] : memref<16x640xf32, #tpu.memory_space<vmem>> -> memref<1x640xf32, #tpu.memory_space<vmem>>
      %dma_start3A_56 = tpu.memref_squeeze %dma_start3A_55 : memref<1x640xf32, #tpu.memory_space<vmem>> -> memref<640xf32, #tpu.memory_space<vmem>>
      %dma_start3A_57 = tpu.memref_slice %arg9[%run_scoped3A_34, %multiple_of3A_16] : memref<16x10240xf32, #tpu.memory_space<vmem_shared>> -> memref<1x640xf32, #tpu.memory_space<vmem_shared>>
      %dma_start3A_58 = tpu.memref_squeeze %dma_start3A_57 : memref<1x640xf32, #tpu.memory_space<vmem_shared>> -> memref<640xf32, #tpu.memory_space<vmem_shared>>
      %dma_start3A_59 = arith.constant 0 : i32
      %dma_start3A_60 = tpu.memref_slice %arg8[%run_scoped3A_35, %dma_start3A_59] : memref<16x640xf32, #tpu.memory_space<vmem>> -> memref<1x640xf32, #tpu.memory_space<vmem>>
      %dma_start3A_61 = tpu.memref_squeeze %dma_start3A_60 : memref<1x640xf32, #tpu.memory_space<vmem>> -> memref<640xf32, #tpu.memory_space<vmem>>
      %dma_start3A_62 = tpu.memref_slice %arg9[%run_scoped3A_34, %multiple_of3A_16] : memref<16x10240xf32, #tpu.memory_space<vmem_shared>> -> memref<1x640xf32, #tpu.memory_space<vmem_shared>>
      %dma_start3A_63 = tpu.memref_squeeze %dma_start3A_62 : memref<1x640xf32, #tpu.memory_space<vmem_shared>> -> memref<640xf32, #tpu.memory_space<vmem_shared>>
      tpu.enqueue_dma source(%dma_start3A_63 : memref<640xf32, #tpu.memory_space<vmem_shared>>) target(%dma_start3A_61 : memref<640xf32, #tpu.memory_space<vmem>>) target_semaphore(%run_scoped3A_54 : memref<!tpu.dma_semaphore, #tpu.memory_space<semaphore_mem>>)
      %dma_wait3A = arith.constant 0 : i32
      %dma_wait3A_64 = tpu.memref_slice %arg8[%run_scoped3A_35, %dma_wait3A] : memref<16x640xf32, #tpu.memory_space<vmem>> -> memref<1x640xf32, #tpu.memory_space<vmem>>
      %dma_wait3A_65 = tpu.memref_squeeze %dma_wait3A_64 : memref<1x640xf32, #tpu.memory_space<vmem>> -> memref<640xf32, #tpu.memory_space<vmem>>
      %dma_wait3A_66 = tpu.memref_slice %arg9[%run_scoped3A_34, %multiple_of3A_16] : memref<16x10240xf32, #tpu.memory_space<vmem_shared>> -> memref<1x640xf32, #tpu.memory_space<vmem_shared>>
      %dma_wait3A_67 = tpu.memref_squeeze %dma_wait3A_66 : memref<1x640xf32, #tpu.memory_space<vmem_shared>> -> memref<640xf32, #tpu.memory_space<vmem_shared>>
      %dma_wait3A_68 = arith.constant 0 : i32
      %dma_wait3A_69 = tpu.memref_slice %arg8[%run_scoped3A_35, %dma_wait3A_68] : memref<16x640xf32, #tpu.memory_space<vmem>> -> memref<1x640xf32, #tpu.memory_space<vmem>>
      %dma_wait3A_70 = tpu.memref_squeeze %dma_wait3A_69 : memref<1x640xf32, #tpu.memory_space<vmem>> -> memref<640xf32, #tpu.memory_space<vmem>>
      %dma_wait3A_71 = tpu.memref_slice %arg9[%run_scoped3A_34, %multiple_of3A_16] : memref<16x10240xf32, #tpu.memory_space<vmem_shared>> -> memref<1x640xf32, #tpu.memory_space<vmem_shared>>
      %dma_wait3A_72 = tpu.memref_squeeze %dma_wait3A_71 : memref<1x640xf32, #tpu.memory_space<vmem_shared>> -> memref<640xf32, #tpu.memory_space<vmem_shared>>
      tpu.wait_dma2 semaphore(%run_scoped3A_54 : memref<!tpu.dma_semaphore, #tpu.memory_space<semaphore_mem>>) src(%dma_wait3A_72 : memref<640xf32, #tpu.memory_space<vmem_shared>>) dst(%dma_wait3A_70 : memref<640xf32, #tpu.memory_space<vmem>>)
      tpu.yield
    }) : () -> ()
    %run_scoped3A_36 = arith.constant 10 : i32
    %run_scoped3A_37 = arith.constant 10 : i32
    "tpu.region"() ({
      %run_scoped3A_54 = tpu.sem_alloc : memref<!tpu.dma_semaphore, #tpu.memory_space<semaphore_mem>>
      %dma_start3A = arith.constant 0 : i32
      %dma_start3A_55 = tpu.memref_slice %arg8[%run_scoped3A_37, %dma_start3A] : memref<16x640xf32, #tpu.memory_space<vmem>> -> memref<1x640xf32, #tpu.memory_space<vmem>>
      %dma_start3A_56 = tpu.memref_squeeze %dma_start3A_55 : memref<1x640xf32, #tpu.memory_space<vmem>> -> memref<640xf32, #tpu.memory_space<vmem>>
      %dma_start3A_57 = tpu.memref_slice %arg9[%run_scoped3A_36, %multiple_of3A_16] : memref<16x10240xf32, #tpu.memory_space<vmem_shared>> -> memref<1x640xf32, #tpu.memory_space<vmem_shared>>
      %dma_start3A_58 = tpu.memref_squeeze %dma_start3A_57 : memref<1x640xf32, #tpu.memory_space<vmem_shared>> -> memref<640xf32, #tpu.memory_space<vmem_shared>>
      %dma_start3A_59 = arith.constant 0 : i32
      %dma_start3A_60 = tpu.memref_slice %arg8[%run_scoped3A_37, %dma_start3A_59] : memref<16x640xf32, #tpu.memory_space<vmem>> -> memref<1x640xf32, #tpu.memory_space<vmem>>
      %dma_start3A_61 = tpu.memref_squeeze %dma_start3A_60 : memref<1x640xf32, #tpu.memory_space<vmem>> -> memref<640xf32, #tpu.memory_space<vmem>>
      %dma_start3A_62 = tpu.memref_slice %arg9[%run_scoped3A_36, %multiple_of3A_16] : memref<16x10240xf32, #tpu.memory_space<vmem_shared>> -> memref<1x640xf32, #tpu.memory_space<vmem_shared>>
      %dma_start3A_63 = tpu.memref_squeeze %dma_start3A_62 : memref<1x640xf32, #tpu.memory_space<vmem_shared>> -> memref<640xf32, #tpu.memory_space<vmem_shared>>
      tpu.enqueue_dma source(%dma_start3A_63 : memref<640xf32, #tpu.memory_space<vmem_shared>>) target(%dma_start3A_61 : memref<640xf32, #tpu.memory_space<vmem>>) target_semaphore(%run_scoped3A_54 : memref<!tpu.dma_semaphore, #tpu.memory_space<semaphore_mem>>)
      %dma_wait3A = arith.constant 0 : i32
      %dma_wait3A_64 = tpu.memref_slice %arg8[%run_scoped3A_37, %dma_wait3A] : memref<16x640xf32, #tpu.memory_space<vmem>> -> memref<1x640xf32, #tpu.memory_space<vmem>>
      %dma_wait3A_65 = tpu.memref_squeeze %dma_wait3A_64 : memref<1x640xf32, #tpu.memory_space<vmem>> -> memref<640xf32, #tpu.memory_space<vmem>>
      %dma_wait3A_66 = tpu.memref_slice %arg9[%run_scoped3A_36, %multiple_of3A_16] : memref<16x10240xf32, #tpu.memory_space<vmem_shared>> -> memref<1x640xf32, #tpu.memory_space<vmem_shared>>
      %dma_wait3A_67 = tpu.memref_squeeze %dma_wait3A_66 : memref<1x640xf32, #tpu.memory_space<vmem_shared>> -> memref<640xf32, #tpu.memory_space<vmem_shared>>
      %dma_wait3A_68 = arith.constant 0 : i32
      %dma_wait3A_69 = tpu.memref_slice %arg8[%run_scoped3A_37, %dma_wait3A_68] : memref<16x640xf32, #tpu.memory_space<vmem>> -> memref<1x640xf32, #tpu.memory_space<vmem>>
      %dma_wait3A_70 = tpu.memref_squeeze %dma_wait3A_69 : memref<1x640xf32, #tpu.memory_space<vmem>> -> memref<640xf32, #tpu.memory_space<vmem>>
      %dma_wait3A_71 = tpu.memref_slice %arg9[%run_scoped3A_36, %multiple_of3A_16] : memref<16x10240xf32, #tpu.memory_space<vmem_shared>> -> memref<1x640xf32, #tpu.memory_space<vmem_shared>>
      %dma_wait3A_72 = tpu.memref_squeeze %dma_wait3A_71 : memref<1x640xf32, #tpu.memory_space<vmem_shared>> -> memref<640xf32, #tpu.memory_space<vmem_shared>>
      tpu.wait_dma2 semaphore(%run_scoped3A_54 : memref<!tpu.dma_semaphore, #tpu.memory_space<semaphore_mem>>) src(%dma_wait3A_72 : memref<640xf32, #tpu.memory_space<vmem_shared>>) dst(%dma_wait3A_70 : memref<640xf32, #tpu.memory_space<vmem>>)
      tpu.yield
    }) : () -> ()
    %run_scoped3A_38 = arith.constant 11 : i32
    %run_scoped3A_39 = arith.constant 11 : i32
    "tpu.region"() ({
      %run_scoped3A_54 = tpu.sem_alloc : memref<!tpu.dma_semaphore, #tpu.memory_space<semaphore_mem>>
      %dma_start3A = arith.constant 0 : i32
      %dma_start3A_55 = tpu.memref_slice %arg8[%run_scoped3A_39, %dma_start3A] : memref<16x640xf32, #tpu.memory_space<vmem>> -> memref<1x640xf32, #tpu.memory_space<vmem>>
      %dma_start3A_56 = tpu.memref_squeeze %dma_start3A_55 : memref<1x640xf32, #tpu.memory_space<vmem>> -> memref<640xf32, #tpu.memory_space<vmem>>
      %dma_start3A_57 = tpu.memref_slice %arg9[%run_scoped3A_38, %multiple_of3A_16] : memref<16x10240xf32, #tpu.memory_space<vmem_shared>> -> memref<1x640xf32, #tpu.memory_space<vmem_shared>>
      %dma_start3A_58 = tpu.memref_squeeze %dma_start3A_57 : memref<1x640xf32, #tpu.memory_space<vmem_shared>> -> memref<640xf32, #tpu.memory_space<vmem_shared>>
      %dma_start3A_59 = arith.constant 0 : i32
      %dma_start3A_60 = tpu.memref_slice %arg8[%run_scoped3A_39, %dma_start3A_59] : memref<16x640xf32, #tpu.memory_space<vmem>> -> memref<1x640xf32, #tpu.memory_space<vmem>>
      %dma_start3A_61 = tpu.memref_squeeze %dma_start3A_60 : memref<1x640xf32, #tpu.memory_space<vmem>> -> memref<640xf32, #tpu.memory_space<vmem>>
      %dma_start3A_62 = tpu.memref_slice %arg9[%run_scoped3A_38, %multiple_of3A_16] : memref<16x10240xf32, #tpu.memory_space<vmem_shared>> -> memref<1x640xf32, #tpu.memory_space<vmem_shared>>
      %dma_start3A_63 = tpu.memref_squeeze %dma_start3A_62 : memref<1x640xf32, #tpu.memory_space<vmem_shared>> -> memref<640xf32, #tpu.memory_space<vmem_shared>>
      tpu.enqueue_dma source(%dma_start3A_63 : memref<640xf32, #tpu.memory_space<vmem_shared>>) target(%dma_start3A_61 : memref<640xf32, #tpu.memory_space<vmem>>) target_semaphore(%run_scoped3A_54 : memref<!tpu.dma_semaphore, #tpu.memory_space<semaphore_mem>>)
      %dma_wait3A = arith.constant 0 : i32
      %dma_wait3A_64 = tpu.memref_slice %arg8[%run_scoped3A_39, %dma_wait3A] : memref<16x640xf32, #tpu.memory_space<vmem>> -> memref<1x640xf32, #tpu.memory_space<vmem>>
      %dma_wait3A_65 = tpu.memref_squeeze %dma_wait3A_64 : memref<1x640xf32, #tpu.memory_space<vmem>> -> memref<640xf32, #tpu.memory_space<vmem>>
      %dma_wait3A_66 = tpu.memref_slice %arg9[%run_scoped3A_38, %multiple_of3A_16] : memref<16x10240xf32, #tpu.memory_space<vmem_shared>> -> memref<1x640xf32, #tpu.memory_space<vmem_shared>>
      %dma_wait3A_67 = tpu.memref_squeeze %dma_wait3A_66 : memref<1x640xf32, #tpu.memory_space<vmem_shared>> -> memref<640xf32, #tpu.memory_space<vmem_shared>>
      %dma_wait3A_68 = arith.constant 0 : i32
      %dma_wait3A_69 = tpu.memref_slice %arg8[%run_scoped3A_39, %dma_wait3A_68] : memref<16x640xf32, #tpu.memory_space<vmem>> -> memref<1x640xf32, #tpu.memory_space<vmem>>
      %dma_wait3A_70 = tpu.memref_squeeze %dma_wait3A_69 : memref<1x640xf32, #tpu.memory_space<vmem>> -> memref<640xf32, #tpu.memory_space<vmem>>
      %dma_wait3A_71 = tpu.memref_slice %arg9[%run_scoped3A_38, %multiple_of3A_16] : memref<16x10240xf32, #tpu.memory_space<vmem_shared>> -> memref<1x640xf32, #tpu.memory_space<vmem_shared>>
      %dma_wait3A_72 = tpu.memref_squeeze %dma_wait3A_71 : memref<1x640xf32, #tpu.memory_space<vmem_shared>> -> memref<640xf32, #tpu.memory_space<vmem_shared>>
      tpu.wait_dma2 semaphore(%run_scoped3A_54 : memref<!tpu.dma_semaphore, #tpu.memory_space<semaphore_mem>>) src(%dma_wait3A_72 : memref<640xf32, #tpu.memory_space<vmem_shared>>) dst(%dma_wait3A_70 : memref<640xf32, #tpu.memory_space<vmem>>)
      tpu.yield
    }) : () -> ()
    %run_scoped3A_40 = arith.constant 12 : i32
    %run_scoped3A_41 = arith.constant 12 : i32
    "tpu.region"() ({
      %run_scoped3A_54 = tpu.sem_alloc : memref<!tpu.dma_semaphore, #tpu.memory_space<semaphore_mem>>
      %dma_start3A = arith.constant 0 : i32
      %dma_start3A_55 = tpu.memref_slice %arg8[%run_scoped3A_41, %dma_start3A] : memref<16x640xf32, #tpu.memory_space<vmem>> -> memref<1x640xf32, #tpu.memory_space<vmem>>
      %dma_start3A_56 = tpu.memref_squeeze %dma_start3A_55 : memref<1x640xf32, #tpu.memory_space<vmem>> -> memref<640xf32, #tpu.memory_space<vmem>>
      %dma_start3A_57 = tpu.memref_slice %arg9[%run_scoped3A_40, %multiple_of3A_16] : memref<16x10240xf32, #tpu.memory_space<vmem_shared>> -> memref<1x640xf32, #tpu.memory_space<vmem_shared>>
      %dma_start3A_58 = tpu.memref_squeeze %dma_start3A_57 : memref<1x640xf32, #tpu.memory_space<vmem_shared>> -> memref<640xf32, #tpu.memory_space<vmem_shared>>
      %dma_start3A_59 = arith.constant 0 : i32
      %dma_start3A_60 = tpu.memref_slice %arg8[%run_scoped3A_41, %dma_start3A_59] : memref<16x640xf32, #tpu.memory_space<vmem>> -> memref<1x640xf32, #tpu.memory_space<vmem>>
      %dma_start3A_61 = tpu.memref_squeeze %dma_start3A_60 : memref<1x640xf32, #tpu.memory_space<vmem>> -> memref<640xf32, #tpu.memory_space<vmem>>
      %dma_start3A_62 = tpu.memref_slice %arg9[%run_scoped3A_40, %multiple_of3A_16] : memref<16x10240xf32, #tpu.memory_space<vmem_shared>> -> memref<1x640xf32, #tpu.memory_space<vmem_shared>>
      %dma_start3A_63 = tpu.memref_squeeze %dma_start3A_62 : memref<1x640xf32, #tpu.memory_space<vmem_shared>> -> memref<640xf32, #tpu.memory_space<vmem_shared>>
      tpu.enqueue_dma source(%dma_start3A_63 : memref<640xf32, #tpu.memory_space<vmem_shared>>) target(%dma_start3A_61 : memref<640xf32, #tpu.memory_space<vmem>>) target_semaphore(%run_scoped3A_54 : memref<!tpu.dma_semaphore, #tpu.memory_space<semaphore_mem>>)
      %dma_wait3A = arith.constant 0 : i32
      %dma_wait3A_64 = tpu.memref_slice %arg8[%run_scoped3A_41, %dma_wait3A] : memref<16x640xf32, #tpu.memory_space<vmem>> -> memref<1x640xf32, #tpu.memory_space<vmem>>
      %dma_wait3A_65 = tpu.memref_squeeze %dma_wait3A_64 : memref<1x640xf32, #tpu.memory_space<vmem>> -> memref<640xf32, #tpu.memory_space<vmem>>
      %dma_wait3A_66 = tpu.memref_slice %arg9[%run_scoped3A_40, %multiple_of3A_16] : memref<16x10240xf32, #tpu.memory_space<vmem_shared>> -> memref<1x640xf32, #tpu.memory_space<vmem_shared>>
      %dma_wait3A_67 = tpu.memref_squeeze %dma_wait3A_66 : memref<1x640xf32, #tpu.memory_space<vmem_shared>> -> memref<640xf32, #tpu.memory_space<vmem_shared>>
      %dma_wait3A_68 = arith.constant 0 : i32
      %dma_wait3A_69 = tpu.memref_slice %arg8[%run_scoped3A_41, %dma_wait3A_68] : memref<16x640xf32, #tpu.memory_space<vmem>> -> memref<1x640xf32, #tpu.memory_space<vmem>>
      %dma_wait3A_70 = tpu.memref_squeeze %dma_wait3A_69 : memref<1x640xf32, #tpu.memory_space<vmem>> -> memref<640xf32, #tpu.memory_space<vmem>>
      %dma_wait3A_71 = tpu.memref_slice %arg9[%run_scoped3A_40, %multiple_of3A_16] : memref<16x10240xf32, #tpu.memory_space<vmem_shared>> -> memref<1x640xf32, #tpu.memory_space<vmem_shared>>
      %dma_wait3A_72 = tpu.memref_squeeze %dma_wait3A_71 : memref<1x640xf32, #tpu.memory_space<vmem_shared>> -> memref<640xf32, #tpu.memory_space<vmem_shared>>
      tpu.wait_dma2 semaphore(%run_scoped3A_54 : memref<!tpu.dma_semaphore, #tpu.memory_space<semaphore_mem>>) src(%dma_wait3A_72 : memref<640xf32, #tpu.memory_space<vmem_shared>>) dst(%dma_wait3A_70 : memref<640xf32, #tpu.memory_space<vmem>>)
      tpu.yield
    }) : () -> ()
    %run_scoped3A_42 = arith.constant 13 : i32
    %run_scoped3A_43 = arith.constant 13 : i32
    "tpu.region"() ({
      %run_scoped3A_54 = tpu.sem_alloc : memref<!tpu.dma_semaphore, #tpu.memory_space<semaphore_mem>>
      %dma_start3A = arith.constant 0 : i32
      %dma_start3A_55 = tpu.memref_slice %arg8[%run_scoped3A_43, %dma_start3A] : memref<16x640xf32, #tpu.memory_space<vmem>> -> memref<1x640xf32, #tpu.memory_space<vmem>>
      %dma_start3A_56 = tpu.memref_squeeze %dma_start3A_55 : memref<1x640xf32, #tpu.memory_space<vmem>> -> memref<640xf32, #tpu.memory_space<vmem>>
      %dma_start3A_57 = tpu.memref_slice %arg9[%run_scoped3A_42, %multiple_of3A_16] : memref<16x10240xf32, #tpu.memory_space<vmem_shared>> -> memref<1x640xf32, #tpu.memory_space<vmem_shared>>
      %dma_start3A_58 = tpu.memref_squeeze %dma_start3A_57 : memref<1x640xf32, #tpu.memory_space<vmem_shared>> -> memref<640xf32, #tpu.memory_space<vmem_shared>>
      %dma_start3A_59 = arith.constant 0 : i32
      %dma_start3A_60 = tpu.memref_slice %arg8[%run_scoped3A_43, %dma_start3A_59] : memref<16x640xf32, #tpu.memory_space<vmem>> -> memref<1x640xf32, #tpu.memory_space<vmem>>
      %dma_start3A_61 = tpu.memref_squeeze %dma_start3A_60 : memref<1x640xf32, #tpu.memory_space<vmem>> -> memref<640xf32, #tpu.memory_space<vmem>>
      %dma_start3A_62 = tpu.memref_slice %arg9[%run_scoped3A_42, %multiple_of3A_16] : memref<16x10240xf32, #tpu.memory_space<vmem_shared>> -> memref<1x640xf32, #tpu.memory_space<vmem_shared>>
      %dma_start3A_63 = tpu.memref_squeeze %dma_start3A_62 : memref<1x640xf32, #tpu.memory_space<vmem_shared>> -> memref<640xf32, #tpu.memory_space<vmem_shared>>
      tpu.enqueue_dma source(%dma_start3A_63 : memref<640xf32, #tpu.memory_space<vmem_shared>>) target(%dma_start3A_61 : memref<640xf32, #tpu.memory_space<vmem>>) target_semaphore(%run_scoped3A_54 : memref<!tpu.dma_semaphore, #tpu.memory_space<semaphore_mem>>)
      %dma_wait3A = arith.constant 0 : i32
      %dma_wait3A_64 = tpu.memref_slice %arg8[%run_scoped3A_43, %dma_wait3A] : memref<16x640xf32, #tpu.memory_space<vmem>> -> memref<1x640xf32, #tpu.memory_space<vmem>>
      %dma_wait3A_65 = tpu.memref_squeeze %dma_wait3A_64 : memref<1x640xf32, #tpu.memory_space<vmem>> -> memref<640xf32, #tpu.memory_space<vmem>>
      %dma_wait3A_66 = tpu.memref_slice %arg9[%run_scoped3A_42, %multiple_of3A_16] : memref<16x10240xf32, #tpu.memory_space<vmem_shared>> -> memref<1x640xf32, #tpu.memory_space<vmem_shared>>
      %dma_wait3A_67 = tpu.memref_squeeze %dma_wait3A_66 : memref<1x640xf32, #tpu.memory_space<vmem_shared>> -> memref<640xf32, #tpu.memory_space<vmem_shared>>
      %dma_wait3A_68 = arith.constant 0 : i32
      %dma_wait3A_69 = tpu.memref_slice %arg8[%run_scoped3A_43, %dma_wait3A_68] : memref<16x640xf32, #tpu.memory_space<vmem>> -> memref<1x640xf32, #tpu.memory_space<vmem>>
      %dma_wait3A_70 = tpu.memref_squeeze %dma_wait3A_69 : memref<1x640xf32, #tpu.memory_space<vmem>> -> memref<640xf32, #tpu.memory_space<vmem>>
      %dma_wait3A_71 = tpu.memref_slice %arg9[%run_scoped3A_42, %multiple_of3A_16] : memref<16x10240xf32, #tpu.memory_space<vmem_shared>> -> memref<1x640xf32, #tpu.memory_space<vmem_shared>>
      %dma_wait3A_72 = tpu.memref_squeeze %dma_wait3A_71 : memref<1x640xf32, #tpu.memory_space<vmem_shared>> -> memref<640xf32, #tpu.memory_space<vmem_shared>>
      tpu.wait_dma2 semaphore(%run_scoped3A_54 : memref<!tpu.dma_semaphore, #tpu.memory_space<semaphore_mem>>) src(%dma_wait3A_72 : memref<640xf32, #tpu.memory_space<vmem_shared>>) dst(%dma_wait3A_70 : memref<640xf32, #tpu.memory_space<vmem>>)
      tpu.yield
    }) : () -> ()
    %run_scoped3A_44 = arith.constant 14 : i32
    %run_scoped3A_45 = arith.constant 14 : i32
    "tpu.region"() ({
      %run_scoped3A_54 = tpu.sem_alloc : memref<!tpu.dma_semaphore, #tpu.memory_space<semaphore_mem>>
      %dma_start3A = arith.constant 0 : i32
      %dma_start3A_55 = tpu.memref_slice %arg8[%run_scoped3A_45, %dma_start3A] : memref<16x640xf32, #tpu.memory_space<vmem>> -> memref<1x640xf32, #tpu.memory_space<vmem>>
      %dma_start3A_56 = tpu.memref_squeeze %dma_start3A_55 : memref<1x640xf32, #tpu.memory_space<vmem>> -> memref<640xf32, #tpu.memory_space<vmem>>
      %dma_start3A_57 = tpu.memref_slice %arg9[%run_scoped3A_44, %multiple_of3A_16] : memref<16x10240xf32, #tpu.memory_space<vmem_shared>> -> memref<1x640xf32, #tpu.memory_space<vmem_shared>>
      %dma_start3A_58 = tpu.memref_squeeze %dma_start3A_57 : memref<1x640xf32, #tpu.memory_space<vmem_shared>> -> memref<640xf32, #tpu.memory_space<vmem_shared>>
      %dma_start3A_59 = arith.constant 0 : i32
      %dma_start3A_60 = tpu.memref_slice %arg8[%run_scoped3A_45, %dma_start3A_59] : memref<16x640xf32, #tpu.memory_space<vmem>> -> memref<1x640xf32, #tpu.memory_space<vmem>>
      %dma_start3A_61 = tpu.memref_squeeze %dma_start3A_60 : memref<1x640xf32, #tpu.memory_space<vmem>> -> memref<640xf32, #tpu.memory_space<vmem>>
      %dma_start3A_62 = tpu.memref_slice %arg9[%run_scoped3A_44, %multiple_of3A_16] : memref<16x10240xf32, #tpu.memory_space<vmem_shared>> -> memref<1x640xf32, #tpu.memory_space<vmem_shared>>
      %dma_start3A_63 = tpu.memref_squeeze %dma_start3A_62 : memref<1x640xf32, #tpu.memory_space<vmem_shared>> -> memref<640xf32, #tpu.memory_space<vmem_shared>>
      tpu.enqueue_dma source(%dma_start3A_63 : memref<640xf32, #tpu.memory_space<vmem_shared>>) target(%dma_start3A_61 : memref<640xf32, #tpu.memory_space<vmem>>) target_semaphore(%run_scoped3A_54 : memref<!tpu.dma_semaphore, #tpu.memory_space<semaphore_mem>>)
      %dma_wait3A = arith.constant 0 : i32
      %dma_wait3A_64 = tpu.memref_slice %arg8[%run_scoped3A_45, %dma_wait3A] : memref<16x640xf32, #tpu.memory_space<vmem>> -> memref<1x640xf32, #tpu.memory_space<vmem>>
      %dma_wait3A_65 = tpu.memref_squeeze %dma_wait3A_64 : memref<1x640xf32, #tpu.memory_space<vmem>> -> memref<640xf32, #tpu.memory_space<vmem>>
      %dma_wait3A_66 = tpu.memref_slice %arg9[%run_scoped3A_44, %multiple_of3A_16] : memref<16x10240xf32, #tpu.memory_space<vmem_shared>> -> memref<1x640xf32, #tpu.memory_space<vmem_shared>>
      %dma_wait3A_67 = tpu.memref_squeeze %dma_wait3A_66 : memref<1x640xf32, #tpu.memory_space<vmem_shared>> -> memref<640xf32, #tpu.memory_space<vmem_shared>>
      %dma_wait3A_68 = arith.constant 0 : i32
      %dma_wait3A_69 = tpu.memref_slice %arg8[%run_scoped3A_45, %dma_wait3A_68] : memref<16x640xf32, #tpu.memory_space<vmem>> -> memref<1x640xf32, #tpu.memory_space<vmem>>
      %dma_wait3A_70 = tpu.memref_squeeze %dma_wait3A_69 : memref<1x640xf32, #tpu.memory_space<vmem>> -> memref<640xf32, #tpu.memory_space<vmem>>
      %dma_wait3A_71 = tpu.memref_slice %arg9[%run_scoped3A_44, %multiple_of3A_16] : memref<16x10240xf32, #tpu.memory_space<vmem_shared>> -> memref<1x640xf32, #tpu.memory_space<vmem_shared>>
      %dma_wait3A_72 = tpu.memref_squeeze %dma_wait3A_71 : memref<1x640xf32, #tpu.memory_space<vmem_shared>> -> memref<640xf32, #tpu.memory_space<vmem_shared>>
      tpu.wait_dma2 semaphore(%run_scoped3A_54 : memref<!tpu.dma_semaphore, #tpu.memory_space<semaphore_mem>>) src(%dma_wait3A_72 : memref<640xf32, #tpu.memory_space<vmem_shared>>) dst(%dma_wait3A_70 : memref<640xf32, #tpu.memory_space<vmem>>)
      tpu.yield
    }) : () -> ()
    %run_scoped3A_46 = arith.constant 15 : i32
    %run_scoped3A_47 = arith.constant 15 : i32
    "tpu.region"() ({
      %run_scoped3A_54 = tpu.sem_alloc : memref<!tpu.dma_semaphore, #tpu.memory_space<semaphore_mem>>
      %dma_start3A = arith.constant 0 : i32
      %dma_start3A_55 = tpu.memref_slice %arg8[%run_scoped3A_47, %dma_start3A] : memref<16x640xf32, #tpu.memory_space<vmem>> -> memref<1x640xf32, #tpu.memory_space<vmem>>
      %dma_start3A_56 = tpu.memref_squeeze %dma_start3A_55 : memref<1x640xf32, #tpu.memory_space<vmem>> -> memref<640xf32, #tpu.memory_space<vmem>>
      %dma_start3A_57 = tpu.memref_slice %arg9[%run_scoped3A_46, %multiple_of3A_16] : memref<16x10240xf32, #tpu.memory_space<vmem_shared>> -> memref<1x640xf32, #tpu.memory_space<vmem_shared>>
      %dma_start3A_58 = tpu.memref_squeeze %dma_start3A_57 : memref<1x640xf32, #tpu.memory_space<vmem_shared>> -> memref<640xf32, #tpu.memory_space<vmem_shared>>
      %dma_start3A_59 = arith.constant 0 : i32
      %dma_start3A_60 = tpu.memref_slice %arg8[%run_scoped3A_47, %dma_start3A_59] : memref<16x640xf32, #tpu.memory_space<vmem>> -> memref<1x640xf32, #tpu.memory_space<vmem>>
      %dma_start3A_61 = tpu.memref_squeeze %dma_start3A_60 : memref<1x640xf32, #tpu.memory_space<vmem>> -> memref<640xf32, #tpu.memory_space<vmem>>
      %dma_start3A_62 = tpu.memref_slice %arg9[%run_scoped3A_46, %multiple_of3A_16] : memref<16x10240xf32, #tpu.memory_space<vmem_shared>> -> memref<1x640xf32, #tpu.memory_space<vmem_shared>>
      %dma_start3A_63 = tpu.memref_squeeze %dma_start3A_62 : memref<1x640xf32, #tpu.memory_space<vmem_shared>> -> memref<640xf32, #tpu.memory_space<vmem_shared>>
      tpu.enqueue_dma source(%dma_start3A_63 : memref<640xf32, #tpu.memory_space<vmem_shared>>) target(%dma_start3A_61 : memref<640xf32, #tpu.memory_space<vmem>>) target_semaphore(%run_scoped3A_54 : memref<!tpu.dma_semaphore, #tpu.memory_space<semaphore_mem>>)
      %dma_wait3A = arith.constant 0 : i32
      %dma_wait3A_64 = tpu.memref_slice %arg8[%run_scoped3A_47, %dma_wait3A] : memref<16x640xf32, #tpu.memory_space<vmem>> -> memref<1x640xf32, #tpu.memory_space<vmem>>
      %dma_wait3A_65 = tpu.memref_squeeze %dma_wait3A_64 : memref<1x640xf32, #tpu.memory_space<vmem>> -> memref<640xf32, #tpu.memory_space<vmem>>
      %dma_wait3A_66 = tpu.memref_slice %arg9[%run_scoped3A_46, %multiple_of3A_16] : memref<16x10240xf32, #tpu.memory_space<vmem_shared>> -> memref<1x640xf32, #tpu.memory_space<vmem_shared>>
      %dma_wait3A_67 = tpu.memref_squeeze %dma_wait3A_66 : memref<1x640xf32, #tpu.memory_space<vmem_shared>> -> memref<640xf32, #tpu.memory_space<vmem_shared>>
      %dma_wait3A_68 = arith.constant 0 : i32
      %dma_wait3A_69 = tpu.memref_slice %arg8[%run_scoped3A_47, %dma_wait3A_68] : memref<16x640xf32, #tpu.memory_space<vmem>> -> memref<1x640xf32, #tpu.memory_space<vmem>>
      %dma_wait3A_70 = tpu.memref_squeeze %dma_wait3A_69 : memref<1x640xf32, #tpu.memory_space<vmem>> -> memref<640xf32, #tpu.memory_space<vmem>>
      %dma_wait3A_71 = tpu.memref_slice %arg9[%run_scoped3A_46, %multiple_of3A_16] : memref<16x10240xf32, #tpu.memory_space<vmem_shared>> -> memref<1x640xf32, #tpu.memory_space<vmem_shared>>
      %dma_wait3A_72 = tpu.memref_squeeze %dma_wait3A_71 : memref<1x640xf32, #tpu.memory_space<vmem_shared>> -> memref<640xf32, #tpu.memory_space<vmem_shared>>
      tpu.wait_dma2 semaphore(%run_scoped3A_54 : memref<!tpu.dma_semaphore, #tpu.memory_space<semaphore_mem>>) src(%dma_wait3A_72 : memref<640xf32, #tpu.memory_space<vmem_shared>>) dst(%dma_wait3A_70 : memref<640xf32, #tpu.memory_space<vmem>>)
      tpu.yield
    }) : () -> ()
    %scan3A_48 = arith.constant 0 : i32
    %scan3A_49 = arith.constant 0 : i32
    %scan3A_50 = arith.constant 40 : i32
    %scan3A_51 = arith.addi %scan3A_49, %scan3A_50 : i32
    %scan3A_52 = arith.constant 1 : i32
    scf.for %scan3A_54 = %scan3A_49 to %scan3A_51 step %scan3A_52  : i32 {
      %mul3A_55 = arith.constant 16 : i32
      %mul3A_56 = arith.muli %scan3A_54, %mul3A_55 : i32
      %get3A = arith.constant 0 : i32
      %get3A_57 = arith.index_cast %get3A : i32 to index
      %get3A_58 = arith.index_cast %mul3A_56 : i32 to index
      %get3A_59 = tpu.vector_load %arg8[%get3A_57, %get3A_58] {strides = array<i32>} : memref<16x640xf32, #tpu.memory_space<vmem>>, vector<16xf32>,
      %mul3A_60 = arith.constant 16 : i32
      %mul3A_61 = arith.muli %scan3A_54, %mul3A_60 : i32
      %get3A_62 = arith.constant 1 : i32
      %get3A_63 = arith.index_cast %get3A_62 : i32 to index
      %get3A_64 = arith.index_cast %mul3A_61 : i32 to index
      %get3A_65 = tpu.vector_load %arg8[%get3A_63, %get3A_64] {strides = array<i32>} : memref<16x640xf32, #tpu.memory_space<vmem>>, vector<16xf32>,
      %add3A_66 = arith.addf %get3A_59, %get3A_65 : vector<16xf32>
      %mul3A_67 = arith.constant 16 : i32
      %mul3A_68 = arith.muli %scan3A_54, %mul3A_67 : i32
      %get3A_69 = arith.constant 2 : i32
      %get3A_70 = arith.index_cast %get3A_69 : i32 to index
      %get3A_71 = arith.index_cast %mul3A_68 : i32 to index
      %get3A_72 = tpu.vector_load %arg8[%get3A_70, %get3A_71] {strides = array<i32>} : memref<16x640xf32, #tpu.memory_space<vmem>>, vector<16xf32>,
      %add3A_73 = arith.addf %add3A_66, %get3A_72 : vector<16xf32>
      %mul3A_74 = arith.constant 16 : i32
      %mul3A_75 = arith.muli %scan3A_54, %mul3A_74 : i32
      %get3A_76 = arith.constant 3 : i32
      %get3A_77 = arith.index_cast %get3A_76 : i32 to index
      %get3A_78 = arith.index_cast %mul3A_75 : i32 to index
      %get3A_79 = tpu.vector_load %arg8[%get3A_77, %get3A_78] {strides = array<i32>} : memref<16x640xf32, #tpu.memory_space<vmem>>, vector<16xf32>,
      %add3A_80 = arith.addf %add3A_73, %get3A_79 : vector<16xf32>
      %mul3A_81 = arith.constant 16 : i32
      %mul3A_82 = arith.muli %scan3A_54, %mul3A_81 : i32
      %get3A_83 = arith.constant 4 : i32
      %get3A_84 = arith.index_cast %get3A_83 : i32 to index
      %get3A_85 = arith.index_cast %mul3A_82 : i32 to index
      %get3A_86 = tpu.vector_load %arg8[%get3A_84, %get3A_85] {strides = array<i32>} : memref<16x640xf32, #tpu.memory_space<vmem>>, vector<16xf32>,
      %add3A_87 = arith.addf %add3A_80, %get3A_86 : vector<16xf32>
      %mul3A_88 = arith.constant 16 : i32
      %mul3A_89 = arith.muli %scan3A_54, %mul3A_88 : i32
      %get3A_90 = arith.constant 5 : i32
      %get3A_91 = arith.index_cast %get3A_90 : i32 to index
      %get3A_92 = arith.index_cast %mul3A_89 : i32 to index
      %get3A_93 = tpu.vector_load %arg8[%get3A_91, %get3A_92] {strides = array<i32>} : memref<16x640xf32, #tpu.memory_space<vmem>>, vector<16xf32>,
      %add3A_94 = arith.addf %add3A_87, %get3A_93 : vector<16xf32>
      %mul3A_95 = arith.constant 16 : i32
      %mul3A_96 = arith.muli %scan3A_54, %mul3A_95 : i32
      %get3A_97 = arith.constant 6 : i32
      %get3A_98 = arith.index_cast %get3A_97 : i32 to index
      %get3A_99 = arith.index_cast %mul3A_96 : i32 to index
      %get3A_100 = tpu.vector_load %arg8[%get3A_98, %get3A_99] {strides = array<i32>} : memref<16x640xf32, #tpu.memory_space<vmem>>, vector<16xf32>,
      %add3A_101 = arith.addf %add3A_94, %get3A_100 : vector<16xf32>
      %mul3A_102 = arith.constant 16 : i32
      %mul3A_103 = arith.muli %scan3A_54, %mul3A_102 : i32
      %get3A_104 = arith.constant 7 : i32
      %get3A_105 = arith.index_cast %get3A_104 : i32 to index
      %get3A_106 = arith.index_cast %mul3A_103 : i32 to index
      %get3A_107 = tpu.vector_load %arg8[%get3A_105, %get3A_106] {strides = array<i32>} : memref<16x640xf32, #tpu.memory_space<vmem>>, vector<16xf32>,
      %add3A_108 = arith.addf %add3A_101, %get3A_107 : vector<16xf32>
      %mul3A_109 = arith.constant 16 : i32
      %mul3A_110 = arith.muli %scan3A_54, %mul3A_109 : i32
      %get3A_111 = arith.constant 8 : i32
      %get3A_112 = arith.index_cast %get3A_111 : i32 to index
      %get3A_113 = arith.index_cast %mul3A_110 : i32 to index
      %get3A_114 = tpu.vector_load %arg8[%get3A_112, %get3A_113] {strides = array<i32>} : memref<16x640xf32, #tpu.memory_space<vmem>>, vector<16xf32>,
      %add3A_115 = arith.addf %add3A_108, %get3A_114 : vector<16xf32>
      %mul3A_116 = arith.constant 16 : i32
      %mul3A_117 = arith.muli %scan3A_54, %mul3A_116 : i32
      %get3A_118 = arith.constant 9 : i32
      %get3A_119 = arith.index_cast %get3A_118 : i32 to index
      %get3A_120 = arith.index_cast %mul3A_117 : i32 to index
      %get3A_121 = tpu.vector_load %arg8[%get3A_119, %get3A_120] {strides = array<i32>} : memref<16x640xf32, #tpu.memory_space<vmem>>, vector<16xf32>,
      %add3A_122 = arith.addf %add3A_115, %get3A_121 : vector<16xf32>
      %mul3A_123 = arith.constant 16 : i32
      %mul3A_124 = arith.muli %scan3A_54, %mul3A_123 : i32
      %get3A_125 = arith.constant 10 : i32
      %get3A_126 = arith.index_cast %get3A_125 : i32 to index
      %get3A_127 = arith.index_cast %mul3A_124 : i32 to index
      %get3A_128 = tpu.vector_load %arg8[%get3A_126, %get3A_127] {strides = array<i32>} : memref<16x640xf32, #tpu.memory_space<vmem>>, vector<16xf32>,
      %add3A_129 = arith.addf %add3A_122, %get3A_128 : vector<16xf32>
      %mul3A_130 = arith.constant 16 : i32
      %mul3A_131 = arith.muli %scan3A_54, %mul3A_130 : i32
      %get3A_132 = arith.constant 11 : i32
      %get3A_133 = arith.index_cast %get3A_132 : i32 to index
      %get3A_134 = arith.index_cast %mul3A_131 : i32 to index
      %get3A_135 = tpu.vector_load %arg8[%get3A_133, %get3A_134] {strides = array<i32>} : memref<16x640xf32, #tpu.memory_space<vmem>>, vector<16xf32>,
      %add3A_136 = arith.addf %add3A_129, %get3A_135 : vector<16xf32>
      %mul3A_137 = arith.constant 16 : i32
      %mul3A_138 = arith.muli %scan3A_54, %mul3A_137 : i32
      %get3A_139 = arith.constant 12 : i32
      %get3A_140 = arith.index_cast %get3A_139 : i32 to index
      %get3A_141 = arith.index_cast %mul3A_138 : i32 to index
      %get3A_142 = tpu.vector_load %arg8[%get3A_140, %get3A_141] {strides = array<i32>} : memref<16x640xf32, #tpu.memory_space<vmem>>, vector<16xf32>,
      %add3A_143 = arith.addf %add3A_136, %get3A_142 : vector<16xf32>
      %mul3A_144 = arith.constant 16 : i32
      %mul3A_145 = arith.muli %scan3A_54, %mul3A_144 : i32
      %get3A_146 = arith.constant 13 : i32
      %get3A_147 = arith.index_cast %get3A_146 : i32 to index
      %get3A_148 = arith.index_cast %mul3A_145 : i32 to index
      %get3A_149 = tpu.vector_load %arg8[%get3A_147, %get3A_148] {strides = array<i32>} : memref<16x640xf32, #tpu.memory_space<vmem>>, vector<16xf32>,
      %add3A_150 = arith.addf %add3A_143, %get3A_149 : vector<16xf32>
      %mul3A_151 = arith.constant 16 : i32
      %mul3A_152 = arith.muli %scan3A_54, %mul3A_151 : i32
      %get3A_153 = arith.constant 14 : i32
      %get3A_154 = arith.index_cast %get3A_153 : i32 to index
      %get3A_155 = arith.index_cast %mul3A_152 : i32 to index
      %get3A_156 = tpu.vector_load %arg8[%get3A_154, %get3A_155] {strides = array<i32>} : memref<16x640xf32, #tpu.memory_space<vmem>>, vector<16xf32>,
      %add3A_157 = arith.addf %add3A_150, %get3A_156 : vector<16xf32>
      %mul3A_158 = arith.constant 16 : i32
      %mul3A_159 = arith.muli %scan3A_54, %mul3A_158 : i32
      %get3A_160 = arith.constant 15 : i32
      %get3A_161 = arith.index_cast %get3A_160 : i32 to index
      %get3A_162 = arith.index_cast %mul3A_159 : i32 to index
      %get3A_163 = tpu.vector_load %arg8[%get3A_161, %get3A_162] {strides = array<i32>} : memref<16x640xf32, #tpu.memory_space<vmem>>, vector<16xf32>,
      %add3A_164 = arith.addf %add3A_157, %get3A_163 : vector<16xf32>
      %mul3A_165 = arith.constant 16 : i32
      %mul3A_166 = arith.muli %scan3A_54, %mul3A_165 : i32
      %swap3A = arith.index_cast %mul3A_166 : i32 to index
      %swap3A_167 = tpu.vector_load %arg5[%swap3A] {strides = array<i32>} : memref<10240xf32, #tpu.memory_space<vmem>>, vector<16xf32>,
      tpu.vector_store %arg5[%swap3A], %add3A_164 {strides = array<i32>} : memref<10240xf32, #tpu.memory_space<vmem>>, vector<16xf32>,
    }
    %scan3A_53 = arith.constant 40 : i32
    "tpu.region"() ({
      %run_scoped3A_54 = tpu.sem_alloc : memref<!tpu.dma_semaphore, #tpu.memory_space<semaphore_mem>>
      %dma_start3A = arith.constant 0 : i32
      %dma_start3A_55 = tpu.memref_slice %arg5[%dma_start3A] : memref<10240xf32, #tpu.memory_space<vmem>> -> memref<640xf32, #tpu.memory_space<vmem>>
      %dma_start3A_56 = tpu.memref_slice %arg4[%arg0, %multiple_of3A_16] : memref<2x10240xf32, #tpu.memory_space<hbm>> -> memref<1x640xf32, #tpu.memory_space<hbm>>
      %dma_start3A_57 = tpu.memref_squeeze %dma_start3A_56 : memref<1x640xf32, #tpu.memory_space<hbm>> -> memref<640xf32, #tpu.memory_space<hbm>>
      %dma_start3A_58 = tpu.memref_slice %arg4[%arg0, %multiple_of3A_16] : memref<2x10240xf32, #tpu.memory_space<hbm>> -> memref<1x640xf32, #tpu.memory_space<hbm>>
      %dma_start3A_59 = tpu.memref_squeeze %dma_start3A_58 : memref<1x640xf32, #tpu.memory_space<hbm>> -> memref<640xf32, #tpu.memory_space<hbm>>
      %dma_start3A_60 = arith.constant 0 : i32
      %dma_start3A_61 = tpu.memref_slice %arg5[%dma_start3A_60] : memref<10240xf32, #tpu.memory_space<vmem>> -> memref<640xf32, #tpu.memory_space<vmem>>
      tpu.enqueue_dma source(%dma_start3A_61 : memref<640xf32, #tpu.memory_space<vmem>>) target(%dma_start3A_59 : memref<640xf32, #tpu.memory_space<hbm>>) target_semaphore(%run_scoped3A_54 : memref<!tpu.dma_semaphore, #tpu.memory_space<semaphore_mem>>)
      %dma_wait3A = arith.constant 0 : i32
      %dma_wait3A_62 = tpu.memref_slice %arg5[%dma_wait3A] : memref<10240xf32, #tpu.memory_space<vmem>> -> memref<640xf32, #tpu.memory_space<vmem>>
      %dma_wait3A_63 = tpu.memref_slice %arg4[%arg0, %multiple_of3A_16] : memref<2x10240xf32, #tpu.memory_space<hbm>> -> memref<1x640xf32, #tpu.memory_space<hbm>>
      %dma_wait3A_64 = tpu.memref_squeeze %dma_wait3A_63 : memref<1x640xf32, #tpu.memory_space<hbm>> -> memref<640xf32, #tpu.memory_space<hbm>>
      %dma_wait3A_65 = tpu.memref_slice %arg4[%arg0, %multiple_of3A_16] : memref<2x10240xf32, #tpu.memory_space<hbm>> -> memref<1x640xf32, #tpu.memory_space<hbm>>
      %dma_wait3A_66 = tpu.memref_squeeze %dma_wait3A_65 : memref<1x640xf32, #tpu.memory_space<hbm>> -> memref<640xf32, #tpu.memory_space<hbm>>
      %dma_wait3A_67 = arith.constant 0 : i32
      %dma_wait3A_68 = tpu.memref_slice %arg5[%dma_wait3A_67] : memref<10240xf32, #tpu.memory_space<vmem>> -> memref<640xf32, #tpu.memory_space<vmem>>
      tpu.wait_dma2 semaphore(%run_scoped3A_54 : memref<!tpu.dma_semaphore, #tpu.memory_space<semaphore_mem>>) src(%dma_wait3A_68 : memref<640xf32, #tpu.memory_space<vmem>>) dst(%dma_wait3A_66 : memref<640xf32, #tpu.memory_space<hbm>>)
      tpu.yield
    }) : () -> ()
    return
  }
}

#map = affine_map<(d0, d1) -> (0, 0)>
#map1 = affine_map<(d0, d1) -> (0)>
#map2 = affine_map<(d0, d1) -> (0, 0, 0)>
module attributes {stable_mosaic.version = 14 : i64} {
  func.func @_prop_kernel(%arg0: i32, %arg1: i32, %arg2: memref<10000x128xf32, #tpu.memory_space<hbm>>, %arg3: memref<327680xi32, #tpu.memory_space<hbm>>, %arg4: memref<327680xi32, #tpu.memory_space<hbm>>, %arg5: memref<2560x128xf32, #tpu.memory_space<hbm>>, %arg6: memref<2x10240x128xf32, #tpu.memory_space<hbm>>, %arg7: memref<128xi32, #tpu.memory_space<vmem>>, %arg8: memref<128xi32, #tpu.memory_space<vmem>>, %arg9: memref<128xi32, #tpu.memory_space<vmem>>, %arg10: memref<128xi32, #tpu.memory_space<vmem>>, %arg11: memref<80x128xf32, #tpu.memory_space<vmem>>, %arg12: memref<128x128xf32, #tpu.memory_space<vmem>>, %arg13: memref<128x128xf32, #tpu.memory_space<vmem>>, %arg14: memref<32x128xf32, #tpu.memory_space<vmem>>, %arg15: memref<10240x128xf32, #tpu.memory_space<vmem_shared>>, %arg16: memref<!tpu.dma_semaphore, #tpu.memory_space<semaphore_mem>>, %arg17: memref<!tpu.dma_semaphore, #tpu.memory_space<semaphore_mem>>) attributes {dimension_semantics = [#tpu.dimension_semantics<core_parallel>, #tpu.dimension_semantics<subcore_parallel>], iteration_bounds = array<i64: 2, 16>, scalar_prefetch = 0 : i64, scratch_operands = 11 : i64, tpu.core_type = #tpu.core_type<sc_vector_subcore>, window_params = [{transform_indices = #map}, {transform_indices = #map1}, {transform_indices = #map1}, {transform_indices = #map}, {transform_indices = #map2}]} {
    %mul3A = arith.constant 16 : i32
    %mul3A_0 = arith.muli %arg0, %mul3A : i32
    %add3A = arith.addi %mul3A_0, %arg1 : i32
    %scan3A = arith.constant 0 : i32
    %scan3A_1 = arith.constant 0 : i32
    %scan3A_2 = arith.constant 32 : i32
    %scan3A_3 = arith.addi %scan3A_1, %scan3A_2 : i32
    %scan3A_4 = arith.constant 1 : i32
    scf.for %scan3A_37 = %scan3A_1 to %scan3A_3 step %scan3A_4  : i32 {
      %broadcast_in_dim3A = arith.constant 0.000000e+00 : f32
      %broadcast_in_dim3A_38 = vector.broadcast %broadcast_in_dim3A : f32 to vector<16xf32>
      %swap3A = arith.index_cast %scan3A_37 : i32 to index
      %swap3A_39 = arith.constant 0 : index
      %swap3A_40 = tpu.vector_load %arg14[%swap3A, %swap3A_39] {strides = array<i32>} : memref<32x128xf32, #tpu.memory_space<vmem>>, vector<16xf32>,
      tpu.vector_store %arg14[%swap3A, %swap3A_39], %broadcast_in_dim3A_38 {strides = array<i32>} : memref<32x128xf32, #tpu.memory_space<vmem>>, vector<16xf32>,
      %broadcast_in_dim3A_41 = arith.constant 0.000000e+00 : f32
      %broadcast_in_dim3A_42 = vector.broadcast %broadcast_in_dim3A_41 : f32 to vector<16xf32>
      %swap3A_43 = arith.index_cast %scan3A_37 : i32 to index
      %swap3A_44 = arith.constant 16 : index
      %swap3A_45 = tpu.vector_load %arg14[%swap3A_43, %swap3A_44] {strides = array<i32>} : memref<32x128xf32, #tpu.memory_space<vmem>>, vector<16xf32>,
      tpu.vector_store %arg14[%swap3A_43, %swap3A_44], %broadcast_in_dim3A_42 {strides = array<i32>} : memref<32x128xf32, #tpu.memory_space<vmem>>, vector<16xf32>,
      %broadcast_in_dim3A_46 = arith.constant 0.000000e+00 : f32
      %broadcast_in_dim3A_47 = vector.broadcast %broadcast_in_dim3A_46 : f32 to vector<16xf32>
      %swap3A_48 = arith.index_cast %scan3A_37 : i32 to index
      %swap3A_49 = arith.constant 32 : index
      %swap3A_50 = tpu.vector_load %arg14[%swap3A_48, %swap3A_49] {strides = array<i32>} : memref<32x128xf32, #tpu.memory_space<vmem>>, vector<16xf32>,
      tpu.vector_store %arg14[%swap3A_48, %swap3A_49], %broadcast_in_dim3A_47 {strides = array<i32>} : memref<32x128xf32, #tpu.memory_space<vmem>>, vector<16xf32>,
      %broadcast_in_dim3A_51 = arith.constant 0.000000e+00 : f32
      %broadcast_in_dim3A_52 = vector.broadcast %broadcast_in_dim3A_51 : f32 to vector<16xf32>
      %swap3A_53 = arith.index_cast %scan3A_37 : i32 to index
      %swap3A_54 = arith.constant 48 : index
      %swap3A_55 = tpu.vector_load %arg14[%swap3A_53, %swap3A_54] {strides = array<i32>} : memref<32x128xf32, #tpu.memory_space<vmem>>, vector<16xf32>,
      tpu.vector_store %arg14[%swap3A_53, %swap3A_54], %broadcast_in_dim3A_52 {strides = array<i32>} : memref<32x128xf32, #tpu.memory_space<vmem>>, vector<16xf32>,
      %broadcast_in_dim3A_56 = arith.constant 0.000000e+00 : f32
      %broadcast_in_dim3A_57 = vector.broadcast %broadcast_in_dim3A_56 : f32 to vector<16xf32>
      %swap3A_58 = arith.index_cast %scan3A_37 : i32 to index
      %swap3A_59 = arith.constant 64 : index
      %swap3A_60 = tpu.vector_load %arg14[%swap3A_58, %swap3A_59] {strides = array<i32>} : memref<32x128xf32, #tpu.memory_space<vmem>>, vector<16xf32>,
      tpu.vector_store %arg14[%swap3A_58, %swap3A_59], %broadcast_in_dim3A_57 {strides = array<i32>} : memref<32x128xf32, #tpu.memory_space<vmem>>, vector<16xf32>,
      %broadcast_in_dim3A_61 = arith.constant 0.000000e+00 : f32
      %broadcast_in_dim3A_62 = vector.broadcast %broadcast_in_dim3A_61 : f32 to vector<16xf32>
      %swap3A_63 = arith.index_cast %scan3A_37 : i32 to index
      %swap3A_64 = arith.constant 80 : index
      %swap3A_65 = tpu.vector_load %arg14[%swap3A_63, %swap3A_64] {strides = array<i32>} : memref<32x128xf32, #tpu.memory_space<vmem>>, vector<16xf32>,
      tpu.vector_store %arg14[%swap3A_63, %swap3A_64], %broadcast_in_dim3A_62 {strides = array<i32>} : memref<32x128xf32, #tpu.memory_space<vmem>>, vector<16xf32>,
      %broadcast_in_dim3A_66 = arith.constant 0.000000e+00 : f32
      %broadcast_in_dim3A_67 = vector.broadcast %broadcast_in_dim3A_66 : f32 to vector<16xf32>
      %swap3A_68 = arith.index_cast %scan3A_37 : i32 to index
      %swap3A_69 = arith.constant 96 : index
      %swap3A_70 = tpu.vector_load %arg14[%swap3A_68, %swap3A_69] {strides = array<i32>} : memref<32x128xf32, #tpu.memory_space<vmem>>, vector<16xf32>,
      tpu.vector_store %arg14[%swap3A_68, %swap3A_69], %broadcast_in_dim3A_67 {strides = array<i32>} : memref<32x128xf32, #tpu.memory_space<vmem>>, vector<16xf32>,
      %broadcast_in_dim3A_71 = arith.constant 0.000000e+00 : f32
      %broadcast_in_dim3A_72 = vector.broadcast %broadcast_in_dim3A_71 : f32 to vector<16xf32>
      %swap3A_73 = arith.index_cast %scan3A_37 : i32 to index
      %swap3A_74 = arith.constant 112 : index
      %swap3A_75 = tpu.vector_load %arg14[%swap3A_73, %swap3A_74] {strides = array<i32>} : memref<32x128xf32, #tpu.memory_space<vmem>>, vector<16xf32>,
      tpu.vector_store %arg14[%swap3A_73, %swap3A_74], %broadcast_in_dim3A_72 {strides = array<i32>} : memref<32x128xf32, #tpu.memory_space<vmem>>, vector<16xf32>,
    }
    %scan3A_5 = arith.constant 32 : i32
    %mul3A_6 = arith.constant 640 : i32
    %mul3A_7 = arith.muli %arg1, %mul3A_6 : i32
    %multiple_of3A = tpu.assume_multiple %mul3A_7, 8 : i32
    %scan3A_8 = arith.constant 0 : i32
    %scan3A_9 = arith.constant 0 : i32
    %scan3A_10 = arith.constant 20 : i32
    %scan3A_11 = arith.addi %scan3A_9, %scan3A_10 : i32
    %scan3A_12 = arith.constant 1 : i32
    scf.for %scan3A_37 = %scan3A_9 to %scan3A_11 step %scan3A_12  : i32 {
      %mul3A_38 = arith.constant 32 : i32
      %mul3A_39 = arith.muli %scan3A_37, %mul3A_38 : i32
      %add3A_40 = arith.addi %multiple_of3A, %mul3A_39 : i32
      %multiple_of3A_41 = tpu.assume_multiple %add3A_40, 8 : i32
      "tpu.region"() ({
        %run_scoped3A = tpu.sem_alloc : memref<!tpu.dma_semaphore, #tpu.memory_space<semaphore_mem>>
        %dma_start3A_42 = arith.constant 0 : i32
        %dma_start3A_43 = tpu.memref_slice %arg15[%multiple_of3A_41, %dma_start3A_42] : memref<10240x128xf32, #tpu.memory_space<vmem_shared>> -> memref<32x128xf32, #tpu.memory_space<vmem_shared>>
        %dma_start3A_44 = arith.constant 0 : i32
        %dma_start3A_45 = tpu.memref_slice %arg15[%multiple_of3A_41, %dma_start3A_44] : memref<10240x128xf32, #tpu.memory_space<vmem_shared>> -> memref<32x128xf32, #tpu.memory_space<vmem_shared>>
        tpu.enqueue_dma source(%arg14 : memref<32x128xf32, #tpu.memory_space<vmem>>) target(%dma_start3A_45 : memref<32x128xf32, #tpu.memory_space<vmem_shared>>) target_semaphore(%run_scoped3A : memref<!tpu.dma_semaphore, #tpu.memory_space<semaphore_mem>>)
        %dma_wait3A = arith.constant 0 : i32
        %dma_wait3A_46 = tpu.memref_slice %arg15[%multiple_of3A_41, %dma_wait3A] : memref<10240x128xf32, #tpu.memory_space<vmem_shared>> -> memref<32x128xf32, #tpu.memory_space<vmem_shared>>
        %dma_wait3A_47 = arith.constant 0 : i32
        %dma_wait3A_48 = tpu.memref_slice %arg15[%multiple_of3A_41, %dma_wait3A_47] : memref<10240x128xf32, #tpu.memory_space<vmem_shared>> -> memref<32x128xf32, #tpu.memory_space<vmem_shared>>
        tpu.wait_dma2 semaphore(%run_scoped3A : memref<!tpu.dma_semaphore, #tpu.memory_space<semaphore_mem>>) src(%arg14 : memref<32x128xf32, #tpu.memory_space<vmem>>) dst(%dma_wait3A_48 : memref<32x128xf32, #tpu.memory_space<vmem_shared>>)
        tpu.yield
      }) : () -> ()
    }
    %scan3A_13 = arith.constant 20 : i32
    %barrier3A = arith.constant 0 : index
    tpu.barrier barrier_id(%barrier3A)
    %mul3A_14 = arith.constant 80 : i32
    %mul3A_15 = arith.muli %add3A, %mul3A_14 : i32
    %multiple_of3A_16 = tpu.assume_multiple %mul3A_15, 8 : i32
    "tpu.region"() ({
      %run_scoped3A = tpu.sem_alloc : memref<!tpu.dma_semaphore, #tpu.memory_space<semaphore_mem>>
      %dma_start3A_37 = arith.constant 0 : i32
      %dma_start3A_38 = tpu.memref_slice %arg5[%multiple_of3A_16, %dma_start3A_37] : memref<2560x128xf32, #tpu.memory_space<hbm>> -> memref<80x128xf32, #tpu.memory_space<hbm>>
      %dma_start3A_39 = arith.constant 0 : i32
      %dma_start3A_40 = tpu.memref_slice %arg5[%multiple_of3A_16, %dma_start3A_39] : memref<2560x128xf32, #tpu.memory_space<hbm>> -> memref<80x128xf32, #tpu.memory_space<hbm>>
      tpu.enqueue_dma source(%dma_start3A_40 : memref<80x128xf32, #tpu.memory_space<hbm>>) target(%arg11 : memref<80x128xf32, #tpu.memory_space<vmem>>) target_semaphore(%run_scoped3A : memref<!tpu.dma_semaphore, #tpu.memory_space<semaphore_mem>>)
      %dma_wait3A = arith.constant 0 : i32
      %dma_wait3A_41 = tpu.memref_slice %arg5[%multiple_of3A_16, %dma_wait3A] : memref<2560x128xf32, #tpu.memory_space<hbm>> -> memref<80x128xf32, #tpu.memory_space<hbm>>
      %dma_wait3A_42 = arith.constant 0 : i32
      %dma_wait3A_43 = tpu.memref_slice %arg5[%multiple_of3A_16, %dma_wait3A_42] : memref<2560x128xf32, #tpu.memory_space<hbm>> -> memref<80x128xf32, #tpu.memory_space<hbm>>
      tpu.wait_dma2 semaphore(%run_scoped3A : memref<!tpu.dma_semaphore, #tpu.memory_space<semaphore_mem>>) src(%dma_wait3A_43 : memref<80x128xf32, #tpu.memory_space<hbm>>) dst(%arg11 : memref<80x128xf32, #tpu.memory_space<vmem>>)
      tpu.yield
    }) : () -> ()
    %mul3A_17 = arith.constant 10240 : i32
    %mul3A_18 = arith.muli %add3A, %mul3A_17 : i32
    %add3A_19 = arith.constant 0 : i32
    %add3A_20 = arith.addi %mul3A_18, %add3A_19 : i32
    %multiple_of3A_21 = tpu.assume_multiple %add3A_20, 8 : i32
    "tpu.region"() ({
      %run_scoped3A = tpu.sem_alloc : memref<!tpu.dma_semaphore, #tpu.memory_space<semaphore_mem>>
      %dma_start3A_37 = tpu.memref_slice %arg3[%multiple_of3A_21] : memref<327680xi32, #tpu.memory_space<hbm>> -> memref<128xi32, #tpu.memory_space<hbm>>
      %dma_start3A_38 = tpu.memref_slice %arg3[%multiple_of3A_21] : memref<327680xi32, #tpu.memory_space<hbm>> -> memref<128xi32, #tpu.memory_space<hbm>>
      tpu.enqueue_dma source(%dma_start3A_38 : memref<128xi32, #tpu.memory_space<hbm>>) target(%arg7 : memref<128xi32, #tpu.memory_space<vmem>>) target_semaphore(%run_scoped3A : memref<!tpu.dma_semaphore, #tpu.memory_space<semaphore_mem>>)
      %dma_wait3A = tpu.memref_slice %arg3[%multiple_of3A_21] : memref<327680xi32, #tpu.memory_space<hbm>> -> memref<128xi32, #tpu.memory_space<hbm>>
      %dma_wait3A_39 = tpu.memref_slice %arg3[%multiple_of3A_21] : memref<327680xi32, #tpu.memory_space<hbm>> -> memref<128xi32, #tpu.memory_space<hbm>>
      tpu.wait_dma2 semaphore(%run_scoped3A : memref<!tpu.dma_semaphore, #tpu.memory_space<semaphore_mem>>) src(%dma_wait3A_39 : memref<128xi32, #tpu.memory_space<hbm>>) dst(%arg7 : memref<128xi32, #tpu.memory_space<vmem>>)
      tpu.yield
    }) : () -> ()
    "tpu.region"() ({
      %run_scoped3A = tpu.sem_alloc : memref<!tpu.dma_semaphore, #tpu.memory_space<semaphore_mem>>
      %dma_start3A_37 = tpu.memref_slice %arg4[%multiple_of3A_21] : memref<327680xi32, #tpu.memory_space<hbm>> -> memref<128xi32, #tpu.memory_space<hbm>>
      %dma_start3A_38 = tpu.memref_slice %arg4[%multiple_of3A_21] : memref<327680xi32, #tpu.memory_space<hbm>> -> memref<128xi32, #tpu.memory_space<hbm>>
      tpu.enqueue_dma source(%dma_start3A_38 : memref<128xi32, #tpu.memory_space<hbm>>) target(%arg9 : memref<128xi32, #tpu.memory_space<vmem>>) target_semaphore(%run_scoped3A : memref<!tpu.dma_semaphore, #tpu.memory_space<semaphore_mem>>)
      %dma_wait3A = tpu.memref_slice %arg4[%multiple_of3A_21] : memref<327680xi32, #tpu.memory_space<hbm>> -> memref<128xi32, #tpu.memory_space<hbm>>
      %dma_wait3A_39 = tpu.memref_slice %arg4[%multiple_of3A_21] : memref<327680xi32, #tpu.memory_space<hbm>> -> memref<128xi32, #tpu.memory_space<hbm>>
      tpu.wait_dma2 semaphore(%run_scoped3A : memref<!tpu.dma_semaphore, #tpu.memory_space<semaphore_mem>>) src(%dma_wait3A_39 : memref<128xi32, #tpu.memory_space<hbm>>) dst(%arg9 : memref<128xi32, #tpu.memory_space<vmem>>)
      tpu.yield
    }) : () -> ()
    %dma_start3A = arith.constant 0 : i32
    %dma_start3A_22 = arith.constant 0 : i32
    %dma_start3A_23 = tpu.memref_slice %arg2[%dma_start3A, %dma_start3A_22] : memref<10000x128xf32, #tpu.memory_space<hbm>> -> memref<10000x128xf32, #tpu.memory_space<hbm>>
    tpu.enqueue_indirect_dma source(%dma_start3A_23 : memref<10000x128xf32, #tpu.memory_space<hbm>>) target(%arg12 : memref<128x128xf32, #tpu.memory_space<vmem>>) offsets(%arg7 : memref<128xi32, #tpu.memory_space<vmem>>) semaphore(%arg16 : memref<!tpu.dma_semaphore, #tpu.memory_space<semaphore_mem>>)
    %scan3A_24 = arith.constant 0 : i32
    %scan3A_25 = arith.constant 0 : i32
    %scan3A_26 = arith.constant 40 : i32
    %scan3A_27 = arith.addi %scan3A_25, %scan3A_26 : i32
    %scan3A_28 = arith.constant 1 : i32
    scf.for %scan3A_37 = %scan3A_25 to %scan3A_27 step %scan3A_28  : i32 {
      %mul3A_38 = arith.constant 2 : i32
      %mul3A_39 = arith.muli %scan3A_37, %mul3A_38 : i32
      %add3A_40 = arith.constant 1 : i32
      %add3A_41 = arith.addi %mul3A_39, %add3A_40 : i32
      %mul3A_42 = arith.constant 128 : i32
      %mul3A_43 = arith.muli %add3A_41, %mul3A_42 : i32
      %add3A_44 = arith.addi %mul3A_18, %mul3A_43 : i32
      %multiple_of3A_45 = tpu.assume_multiple %add3A_44, 8 : i32
      "tpu.region"() ({
        %run_scoped3A = tpu.sem_alloc : memref<!tpu.dma_semaphore, #tpu.memory_space<semaphore_mem>>
        %dma_start3A_79 = tpu.memref_slice %arg3[%multiple_of3A_45] : memref<327680xi32, #tpu.memory_space<hbm>> -> memref<128xi32, #tpu.memory_space<hbm>>
        %dma_start3A_80 = tpu.memref_slice %arg3[%multiple_of3A_45] : memref<327680xi32, #tpu.memory_space<hbm>> -> memref<128xi32, #tpu.memory_space<hbm>>
        tpu.enqueue_dma source(%dma_start3A_80 : memref<128xi32, #tpu.memory_space<hbm>>) target(%arg8 : memref<128xi32, #tpu.memory_space<vmem>>) target_semaphore(%run_scoped3A : memref<!tpu.dma_semaphore, #tpu.memory_space<semaphore_mem>>)
        %dma_wait3A_81 = tpu.memref_slice %arg3[%multiple_of3A_45] : memref<327680xi32, #tpu.memory_space<hbm>> -> memref<128xi32, #tpu.memory_space<hbm>>
        %dma_wait3A_82 = tpu.memref_slice %arg3[%multiple_of3A_45] : memref<327680xi32, #tpu.memory_space<hbm>> -> memref<128xi32, #tpu.memory_space<hbm>>
        tpu.wait_dma2 semaphore(%run_scoped3A : memref<!tpu.dma_semaphore, #tpu.memory_space<semaphore_mem>>) src(%dma_wait3A_82 : memref<128xi32, #tpu.memory_space<hbm>>) dst(%arg8 : memref<128xi32, #tpu.memory_space<vmem>>)
        tpu.yield
      }) : () -> ()
      "tpu.region"() ({
        %run_scoped3A = tpu.sem_alloc : memref<!tpu.dma_semaphore, #tpu.memory_space<semaphore_mem>>
        %dma_start3A_79 = tpu.memref_slice %arg4[%multiple_of3A_45] : memref<327680xi32, #tpu.memory_space<hbm>> -> memref<128xi32, #tpu.memory_space<hbm>>
        %dma_start3A_80 = tpu.memref_slice %arg4[%multiple_of3A_45] : memref<327680xi32, #tpu.memory_space<hbm>> -> memref<128xi32, #tpu.memory_space<hbm>>
        tpu.enqueue_dma source(%dma_start3A_80 : memref<128xi32, #tpu.memory_space<hbm>>) target(%arg10 : memref<128xi32, #tpu.memory_space<vmem>>) target_semaphore(%run_scoped3A : memref<!tpu.dma_semaphore, #tpu.memory_space<semaphore_mem>>)
        %dma_wait3A_81 = tpu.memref_slice %arg4[%multiple_of3A_45] : memref<327680xi32, #tpu.memory_space<hbm>> -> memref<128xi32, #tpu.memory_space<hbm>>
        %dma_wait3A_82 = tpu.memref_slice %arg4[%multiple_of3A_45] : memref<327680xi32, #tpu.memory_space<hbm>> -> memref<128xi32, #tpu.memory_space<hbm>>
        tpu.wait_dma2 semaphore(%run_scoped3A : memref<!tpu.dma_semaphore, #tpu.memory_space<semaphore_mem>>) src(%dma_wait3A_82 : memref<128xi32, #tpu.memory_space<hbm>>) dst(%arg10 : memref<128xi32, #tpu.memory_space<vmem>>)
        tpu.yield
      }) : () -> ()
      %dma_start3A_46 = arith.constant 0 : i32
      %dma_start3A_47 = arith.constant 0 : i32
      %dma_start3A_48 = tpu.memref_slice %arg2[%dma_start3A_46, %dma_start3A_47] : memref<10000x128xf32, #tpu.memory_space<hbm>> -> memref<10000x128xf32, #tpu.memory_space<hbm>>
      tpu.enqueue_indirect_dma source(%dma_start3A_48 : memref<10000x128xf32, #tpu.memory_space<hbm>>) target(%arg13 : memref<128x128xf32, #tpu.memory_space<vmem>>) offsets(%arg8 : memref<128xi32, #tpu.memory_space<vmem>>) semaphore(%arg17 : memref<!tpu.dma_semaphore, #tpu.memory_space<semaphore_mem>>)
      %dma_wait3A = arith.constant 0 : i32
      %dma_wait3A_49 = arith.constant 0 : i32
      %dma_wait3A_50 = tpu.memref_slice %arg2[%dma_wait3A, %dma_wait3A_49] : memref<10000x128xf32, #tpu.memory_space<hbm>> -> memref<10000x128xf32, #tpu.memory_space<hbm>>
      tpu.wait_indirect_dma semaphore(%arg16 : memref<!tpu.dma_semaphore, #tpu.memory_space<semaphore_mem>>) src(%dma_wait3A_50 : memref<10000x128xf32, #tpu.memory_space<hbm>>) dst(%arg12 : memref<128x128xf32, #tpu.memory_space<vmem>>)
      %broadcast_in_dim3A = arith.constant 0 : i32
      %broadcast_in_dim3A_51 = vector.broadcast %broadcast_in_dim3A : i32 to vector<16xi32>
      %add3A_52 = vector.broadcast %mul3A_39 : i32 to vector<16xi32>
      %add3A_53 = arith.addi %broadcast_in_dim3A_51, %add3A_52 : vector<16xi32>
      %scan3A_54 = arith.constant 0 : i32
      %scan3A_55 = arith.constant 0 : i32
      %scan3A_56 = arith.constant 128 : i32
      %scan3A_57 = arith.addi %scan3A_55, %scan3A_56 : i32
      %scan3A_58 = arith.constant 1 : i32
      scf.for %scan3A_79 = %scan3A_55 to %scan3A_57 step %scan3A_58  : i32 {
        %broadcast_in_dim3A_80 = arith.constant 0 : i32
        %broadcast_in_dim3A_81 = vector.broadcast %broadcast_in_dim3A_80 : i32 to vector<16xi32>
        %add3A_82 = vector.broadcast %scan3A_79 : i32 to vector<16xi32>
        %add3A_83 = arith.addi %broadcast_in_dim3A_81, %add3A_82 : vector<16xi32>
        %gather3A = tpu.vector_load_idx %arg11[%add3A_53, %add3A_83] : memref<80x128xf32, #tpu.memory_space<vmem>>[vector<16xi32>, vector<16xi32>], vector<16xf32>,
        %get3A = arith.index_cast %scan3A_79 : i32 to index
        %get3A_84 = arith.constant 0 : index
        %get3A_85 = tpu.vector_load %arg12[%get3A, %get3A_84] {strides = array<i32>} : memref<128x128xf32, #tpu.memory_space<vmem>>, vector<16xf32>,
        %mul3A_86 = arith.mulf %get3A_85, %gather3A : vector<16xf32>
        %swap3A = arith.index_cast %scan3A_79 : i32 to index
        %swap3A_87 = arith.constant 0 : index
        %swap3A_88 = tpu.vector_load %arg12[%swap3A, %swap3A_87] {strides = array<i32>} : memref<128x128xf32, #tpu.memory_space<vmem>>, vector<16xf32>,
        tpu.vector_store %arg12[%swap3A, %swap3A_87], %mul3A_86 {strides = array<i32>} : memref<128x128xf32, #tpu.memory_space<vmem>>, vector<16xf32>,
        %get3A_89 = arith.index_cast %scan3A_79 : i32 to index
        %get3A_90 = arith.constant 16 : index
        %get3A_91 = tpu.vector_load %arg12[%get3A_89, %get3A_90] {strides = array<i32>} : memref<128x128xf32, #tpu.memory_space<vmem>>, vector<16xf32>,
        %mul3A_92 = arith.mulf %get3A_91, %gather3A : vector<16xf32>
        %swap3A_93 = arith.index_cast %scan3A_79 : i32 to index
        %swap3A_94 = arith.constant 16 : index
        %swap3A_95 = tpu.vector_load %arg12[%swap3A_93, %swap3A_94] {strides = array<i32>} : memref<128x128xf32, #tpu.memory_space<vmem>>, vector<16xf32>,
        tpu.vector_store %arg12[%swap3A_93, %swap3A_94], %mul3A_92 {strides = array<i32>} : memref<128x128xf32, #tpu.memory_space<vmem>>, vector<16xf32>,
        %get3A_96 = arith.index_cast %scan3A_79 : i32 to index
        %get3A_97 = arith.constant 32 : index
        %get3A_98 = tpu.vector_load %arg12[%get3A_96, %get3A_97] {strides = array<i32>} : memref<128x128xf32, #tpu.memory_space<vmem>>, vector<16xf32>,
        %mul3A_99 = arith.mulf %get3A_98, %gather3A : vector<16xf32>
        %swap3A_100 = arith.index_cast %scan3A_79 : i32 to index
        %swap3A_101 = arith.constant 32 : index
        %swap3A_102 = tpu.vector_load %arg12[%swap3A_100, %swap3A_101] {strides = array<i32>} : memref<128x128xf32, #tpu.memory_space<vmem>>, vector<16xf32>,
        tpu.vector_store %arg12[%swap3A_100, %swap3A_101], %mul3A_99 {strides = array<i32>} : memref<128x128xf32, #tpu.memory_space<vmem>>, vector<16xf32>,
        %get3A_103 = arith.index_cast %scan3A_79 : i32 to index
        %get3A_104 = arith.constant 48 : index
        %get3A_105 = tpu.vector_load %arg12[%get3A_103, %get3A_104] {strides = array<i32>} : memref<128x128xf32, #tpu.memory_space<vmem>>, vector<16xf32>,
        %mul3A_106 = arith.mulf %get3A_105, %gather3A : vector<16xf32>
        %swap3A_107 = arith.index_cast %scan3A_79 : i32 to index
        %swap3A_108 = arith.constant 48 : index
        %swap3A_109 = tpu.vector_load %arg12[%swap3A_107, %swap3A_108] {strides = array<i32>} : memref<128x128xf32, #tpu.memory_space<vmem>>, vector<16xf32>,
        tpu.vector_store %arg12[%swap3A_107, %swap3A_108], %mul3A_106 {strides = array<i32>} : memref<128x128xf32, #tpu.memory_space<vmem>>, vector<16xf32>,
        %get3A_110 = arith.index_cast %scan3A_79 : i32 to index
        %get3A_111 = arith.constant 64 : index
        %get3A_112 = tpu.vector_load %arg12[%get3A_110, %get3A_111] {strides = array<i32>} : memref<128x128xf32, #tpu.memory_space<vmem>>, vector<16xf32>,
        %mul3A_113 = arith.mulf %get3A_112, %gather3A : vector<16xf32>
        %swap3A_114 = arith.index_cast %scan3A_79 : i32 to index
        %swap3A_115 = arith.constant 64 : index
        %swap3A_116 = tpu.vector_load %arg12[%swap3A_114, %swap3A_115] {strides = array<i32>} : memref<128x128xf32, #tpu.memory_space<vmem>>, vector<16xf32>,
        tpu.vector_store %arg12[%swap3A_114, %swap3A_115], %mul3A_113 {strides = array<i32>} : memref<128x128xf32, #tpu.memory_space<vmem>>, vector<16xf32>,
        %get3A_117 = arith.index_cast %scan3A_79 : i32 to index
        %get3A_118 = arith.constant 80 : index
        %get3A_119 = tpu.vector_load %arg12[%get3A_117, %get3A_118] {strides = array<i32>} : memref<128x128xf32, #tpu.memory_space<vmem>>, vector<16xf32>,
        %mul3A_120 = arith.mulf %get3A_119, %gather3A : vector<16xf32>
        %swap3A_121 = arith.index_cast %scan3A_79 : i32 to index
        %swap3A_122 = arith.constant 80 : index
        %swap3A_123 = tpu.vector_load %arg12[%swap3A_121, %swap3A_122] {strides = array<i32>} : memref<128x128xf32, #tpu.memory_space<vmem>>, vector<16xf32>,
        tpu.vector_store %arg12[%swap3A_121, %swap3A_122], %mul3A_120 {strides = array<i32>} : memref<128x128xf32, #tpu.memory_space<vmem>>, vector<16xf32>,
        %get3A_124 = arith.index_cast %scan3A_79 : i32 to index
        %get3A_125 = arith.constant 96 : index
        %get3A_126 = tpu.vector_load %arg12[%get3A_124, %get3A_125] {strides = array<i32>} : memref<128x128xf32, #tpu.memory_space<vmem>>, vector<16xf32>,
        %mul3A_127 = arith.mulf %get3A_126, %gather3A : vector<16xf32>
        %swap3A_128 = arith.index_cast %scan3A_79 : i32 to index
        %swap3A_129 = arith.constant 96 : index
        %swap3A_130 = tpu.vector_load %arg12[%swap3A_128, %swap3A_129] {strides = array<i32>} : memref<128x128xf32, #tpu.memory_space<vmem>>, vector<16xf32>,
        tpu.vector_store %arg12[%swap3A_128, %swap3A_129], %mul3A_127 {strides = array<i32>} : memref<128x128xf32, #tpu.memory_space<vmem>>, vector<16xf32>,
        %get3A_131 = arith.index_cast %scan3A_79 : i32 to index
        %get3A_132 = arith.constant 112 : index
        %get3A_133 = tpu.vector_load %arg12[%get3A_131, %get3A_132] {strides = array<i32>} : memref<128x128xf32, #tpu.memory_space<vmem>>, vector<16xf32>,
        %mul3A_134 = arith.mulf %get3A_133, %gather3A : vector<16xf32>
        %swap3A_135 = arith.index_cast %scan3A_79 : i32 to index
        %swap3A_136 = arith.constant 112 : index
        %swap3A_137 = tpu.vector_load %arg12[%swap3A_135, %swap3A_136] {strides = array<i32>} : memref<128x128xf32, #tpu.memory_space<vmem>>, vector<16xf32>,
        tpu.vector_store %arg12[%swap3A_135, %swap3A_136], %mul3A_134 {strides = array<i32>} : memref<128x128xf32, #tpu.memory_space<vmem>>, vector<16xf32>,
      }
      %scan3A_59 = arith.constant 128 : i32
      "tpu.region"() ({
        %run_scoped3A = tpu.sem_alloc : memref<!tpu.dma_semaphore, #tpu.memory_space<semaphore_mem>>
        %dma_start3A_79 = arith.constant 0 : i32
        %dma_start3A_80 = arith.constant 0 : i32
        %dma_start3A_81 = tpu.memref_slice %arg15[%dma_start3A_79, %dma_start3A_80] : memref<10240x128xf32, #tpu.memory_space<vmem_shared>> -> memref<10240x128xf32, #tpu.memory_space<vmem_shared>>
        tpu.enqueue_indirect_dma source(%arg12 : memref<128x128xf32, #tpu.memory_space<vmem>>) target(%dma_start3A_81 : memref<10240x128xf32, #tpu.memory_space<vmem_shared>>) offsets(%arg9 : memref<128xi32, #tpu.memory_space<vmem>>) semaphore(%run_scoped3A : memref<!tpu.dma_semaphore, #tpu.memory_space<semaphore_mem>>) {add = true}
        %dma_wait3A_82 = arith.constant 0 : i32
        %dma_wait3A_83 = arith.constant 0 : i32
        %dma_wait3A_84 = tpu.memref_slice %arg15[%dma_wait3A_82, %dma_wait3A_83] : memref<10240x128xf32, #tpu.memory_space<vmem_shared>> -> memref<10240x128xf32, #tpu.memory_space<vmem_shared>>
        tpu.wait_indirect_dma semaphore(%run_scoped3A : memref<!tpu.dma_semaphore, #tpu.memory_space<semaphore_mem>>) src(%arg12 : memref<128x128xf32, #tpu.memory_space<vmem>>) dst(%dma_wait3A_84 : memref<10240x128xf32, #tpu.memory_space<vmem_shared>>)
        tpu.yield
      }) : () -> ()
      %add3A_60 = arith.constant 2 : i32
      %add3A_61 = arith.addi %mul3A_39, %add3A_60 : i32
      %lt3A = arith.constant 80 : i32
      %lt3A_62 = arith.cmpi slt, %add3A_61, %lt3A : i32
      %convert_element_type3A = arith.extui %lt3A_62 : i1 to i32
      %cond3A = arith.constant 0 : i32
      %cond3A_63 = arith.cmpi ne, %convert_element_type3A, %cond3A : i32
      scf.if %cond3A_63 {
        %add3A_79 = arith.constant 2 : i32
        %add3A_80 = arith.addi %mul3A_39, %add3A_79 : i32
        %mul3A_81 = arith.constant 128 : i32
        %mul3A_82 = arith.muli %add3A_80, %mul3A_81 : i32
        %add3A_83 = arith.addi %mul3A_18, %mul3A_82 : i32
        %multiple_of3A_84 = tpu.assume_multiple %add3A_83, 8 : i32
        "tpu.region"() ({
          %run_scoped3A = tpu.sem_alloc : memref<!tpu.dma_semaphore, #tpu.memory_space<semaphore_mem>>
          %dma_start3A_88 = tpu.memref_slice %arg3[%multiple_of3A_84] : memref<327680xi32, #tpu.memory_space<hbm>> -> memref<128xi32, #tpu.memory_space<hbm>>
          %dma_start3A_89 = tpu.memref_slice %arg3[%multiple_of3A_84] : memref<327680xi32, #tpu.memory_space<hbm>> -> memref<128xi32, #tpu.memory_space<hbm>>
          tpu.enqueue_dma source(%dma_start3A_89 : memref<128xi32, #tpu.memory_space<hbm>>) target(%arg7 : memref<128xi32, #tpu.memory_space<vmem>>) target_semaphore(%run_scoped3A : memref<!tpu.dma_semaphore, #tpu.memory_space<semaphore_mem>>)
          %dma_wait3A_90 = tpu.memref_slice %arg3[%multiple_of3A_84] : memref<327680xi32, #tpu.memory_space<hbm>> -> memref<128xi32, #tpu.memory_space<hbm>>
          %dma_wait3A_91 = tpu.memref_slice %arg3[%multiple_of3A_84] : memref<327680xi32, #tpu.memory_space<hbm>> -> memref<128xi32, #tpu.memory_space<hbm>>
          tpu.wait_dma2 semaphore(%run_scoped3A : memref<!tpu.dma_semaphore, #tpu.memory_space<semaphore_mem>>) src(%dma_wait3A_91 : memref<128xi32, #tpu.memory_space<hbm>>) dst(%arg7 : memref<128xi32, #tpu.memory_space<vmem>>)
          tpu.yield
        }) : () -> ()
        "tpu.region"() ({
          %run_scoped3A = tpu.sem_alloc : memref<!tpu.dma_semaphore, #tpu.memory_space<semaphore_mem>>
          %dma_start3A_88 = tpu.memref_slice %arg4[%multiple_of3A_84] : memref<327680xi32, #tpu.memory_space<hbm>> -> memref<128xi32, #tpu.memory_space<hbm>>
          %dma_start3A_89 = tpu.memref_slice %arg4[%multiple_of3A_84] : memref<327680xi32, #tpu.memory_space<hbm>> -> memref<128xi32, #tpu.memory_space<hbm>>
          tpu.enqueue_dma source(%dma_start3A_89 : memref<128xi32, #tpu.memory_space<hbm>>) target(%arg9 : memref<128xi32, #tpu.memory_space<vmem>>) target_semaphore(%run_scoped3A : memref<!tpu.dma_semaphore, #tpu.memory_space<semaphore_mem>>)
          %dma_wait3A_90 = tpu.memref_slice %arg4[%multiple_of3A_84] : memref<327680xi32, #tpu.memory_space<hbm>> -> memref<128xi32, #tpu.memory_space<hbm>>
          %dma_wait3A_91 = tpu.memref_slice %arg4[%multiple_of3A_84] : memref<327680xi32, #tpu.memory_space<hbm>> -> memref<128xi32, #tpu.memory_space<hbm>>
          tpu.wait_dma2 semaphore(%run_scoped3A : memref<!tpu.dma_semaphore, #tpu.memory_space<semaphore_mem>>) src(%dma_wait3A_91 : memref<128xi32, #tpu.memory_space<hbm>>) dst(%arg9 : memref<128xi32, #tpu.memory_space<vmem>>)
          tpu.yield
        }) : () -> ()
        %dma_start3A_85 = arith.constant 0 : i32
        %dma_start3A_86 = arith.constant 0 : i32
        %dma_start3A_87 = tpu.memref_slice %arg2[%dma_start3A_85, %dma_start3A_86] : memref<10000x128xf32, #tpu.memory_space<hbm>> -> memref<10000x128xf32, #tpu.memory_space<hbm>>
        tpu.enqueue_indirect_dma source(%dma_start3A_87 : memref<10000x128xf32, #tpu.memory_space<hbm>>) target(%arg12 : memref<128x128xf32, #tpu.memory_space<vmem>>) offsets(%arg7 : memref<128xi32, #tpu.memory_space<vmem>>) semaphore(%arg16 : memref<!tpu.dma_semaphore, #tpu.memory_space<semaphore_mem>>)
      } else {
      }
      %add3A_64 = arith.constant 1 : i32
      %add3A_65 = arith.addi %mul3A_39, %add3A_64 : i32
      %dma_wait3A_66 = arith.constant 0 : i32
      %dma_wait3A_67 = arith.constant 0 : i32
      %dma_wait3A_68 = tpu.memref_slice %arg2[%dma_wait3A_66, %dma_wait3A_67] : memref<10000x128xf32, #tpu.memory_space<hbm>> -> memref<10000x128xf32, #tpu.memory_space<hbm>>
      tpu.wait_indirect_dma semaphore(%arg17 : memref<!tpu.dma_semaphore, #tpu.memory_space<semaphore_mem>>) src(%dma_wait3A_68 : memref<10000x128xf32, #tpu.memory_space<hbm>>) dst(%arg13 : memref<128x128xf32, #tpu.memory_space<vmem>>)
      %broadcast_in_dim3A_69 = arith.constant 0 : i32
      %broadcast_in_dim3A_70 = vector.broadcast %broadcast_in_dim3A_69 : i32 to vector<16xi32>
      %add3A_71 = vector.broadcast %add3A_65 : i32 to vector<16xi32>
      %add3A_72 = arith.addi %broadcast_in_dim3A_70, %add3A_71 : vector<16xi32>
      %scan3A_73 = arith.constant 0 : i32
      %scan3A_74 = arith.constant 0 : i32
      %scan3A_75 = arith.constant 128 : i32
      %scan3A_76 = arith.addi %scan3A_74, %scan3A_75 : i32
      %scan3A_77 = arith.constant 1 : i32
      scf.for %scan3A_79 = %scan3A_74 to %scan3A_76 step %scan3A_77  : i32 {
        %broadcast_in_dim3A_80 = arith.constant 0 : i32
        %broadcast_in_dim3A_81 = vector.broadcast %broadcast_in_dim3A_80 : i32 to vector<16xi32>
        %add3A_82 = vector.broadcast %scan3A_79 : i32 to vector<16xi32>
        %add3A_83 = arith.addi %broadcast_in_dim3A_81, %add3A_82 : vector<16xi32>
        %gather3A = tpu.vector_load_idx %arg11[%add3A_72, %add3A_83] : memref<80x128xf32, #tpu.memory_space<vmem>>[vector<16xi32>, vector<16xi32>], vector<16xf32>,
        %get3A = arith.index_cast %scan3A_79 : i32 to index
        %get3A_84 = arith.constant 0 : index
        %get3A_85 = tpu.vector_load %arg13[%get3A, %get3A_84] {strides = array<i32>} : memref<128x128xf32, #tpu.memory_space<vmem>>, vector<16xf32>,
        %mul3A_86 = arith.mulf %get3A_85, %gather3A : vector<16xf32>
        %swap3A = arith.index_cast %scan3A_79 : i32 to index
        %swap3A_87 = arith.constant 0 : index
        %swap3A_88 = tpu.vector_load %arg13[%swap3A, %swap3A_87] {strides = array<i32>} : memref<128x128xf32, #tpu.memory_space<vmem>>, vector<16xf32>,
        tpu.vector_store %arg13[%swap3A, %swap3A_87], %mul3A_86 {strides = array<i32>} : memref<128x128xf32, #tpu.memory_space<vmem>>, vector<16xf32>,
        %get3A_89 = arith.index_cast %scan3A_79 : i32 to index
        %get3A_90 = arith.constant 16 : index
        %get3A_91 = tpu.vector_load %arg13[%get3A_89, %get3A_90] {strides = array<i32>} : memref<128x128xf32, #tpu.memory_space<vmem>>, vector<16xf32>,
        %mul3A_92 = arith.mulf %get3A_91, %gather3A : vector<16xf32>
        %swap3A_93 = arith.index_cast %scan3A_79 : i32 to index
        %swap3A_94 = arith.constant 16 : index
        %swap3A_95 = tpu.vector_load %arg13[%swap3A_93, %swap3A_94] {strides = array<i32>} : memref<128x128xf32, #tpu.memory_space<vmem>>, vector<16xf32>,
        tpu.vector_store %arg13[%swap3A_93, %swap3A_94], %mul3A_92 {strides = array<i32>} : memref<128x128xf32, #tpu.memory_space<vmem>>, vector<16xf32>,
        %get3A_96 = arith.index_cast %scan3A_79 : i32 to index
        %get3A_97 = arith.constant 32 : index
        %get3A_98 = tpu.vector_load %arg13[%get3A_96, %get3A_97] {strides = array<i32>} : memref<128x128xf32, #tpu.memory_space<vmem>>, vector<16xf32>,
        %mul3A_99 = arith.mulf %get3A_98, %gather3A : vector<16xf32>
        %swap3A_100 = arith.index_cast %scan3A_79 : i32 to index
        %swap3A_101 = arith.constant 32 : index
        %swap3A_102 = tpu.vector_load %arg13[%swap3A_100, %swap3A_101] {strides = array<i32>} : memref<128x128xf32, #tpu.memory_space<vmem>>, vector<16xf32>,
        tpu.vector_store %arg13[%swap3A_100, %swap3A_101], %mul3A_99 {strides = array<i32>} : memref<128x128xf32, #tpu.memory_space<vmem>>, vector<16xf32>,
        %get3A_103 = arith.index_cast %scan3A_79 : i32 to index
        %get3A_104 = arith.constant 48 : index
        %get3A_105 = tpu.vector_load %arg13[%get3A_103, %get3A_104] {strides = array<i32>} : memref<128x128xf32, #tpu.memory_space<vmem>>, vector<16xf32>,
        %mul3A_106 = arith.mulf %get3A_105, %gather3A : vector<16xf32>
        %swap3A_107 = arith.index_cast %scan3A_79 : i32 to index
        %swap3A_108 = arith.constant 48 : index
        %swap3A_109 = tpu.vector_load %arg13[%swap3A_107, %swap3A_108] {strides = array<i32>} : memref<128x128xf32, #tpu.memory_space<vmem>>, vector<16xf32>,
        tpu.vector_store %arg13[%swap3A_107, %swap3A_108], %mul3A_106 {strides = array<i32>} : memref<128x128xf32, #tpu.memory_space<vmem>>, vector<16xf32>,
        %get3A_110 = arith.index_cast %scan3A_79 : i32 to index
        %get3A_111 = arith.constant 64 : index
        %get3A_112 = tpu.vector_load %arg13[%get3A_110, %get3A_111] {strides = array<i32>} : memref<128x128xf32, #tpu.memory_space<vmem>>, vector<16xf32>,
        %mul3A_113 = arith.mulf %get3A_112, %gather3A : vector<16xf32>
        %swap3A_114 = arith.index_cast %scan3A_79 : i32 to index
        %swap3A_115 = arith.constant 64 : index
        %swap3A_116 = tpu.vector_load %arg13[%swap3A_114, %swap3A_115] {strides = array<i32>} : memref<128x128xf32, #tpu.memory_space<vmem>>, vector<16xf32>,
        tpu.vector_store %arg13[%swap3A_114, %swap3A_115], %mul3A_113 {strides = array<i32>} : memref<128x128xf32, #tpu.memory_space<vmem>>, vector<16xf32>,
        %get3A_117 = arith.index_cast %scan3A_79 : i32 to index
        %get3A_118 = arith.constant 80 : index
        %get3A_119 = tpu.vector_load %arg13[%get3A_117, %get3A_118] {strides = array<i32>} : memref<128x128xf32, #tpu.memory_space<vmem>>, vector<16xf32>,
        %mul3A_120 = arith.mulf %get3A_119, %gather3A : vector<16xf32>
        %swap3A_121 = arith.index_cast %scan3A_79 : i32 to index
        %swap3A_122 = arith.constant 80 : index
        %swap3A_123 = tpu.vector_load %arg13[%swap3A_121, %swap3A_122] {strides = array<i32>} : memref<128x128xf32, #tpu.memory_space<vmem>>, vector<16xf32>,
        tpu.vector_store %arg13[%swap3A_121, %swap3A_122], %mul3A_120 {strides = array<i32>} : memref<128x128xf32, #tpu.memory_space<vmem>>, vector<16xf32>,
        %get3A_124 = arith.index_cast %scan3A_79 : i32 to index
        %get3A_125 = arith.constant 96 : index
        %get3A_126 = tpu.vector_load %arg13[%get3A_124, %get3A_125] {strides = array<i32>} : memref<128x128xf32, #tpu.memory_space<vmem>>, vector<16xf32>,
        %mul3A_127 = arith.mulf %get3A_126, %gather3A : vector<16xf32>
        %swap3A_128 = arith.index_cast %scan3A_79 : i32 to index
        %swap3A_129 = arith.constant 96 : index
        %swap3A_130 = tpu.vector_load %arg13[%swap3A_128, %swap3A_129] {strides = array<i32>} : memref<128x128xf32, #tpu.memory_space<vmem>>, vector<16xf32>,
        tpu.vector_store %arg13[%swap3A_128, %swap3A_129], %mul3A_127 {strides = array<i32>} : memref<128x128xf32, #tpu.memory_space<vmem>>, vector<16xf32>,
        %get3A_131 = arith.index_cast %scan3A_79 : i32 to index
        %get3A_132 = arith.constant 112 : index
        %get3A_133 = tpu.vector_load %arg13[%get3A_131, %get3A_132] {strides = array<i32>} : memref<128x128xf32, #tpu.memory_space<vmem>>, vector<16xf32>,
        %mul3A_134 = arith.mulf %get3A_133, %gather3A : vector<16xf32>
        %swap3A_135 = arith.index_cast %scan3A_79 : i32 to index
        %swap3A_136 = arith.constant 112 : index
        %swap3A_137 = tpu.vector_load %arg13[%swap3A_135, %swap3A_136] {strides = array<i32>} : memref<128x128xf32, #tpu.memory_space<vmem>>, vector<16xf32>,
        tpu.vector_store %arg13[%swap3A_135, %swap3A_136], %mul3A_134 {strides = array<i32>} : memref<128x128xf32, #tpu.memory_space<vmem>>, vector<16xf32>,
      }
      %scan3A_78 = arith.constant 128 : i32
      "tpu.region"() ({
        %run_scoped3A = tpu.sem_alloc : memref<!tpu.dma_semaphore, #tpu.memory_space<semaphore_mem>>
        %dma_start3A_79 = arith.constant 0 : i32
        %dma_start3A_80 = arith.constant 0 : i32
        %dma_start3A_81 = tpu.memref_slice %arg15[%dma_start3A_79, %dma_start3A_80] : memref<10240x128xf32, #tpu.memory_space<vmem_shared>> -> memref<10240x128xf32, #tpu.memory_space<vmem_shared>>
        tpu.enqueue_indirect_dma source(%arg13 : memref<128x128xf32, #tpu.memory_space<vmem>>) target(%dma_start3A_81 : memref<10240x128xf32, #tpu.memory_space<vmem_shared>>) offsets(%arg10 : memref<128xi32, #tpu.memory_space<vmem>>) semaphore(%run_scoped3A : memref<!tpu.dma_semaphore, #tpu.memory_space<semaphore_mem>>) {add = true}
        %dma_wait3A_82 = arith.constant 0 : i32
        %dma_wait3A_83 = arith.constant 0 : i32
        %dma_wait3A_84 = tpu.memref_slice %arg15[%dma_wait3A_82, %dma_wait3A_83] : memref<10240x128xf32, #tpu.memory_space<vmem_shared>> -> memref<10240x128xf32, #tpu.memory_space<vmem_shared>>
        tpu.wait_indirect_dma semaphore(%run_scoped3A : memref<!tpu.dma_semaphore, #tpu.memory_space<semaphore_mem>>) src(%arg13 : memref<128x128xf32, #tpu.memory_space<vmem>>) dst(%dma_wait3A_84 : memref<10240x128xf32, #tpu.memory_space<vmem_shared>>)
        tpu.yield
      }) : () -> ()
    }
    %scan3A_29 = arith.constant 40 : i32
    %barrier3A_30 = arith.constant 0 : index
    tpu.barrier barrier_id(%barrier3A_30)
    %scan3A_31 = arith.constant 0 : i32
    %scan3A_32 = arith.constant 0 : i32
    %scan3A_33 = arith.constant 10 : i32
    %scan3A_34 = arith.addi %scan3A_32, %scan3A_33 : i32
    %scan3A_35 = arith.constant 1 : i32
    scf.for %scan3A_37 = %scan3A_32 to %scan3A_34 step %scan3A_35  : i32 {
      %mul3A_38 = arith.constant 64 : i32
      %mul3A_39 = arith.muli %scan3A_37, %mul3A_38 : i32
      %add3A_40 = arith.addi %multiple_of3A, %mul3A_39 : i32
      %multiple_of3A_41 = tpu.assume_multiple %add3A_40, 8 : i32
      "tpu.region"() ({
        %run_scoped3A = tpu.sem_alloc : memref<!tpu.dma_semaphore, #tpu.memory_space<semaphore_mem>>
        %dma_start3A_42 = arith.constant 0 : i32
        %dma_start3A_43 = tpu.memref_slice %arg6[%arg0, %multiple_of3A_41, %dma_start3A_42] : memref<2x10240x128xf32, #tpu.memory_space<hbm>> -> memref<1x64x128xf32, #tpu.memory_space<hbm>>
        %dma_start3A_44 = tpu.memref_squeeze %dma_start3A_43 : memref<1x64x128xf32, #tpu.memory_space<hbm>> -> memref<64x128xf32, #tpu.memory_space<hbm>>
        %dma_start3A_45 = arith.constant 0 : i32
        %dma_start3A_46 = tpu.memref_slice %arg15[%multiple_of3A_41, %dma_start3A_45] : memref<10240x128xf32, #tpu.memory_space<vmem_shared>> -> memref<64x128xf32, #tpu.memory_space<vmem_shared>>
        tpu.enqueue_dma source(%dma_start3A_46 : memref<64x128xf32, #tpu.memory_space<vmem_shared>>) target(%dma_start3A_44 : memref<64x128xf32, #tpu.memory_space<hbm>>) target_semaphore(%run_scoped3A : memref<!tpu.dma_semaphore, #tpu.memory_space<semaphore_mem>>)
        %dma_wait3A = arith.constant 0 : i32
        %dma_wait3A_47 = tpu.memref_slice %arg6[%arg0, %multiple_of3A_41, %dma_wait3A] : memref<2x10240x128xf32, #tpu.memory_space<hbm>> -> memref<1x64x128xf32, #tpu.memory_space<hbm>>
        %dma_wait3A_48 = tpu.memref_squeeze %dma_wait3A_47 : memref<1x64x128xf32, #tpu.memory_space<hbm>> -> memref<64x128xf32, #tpu.memory_space<hbm>>
        %dma_wait3A_49 = arith.constant 0 : i32
        %dma_wait3A_50 = tpu.memref_slice %arg15[%multiple_of3A_41, %dma_wait3A_49] : memref<10240x128xf32, #tpu.memory_space<vmem_shared>> -> memref<64x128xf32, #tpu.memory_space<vmem_shared>>
        tpu.wait_dma2 semaphore(%run_scoped3A : memref<!tpu.dma_semaphore, #tpu.memory_space<semaphore_mem>>) src(%dma_wait3A_50 : memref<64x128xf32, #tpu.memory_space<vmem_shared>>) dst(%dma_wait3A_48 : memref<64x128xf32, #tpu.memory_space<hbm>>)
        tpu.yield
      }) : () -> ()
    }
    %scan3A_36 = arith.constant 10 : i32
    return
  }
}

module attributes {stable_mosaic.version = 14 : i64} {
  func.func @_prep_body(%arg0: memref<2x80x128xf32, #tpu.memory_space<vmem>>, %arg1: memref<80x128xf32, #tpu.memory_space<vmem>>) attributes {dimension_semantics = [], scalar_prefetch = 0 : i64, scratch_operands = 0 : i64, tpu.core_type = #tpu.core_type<tc>} {
    %get3A = arith.constant 0 : index
    %get3A_0 = arith.constant 0 : index
    %get3A_1 = arith.constant 0 : index
    %get3A_2 = vector.load %arg0[%get3A, %get3A_0, %get3A_1] : memref<2x80x128xf32, #tpu.memory_space<vmem>>, vector<1x80x128xf32>
    %get3A_3 = vector.shape_cast %get3A_2 : vector<1x80x128xf32> to vector<80x128xf32>
    %get3A_4 = arith.constant 1 : index
    %get3A_5 = arith.constant 0 : index
    %get3A_6 = arith.constant 0 : index
    %get3A_7 = vector.load %arg0[%get3A_4, %get3A_5, %get3A_6] : memref<2x80x128xf32, #tpu.memory_space<vmem>>, vector<1x80x128xf32>
    %get3A_8 = vector.shape_cast %get3A_7 : vector<1x80x128xf32> to vector<80x128xf32>
    %add3A = arith.addf %get3A_3, %get3A_8 : vector<80x128xf32>
    %add3A_9 = arith.constant 1.000000e+00 : f32
    %add3A_10 = vector.broadcast %add3A_9 : f32 to vector<80x128xf32>
    %add3A_11 = arith.addf %add3A, %add3A_10 : vector<80x128xf32>
    %rsqrt3A = math.rsqrt %add3A_11 : vector<80x128xf32>
    %swap3A = arith.constant 0 : index
    %swap3A_12 = arith.constant 0 : index
    %swap3A_13 = vector.load %arg1[%swap3A, %swap3A_12] : memref<80x128xf32, #tpu.memory_space<vmem>>, vector<80x128xf32>
    tpu.vector_store %arg1[%swap3A, %swap3A_12], %rsqrt3A {strides = array<i32>} : memref<80x128xf32, #tpu.memory_space<vmem>>, vector<80x128xf32>,
    return
  }
}

module attributes {stable_mosaic.version = 14 : i64} {
  func.func @_mm_body(%arg0: i32, %arg1: memref<400x128xf32, #tpu.memory_space<vmem>>, %arg2: memref<128x128xf32, #tpu.memory_space<vmem>>, %arg3: memref<400x1xf32, #tpu.memory_space<vmem>>, %arg4: memref<400x128xf32, #tpu.memory_space<vmem>>) attributes {dimension_semantics = [#tpu.dimension_semantics<arbitrary>], iteration_bounds = array<i64: 25>, scalar_prefetch = 0 : i64, scratch_operands = 0 : i64, tpu.core_type = #tpu.core_type<tc>, window_params = [{transform_indices = @transform_0, window_bounds = array<i64: 400, 128>}, {pipeline_mode = #tpu.pipeline_mode<synchronous>, transform_indices = @transform_1, window_bounds = array<i64: 128, 128>}, {transform_indices = @transform_2, window_bounds = array<i64: 400, 1>}, {transform_indices = @transform_3, window_bounds = array<i64: 400, 128>}]} {
    %get3A = arith.constant 0 : index
    %get3A_0 = arith.constant 0 : index
    %get3A_1 = vector.load %arg3[%get3A, %get3A_0] : memref<400x1xf32, #tpu.memory_space<vmem>>, vector<400x1xf32>
    %get3A_2 = arith.constant 0 : index
    %get3A_3 = arith.constant 0 : index
    %get3A_4 = vector.load %arg1[%get3A_2, %get3A_3] : memref<400x128xf32, #tpu.memory_space<vmem>>, vector<400x128xf32>
    %get3A_5 = arith.constant 0 : index
    %get3A_6 = arith.constant 0 : index
    %get3A_7 = vector.load %arg2[%get3A_5, %get3A_6] : memref<128x128xf32, #tpu.memory_space<vmem>>, vector<128x128xf32>
    %dot_general3A = arith.constant dense<0.000000e+00> : vector<400x128xf32>
    %dot_general3A_8 = tpu.matmul %get3A_4, %get3A_7, %dot_general3A {dimension_numbers = #tpu.dot_dimension_numbers<[1], [0], [0], [1], [0, 0, 1, 1], [], []>, precision = #tpu.contract_precision<fp32>, transpose_lhs_hint = false} : vector<400x128xf32>, vector<128x128xf32>, vector<400x128xf32> -> vector<400x128xf32>
    %mul3A = vector.broadcast %get3A_1 : vector<400x1xf32> to vector<400x128xf32>
    %mul3A_9 = arith.mulf %mul3A, %dot_general3A_8 : vector<400x128xf32>
    %swap3A = arith.constant 0 : index
    %swap3A_10 = arith.constant 0 : index
    %swap3A_11 = vector.load %arg4[%swap3A, %swap3A_10] : memref<400x128xf32, #tpu.memory_space<vmem>>, vector<400x128xf32>
    tpu.vector_store %arg4[%swap3A, %swap3A_10], %mul3A_9 {strides = array<i32>} : memref<400x128xf32, #tpu.memory_space<vmem>>, vector<400x128xf32>,
    return
  }
  func.func @transform_0(%arg0: i32) -> (i32, i32) {
    %c0_i32 = arith.constant 0 : i32
    %c0_i32_0 = arith.constant 0 : i32
    return %arg0, %c0_i32 : i32, i32
  }
  func.func @transform_1(%arg0: i32) -> (i32, i32) {
    %c0_i32 = arith.constant 0 : i32
    %c0_i32_0 = arith.constant 0 : i32
    %c0_i32_1 = arith.constant 0 : i32
    return %c0_i32, %c0_i32_0 : i32, i32
  }
  func.func @transform_2(%arg0: i32) -> (i32, i32) {
    %c0_i32 = arith.constant 0 : i32
    %c0_i32_0 = arith.constant 0 : i32
    return %arg0, %c0_i32 : i32, i32
  }
  func.func @transform_3(%arg0: i32) -> (i32, i32) {
    %c0_i32 = arith.constant 0 : i32
    %c0_i32_0 = arith.constant 0 : i32
    return %arg0, %c0_i32 : i32, i32
  }
}

module attributes {stable_mosaic.version = 14 : i64} {
  func.func @_fuse_mm_body(%arg0: i32, %arg1: memref<1x400x128xf32, #tpu.memory_space<vmem>>, %arg2: memref<1x400x128xf32, #tpu.memory_space<vmem>>, %arg3: memref<400x128xf32, #tpu.memory_space<vmem>>, %arg4: memref<400x1xf32, #tpu.memory_space<vmem>>, %arg5: memref<1x128xf32, #tpu.memory_space<vmem>>, %arg6: memref<128x128xf32, #tpu.memory_space<vmem>>, %arg7: memref<400x128xf32, #tpu.memory_space<vmem>>) attributes {dimension_semantics = [#tpu.dimension_semantics<arbitrary>], iteration_bounds = array<i64: 25>, scalar_prefetch = 0 : i64, scratch_operands = 0 : i64, tpu.core_type = #tpu.core_type<tc>, window_params = [{transform_indices = @transform_0, window_bounds = array<i64: 1, 400, 128>}, {transform_indices = @transform_1, window_bounds = array<i64: 1, 400, 128>}, {transform_indices = @transform_2, window_bounds = array<i64: 400, 128>}, {transform_indices = @transform_3, window_bounds = array<i64: 400, 1>}, {pipeline_mode = #tpu.pipeline_mode<synchronous>, transform_indices = @transform_4, window_bounds = array<i64: 1, 128>}, {pipeline_mode = #tpu.pipeline_mode<synchronous>, transform_indices = @transform_5, window_bounds = array<i64: 128, 128>}, {transform_indices = @transform_6, window_bounds = array<i64: 400, 128>}]} {
    %get3A = arith.constant 0 : index
    %get3A_0 = arith.constant 0 : index
    %get3A_1 = vector.load %arg4[%get3A, %get3A_0] : memref<400x1xf32, #tpu.memory_space<vmem>>, vector<400x1xf32>
    %get3A_2 = arith.constant 0 : index
    %get3A_3 = arith.constant 0 : index
    %get3A_4 = arith.constant 0 : index
    %get3A_5 = vector.load %arg1[%get3A_2, %get3A_3, %get3A_4] : memref<1x400x128xf32, #tpu.memory_space<vmem>>, vector<1x400x128xf32>
    %get3A_6 = vector.shape_cast %get3A_5 : vector<1x400x128xf32> to vector<400x128xf32>
    %get3A_7 = arith.constant 0 : index
    %get3A_8 = arith.constant 0 : index
    %get3A_9 = arith.constant 0 : index
    %get3A_10 = vector.load %arg2[%get3A_7, %get3A_8, %get3A_9] : memref<1x400x128xf32, #tpu.memory_space<vmem>>, vector<1x400x128xf32>
    %get3A_11 = vector.shape_cast %get3A_10 : vector<1x400x128xf32> to vector<400x128xf32>
    %add3A = arith.addf %get3A_6, %get3A_11 : vector<400x128xf32>
    %get3A_12 = arith.constant 0 : index
    %get3A_13 = arith.constant 0 : index
    %get3A_14 = vector.load %arg3[%get3A_12, %get3A_13] : memref<400x128xf32, #tpu.memory_space<vmem>>, vector<400x128xf32>
    %add3A_15 = arith.addf %add3A, %get3A_14 : vector<400x128xf32>
    %mul3A = vector.broadcast %get3A_1 : vector<400x1xf32> to vector<400x128xf32>
    %mul3A_16 = arith.mulf %mul3A, %add3A_15 : vector<400x128xf32>
    %get3A_17 = arith.constant 0 : index
    %get3A_18 = arith.constant 0 : index
    %get3A_19 = vector.load %arg5[%get3A_17, %get3A_18] : memref<1x128xf32, #tpu.memory_space<vmem>>, vector<1x128xf32>
    %add3A_20 = vector.broadcast %get3A_19 : vector<1x128xf32> to vector<400x128xf32>
    %add3A_21 = arith.addf %mul3A_16, %add3A_20 : vector<400x128xf32>
    %max3A = arith.constant 0.000000e+00 : f32
    %max3A_22 = vector.broadcast %max3A : f32 to vector<400x128xf32>
    %max3A_23 = arith.maximumf %add3A_21, %max3A_22 : vector<400x128xf32>
    %get3A_24 = arith.constant 0 : index
    %get3A_25 = arith.constant 0 : index
    %get3A_26 = vector.load %arg4[%get3A_24, %get3A_25] : memref<400x1xf32, #tpu.memory_space<vmem>>, vector<400x1xf32>
    %get3A_27 = arith.constant 0 : index
    %get3A_28 = arith.constant 0 : index
    %get3A_29 = vector.load %arg6[%get3A_27, %get3A_28] : memref<128x128xf32, #tpu.memory_space<vmem>>, vector<128x128xf32>
    %dot_general3A = arith.constant dense<0.000000e+00> : vector<400x128xf32>
    %dot_general3A_30 = tpu.matmul %max3A_23, %get3A_29, %dot_general3A {dimension_numbers = #tpu.dot_dimension_numbers<[1], [0], [0], [1], [0, 0, 1, 1], [], []>, precision = #tpu.contract_precision<fp32>, transpose_lhs_hint = false} : vector<400x128xf32>, vector<128x128xf32>, vector<400x128xf32> -> vector<400x128xf32>
    %mul3A_31 = vector.broadcast %get3A_26 : vector<400x1xf32> to vector<400x128xf32>
    %mul3A_32 = arith.mulf %mul3A_31, %dot_general3A_30 : vector<400x128xf32>
    %swap3A = arith.constant 0 : index
    %swap3A_33 = arith.constant 0 : index
    %swap3A_34 = vector.load %arg7[%swap3A, %swap3A_33] : memref<400x128xf32, #tpu.memory_space<vmem>>, vector<400x128xf32>
    tpu.vector_store %arg7[%swap3A, %swap3A_33], %mul3A_32 {strides = array<i32>} : memref<400x128xf32, #tpu.memory_space<vmem>>, vector<400x128xf32>,
    return
  }
  func.func @transform_0(%arg0: i32) -> (i32, i32, i32) {
    %c0_i32 = arith.constant 0 : i32
    %c0_i32_0 = arith.constant 0 : i32
    %c0_i32_1 = arith.constant 0 : i32
    return %c0_i32, %arg0, %c0_i32_0 : i32, i32, i32
  }
  func.func @transform_1(%arg0: i32) -> (i32, i32, i32) {
    %c1_i32 = arith.constant 1 : i32
    %c0_i32 = arith.constant 0 : i32
    %c0_i32_0 = arith.constant 0 : i32
    return %c1_i32, %arg0, %c0_i32 : i32, i32, i32
  }
  func.func @transform_2(%arg0: i32) -> (i32, i32) {
    %c0_i32 = arith.constant 0 : i32
    %c0_i32_0 = arith.constant 0 : i32
    return %arg0, %c0_i32 : i32, i32
  }
  func.func @transform_3(%arg0: i32) -> (i32, i32) {
    %c0_i32 = arith.constant 0 : i32
    %c0_i32_0 = arith.constant 0 : i32
    return %arg0, %c0_i32 : i32, i32
  }
  func.func @transform_4(%arg0: i32) -> (i32, i32) {
    %c0_i32 = arith.constant 0 : i32
    %c0_i32_0 = arith.constant 0 : i32
    %c0_i32_1 = arith.constant 0 : i32
    return %c0_i32, %c0_i32_0 : i32, i32
  }
  func.func @transform_5(%arg0: i32) -> (i32, i32) {
    %c0_i32 = arith.constant 0 : i32
    %c0_i32_0 = arith.constant 0 : i32
    %c0_i32_1 = arith.constant 0 : i32
    return %c0_i32, %c0_i32_0 : i32, i32
  }
  func.func @transform_6(%arg0: i32) -> (i32, i32) {
    %c0_i32 = arith.constant 0 : i32
    %c0_i32_0 = arith.constant 0 : i32
    return %arg0, %c0_i32 : i32, i32
  }
}

module attributes {stable_mosaic.version = 14 : i64} {
  func.func @_final_body(%arg0: i32, %arg1: memref<1x400x128xf32, #tpu.memory_space<vmem>>, %arg2: memref<1x400x128xf32, #tpu.memory_space<vmem>>, %arg3: memref<400x128xf32, #tpu.memory_space<vmem>>, %arg4: memref<400x1xf32, #tpu.memory_space<vmem>>, %arg5: memref<1x128xf32, #tpu.memory_space<vmem>>, %arg6: memref<128x128xf32, #tpu.memory_space<vmem>>, %arg7: memref<1x128xf32, #tpu.memory_space<vmem>>, %arg8: memref<400x128xf32, #tpu.memory_space<vmem>>) attributes {dimension_semantics = [#tpu.dimension_semantics<arbitrary>], iteration_bounds = array<i64: 25>, scalar_prefetch = 0 : i64, scratch_operands = 0 : i64, tpu.core_type = #tpu.core_type<tc>, window_params = [{transform_indices = @transform_0, window_bounds = array<i64: 1, 400, 128>}, {transform_indices = @transform_1, window_bounds = array<i64: 1, 400, 128>}, {transform_indices = @transform_2, window_bounds = array<i64: 400, 128>}, {transform_indices = @transform_3, window_bounds = array<i64: 400, 1>}, {pipeline_mode = #tpu.pipeline_mode<synchronous>, transform_indices = @transform_4, window_bounds = array<i64: 1, 128>}, {pipeline_mode = #tpu.pipeline_mode<synchronous>, transform_indices = @transform_5, window_bounds = array<i64: 128, 128>}, {pipeline_mode = #tpu.pipeline_mode<synchronous>, transform_indices = @transform_6, window_bounds = array<i64: 1, 128>}, {transform_indices = @transform_7, window_bounds = array<i64: 400, 128>}]} {
    %get3A = arith.constant 0 : index
    %get3A_0 = arith.constant 0 : index
    %get3A_1 = vector.load %arg4[%get3A, %get3A_0] : memref<400x1xf32, #tpu.memory_space<vmem>>, vector<400x1xf32>
    %get3A_2 = arith.constant 0 : index
    %get3A_3 = arith.constant 0 : index
    %get3A_4 = arith.constant 0 : index
    %get3A_5 = vector.load %arg1[%get3A_2, %get3A_3, %get3A_4] : memref<1x400x128xf32, #tpu.memory_space<vmem>>, vector<1x400x128xf32>
    %get3A_6 = vector.shape_cast %get3A_5 : vector<1x400x128xf32> to vector<400x128xf32>
    %get3A_7 = arith.constant 0 : index
    %get3A_8 = arith.constant 0 : index
    %get3A_9 = arith.constant 0 : index
    %get3A_10 = vector.load %arg2[%get3A_7, %get3A_8, %get3A_9] : memref<1x400x128xf32, #tpu.memory_space<vmem>>, vector<1x400x128xf32>
    %get3A_11 = vector.shape_cast %get3A_10 : vector<1x400x128xf32> to vector<400x128xf32>
    %add3A = arith.addf %get3A_6, %get3A_11 : vector<400x128xf32>
    %get3A_12 = arith.constant 0 : index
    %get3A_13 = arith.constant 0 : index
    %get3A_14 = vector.load %arg3[%get3A_12, %get3A_13] : memref<400x128xf32, #tpu.memory_space<vmem>>, vector<400x128xf32>
    %add3A_15 = arith.addf %add3A, %get3A_14 : vector<400x128xf32>
    %mul3A = vector.broadcast %get3A_1 : vector<400x1xf32> to vector<400x128xf32>
    %mul3A_16 = arith.mulf %mul3A, %add3A_15 : vector<400x128xf32>
    %get3A_17 = arith.constant 0 : index
    %get3A_18 = arith.constant 0 : index
    %get3A_19 = vector.load %arg5[%get3A_17, %get3A_18] : memref<1x128xf32, #tpu.memory_space<vmem>>, vector<1x128xf32>
    %add3A_20 = vector.broadcast %get3A_19 : vector<1x128xf32> to vector<400x128xf32>
    %add3A_21 = arith.addf %mul3A_16, %add3A_20 : vector<400x128xf32>
    %max3A = arith.constant 0.000000e+00 : f32
    %max3A_22 = vector.broadcast %max3A : f32 to vector<400x128xf32>
    %max3A_23 = arith.maximumf %add3A_21, %max3A_22 : vector<400x128xf32>
    %get3A_24 = arith.constant 0 : index
    %get3A_25 = arith.constant 0 : index
    %get3A_26 = vector.load %arg6[%get3A_24, %get3A_25] : memref<128x128xf32, #tpu.memory_space<vmem>>, vector<128x128xf32>
    %dot_general3A = arith.constant dense<0.000000e+00> : vector<400x128xf32>
    %dot_general3A_27 = tpu.matmul %max3A_23, %get3A_26, %dot_general3A {dimension_numbers = #tpu.dot_dimension_numbers<[1], [0], [0], [1], [0, 0, 1, 1], [], []>, precision = #tpu.contract_precision<fp32>, transpose_lhs_hint = false} : vector<400x128xf32>, vector<128x128xf32>, vector<400x128xf32> -> vector<400x128xf32>
    %get3A_28 = arith.constant 0 : index
    %get3A_29 = arith.constant 0 : index
    %get3A_30 = vector.load %arg7[%get3A_28, %get3A_29] : memref<1x128xf32, #tpu.memory_space<vmem>>, vector<1x128xf32>
    %add3A_31 = vector.broadcast %get3A_30 : vector<1x128xf32> to vector<400x128xf32>
    %add3A_32 = arith.addf %dot_general3A_27, %add3A_31 : vector<400x128xf32>
    %iota3A = tpu.iota {dimensions = array<i32: 1>} : vector<400x128xi32>
    %lt3A = arith.constant 64 : i32
    %lt3A_33 = vector.broadcast %lt3A : i32 to vector<400x128xi32>
    %lt3A_34 = arith.cmpi slt, %iota3A, %lt3A_33 : vector<400x128xi32>
    %jit3A = arith.constant -1.000000e+30 : f32
    %broadcast_in_dim3A = vector.broadcast %jit3A : f32 to vector<400x128xf32>
    %select_n3A = arith.select %lt3A_34, %add3A_32, %broadcast_in_dim3A : vector<400x128xi1>, vector<400x128xf32>
    %reduce_max3A = arith.constant dense<0xFF800000> : vector<400xf32>
    %reduce_max3A_35 = vector.multi_reduction <maximumf>, %select_n3A, %reduce_max3A [1] : vector<400x128xf32> to vector<400xf32>
    %broadcast_in_dim3A_36 = vector.shape_cast %reduce_max3A_35 : vector<400xf32> to vector<400x1xf32>
    %lt3A_37 = arith.constant 64 : i32
    %lt3A_38 = vector.broadcast %lt3A_37 : i32 to vector<400x128xi32>
    %lt3A_39 = arith.cmpi slt, %iota3A, %lt3A_38 : vector<400x128xi32>
    %sub3A = vector.broadcast %broadcast_in_dim3A_36 : vector<400x1xf32> to vector<400x128xf32>
    %sub3A_40 = arith.subf %select_n3A, %sub3A : vector<400x128xf32>
    %exp3A = math.exp %sub3A_40 : vector<400x128xf32>
    %jit3A_41 = arith.constant 0.000000e+00 : f32
    %broadcast_in_dim3A_42 = vector.broadcast %jit3A_41 : f32 to vector<400x128xf32>
    %select_n3A_43 = arith.select %lt3A_39, %exp3A, %broadcast_in_dim3A_42 : vector<400x128xi1>, vector<400x128xf32>
    %reduce_sum3A = arith.constant dense<0.000000e+00> : vector<400xf32>
    %reduce_sum3A_44 = vector.multi_reduction <add>, %select_n3A_43, %reduce_sum3A [1] : vector<400x128xf32> to vector<400xf32>
    %broadcast_in_dim3A_45 = vector.shape_cast %reduce_sum3A_44 : vector<400xf32> to vector<400x1xf32>
    %div3A = vector.broadcast %broadcast_in_dim3A_45 : vector<400x1xf32> to vector<400x128xf32>
    %div3A_46 = arith.divf %select_n3A_43, %div3A : vector<400x128xf32>
    %swap3A = arith.constant 0 : index
    %swap3A_47 = arith.constant 0 : index
    %swap3A_48 = vector.load %arg8[%swap3A, %swap3A_47] : memref<400x128xf32, #tpu.memory_space<vmem>>, vector<400x128xf32>
    tpu.vector_store %arg8[%swap3A, %swap3A_47], %div3A_46 {strides = array<i32>} : memref<400x128xf32, #tpu.memory_space<vmem>>, vector<400x128xf32>,
    return
  }
  func.func @transform_0(%arg0: i32) -> (i32, i32, i32) {
    %c0_i32 = arith.constant 0 : i32
    %c0_i32_0 = arith.constant 0 : i32
    %c0_i32_1 = arith.constant 0 : i32
    return %c0_i32, %arg0, %c0_i32_0 : i32, i32, i32
  }
  func.func @transform_1(%arg0: i32) -> (i32, i32, i32) {
    %c1_i32 = arith.constant 1 : i32
    %c0_i32 = arith.constant 0 : i32
    %c0_i32_0 = arith.constant 0 : i32
    return %c1_i32, %arg0, %c0_i32 : i32, i32, i32
  }
  func.func @transform_2(%arg0: i32) -> (i32, i32) {
    %c0_i32 = arith.constant 0 : i32
    %c0_i32_0 = arith.constant 0 : i32
    return %arg0, %c0_i32 : i32, i32
  }
  func.func @transform_3(%arg0: i32) -> (i32, i32) {
    %c0_i32 = arith.constant 0 : i32
    %c0_i32_0 = arith.constant 0 : i32
    return %arg0, %c0_i32 : i32, i32
  }
  func.func @transform_4(%arg0: i32) -> (i32, i32) {
    %c0_i32 = arith.constant 0 : i32
    %c0_i32_0 = arith.constant 0 : i32
    %c0_i32_1 = arith.constant 0 : i32
    return %c0_i32, %c0_i32_0 : i32, i32
  }
  func.func @transform_5(%arg0: i32) -> (i32, i32) {
    %c0_i32 = arith.constant 0 : i32
    %c0_i32_0 = arith.constant 0 : i32
    %c0_i32_1 = arith.constant 0 : i32
    return %c0_i32, %c0_i32_0 : i32, i32
  }
  func.func @transform_6(%arg0: i32) -> (i32, i32) {
    %c0_i32 = arith.constant 0 : i32
    %c0_i32_0 = arith.constant 0 : i32
    %c0_i32_1 = arith.constant 0 : i32
    return %c0_i32, %c0_i32_0 : i32, i32
  }
  func.func @transform_7(%arg0: i32) -> (i32, i32) {
    %c0_i32 = arith.constant 0 : i32
    %c0_i32_0 = arith.constant 0 : i32
    return %arg0, %c0_i32 : i32, i32
  }
}

</mosaic_0001>

<sc_bundles>
// kernel: kernel.12.cloned.1.call-start
scs
__scs_entry_jumppad:
0x0: {  	(pc) =	sbr.rel $0x88, $3  }
0x1: {  	(tag) =	ssettag $0x0;
	lr =	simm.s32 $0x1  }
0x2: {  	[smem:$0x3F98] =	sst lr;
	_ =	strace $0xD0000000  }
0x3: {  	_ = 	snop  }
0x4: {  	_ = 	snop  }
0x5: {  	_ = 	snop  }
0x6: {  	_ = 	snop  }
0x7: {  	_ = 	snop  }
__scs_overlays_trampoline_lowered:
0x8: {  	[smem:$0x3FA7] =	sst s0  }
0x9: {  	[smem:$0x3FA8] =	sst s1  }
0xa: {  	[smem:$0x3FA9] =	sst s2  }
0xb: {  	[smem:$0x3FAA] =	sst s3  }
0xc: {  	[smem:$0x3FAB] =	sst s4  }
0xd: {  	[smem:$0x3FAC] =	sst s5  }
0xe: {  	[smem:$0x3FAD] =	sst s6  }
0xf: {  	[smem:$0x3FAE] =	sst s7  }
0x10: {  	[smem:$0x3FAF] =	sst s8  }
0x11: {  	[smem:$0x3FB0] =	sst s9;
	s0 =	simm.s32 @!p0 $0x0  }
0x12: {  	s1 =	sld [smem:$0x3F96];
	s0 =	simm.s32 @p0 $0x1  }
0x13: {  	[smem:$0x3FB1] =	sst s0;
	s0 =	simm.s32 @!p1 $0x0  }
0x14: {  	s2 =	sld [smem:$0x3F95];
	s0 =	simm.s32 @p1 $0x1  }
0x15: {  	[smem:$0x3FB2] =	sst s0;
	s0 =	simm.s32 @!p2 $0x0  }
0x16: {  	s3 =	sld [smem:$0x3FDB];
	s0 =	simm.s32 @p2 $0x1  }
0x17: {  	s4 =	simm.s32 $0x1BF5;
	[smem:$0x3FB4] =	sst s0  }
0x18: {  	s0 =	sld [smem:$0x3F97];
	_ =	swait.ge [sflag:s4], $0x0  }
0x19: {  	s7 =	sld [smem:$0x3F98]  }
0x1a: {  	s8 =	sadd.s32 $0xFFFFE003, lr  }
0x1b: {  	s9 =	sadd.s32 $0xFFFFFEF7, lr;
	s5 =	simm.s32 $0xFFFFFFFF;
	p2 =	slt.u32 s8, $0xFFFFF086  }
0x1c: {  	p1 =	slt.u32 s9, $0xF7A;
	s5 =	simm.s32 @!p2 $0x0  }
0x1d: {  	s5 =	simm.s32 @p1 $0x1;
	p0 =	seq.s32 s7, s2  }
0x1e: {  	s7 =	smul.u32 @!p0 $0xF7A, s2;
	p2 =	seq.s32 @!p0 s5, $0x0  }
0x1f: {  	s9 =	smul.u32 $0xF7A, s1;
	s8 =	simm.s32 @!p0 $0x1BF5;
	p2 =	por !p2, p0  }
0x20: {  	[sflag:s8] =	ssyncset.s32 @!p0 $0xFFFFF086;
	s6 =	sadd.s32 @!p0 s3, s7;
	s7 =	simm.s32 @!p0 $0x108  }
0x21: {  	s3 =	sadd.s32 s3, s9;
	s6 =	sadd.s32 @!p0 $0x88, s6;
	s7 =	simm.s32 @p2 $0x1082  }
0x22: {  	[simem:s7], [sflag:s8] =	dma.local @!p0 [hbm:s6], $0xF7A  }
0x23: {  	s9 =	sor.u32 $0xD0000000, s2;
	s6 =	simm.s32 $0x108;
	_ =	swait.ge @!p0 [sflag:s8], $0x0  }
0x24: {  	s3 =	sadd.s32 $0x88, s3;
	s6 =	simm.s32 @!p1 $0x1082;
	[sflag:s4] =	ssyncset.s32 $0xFFFFF086  }
0x25: {  	[simem:s6], [sflag:s4] =	dma.local [hbm:s3], $0xF7A  }
0x26: {  	[smem:$0x3F98] =	sst s1;
	(tag) =	ssettag s2;
	_ =	strace s9  }
0x27: {  	s1 =	sld [smem:$0x3FA8]  }
0x28: {  	s2 =	sld [smem:$0x3FA9]  }
0x29: {  	s4 =	sld [smem:$0x3FAB]  }
0x2a: {  	p0 =	seq.s32 s5, $0x0;
	s5 =	sld [smem:$0x3FAC]  }
0x2b: {  	s6 =	sld [smem:$0x3FAD]  }
0x2c: {  	s7 =	sld [smem:$0x3FAE]  }
0x2d: {  	s3 =	simm.s32 $0x108;
	s8 =	sld [smem:$0x3FAF]  }
0x2e: {  	s3 =	simm.s32 @!p0 $0x1082;
	s9 =	sld [smem:$0x3FB0]  }
0x2f: {  	lr =	sadd.s32 s0, s3;
	s0 =	sld [smem:$0x3FA7]  }
0x30: {  	s3 =	sld [smem:$0x3FAA]  }
0x31: {  	[smem:$0x3FB3] =	sst s10  }
0x32: {  	s10 =	sld [smem:$0x3FB1];
	_ =	sdelay $0x3  }
0x33: {  	p0 =	seq.s32 s10, $0x1;
	s10 =	sld [smem:$0x3FB3];
	_ =	sdelay $0x3  }
0x34: {  	[smem:$0x3FB3] =	sst s10  }
0x35: {  	s10 =	sld [smem:$0x3FB2];
	_ =	sdelay $0x3  }
0x36: {  	p1 =	seq.s32 s10, $0x1;
	s10 =	sld [smem:$0x3FB3];
	_ =	sdelay $0x3  }
0x37: {  	[smem:$0x3FB3] =	sst s10  }
0x38: {  	s10 =	sld [smem:$0x3FB4]  }
0x39: {  	_ = 	snop;
	(pc) =	sbr.ind lr, $3  }
0x3a: {  	_ = 	snop  }
0x3b: {  	_ = 	snop  }
0x3c: {  	p2 =	seq.s32 s10, $0x1;
	s10 =	sld [smem:$0x3FB3]  }
0x3d: {  	_ =	shalt  }
0x3e: {  	_ =	shalt  }
0x3f: {  	_ =	shalt  }
0x40: {  	_ =	shalt  }
0x41: {  	_ =	shalt  }
0x42: {  	_ =	shalt  }
0x43: {  	_ =	shalt  }
0x44: {  	_ =	shalt  }
0x45: {  	_ =	shalt  }
0x46: {  	_ =	shalt  }
0x47: {  	_ =	shalt  }
0x48: {  	_ =	shalt  }
0x49: {  	_ =	shalt  }
0x4a: {  	_ =	shalt  }
0x4b: {  	_ =	shalt  }
0x4c: {  	_ =	shalt  }
0x4d: {  	_ =	shalt  }
0x4e: {  	_ =	shalt  }
0x4f: {  	_ =	shalt  }
0x50: {  	_ =	shalt  }
0x51: {  	_ =	shalt  }
0x52: {  	_ =	shalt  }
0x53: {  	_ =	shalt  }
0x54: {  	_ =	shalt  }
0x55: {  	_ =	shalt  }
0x56: {  	_ =	shalt  }
0x57: {  	_ =	shalt  }
0x58: {  	_ =	shalt  }
0x59: {  	_ =	shalt  }
0x5a: {  	_ =	shalt  }
0x5b: {  	_ =	shalt  }
0x5c: {  	_ =	shalt  }
0x5d: {  	_ =	shalt  }
0x5e: {  	_ =	shalt  }
0x5f: {  	_ =	shalt  }
0x60: {  	_ =	shalt  }
0x61: {  	_ =	shalt  }
0x62: {  	_ =	shalt  }
0x63: {  	_ =	shalt  }
0x64: {  	_ =	shalt  }
0x65: {  	_ =	shalt  }
0x66: {  	_ =	shalt  }
0x67: {  	_ =	shalt  }
0x68: {  	_ =	shalt  }
0x69: {  	_ =	shalt  }
0x6a: {  	_ =	shalt  }
0x6b: {  	_ =	shalt  }
0x6c: {  	_ =	shalt  }
0x6d: {  	_ =	shalt  }
0x6e: {  	_ =	shalt  }
0x6f: {  	_ =	shalt  }
0x70: {  	_ =	shalt  }
0x71: {  	_ =	shalt  }
0x72: {  	_ =	shalt  }
0x73: {  	_ =	shalt  }
0x74: {  	_ =	shalt  }
0x75: {  	_ =	shalt  }
0x76: {  	_ =	shalt  }
0x77: {  	_ =	shalt  }
0x78: {  	_ =	shalt  }
0x79: {  	_ =	shalt  }
0x7a: {  	_ =	shalt  }
0x7b: {  	_ =	shalt  }
0x7c: {  	_ =	shalt  }
0x7d: {  	_ =	shalt  }
0x7e: {  	_ =	shalt  }
0x7f: {  	_ =	shalt  }
0x80: {  	_ =	shalt  }
0x81: {  	_ =	shalt  }
0x82: {  	_ =	shalt  }
0x83: {  	_ =	shalt  }
0x84: {  	_ =	shalt  }
0x85: {  	_ =	shalt  }
0x86: {  	_ =	shalt  }
0x87: {  	_ =	shalt  }
.Lfunc_end0:
.L_simem_size_0:
called_computation.1_lowered:
.L_overlay_start_0:
0x88: {  	s2 =	sld [smem:$0x3FD9]  }
0x89: {  	s3 =	sld [smem:$0x3FFE];
	_ =	sdelay $0x1  }
0x8a: {  	s1 =	srdreg.scid  }
0x8b: {  	s0 =	sand.u32 $0x1, s1  }
0x8c: {  	s17 =	sshll.u32 s0, $0xA;
	s2 =	sadd.s32 s3, s2  }
0x8d: {  	s2 =	sadd.s32 s2, s17  }
0x8e: {  	[smem:$0x3FBF] =	sst s2  }
0x8f: {  	_ = 	snop  }
0x90: {  	s2 =	sld [smem:$0x3FD0];
	(tm) =	ssettm $0x1  }
0x91: {  	s18 =	sld [smem:$0x3FFB];
	_ =	sdelay $0x3  }
0x92: {  	_ =	strace s18  }
0x93: {  	s3 =	sld [smem:$0x3FFC];
	_ =	sdelay $0x3  }
0x94: {  	_ =	strace s3  }
0x95: {  	s3 =	sld [smem:$0x3FFD];
	_ =	sdelay $0x3  }
0x96: {  	_ =	strace s3  }
0x97: {  	_ =	strace $0x8FFFFFFF  }
0x98: {  	s19 =	sld [smem:$0x3FDB];
	_ =	sdelay $0x1  }
0x99: {  	s4 =	simm.s32 $_scs_section_size  }
0x9a: {  	s5 =	simm.s32 $_size__tile_overlayer_lowered;
	s6 =	simm.s32 $_tile_overlayer_lowered  }
0x9b: {  	s22 =	simm.s32 $0x1BFF;
	s21 =	sshll.u32 s6, $0x1;
	s3 =	sadd.s32 s4, s19  }
0x9c: {  	s7 =	simm.s32 $0x0;
	s20 =	sshll.u32 s5, $0x1;
	s5 =	sadd.s32 s21, s3  }
0x9d: {  	[timem:s7], [sflag:s22] =	dma.local [hbm:s5], s20  }
0x9e: {  	_ =	swait.ge [sflag:s22], s20  }
0x9f: {  	s4 =	ssub.s32 $0x0, s20;
	[sflag:s22] =	ssyncset.done $0x0  }
0xa0: {  	[sflag:s22] =	ssyncadd.s32 s4;
	_ =	sdelay $0x1  }
0xa1: {  	s23 =	simm.s32 $0x1B8B  }
0xa2: {  	_ =	swait.ge [sflag:s23], $0x1  }
0xa3: {  	[sflag:s23] =	ssyncset.done $0x0  }
0xa4: {  	s25 =	simm.s32 $0x1B8E;
	s24 =	sld [smem:$0x3FFE];
	[sflag:s23] =	ssyncadd.s32 $0xFFFFFFFF  }
0xa5: {  	s26 =	simm.s32 $execute0_lowered;
	[smem:$0x3FD2] =	sst s25  }
0xa6: {  	s5 =	sshll.u32 s26, $0x1;
	_ =	strace $0x80000049;
	[dreg:$0x1] =	wrdreg $0xFFFFFFFF  }
0xa7: {  	s28 =	simm.s32 $_size_execute0_lowered;
	s3 =	sadd.s32 s3, s5;
	[dreg:$0x0] =	wrdreg $0x0  }
0xa8: {  	s5 =	sshll.u32 s28, $0x1;
	[dreg:$0x2] =	wrdreg s3  }
0xa9: {  	[dreg:$0x3] =	wrdreg s5  }
0xaa: {  	[dreg:$0x4] =	wrdreg $0xC0  }
0xab: {  	_ =	task [dreg:s7], $0x5FFFF  }
0xac: {  	[dreg:$0x1] =	wrdreg $0xFFFFFFFF  }
0xad: {  	[dreg:$0x0] =	wrdreg $0x60  }
0xae: {  	[dreg:$0x2] =	wrdreg s24  }
0xaf: {  	[dreg:$0x3] =	wrdreg s2  }
0xb0: {  	[dreg:$0x4] =	wrdreg $0xBA000  }
0xb1: {  	[dreg:$0x5] =	wrdreg $0x9  }
0xb2: {  	_ =	task.clear_ibuf [dreg:s7], $0x6FFFF;
	_ =	strace $0x90000049  }
0xb3: {  	s29 =	simm.s32 $0x9;
	_ =	strace $0x8000004B  }
0xb4: {  	_ =	swait.ge [sflag:s29], $0x1  }
0xb5: {  	[sflag:s29] =	ssyncadd.s32 $0xFFFFFFFF  }
0xb6: {  	_ =	strace $0x9000004B  }
0xb7: {  	_ =	sfence  }
0xb8: {  	s30 =	sld [smem:$0x0];
	_ =	sdelay $0x2  }
0xb9: {  	s31 =	sshll.u32 s1, $0xD;
	s1 =	sshrl.u32 s1, $0x2  }
0xba: {  	s3 =	sand.u32 $0x4000, s31;
	s1 =	sadd.s32 s1, s30  }
0xbb: {  	s0 =	sor.u32 s3, s0;
	s1 =	sshll.u32 s1, $0x11  }
0xbc: {  	s0 =	sor.u32 s1, s0  }
0xbd: {  	s0 =	sadd.s32 $0x8F2B, s0  }
0xbe: {  	[sflag:s0] =	ssyncadd.remote.s32 $0x1  }
0xbf: {  	_ =	sfence.sel $0xFFFF  }
0xc0: {  	[dreg:$0x0] =	wrdreg $0xFFFFFFFF;
	(pc) =	sbr.abs _section_cstart, $3  }
0xc1: {  	[dreg:$0x1] =	wrdreg $0xFFFFFFFF  }
0xc2: {  	_ =	task.clear_ibuf [dreg:s7], $0x2FFFF;
	_ =	strace $0x9FFFFFFF  }
0xc3: {  	(tm) =	ssettm $0x7FFFFFFF  }
tec
execute0_lowered:
.L_overlay_start_1:
0x0: {  	(tag) =	ssettag $0x1  }
0x1: {  	s0 =	rddreg [dreg:$0x0]  }
0x2: {  	s2 =	srdreg.scid;
	s15 =	stileid.u32  }
0x3: {  	s1 =	rddreg [dreg:$0x1];
	s3 =	sand.u32 $0x1, s2;
	s6 =	smul.u32 $0x14000, s15  }
0x4: {  	s2 =	simm.s32 $0x0;
	s8 =	sadd.s32 $0x48600, s0;
	s4 =	smul.u32 $0x140000, s3  }
0x5: {  	s5 =	sshll.u32 s3, $0x4;
	s3 =	ssub.s32 $0x2, s3;
	[smem:$0x7FF] =	sst s2  }
0x6: {  	s5 =	sor.u32 s15, s5;
	s7 =	sshrl.u32 s3, $0x1;
	s9 =	sor.u32 $0x2000, s6  }
0x7: {  	s10 =	sadd.s32 $0x4000, s6;
	s12 =	sadd.s32 $0x6000, s6;
	s14 =	sadd.s32 $0xA000, s6  }
0x8: {  	s19 =	sadd.s32 $0xC000, s6;
	s20 =	sadd.s32 $0xE000, s6;
	s3 =	ssub.s32 s3, s7  }
0x9: {  	s21 =	sadd.s32 s4, s6;
	s22 =	sadd.s32 s4, s9;
	s11 =	sadd.s32 s4, s10  }
0xa: {  	s24 =	sadd.s32 s4, s12;
	s13 =	sadd.s32 s4, s14;
	s16 =	sadd.s32 s4, s20  }
0xb: {  	s7 =	sshrl.u32 s21, $0x3;
	s11 =	sshrl.u32 s11, $0x3;
	s13 =	sshrl.u32 s13, $0x3  }
0xc: {  	s21 =	sadd.s32 $0x10000, s6;
	s7 =	sadd.s32 s8, s7;
	s23 =	sadd.s32 s8, s11  }
0xd: {  	s11 =	sadd.s32 $0x8000, s6;
	s26 =	sadd.s32 s8, s13;
	s13 =	sadd.s32 s4, s19  }
0xe: {  	s17 =	sadd.s32 s4, s21;
	s6 =	sadd.s32 $0x12000, s6;
	[dreg:$0x4] =	wrdreg s7  }
0xf: {  	s7 =	sshrl.u32 s22, $0x3;
	[dreg:$0x6] =	wrdreg s23;
	s25 =	sadd.s32 s4, s11  }
0x10: {  	[dreg:$0x9] =	wrdreg s26;
	s4 =	sadd.s32 s4, s6;
	s7 =	sadd.s32 s8, s7  }
0x11: {  	s23 =	smul.u32 $0x50000, s15;
	[dreg:$0x5] =	wrdreg s7;
	s7 =	sshrl.u32 s24, $0x3  }
0x12: {  	s15 =	smul.u32 $0x2800, s5;
	s4 =	sshrl.u32 s4, $0x3;
	s7 =	sadd.s32 s8, s7  }
0x13: {  	s4 =	sadd.s32 s8, s4;
	[dreg:$0x7] =	wrdreg s7;
	s7 =	sshrl.u32 s25, $0x3  }
0x14: {  	s22 =	smul.u32 $0x500, s5;
	[dreg:$0xd] =	wrdreg s4;
	s7 =	sadd.s32 s8, s7  }
0x15: {  	s24 =	sshrl.u32 s23, $0x2;
	s26 =	sshrl.u32 s15, $0x3;
	[dreg:$0x8] =	wrdreg s7  }
0x16: {  	s7 =	sshrl.u32 s13, $0x3;
	s13 =	sshrl.u32 s17, $0x3;
	s17 =	sadd.s32 $0x17400, s0  }
0x17: {  	s7 =	sadd.s32 s8, s7;
	s18 =	sadd.s32 s8, s13;
	s13 =	rddreg [dreg:$0x2]  }
0x18: {  	s5 =	sadd.s32 s17, s26;
	[dreg:$0xa] =	wrdreg s7;
	s7 =	sshrl.u32 s16, $0x3  }
0x19: {  	[dreg:$0xc] =	wrdreg s18;
	s16 =	sadd.s32 $0x21400, s0;
	s18 =	sadd.s32 s24, s13  }
0x1a: {  	s7 =	sadd.s32 s8, s7;
	s8 =	sadd.s32 s9, s13;
	s9 =	sadd.s32 s10, s13  }
0x1b: {  	s10 =	sadd.s32 s12, s13;
	[dreg:$0xb] =	wrdreg s7;
	s7 =	sadd.s32 s22, s0  }
0x1c: {  	s0 =	sadd.s32 s1, s26;
	_ =	strace $0x8000004A;
	[dreg:$0xf] =	wrdreg s5  }
0x1d: {  	s12 =	sadd.s32 s11, s13;
	s24 =	sshrl.u32 s9, $0x3;
	[dreg:$0x10] =	wrdreg s0  }
0x1e: {  	s19 =	sadd.s32 s19, s13;
	s26 =	sshrl.u32 s12, $0x3;
	[dreg:$0x13] =	wrdreg s24  }
0x1f: {  	s4 =	sshrl.u32 s19, $0x3;
	[dreg:$0x15] =	wrdreg s26  }
0x20: {  	s9 =	sadd.s32 $0x1000, s18;
	[dreg:$0x17] =	wrdreg s4  }
0x21: {  	s11 =	sadd.s32 $0x3000, s18;
	[dreg:$0x1b] =	wrdreg s9  }
0x22: {  	s29 =	simm.s32 $0xAA00;
	s12 =	sadd.s32 $0x4000, s18;
	[dreg:$0x1d] =	wrdreg s11  }
0x23: {  	s30 =	simm.s32 $0x3;
	s19 =	sadd.s32 $0x6000, s18;
	[dreg:$0x1e] =	wrdreg s12  }
0x24: {  	s22 =	sadd.s32 s20, s13;
	s20 =	sadd.s32 $0x7000, s18;
	[smem:$0x7F6] =	sst s19  }
0x25: {  	s23 =	sadd.s32 s21, s13;
	s21 =	sadd.s32 $0x8000, s18;
	[smem:$0x7F7] =	sst s20  }
0x26: {  	s31 =	simm.s32 $0x200;
	s25 =	sadd.s32 $0xCA00, s7;
	[smem:$0x7F8] =	sst s21  }
0x27: {  	s14 =	sadd.s32 s14, s13;
	s7 =	smax.u32 s3, $0x1;
	[dreg:$0xe] =	wrdreg s25  }
0x28: {  	s6 =	sadd.s32 s6, s13;
	s0 =	sshrl.u32 s8, $0x3;
	[dreg:$0x11] =	wrdreg s7  }
0x29: {  	s28 =	sadd.s32 $0x13000, s18;
	s3 =	sshrl.u32 s14, $0x3;
	[dreg:$0x12] =	wrdreg s0  }
0x2a: {  	s5 =	sshrl.u32 s22, $0x3;
	s8 =	sshrl.u32 s6, $0x3;
	[dreg:$0x16] =	wrdreg s3  }
0x2b: {  	s14 =	sadd.s32 $0x5000, s18;
	s22 =	sadd.s32 $0x9000, s18;
	[dreg:$0x18] =	wrdreg s5  }
0x2c: {  	s24 =	sadd.s32 $0xB000, s18;
	s26 =	sadd.s32 $0xD000, s18;
	[dreg:$0x1a] =	wrdreg s8  }
0x2d: {  	s11 =	simm.s32 $0x100;
	s4 =	simm.s32 $0x2A00;
	[dreg:$0x1f] =	wrdreg s14  }
0x2e: {  	s6 =	simm.s32 $0x6A00;
	s25 =	sshrl.u32 s10, $0x3;
	[smem:$0x7F9] =	sst s22  }
0x2f: {  	s7 =	sshrl.u32 s23, $0x3;
	s0 =	sor.u32 $0x100, s15;
	[smem:$0x7FB] =	sst s24  }
0x30: {  	s10 =	sadd.s32 $0x2000, s18;
	s23 =	sadd.s32 $0xA000, s18;
	[smem:$0x7FD] =	sst s26  }
0x31: {  	s22 =	sadd.s32 $0xE000, s18;
	s24 =	sadd.s32 $0x10000, s18;
	[dreg:$0x14] =	wrdreg s25  }
0x32: {  	s26 =	sadd.s32 $0x12000, s18;
	s3 =	simm.s32 $0x80;
	[dreg:$0x19] =	wrdreg s7  }
0x33: {  	s5 =	simm.s32 $0x180;
	s8 =	simm.s32 $0x2;
	[dreg:$0x1c] =	wrdreg s10  }
0x34: {  	[smem:$0x7FA] =	sst s23;
	s25 =	sadd.s32 $0xC000, s18;
	s23 =	sadd.s32 $0xF000, s18  }
0x35: {  	v0 =	vimm.f32 $0.0e+00;
	s7 =	simm.s32 $0x1;
	[smem:$0x7FC] =	sst s25;
	s25 =	sadd.s32 $0x11000, s18  }
.LBB2_1:
0x36: {  	s9 =	simm.s32 $0x0;
	s10 =	simm.s32 $0x200  }
.LBB2_2:
0x37: {  	p0 =	sne.s32 s10, $0x3E00;
	[tilespmem:s9+$0xAA70] =	vst v0  }
0x38: {  	[tilespmem:s9+$0xAA00] =	vst v0  }
0x39: {  	[tilespmem:s9+$0xAA10] =	vst v0  }
.Ltmp0:
0x3a: {  	[tilespmem:s9+$0xAA20] =	vst v0;
	(pc) =	sbr.rel @p0 .LBB2_2-.Ltmp0, $4  }
0x3b: {  	[tilespmem:s9+$0xAA30] =	vst v0  }
0x3c: {  	[tilespmem:s9+$0xAA40] =	vst v0  }
0x3d: {  	[tilespmem:s9+$0xAA50] =	vst v0  }
0x3e: {  	[tilespmem:s9+$0xAA60] =	vst v0;
	s9 =	sshra.s32 s10, $0x2;
	s10 =	sadd.s32 $0x200, s10  }
0x3f: {  	[tilespmem:s9+$0xAA70] =	vst v0  }
0x40: {  	[tilespmem:s9+$0xAA00] =	vst v0  }
0x41: {  	[tilespmem:s9+$0xAA10] =	vst v0  }
0x42: {  	[tilespmem:s9+$0xAA20] =	vst v0  }
0x43: {  	[tilespmem:s9+$0xAA30] =	vst v0  }
0x44: {  	[tilespmem:s9+$0xAA40] =	vst v0  }
0x45: {  	[tilespmem:s9+$0xAA50] =	vst v0  }
0x46: {  	[tilespmem:s9+$0xAA60] =	vst v0  }
0x47: {  	[spmem:s18] =	stream.linear.scatter [tilespmem:s29], [sflag:$0x3], $0x1000, $0x38;
	[tilespmem:$0x1FA00] =	vst v63  }
0x48: {  	_ =	swait.ge [sflag:s30], $0x1000  }
0x49: {  	[sflag:s30] =	ssyncset.done $0x0  }
0x4a: {  	s19 =	rddreg [dreg:$0x1b];
	[sflag:s30] =	ssyncadd.s32 $0xFFFFF000  }
0x4b: {  	[spmem:s19] =	stream.linear.scatter [tilespmem:s29], [sflag:$0x3], $0x1000, $0x38;
	[tilespmem:$0x1FA00] =	vst v63  }
0x4c: {  	_ =	swait.ge [sflag:s30], $0x1000  }
0x4d: {  	[sflag:s30] =	ssyncset.done $0x0  }
0x4e: {  	s20 =	rddreg [dreg:$0x1c];
	[sflag:s30] =	ssyncadd.s32 $0xFFFFF000  }
0x4f: {  	[spmem:s20] =	stream.linear.scatter [tilespmem:s29], [sflag:$0x3], $0x1000, $0x38;
	[tilespmem:$0x1FA00] =	vst v63  }
0x50: {  	_ =	swait.ge [sflag:s30], $0x1000  }
0x51: {  	[sflag:s30] =	ssyncset.done $0x0  }
0x52: {  	s21 =	rddreg [dreg:$0x1d];
	[sflag:s30] =	ssyncadd.s32 $0xFFFFF000  }
0x53: {  	[spmem:s21] =	stream.linear.scatter [tilespmem:s29], [sflag:$0x3], $0x1000, $0x38;
	[tilespmem:$0x1FA00] =	vst v63  }
0x54: {  	_ =	swait.ge [sflag:s30], $0x1000  }
0x55: {  	[sflag:s30] =	ssyncset.done $0x0  }
0x56: {  	s10 =	rddreg [dreg:$0x1e];
	[sflag:s30] =	ssyncadd.s32 $0xFFFFF000  }
0x57: {  	[spmem:s10] =	stream.linear.scatter [tilespmem:s29], [sflag:$0x3], $0x1000, $0x38;
	[tilespmem:$0x1FA00] =	vst v63  }
0x58: {  	_ =	swait.ge [sflag:s30], $0x1000  }
0x59: {  	[sflag:s30] =	ssyncset.done $0x0  }
0x5a: {  	s12 =	rddreg [dreg:$0x1f];
	[sflag:s30] =	ssyncadd.s32 $0xFFFFF000  }
0x5b: {  	[spmem:s12] =	stream.linear.scatter [tilespmem:s29], [sflag:$0x3], $0x1000, $0x38;
	[tilespmem:$0x1FA00] =	vst v63  }
0x5c: {  	_ =	swait.ge [sflag:s30], $0x1000  }
0x5d: {  	s14 =	sld [smem:$0x7F6]  }
0x5e: {  	[sflag:s30] =	ssyncset.done $0x0  }
0x5f: {  	[sflag:s30] =	ssyncadd.s32 $0xFFFFF000  }
0x60: {  	[spmem:s14] =	stream.linear.scatter [tilespmem:s29], [sflag:$0x3], $0x1000, $0x38;
	[tilespmem:$0x1FA00] =	vst v63  }
0x61: {  	_ =	swait.ge [sflag:s30], $0x1000  }
0x62: {  	s19 =	sld [smem:$0x7F7]  }
0x63: {  	[sflag:s30] =	ssyncset.done $0x0  }
0x64: {  	[sflag:s30] =	ssyncadd.s32 $0xFFFFF000  }
0x65: {  	[spmem:s19] =	stream.linear.scatter [tilespmem:s29], [sflag:$0x3], $0x1000, $0x38;
	[tilespmem:$0x1FA00] =	vst v63  }
0x66: {  	_ =	swait.ge [sflag:s30], $0x1000  }
0x67: {  	s20 =	sld [smem:$0x7F8]  }
0x68: {  	[sflag:s30] =	ssyncset.done $0x0  }
0x69: {  	[sflag:s30] =	ssyncadd.s32 $0xFFFFF000  }
0x6a: {  	[spmem:s20] =	stream.linear.scatter [tilespmem:s29], [sflag:$0x3], $0x1000, $0x38;
	[tilespmem:$0x1FA00] =	vst v63  }
0x6b: {  	_ =	swait.ge [sflag:s30], $0x1000  }
0x6c: {  	s21 =	sld [smem:$0x7F9]  }
0x6d: {  	[sflag:s30] =	ssyncset.done $0x0  }
0x6e: {  	[sflag:s30] =	ssyncadd.s32 $0xFFFFF000  }
0x6f: {  	[spmem:s21] =	stream.linear.scatter [tilespmem:s29], [sflag:$0x3], $0x1000, $0x38;
	[tilespmem:$0x1FA00] =	vst v63  }
0x70: {  	_ =	swait.ge [sflag:s30], $0x1000  }
0x71: {  	s10 =	sld [smem:$0x7FA]  }
0x72: {  	[sflag:s30] =	ssyncset.done $0x0  }
0x73: {  	[sflag:s30] =	ssyncadd.s32 $0xFFFFF000  }
0x74: {  	[spmem:s10] =	stream.linear.scatter [tilespmem:s29], [sflag:$0x3], $0x1000, $0x38;
	[tilespmem:$0x1FA00] =	vst v63  }
0x75: {  	_ =	swait.ge [sflag:s30], $0x1000  }
0x76: {  	s12 =	sld [smem:$0x7FB]  }
0x77: {  	[sflag:s30] =	ssyncset.done $0x0  }
0x78: {  	[sflag:s30] =	ssyncadd.s32 $0xFFFFF000  }
0x79: {  	[spmem:s12] =	stream.linear.scatter [tilespmem:s29], [sflag:$0x3], $0x1000, $0x38;
	[tilespmem:$0x1FA00] =	vst v63  }
0x7a: {  	_ =	swait.ge [sflag:s30], $0x1000  }
0x7b: {  	s14 =	sld [smem:$0x7FC]  }
0x7c: {  	[sflag:s30] =	ssyncset.done $0x0  }
0x7d: {  	[sflag:s30] =	ssyncadd.s32 $0xFFFFF000  }
0x7e: {  	[spmem:s14] =	stream.linear.scatter [tilespmem:s29], [sflag:$0x3], $0x1000, $0x38;
	[tilespmem:$0x1FA00] =	vst v63  }
0x7f: {  	_ =	swait.ge [sflag:s30], $0x1000  }
0x80: {  	s19 =	sld [smem:$0x7FD]  }
0x81: {  	[sflag:s30] =	ssyncset.done $0x0  }
0x82: {  	[sflag:s30] =	ssyncadd.s32 $0xFFFFF000  }
0x83: {  	[spmem:s19] =	stream.linear.scatter [tilespmem:s29], [sflag:$0x3], $0x1000, $0x38;
	[tilespmem:$0x1FA00] =	vst v63  }
0x84: {  	_ =	swait.ge [sflag:s30], $0x1000  }
0x85: {  	[sflag:s30] =	ssyncset.done $0x0  }
0x86: {  	[sflag:s30] =	ssyncadd.s32 $0xFFFFF000  }
0x87: {  	[spmem:s22] =	stream.linear.scatter [tilespmem:s29], [sflag:$0x3], $0x1000, $0x38;
	[tilespmem:$0x1FA00] =	vst v63  }
0x88: {  	_ =	swait.ge [sflag:s30], $0x1000  }
0x89: {  	[sflag:s30] =	ssyncset.done $0x0  }
0x8a: {  	[sflag:s30] =	ssyncadd.s32 $0xFFFFF000  }
0x8b: {  	[spmem:s23] =	stream.linear.scatter [tilespmem:s29], [sflag:$0x3], $0x1000, $0x38;
	[tilespmem:$0x1FA00] =	vst v63  }
0x8c: {  	_ =	swait.ge [sflag:s30], $0x1000  }
0x8d: {  	[sflag:s30] =	ssyncset.done $0x0  }
0x8e: {  	[sflag:s30] =	ssyncadd.s32 $0xFFFFF000  }
0x8f: {  	[spmem:s24] =	stream.linear.scatter [tilespmem:s29], [sflag:$0x3], $0x1000, $0x38;
	[tilespmem:$0x1FA00] =	vst v63  }
0x90: {  	_ =	swait.ge [sflag:s30], $0x1000  }
0x91: {  	[sflag:s30] =	ssyncset.done $0x0  }
0x92: {  	[sflag:s30] =	ssyncadd.s32 $0xFFFFF000  }
0x93: {  	[spmem:s25] =	stream.linear.scatter [tilespmem:s29], [sflag:$0x3], $0x1000, $0x38;
	[tilespmem:$0x1FA00] =	vst v63  }
0x94: {  	_ =	swait.ge [sflag:s30], $0x1000  }
0x95: {  	[sflag:s30] =	ssyncset.done $0x0  }
0x96: {  	[sflag:s30] =	ssyncadd.s32 $0xFFFFF000  }
0x97: {  	[spmem:s26] =	stream.linear.scatter [tilespmem:s29], [sflag:$0x3], $0x1000, $0x38;
	[tilespmem:$0x1FA00] =	vst v63  }
0x98: {  	_ =	swait.ge [sflag:s30], $0x1000  }
0x99: {  	[sflag:s30] =	ssyncset.done $0x0  }
0x9a: {  	[sflag:s30] =	ssyncadd.s32 $0xFFFFF000  }
0x9b: {  	[spmem:s28] =	stream.linear.scatter [tilespmem:s29], [sflag:$0x3], $0x1000, $0x38;
	[tilespmem:$0x1FA00] =	vst v63  }
0x9c: {  	_ =	swait.ge [sflag:s30], $0x1000  }
0x9d: {  	[sflag:s30] =	ssyncset.done $0x0  }
0x9e: {  	[sflag:s30] =	ssyncadd.s32 $0xFFFFF000  }
0x9f: {  	[bflag:$0x0] =	sbarrier.arrive $0xFFFF  }
0xa0: {  	s9 =	simm.s32 $0x0;
	s10 =	rddreg [dreg:$0xe]  }
0xa1: {  	[tilespmem:s31], [sflag:$0x3] =	stream.linear.gather [hbm4b:s10+s9], $0x2800, $0x38;
	[tilespmem:$0x1FA00] =	vst v63  }
0xa2: {  	_ =	swait.ge [sflag:s30], $0x2800  }
0xa3: {  	[sflag:s30] =	ssyncset.done $0x0  }
0xa4: {  	s20 =	rddreg [dreg:$0xf];
	[sflag:s30] =	ssyncadd.s32 $0xFFFFD800  }
0xa5: {  	[tilespmem:s9], [sflag:$0x3] =	stream.linear.gather [hbm4b:s20+s9], $0x80, $0x38;
	[tilespmem:$0x1FA00] =	vst v63  }
0xa6: {  	_ =	swait.ge [sflag:s30], $0x80  }
0xa7: {  	[sflag:s30] =	ssyncset.done $0x0  }
0xa8: {  	s21 =	rddreg [dreg:$0x10];
	[sflag:s30] =	ssyncadd.s32 $0xFFFFFF80  }
0xa9: {  	[tilespmem:s11], [sflag:$0x3] =	stream.linear.gather [hbm4b:s21+s9], $0x80, $0x38;
	[tilespmem:$0x1FA00] =	vst v63  }
0xaa: {  	_ =	swait.ge [sflag:s30], $0x80  }
0xab: {  	[sflag:s30] =	ssyncset.done $0x0  }
0xac: {  	s10 =	simm.s32 $0x0;
	[sflag:s30] =	ssyncadd.s32 $0xFFFFFF80  }
0xad: {  	[tilespmem:s4], [sflag:$0x1] =	stream.indirect.gather [hbm4b:s16+s3], $0x80, s9, s3, $0xb8;
	[tilespmem:$0x1FA00] =	vst v63  }
.LBB2_4:
0xae: {  	s12 =	sshllo.u32 s10, $0x1  }
0xaf: {  	s12 =	sshll.u32 s12, $0x7  }
0xb0: {  	s14 =	sadd.s32 s15, s12  }
0xb1: {  	s14 =	sshrl.u32 s14, $0x3  }
0xb2: {  	s19 =	sadd.s32 s17, s14  }
0xb3: {  	[tilespmem:s3], [sflag:$0x3] =	stream.linear.gather [hbm4b:s19+s9], $0x80, $0x38;
	[tilespmem:$0x1FA00] =	vst v63  }
0xb4: {  	_ =	swait.ge [sflag:s30], $0x80  }
0xb5: {  	[sflag:s30] =	ssyncset.done $0x0  }
0xb6: {  	s14 =	sadd.s32 s1, s14;
	[sflag:s30] =	ssyncadd.s32 $0xFFFFFF80  }
0xb7: {  	[tilespmem:s5], [sflag:$0x3] =	stream.linear.gather [hbm4b:s14+s9], $0x80, $0x38;
	[tilespmem:$0x1FA00] =	vst v63  }
0xb8: {  	_ =	swait.ge [sflag:s30], $0x80  }
0xb9: {  	s20 =	sshll.u32 s10, $0x8;
	v2 =	vmov s9;
	[sflag:s30] =	ssyncset.done $0x0  }
0xba: {  	v1 =	vmov s20;
	v2 =	vand.u32 $0x7F, v2;
	[sflag:s30] =	ssyncadd.s32 $0xFFFFFF80  }
0xbb: {  	v2 =	vadd.s32 v1, v2;
	[tilespmem:s6], [sflag:$0x2] =	stream.indirect.gather [hbm4b:s16+s3], $0x80, s3, s3, $0xb8;
	[tilespmem:$0x1FA00] =	vst v63  }
0xbc: {  	v2 =	vbroadcast v2, $0x0;
	_ =	swait.ge [sflag:s7], $0x4000  }
0xbd: {  	[sflag:s7] =	ssyncset.done $0x0  }
0xbe: {  	s14 =	simm.s32 $0x2A40;
	[sflag:s7] =	ssyncadd.s32 $0xFFFFC000  }
0xbf: {  	v6 =	vld [tilespmem:s14+$0x30]  }
0xc0: {  	v9 =	vld [tilespmem:s14+$0x10]  }
0xc1: {  	v7 =	vld [tilespmem:s14+$0xFFFFFFC0]  }
0xc2: {  	v3 =	vld.idx.msk [tilespmem:v2+s31+$0x0], $0xffff  }
0xc3: {  	v12 =	vld [tilespmem:s14+$0xFFFFFFE0]  }
0xc4: {  	v2 =	vld [tilespmem:s14+$0xFFFFFFF0]  }
0xc5: {  	v4 =	vld [tilespmem:s14+$0x20]  }
0xc6: {  	v5 =	vld [tilespmem:s14+$0xFFFFFFD0]  }
0xc7: {  	v10 =	vmul.f32 v6, v3;
	v6 =	vld [tilespmem:s14+$0x0]  }
0xc8: {  	s21 =	simm.s32 $0x1;
	v8 =	vmul.f32 v7, v3  }
0xc9: {  	s20 =	simm.s32 $0x2;
	v11 =	vmov s21;
	s19 =	simm.s32 $0x2A40;
	v7 =	vmul.f32 v12, v3;
	v9 =	vmul.f32 v9, v3  }
.LBB2_5:
0xca: {  	p0 =	sne.s32 s20, $0x7F  }
0xcb: {  	v11 =	vand.u32 $0x7F, v11;
	v5 =	vmul.f32 v5, v3;
	v4 =	vmul.f32 v4, v3;
	[tilespmem:s14+$0x30] =	vst v10;
	s19 =	sadd.s32 $0x80, s19;
	s21 =	smov.u32 s20;
	s20 =	sadd.s32 $0x1, s20  }
0xcc: {  	v10 =	vadd.s32 v1, v11;
	[tilespmem:s14+$0xFFFFFFC0] =	vst v8;
	v8 =	vmul.f32 v2, v3;
	v3 =	vmul.f32 v6, v3  }
0xcd: {  	v6 =	vbroadcast v10, $0x0;
	[tilespmem:s14+$0x10] =	vst v9  }
0xce: {  	[tilespmem:s14+$0xFFFFFFE0] =	vst v7  }
0xcf: {  	v2 =	vld [tilespmem:s19+$0xFFFFFFF0];
	[tilespmem:s14+$0xFFFFFFF0] =	vst v8  }
0xd0: {  	v7 =	vld [tilespmem:s19+$0x30];
	[tilespmem:s14+$0x0] =	vst v3  }
0xd1: {  	v9 =	vld [tilespmem:s19+$0x10];
	[tilespmem:s14+$0x20] =	vst v4  }
0xd2: {  	v8 =	vld [tilespmem:s19+$0xFFFFFFC0];
	[tilespmem:s14+$0xFFFFFFD0] =	vst v5;
	s14 =	smov.u32 s19  }
0xd3: {  	v3 =	vld.idx.msk [tilespmem:v6+s31+$0x0], $0xffff  }
0xd4: {  	v12 =	vld [tilespmem:s19+$0xFFFFFFE0]  }
0xd5: {  	v4 =	vld [tilespmem:s19+$0x20]  }
.Ltmp1:
0xd6: {  	v5 =	vld [tilespmem:s19+$0xFFFFFFD0];
	(pc) =	sbr.rel @p0 .LBB2_5-.Ltmp1, $3  }
0xd7: {  	v6 =	vld [tilespmem:s19+$0x0];
	_ =	sdelay $0x1  }
0xd8: {  	v8 =	vmul.f32 v8, v3;
	v10 =	vmul.f32 v7, v3  }
0xd9: {  	v11 =	vmov s21;
	v9 =	vmul.f32 v9, v3;
	v7 =	vmul.f32 v12, v3  }
0xda: {  	[tilespmem:s14+$0xFFFFFFC0] =	vst v8;
	v8 =	vand.u32 $0x7F, v11  }
0xdb: {  	[tilespmem:s14+$0x30] =	vst v10;
	v1 =	vadd.s32 v1, v8  }
0xdc: {  	v2 =	vmul.f32 v2, v3;
	[tilespmem:s14+$0x10] =	vst v9;
	v1 =	vbroadcast v1, $0x0  }
0xdd: {  	s19 =	sadd.s32 $0x80, s19;
	[tilespmem:s14+$0xFFFFFFE0] =	vst v7;
	v6 =	vmul.f32 v6, v3  }
0xde: {  	v4 =	vmul.f32 v4, v3;
	v7 =	vld [tilespmem:s19+$0xFFFFFFF0];
	[tilespmem:s14+$0xFFFFFFF0] =	vst v2  }
0xdf: {  	v3 =	vmul.f32 v5, v3;
	v2 =	vld [tilespmem:s19+$0x30];
	[tilespmem:s14+$0x0] =	vst v6  }
0xe0: {  	v5 =	vld [tilespmem:s19+$0x10];
	[tilespmem:s14+$0x20] =	vst v4  }
0xe1: {  	v4 =	vld [tilespmem:s19+$0xFFFFFFC0];
	[tilespmem:s14+$0xFFFFFFD0] =	vst v3  }
0xe2: {  	v1 =	vld.idx.msk [tilespmem:v1+s31+$0x0], $0xffff;
	_ =	sdelay $0x2  }
0xe3: {  	v3 =	vld [tilespmem:s19+$0xFFFFFFE0];
	_ =	sdelay $0x1  }
0xe4: {  	v6 =	vld [tilespmem:s19+$0x0];
	v2 =	vmul.f32 v2, v1  }
0xe5: {  	v8 =	vld [tilespmem:s19+$0x20];
	v4 =	vmul.f32 v4, v1  }
0xe6: {  	v9 =	vld [tilespmem:s19+$0xFFFFFFD0];
	v5 =	vmul.f32 v5, v1;
	[tilespmem:s19+$0x30] =	vst v2  }
0xe7: {  	v2 =	vmul.f32 v3, v1;
	[tilespmem:s19+$0xFFFFFFC0] =	vst v4  }
0xe8: {  	v3 =	vmul.f32 v7, v1;
	[tilespmem:s19+$0x10] =	vst v5  }
0xe9: {  	v4 =	vmul.f32 v6, v1;
	[tilespmem:s19+$0xFFFFFFE0] =	vst v2  }
0xea: {  	v2 =	vmul.f32 v8, v1;
	[tilespmem:s19+$0xFFFFFFF0] =	vst v3  }
0xeb: {  	v1 =	vmul.f32 v9, v1;
	[tilespmem:s19+$0x0] =	vst v4  }
0xec: {  	p0 =	seq.s32 s10, $0x27;
	[tilespmem:s19+$0x20] =	vst v2  }
0xed: {  	s14 =	sshll.u32 @!p0 s10, $0x8;
	[tilespmem:s19+$0xFFFFFFD0] =	vst v1  }
0xee: {  	[spmem:s13] =	stream.indirect.scatter.add.f32 [tilespmem:s4], [sflag:$0x3], $0x80, s11, s3, $0xb8;
	[tilespmem:$0x1FA00] =	vst v63  }
0xef: {  	s14 =	sadd.s32 @!p0 s14, s0;
	_ =	swait.ge [sflag:s30], $0x4000  }
0xf0: {  	s14 =	sshrl.u32 @!p0 s14, $0x3;
	[sflag:s30] =	ssyncset.done $0x0  }
0xf1: {  	s20 =	simm.s32 @!p0 $0x0;
	s19 =	sadd.s32 @!p0 s17, s14;
	[sflag:s30] =	ssyncadd.s32 $0xFFFFC000  }
0xf2: {  	[tilespmem:s20], [sflag:$0x3] =	stream.linear.gather @!p0 [hbm4b:s19+s20], $0x80, $0x38;
	[tilespmem:$0x1FA00] =	vst v63  }
0xf3: {  	s19 =	simm.s32 @!p0 $0x3  }
0xf4: {  	_ =	swait.ge @!p0 [sflag:s19], $0x80  }
0xf5: {  	[sflag:s19] =	ssyncset.done @!p0 $0x0  }
0xf6: {  	s21 =	simm.s32 @!p0 $0x100;
	s14 =	sadd.s32 @!p0 s1, s14;
	[sflag:s19] =	ssyncadd.s32 @!p0 $0xFFFFFF80  }
0xf7: {  	[tilespmem:s21], [sflag:$0x3] =	stream.linear.gather @!p0 [hbm4b:s14+s20], $0x80, $0x38;
	[tilespmem:$0x1FA00] =	vst v63  }
0xf8: {  	s21 =	simm.s32 $0x0;
	_ =	swait.ge @!p0 [sflag:s19], $0x80  }
0xf9: {  	v2 =	vmov s21;
	[sflag:s19] =	ssyncset.done @!p0 $0x0  }
0xfa: {  	v1 =	vmov s12;
	s14 =	simm.s32 @!p0 $0x80;
	v2 =	vand.u32 $0x7F, v2;
	[sflag:s19] =	ssyncadd.s32 @!p0 $0xFFFFFF80;
	s19 =	simm.s32 @!p0 $0x2A00  }
0xfb: {  	v2 =	vadd.s32 v1, v2;
	[tilespmem:s19], [sflag:$0x1] =	stream.indirect.gather @!p0 [hbm4b:s16+s14], $0x80, s20, s14, $0xb8;
	[tilespmem:$0x1FA00] =	vst v63  }
0xfc: {  	v2 =	vbroadcast v2, $0x0;
	_ =	swait.ge [sflag:s8], $0x4000  }
0xfd: {  	[sflag:s8] =	ssyncset.done $0x0  }
0xfe: {  	s12 =	simm.s32 $0x6A40;
	[sflag:s8] =	ssyncadd.s32 $0xFFFFC000  }
0xff: {  	v6 =	vld [tilespmem:s12+$0x30]  }
0x100: {  	v9 =	vld [tilespmem:s12+$0x10]  }
0x101: {  	v7 =	vld [tilespmem:s12+$0xFFFFFFC0]  }
0x102: {  	v3 =	vld.idx.msk [tilespmem:v2+s31+$0x0], $0xffff  }
0x103: {  	v12 =	vld [tilespmem:s12+$0xFFFFFFE0]  }
0x104: {  	v4 =	vld [tilespmem:s12+$0x20]  }
0x105: {  	v5 =	vld [tilespmem:s12+$0xFFFFFFD0]  }
0x106: {  	v2 =	vld [tilespmem:s12+$0xFFFFFFF0]  }
0x107: {  	v10 =	vmul.f32 v6, v3;
	v6 =	vld [tilespmem:s12+$0x0]  }
0x108: {  	s21 =	simm.s32 $0x1;
	v8 =	vmul.f32 v7, v3  }
0x109: {  	v11 =	vmov s21;
	s19 =	simm.s32 $0x2;
	s14 =	simm.s32 $0x6A40;
	v7 =	vmul.f32 v12, v3;
	v9 =	vmul.f32 v9, v3  }
.LBB2_7:
0x10a: {  	p0 =	sne.s32 s19, $0x7F  }
0x10b: {  	v11 =	vand.u32 $0x7F, v11;
	v5 =	vmul.f32 v5, v3;
	v4 =	vmul.f32 v4, v3;
	[tilespmem:s12+$0x30] =	vst v10;
	s14 =	sadd.s32 $0x80, s14;
	s20 =	smov.u32 s19;
	s19 =	sadd.s32 $0x1, s19  }
0x10c: {  	v10 =	vadd.s32 v1, v11;
	[tilespmem:s12+$0xFFFFFFC0] =	vst v8;
	v8 =	vmul.f32 v2, v3;
	v3 =	vmul.f32 v6, v3  }
0x10d: {  	v6 =	vbroadcast v10, $0x0;
	[tilespmem:s12+$0x10] =	vst v9  }
0x10e: {  	[tilespmem:s12+$0xFFFFFFE0] =	vst v7  }
0x10f: {  	v2 =	vld [tilespmem:s14+$0xFFFFFFF0];
	[tilespmem:s12+$0xFFFFFFF0] =	vst v8  }
0x110: {  	v7 =	vld [tilespmem:s14+$0x30];
	[tilespmem:s12+$0x0] =	vst v3  }
0x111: {  	v9 =	vld [tilespmem:s14+$0x10];
	[tilespmem:s12+$0x20] =	vst v4  }
0x112: {  	v8 =	vld [tilespmem:s14+$0xFFFFFFC0];
	[tilespmem:s12+$0xFFFFFFD0] =	vst v5;
	s12 =	smov.u32 s14  }
0x113: {  	v3 =	vld.idx.msk [tilespmem:v6+s31+$0x0], $0xffff  }
0x114: {  	v12 =	vld [tilespmem:s14+$0xFFFFFFE0]  }
0x115: {  	v4 =	vld [tilespmem:s14+$0x20]  }
.Ltmp2:
0x116: {  	v5 =	vld [tilespmem:s14+$0xFFFFFFD0];
	(pc) =	sbr.rel @p0 .LBB2_7-.Ltmp2, $3  }
0x117: {  	v6 =	vld [tilespmem:s14+$0x0];
	_ =	sdelay $0x1  }
0x118: {  	v8 =	vmul.f32 v8, v3;
	v10 =	vmul.f32 v7, v3  }
0x119: {  	v11 =	vmov s20;
	v9 =	vmul.f32 v9, v3;
	v7 =	vmul.f32 v12, v3  }
0x11a: {  	[tilespmem:s12+$0x30] =	vst v10;
	v58 =	vand.u32 $0x7F, v11  }
0x11b: {  	[tilespmem:s12+$0xFFFFFFC0] =	vst v8;
	v1 =	vadd.s32 v1, v58  }
0x11c: {  	v2 =	vmul.f32 v2, v3;
	[tilespmem:s12+$0x10] =	vst v9;
	v1 =	vbroadcast v1, $0x0  }
0x11d: {  	s14 =	sadd.s32 $0x80, s14;
	[tilespmem:s12+$0xFFFFFFE0] =	vst v7;
	v6 =	vmul.f32 v6, v3  }
0x11e: {  	v4 =	vmul.f32 v4, v3;
	v3 =	vmul.f32 v5, v3;
	v7 =	vld [tilespmem:s14+$0xFFFFFFF0];
	[tilespmem:s12+$0xFFFFFFF0] =	vst v2  }
0x11f: {  	v2 =	vld [tilespmem:s14+$0x30];
	[tilespmem:s12+$0x0] =	vst v6  }
0x120: {  	v60 =	vld [tilespmem:s14+$0xFFFFFFC0];
	[tilespmem:s12+$0xFFFFFFD0] =	vst v3  }
0x121: {  	v59 =	vld [tilespmem:s14+$0x10];
	[tilespmem:s12+$0x20] =	vst v4  }
0x122: {  	v1 =	vld.idx.msk [tilespmem:v1+s31+$0x0], $0xffff;
	_ =	sdelay $0x2  }
0x123: {  	v6 =	vld [tilespmem:s14+$0x0]  }
0x124: {  	v3 =	vld [tilespmem:s14+$0xFFFFFFE0]  }
0x125: {  	v2 =	vmul.f32 v2, v1  }
0x126: {  	v61 =	vld [tilespmem:s14+$0x20];
	v4 =	vmul.f32 v60, v1  }
0x127: {  	v62 =	vld [tilespmem:s14+$0xFFFFFFD0];
	v5 =	vmul.f32 v59, v1;
	[tilespmem:s14+$0x30] =	vst v2  }
0x128: {  	v63 =	vmul.f32 v6, v1;
	[tilespmem:s14+$0xFFFFFFC0] =	vst v4  }
0x129: {  	v2 =	vmul.f32 v3, v1;
	[tilespmem:s14+$0x10] =	vst v5  }
0x12a: {  	v3 =	vmul.f32 v7, v1;
	[tilespmem:s14+$0x0] =	vst v63  }
0x12b: {  	[tilespmem:s14+$0xFFFFFFE0] =	vst v2;
	v2 =	vmul.f32 v61, v1  }
0x12c: {  	s10 =	sadd.s32 $0x1, s10;
	[tilespmem:s14+$0xFFFFFFF0] =	vst v3;
	v1 =	vmul.f32 v62, v1  }
0x12d: {  	p0 =	sne.s32 s10, $0x28;
	[tilespmem:s14+$0x20] =	vst v2  }
.Ltmp3:
0x12e: {  	[tilespmem:s14+$0xFFFFFFD0] =	vst v1;
	(pc) =	sbr.rel @p0 .LBB2_4-.Ltmp3, $4  }
0x12f: {  	[spmem:s13] =	stream.indirect.scatter.add.f32 [tilespmem:s6], [sflag:$0x3], $0x80, s5, s3, $0xb8;
	[tilespmem:$0x1FA00] =	vst v63  }
0x130: {  	_ =	swait.ge [sflag:s30], $0x4000  }
0x131: {  	[sflag:s30] =	ssyncset.done $0x0  }
0x132: {  	[sflag:s30] =	ssyncadd.s32 $0xFFFFC000  }
0x133: {  	s9 =	stileid.u32  }
0x134: {  	[bflag:$0x0] =	sbarrier.arrive $0xFFFF;
	s9 =	sshll.u32 s9, $0x6  }
0x135: {  	s10 =	sshrl.u32 s18, $0x3;
	s12 =	rddreg [dreg:$0x4];
	s9 =	sor.u32 $0x1C03, s9  }
0x136: {  	[hbm:s12], [sflag:s9] =	dma.local [spmem:s10], $0x400  }
0x137: {  	_ =	swait.ge [sflag:s30], $0x400  }
0x138: {  	[sflag:s30] =	ssyncset.done $0x0;
	s20 =	rddreg [dreg:$0x5]  }
0x139: {  	s21 =	rddreg [dreg:$0x12];
	[sflag:s30] =	ssyncadd.s32 $0xFFFFFC00  }
0x13a: {  	[hbm:s20], [sflag:s9] =	dma.local [spmem:s21], $0x400  }
0x13b: {  	_ =	swait.ge [sflag:s30], $0x400  }
0x13c: {  	[sflag:s30] =	ssyncset.done $0x0;
	s14 =	rddreg [dreg:$0x6]  }
0x13d: {  	s19 =	rddreg [dreg:$0x13];
	[sflag:s30] =	ssyncadd.s32 $0xFFFFFC00  }
0x13e: {  	[hbm:s14], [sflag:s9] =	dma.local [spmem:s19], $0x400  }
0x13f: {  	_ =	swait.ge [sflag:s30], $0x400  }
0x140: {  	[sflag:s30] =	ssyncset.done $0x0;
	s20 =	rddreg [dreg:$0x7]  }
0x141: {  	s21 =	rddreg [dreg:$0x14];
	[sflag:s30] =	ssyncadd.s32 $0xFFFFFC00  }
0x142: {  	[hbm:s20], [sflag:s9] =	dma.local [spmem:s21], $0x400  }
0x143: {  	_ =	swait.ge [sflag:s30], $0x400  }
0x144: {  	[sflag:s30] =	ssyncset.done $0x0;
	s14 =	rddreg [dreg:$0x8]  }
0x145: {  	s19 =	rddreg [dreg:$0x15];
	[sflag:s30] =	ssyncadd.s32 $0xFFFFFC00  }
0x146: {  	[hbm:s14], [sflag:s9] =	dma.local [spmem:s19], $0x400  }
0x147: {  	_ =	swait.ge [sflag:s30], $0x400  }
0x148: {  	[sflag:s30] =	ssyncset.done $0x0;
	s20 =	rddreg [dreg:$0x9]  }
0x149: {  	s21 =	rddreg [dreg:$0x16];
	[sflag:s30] =	ssyncadd.s32 $0xFFFFFC00  }
0x14a: {  	[hbm:s20], [sflag:s9] =	dma.local [spmem:s21], $0x400  }
0x14b: {  	_ =	swait.ge [sflag:s30], $0x400  }
0x14c: {  	[sflag:s30] =	ssyncset.done $0x0;
	s14 =	rddreg [dreg:$0xa]  }
0x14d: {  	s19 =	rddreg [dreg:$0x17];
	[sflag:s30] =	ssyncadd.s32 $0xFFFFFC00  }
0x14e: {  	[hbm:s14], [sflag:s9] =	dma.local [spmem:s19], $0x400  }
0x14f: {  	_ =	swait.ge [sflag:s30], $0x400  }
0x150: {  	[sflag:s30] =	ssyncset.done $0x0;
	s20 =	rddreg [dreg:$0xb]  }
0x151: {  	s21 =	rddreg [dreg:$0x18];
	[sflag:s30] =	ssyncadd.s32 $0xFFFFFC00  }
0x152: {  	[hbm:s20], [sflag:s9] =	dma.local [spmem:s21], $0x400  }
0x153: {  	_ =	swait.ge [sflag:s30], $0x400  }
0x154: {  	[sflag:s30] =	ssyncset.done $0x0;
	s12 =	rddreg [dreg:$0xc]  }
0x155: {  	s14 =	rddreg [dreg:$0x19];
	[sflag:s30] =	ssyncadd.s32 $0xFFFFFC00  }
0x156: {  	[hbm:s12], [sflag:s9] =	dma.local [spmem:s14], $0x400  }
0x157: {  	_ =	swait.ge [sflag:s30], $0x400  }
0x158: {  	[sflag:s30] =	ssyncset.done $0x0;
	s19 =	rddreg [dreg:$0xd]  }
0x159: {  	s20 =	rddreg [dreg:$0x1a];
	[sflag:s30] =	ssyncadd.s32 $0xFFFFFC00  }
0x15a: {  	[hbm:s19], [sflag:s9] =	dma.local [spmem:s20], $0x400  }
0x15b: {  	_ =	swait.ge [sflag:s30], $0x400  }
0x15c: {  	s2 =	sadd.s32 $0x1, s2;
	s21 =	rddreg [dreg:$0x11]  }
0x15d: {  	p0 =	sne.s32 s2, s21  }
.Ltmp4:
0x15e: {  	_ = 	snop;
	(pc) =	sbr.rel @p0 .LBB2_1-.Ltmp4, $3  }
0x15f: {  	_ =	sdelay $0x1  }
0x160: {  	[sflag:s30] =	ssyncset.done $0x0  }
0x161: {  	[sflag:s30] =	ssyncadd.s32 $0xFFFFFC00  }
0x162: {  	_ =	sfence.sel $0x180000  }
0x163: {  	[bflag:$0x0] =	sbarrier.arrive $0xFFFF  }
0x164: {  	_ =	strace $0x9000004A  }
0x165: {  	s0 =	stileid.u32;
	[bflag:$0x2] =	sbarrier.arrive $0xFFFF  }
0x166: {  	p0 =	sne.s32 s0, $0x0;
	s0 =	rddreg [dreg:$0x3]  }
0x167: {  	s0 =	sadd.s32 @!p0 $0x100000, s0  }
0x168: {  	[sflag:s0] =	ssyncadd.tile.s32 @!p0 $0x1;
	_ =	shalt  }
.Lfunc_end2:
_tile_overlayer_lowered:
.L_overlay_start_2:
0x169: {  	(tag) =	ssettag $0x2  }
0x16a: {  	s0 =	rddreg [dreg:$0x0];
	s2 =	stileid.u32  }
0x16b: {  	s1 =	rddreg [dreg:$0x1];
	p0 =	sne.s32 s2, $0x0  }
0x16c: {  	s3 =	rddreg [dreg:$0x2];
	[bflag:$0x3] =	sbarrier.arrive $0xFFFF;
	s2 =	simm.s32 @!p0 $0x1C03  }
0x16d: {  	[timem:s3], [sflag:s2] =	dma.local @!p0 [hbm:s0], s1  }
0x16e: {  	s0 =	simm.s32 @!p0 $0x3  }
0x16f: {  	_ =	swait.ge @!p0 [sflag:s0], s1  }
0x170: {  	s1 =	ssub.s32 @!p0 $0x0, s1;
	[sflag:s0] =	ssyncset.done @!p0 $0x0  }
0x171: {  	[sflag:s0] =	ssyncadd.s32 @!p0 s1  }
0x172: {  	[bflag:$0x3] =	sbarrier.arrive $0xFFFF  }
0x173: {  	_ =	shalt  }

// kernel: kernel.15.cloned.1.call-start
scs
__scs_entry_jumppad:
0x0: {  	(pc) =	sbr.rel $0x88, $3  }
0x1: {  	(tag) =	ssettag $0x0;
	lr =	simm.s32 $0x1  }
0x2: {  	[smem:$0x3F98] =	sst lr;
	_ =	strace $0xD0000000  }
0x3: {  	_ = 	snop  }
0x4: {  	_ = 	snop  }
0x5: {  	_ = 	snop  }
0x6: {  	_ = 	snop  }
0x7: {  	_ = 	snop  }
__scs_overlays_trampoline_lowered:
0x8: {  	[smem:$0x3FA7] =	sst s0  }
0x9: {  	[smem:$0x3FA8] =	sst s1  }
0xa: {  	[smem:$0x3FA9] =	sst s2  }
0xb: {  	[smem:$0x3FAA] =	sst s3  }
0xc: {  	[smem:$0x3FAB] =	sst s4  }
0xd: {  	[smem:$0x3FAC] =	sst s5  }
0xe: {  	[smem:$0x3FAD] =	sst s6  }
0xf: {  	[smem:$0x3FAE] =	sst s7  }
0x10: {  	[smem:$0x3FAF] =	sst s8  }
0x11: {  	[smem:$0x3FB0] =	sst s9;
	s0 =	simm.s32 @!p0 $0x0  }
0x12: {  	s1 =	sld [smem:$0x3F96];
	s0 =	simm.s32 @p0 $0x1  }
0x13: {  	[smem:$0x3FB1] =	sst s0;
	s0 =	simm.s32 @!p1 $0x0  }
0x14: {  	s2 =	sld [smem:$0x3F95];
	s0 =	simm.s32 @p1 $0x1  }
0x15: {  	[smem:$0x3FB2] =	sst s0;
	s0 =	simm.s32 @!p2 $0x0  }
0x16: {  	s3 =	sld [smem:$0x3FDB];
	s0 =	simm.s32 @p2 $0x1  }
0x17: {  	s4 =	simm.s32 $0x1BF5;
	[smem:$0x3FB4] =	sst s0  }
0x18: {  	s0 =	sld [smem:$0x3F97];
	_ =	swait.ge [sflag:s4], $0x0  }
0x19: {  	s7 =	sld [smem:$0x3F98]  }
0x1a: {  	s8 =	sadd.s32 $0xFFFFE003, lr  }
0x1b: {  	s9 =	sadd.s32 $0xFFFFFEF7, lr;
	s5 =	simm.s32 $0xFFFFFFFF;
	p2 =	slt.u32 s8, $0xFFFFF086  }
0x1c: {  	p1 =	slt.u32 s9, $0xF7A;
	s5 =	simm.s32 @!p2 $0x0  }
0x1d: {  	s5 =	simm.s32 @p1 $0x1;
	p0 =	seq.s32 s7, s2  }
0x1e: {  	s7 =	smul.u32 @!p0 $0xF7A, s2;
	p2 =	seq.s32 @!p0 s5, $0x0  }
0x1f: {  	s9 =	smul.u32 $0xF7A, s1;
	s8 =	simm.s32 @!p0 $0x1BF5;
	p2 =	por !p2, p0  }
0x20: {  	[sflag:s8] =	ssyncset.s32 @!p0 $0xFFFFF086;
	s6 =	sadd.s32 @!p0 s3, s7;
	s7 =	simm.s32 @!p0 $0x108  }
0x21: {  	s3 =	sadd.s32 s3, s9;
	s6 =	sadd.s32 @!p0 $0x88, s6;
	s7 =	simm.s32 @p2 $0x1082  }
0x22: {  	[simem:s7], [sflag:s8] =	dma.local @!p0 [hbm:s6], $0xF7A  }
0x23: {  	s9 =	sor.u32 $0xD0000000, s2;
	s6 =	simm.s32 $0x108;
	_ =	swait.ge @!p0 [sflag:s8], $0x0  }
0x24: {  	s3 =	sadd.s32 $0x88, s3;
	s6 =	simm.s32 @!p1 $0x1082;
	[sflag:s4] =	ssyncset.s32 $0xFFFFF086  }
0x25: {  	[simem:s6], [sflag:s4] =	dma.local [hbm:s3], $0xF7A  }
0x26: {  	[smem:$0x3F98] =	sst s1;
	(tag) =	ssettag s2;
	_ =	strace s9  }
0x27: {  	s1 =	sld [smem:$0x3FA8]  }
0x28: {  	s2 =	sld [smem:$0x3FA9]  }
0x29: {  	s4 =	sld [smem:$0x3FAB]  }
0x2a: {  	p0 =	seq.s32 s5, $0x0;
	s5 =	sld [smem:$0x3FAC]  }
0x2b: {  	s6 =	sld [smem:$0x3FAD]  }
0x2c: {  	s7 =	sld [smem:$0x3FAE]  }
0x2d: {  	s3 =	simm.s32 $0x108;
	s8 =	sld [smem:$0x3FAF]  }
0x2e: {  	s3 =	simm.s32 @!p0 $0x1082;
	s9 =	sld [smem:$0x3FB0]  }
0x2f: {  	lr =	sadd.s32 s0, s3;
	s0 =	sld [smem:$0x3FA7]  }
0x30: {  	s3 =	sld [smem:$0x3FAA]  }
0x31: {  	[smem:$0x3FB3] =	sst s10  }
0x32: {  	s10 =	sld [smem:$0x3FB1];
	_ =	sdelay $0x3  }
0x33: {  	p0 =	seq.s32 s10, $0x1;
	s10 =	sld [smem:$0x3FB3];
	_ =	sdelay $0x3  }
0x34: {  	[smem:$0x3FB3] =	sst s10  }
0x35: {  	s10 =	sld [smem:$0x3FB2];
	_ =	sdelay $0x3  }
0x36: {  	p1 =	seq.s32 s10, $0x1;
	s10 =	sld [smem:$0x3FB3];
	_ =	sdelay $0x3  }
0x37: {  	[smem:$0x3FB3] =	sst s10  }
0x38: {  	s10 =	sld [smem:$0x3FB4]  }
0x39: {  	_ = 	snop;
	(pc) =	sbr.ind lr, $3  }
0x3a: {  	_ = 	snop  }
0x3b: {  	_ = 	snop  }
0x3c: {  	p2 =	seq.s32 s10, $0x1;
	s10 =	sld [smem:$0x3FB3]  }
0x3d: {  	_ =	shalt  }
0x3e: {  	_ =	shalt  }
0x3f: {  	_ =	shalt  }
0x40: {  	_ =	shalt  }
0x41: {  	_ =	shalt  }
0x42: {  	_ =	shalt  }
0x43: {  	_ =	shalt  }
0x44: {  	_ =	shalt  }
0x45: {  	_ =	shalt  }
0x46: {  	_ =	shalt  }
0x47: {  	_ =	shalt  }
0x48: {  	_ =	shalt  }
0x49: {  	_ =	shalt  }
0x4a: {  	_ =	shalt  }
0x4b: {  	_ =	shalt  }
0x4c: {  	_ =	shalt  }
0x4d: {  	_ =	shalt  }
0x4e: {  	_ =	shalt  }
0x4f: {  	_ =	shalt  }
0x50: {  	_ =	shalt  }
0x51: {  	_ =	shalt  }
0x52: {  	_ =	shalt  }
0x53: {  	_ =	shalt  }
0x54: {  	_ =	shalt  }
0x55: {  	_ =	shalt  }
0x56: {  	_ =	shalt  }
0x57: {  	_ =	shalt  }
0x58: {  	_ =	shalt  }
0x59: {  	_ =	shalt  }
0x5a: {  	_ =	shalt  }
0x5b: {  	_ =	shalt  }
0x5c: {  	_ =	shalt  }
0x5d: {  	_ =	shalt  }
0x5e: {  	_ =	shalt  }
0x5f: {  	_ =	shalt  }
0x60: {  	_ =	shalt  }
0x61: {  	_ =	shalt  }
0x62: {  	_ =	shalt  }
0x63: {  	_ =	shalt  }
0x64: {  	_ =	shalt  }
0x65: {  	_ =	shalt  }
0x66: {  	_ =	shalt  }
0x67: {  	_ =	shalt  }
0x68: {  	_ =	shalt  }
0x69: {  	_ =	shalt  }
0x6a: {  	_ =	shalt  }
0x6b: {  	_ =	shalt  }
0x6c: {  	_ =	shalt  }
0x6d: {  	_ =	shalt  }
0x6e: {  	_ =	shalt  }
0x6f: {  	_ =	shalt  }
0x70: {  	_ =	shalt  }
0x71: {  	_ =	shalt  }
0x72: {  	_ =	shalt  }
0x73: {  	_ =	shalt  }
0x74: {  	_ =	shalt  }
0x75: {  	_ =	shalt  }
0x76: {  	_ =	shalt  }
0x77: {  	_ =	shalt  }
0x78: {  	_ =	shalt  }
0x79: {  	_ =	shalt  }
0x7a: {  	_ =	shalt  }
0x7b: {  	_ =	shalt  }
0x7c: {  	_ =	shalt  }
0x7d: {  	_ =	shalt  }
0x7e: {  	_ =	shalt  }
0x7f: {  	_ =	shalt  }
0x80: {  	_ =	shalt  }
0x81: {  	_ =	shalt  }
0x82: {  	_ =	shalt  }
0x83: {  	_ =	shalt  }
0x84: {  	_ =	shalt  }
0x85: {  	_ =	shalt  }
0x86: {  	_ =	shalt  }
0x87: {  	_ =	shalt  }
.Lfunc_end0:
.L_simem_size_0:
called_computation.2_lowered:
.L_overlay_start_0:
0x88: {  	s2 =	sld [smem:$0x3FD9]  }
0x89: {  	s3 =	sld [smem:$0x3FFE];
	_ =	sdelay $0x1  }
0x8a: {  	s1 =	srdreg.scid  }
0x8b: {  	s0 =	sand.u32 $0x1, s1  }
0x8c: {  	s17 =	sshll.u32 s0, $0xA;
	s2 =	sadd.s32 s3, s2  }
0x8d: {  	s2 =	sadd.s32 s2, s17  }
0x8e: {  	[smem:$0x3FBF] =	sst s2  }
0x8f: {  	_ = 	snop  }
0x90: {  	s2 =	sld [smem:$0x3FD0];
	(tm) =	ssettm $0x1  }
0x91: {  	s18 =	sld [smem:$0x3FFB];
	_ =	sdelay $0x3  }
0x92: {  	_ =	strace s18  }
0x93: {  	s3 =	sld [smem:$0x3FFC];
	_ =	sdelay $0x3  }
0x94: {  	_ =	strace s3  }
0x95: {  	s3 =	sld [smem:$0x3FFD];
	_ =	sdelay $0x3  }
0x96: {  	_ =	strace s3  }
0x97: {  	_ =	strace $0x8FFFFFFF  }
0x98: {  	s19 =	sld [smem:$0x3FDB];
	_ =	sdelay $0x1  }
0x99: {  	s4 =	simm.s32 $_scs_section_size  }
0x9a: {  	s5 =	simm.s32 $_size__tile_overlayer_lowered;
	s6 =	simm.s32 $_tile_overlayer_lowered  }
0x9b: {  	s22 =	simm.s32 $0x1BFF;
	s21 =	sshll.u32 s6, $0x1;
	s3 =	sadd.s32 s4, s19  }
0x9c: {  	s7 =	simm.s32 $0x0;
	s20 =	sshll.u32 s5, $0x1;
	s5 =	sadd.s32 s21, s3  }
0x9d: {  	[timem:s7], [sflag:s22] =	dma.local [hbm:s5], s20  }
0x9e: {  	_ =	swait.ge [sflag:s22], s20  }
0x9f: {  	s4 =	ssub.s32 $0x0, s20;
	[sflag:s22] =	ssyncset.done $0x0  }
0xa0: {  	[sflag:s22] =	ssyncadd.s32 s4;
	_ =	sdelay $0x1  }
0xa1: {  	s23 =	simm.s32 $0x1B8B  }
0xa2: {  	_ =	swait.ge [sflag:s23], $0x1  }
0xa3: {  	[sflag:s23] =	ssyncset.done $0x0  }
0xa4: {  	s25 =	simm.s32 $0x1B8E;
	s24 =	sld [smem:$0x3FFE];
	[sflag:s23] =	ssyncadd.s32 $0xFFFFFFFF  }
0xa5: {  	s26 =	simm.s32 $execute0_lowered;
	[smem:$0x3FD2] =	sst s25  }
0xa6: {  	s5 =	sshll.u32 s26, $0x1;
	_ =	strace $0x8000004C;
	[dreg:$0x1] =	wrdreg $0xFFFFFFFF  }
0xa7: {  	s28 =	simm.s32 $_size_execute0_lowered;
	s3 =	sadd.s32 s3, s5;
	[dreg:$0x0] =	wrdreg $0x0  }
0xa8: {  	s5 =	sshll.u32 s28, $0x1;
	[dreg:$0x2] =	wrdreg s3  }
0xa9: {  	[dreg:$0x3] =	wrdreg s5  }
0xaa: {  	[dreg:$0x4] =	wrdreg $0xC0  }
0xab: {  	_ =	task [dreg:s7], $0x5FFFF  }
0xac: {  	[dreg:$0x1] =	wrdreg $0xFFFFFFFF  }
0xad: {  	[dreg:$0x0] =	wrdreg $0x60  }
0xae: {  	[dreg:$0x2] =	wrdreg s24  }
0xaf: {  	[dreg:$0x3] =	wrdreg s2  }
0xb0: {  	[dreg:$0x4] =	wrdreg $0xBA000  }
0xb1: {  	[dreg:$0x5] =	wrdreg $0x9  }
0xb2: {  	_ =	task.clear_ibuf [dreg:s7], $0x6FFFF;
	_ =	strace $0x9000004C  }
0xb3: {  	s29 =	simm.s32 $0x9;
	_ =	strace $0x8000004E  }
0xb4: {  	_ =	swait.ge [sflag:s29], $0x1  }
0xb5: {  	[sflag:s29] =	ssyncadd.s32 $0xFFFFFFFF  }
0xb6: {  	_ =	strace $0x9000004E  }
0xb7: {  	_ =	sfence  }
0xb8: {  	s30 =	sld [smem:$0x0];
	_ =	sdelay $0x2  }
0xb9: {  	s31 =	sshll.u32 s1, $0xD;
	s1 =	sshrl.u32 s1, $0x2  }
0xba: {  	s3 =	sand.u32 $0x4000, s31;
	s1 =	sadd.s32 s1, s30  }
0xbb: {  	s0 =	sor.u32 s3, s0;
	s1 =	sshll.u32 s1, $0x11  }
0xbc: {  	s0 =	sor.u32 s1, s0  }
0xbd: {  	s0 =	sadd.s32 $0x8F2B, s0  }
0xbe: {  	[sflag:s0] =	ssyncadd.remote.s32 $0x1  }
0xbf: {  	_ =	sfence.sel $0xFFFF  }
0xc0: {  	[dreg:$0x0] =	wrdreg $0xFFFFFFFF;
	(pc) =	sbr.abs _section_cstart, $3  }
0xc1: {  	[dreg:$0x1] =	wrdreg $0xFFFFFFFF  }
0xc2: {  	_ =	task.clear_ibuf [dreg:s7], $0x2FFFF;
	_ =	strace $0x9FFFFFFF  }
0xc3: {  	(tm) =	ssettm $0x7FFFFFFF  }
tec
execute0_lowered:
.L_overlay_start_1:
0x0: {  	(tag) =	ssettag $0x1  }
0x1: {  	s0 =	rddreg [dreg:$0x0]  }
0x2: {  	s2 =	srdreg.scid;
	s15 =	stileid.u32  }
0x3: {  	s1 =	rddreg [dreg:$0x1];
	s3 =	sand.u32 $0x1, s2;
	s6 =	smul.u32 $0x14000, s15  }
0x4: {  	s2 =	simm.s32 $0x0;
	s8 =	sadd.s32 $0x48600, s0;
	s4 =	smul.u32 $0x140000, s3  }
0x5: {  	s5 =	sshll.u32 s3, $0x4;
	s3 =	ssub.s32 $0x2, s3;
	[smem:$0x7FF] =	sst s2  }
0x6: {  	s5 =	sor.u32 s15, s5;
	s7 =	sshrl.u32 s3, $0x1;
	s9 =	sor.u32 $0x2000, s6  }
0x7: {  	s10 =	sadd.s32 $0x4000, s6;
	s12 =	sadd.s32 $0x6000, s6;
	s14 =	sadd.s32 $0xA000, s6  }
0x8: {  	s19 =	sadd.s32 $0xC000, s6;
	s20 =	sadd.s32 $0xE000, s6;
	s3 =	ssub.s32 s3, s7  }
0x9: {  	s21 =	sadd.s32 s4, s6;
	s22 =	sadd.s32 s4, s9;
	s11 =	sadd.s32 s4, s10  }
0xa: {  	s24 =	sadd.s32 s4, s12;
	s13 =	sadd.s32 s4, s14;
	s16 =	sadd.s32 s4, s20  }
0xb: {  	s7 =	sshrl.u32 s21, $0x3;
	s11 =	sshrl.u32 s11, $0x3;
	s13 =	sshrl.u32 s13, $0x3  }
0xc: {  	s21 =	sadd.s32 $0x10000, s6;
	s7 =	sadd.s32 s8, s7;
	s23 =	sadd.s32 s8, s11  }
0xd: {  	s11 =	sadd.s32 $0x8000, s6;
	s26 =	sadd.s32 s8, s13;
	s13 =	sadd.s32 s4, s19  }
0xe: {  	s17 =	sadd.s32 s4, s21;
	s6 =	sadd.s32 $0x12000, s6;
	[dreg:$0x4] =	wrdreg s7  }
0xf: {  	s7 =	sshrl.u32 s22, $0x3;
	[dreg:$0x6] =	wrdreg s23;
	s25 =	sadd.s32 s4, s11  }
0x10: {  	[dreg:$0x9] =	wrdreg s26;
	s4 =	sadd.s32 s4, s6;
	s7 =	sadd.s32 s8, s7  }
0x11: {  	s23 =	smul.u32 $0x50000, s15;
	[dreg:$0x5] =	wrdreg s7;
	s7 =	sshrl.u32 s24, $0x3  }
0x12: {  	s15 =	smul.u32 $0x2800, s5;
	s4 =	sshrl.u32 s4, $0x3;
	s7 =	sadd.s32 s8, s7  }
0x13: {  	s4 =	sadd.s32 s8, s4;
	[dreg:$0x7] =	wrdreg s7;
	s7 =	sshrl.u32 s25, $0x3  }
0x14: {  	s22 =	smul.u32 $0x500, s5;
	[dreg:$0xd] =	wrdreg s4;
	s7 =	sadd.s32 s8, s7  }
0x15: {  	s24 =	sshrl.u32 s23, $0x2;
	s26 =	sshrl.u32 s15, $0x3;
	[dreg:$0x8] =	wrdreg s7  }
0x16: {  	s7 =	sshrl.u32 s13, $0x3;
	s13 =	sshrl.u32 s17, $0x3;
	s17 =	sadd.s32 $0x17400, s0  }
0x17: {  	s7 =	sadd.s32 s8, s7;
	s18 =	sadd.s32 s8, s13;
	s13 =	rddreg [dreg:$0x2]  }
0x18: {  	s5 =	sadd.s32 s17, s26;
	[dreg:$0xa] =	wrdreg s7;
	s7 =	sshrl.u32 s16, $0x3  }
0x19: {  	[dreg:$0xc] =	wrdreg s18;
	s16 =	sadd.s32 $0x21400, s0;
	s18 =	sadd.s32 s24, s13  }
0x1a: {  	s7 =	sadd.s32 s8, s7;
	s8 =	sadd.s32 s9, s13;
	s9 =	sadd.s32 s10, s13  }
0x1b: {  	s10 =	sadd.s32 s12, s13;
	[dreg:$0xb] =	wrdreg s7;
	s7 =	sadd.s32 s22, s0  }
0x1c: {  	s0 =	sadd.s32 s1, s26;
	_ =	strace $0x8000004D;
	[dreg:$0xf] =	wrdreg s5  }
0x1d: {  	s12 =	sadd.s32 s11, s13;
	s24 =	sshrl.u32 s9, $0x3;
	[dreg:$0x10] =	wrdreg s0  }
0x1e: {  	s19 =	sadd.s32 s19, s13;
	s26 =	sshrl.u32 s12, $0x3;
	[dreg:$0x13] =	wrdreg s24  }
0x1f: {  	s4 =	sshrl.u32 s19, $0x3;
	[dreg:$0x15] =	wrdreg s26  }
0x20: {  	s9 =	sadd.s32 $0x1000, s18;
	[dreg:$0x17] =	wrdreg s4  }
0x21: {  	s11 =	sadd.s32 $0x3000, s18;
	[dreg:$0x1b] =	wrdreg s9  }
0x22: {  	s29 =	simm.s32 $0xAA00;
	s12 =	sadd.s32 $0x4000, s18;
	[dreg:$0x1d] =	wrdreg s11  }
0x23: {  	s30 =	simm.s32 $0x3;
	s19 =	sadd.s32 $0x6000, s18;
	[dreg:$0x1e] =	wrdreg s12  }
0x24: {  	s22 =	sadd.s32 s20, s13;
	s20 =	sadd.s32 $0x7000, s18;
	[smem:$0x7F6] =	sst s19  }
0x25: {  	s23 =	sadd.s32 s21, s13;
	s21 =	sadd.s32 $0x8000, s18;
	[smem:$0x7F7] =	sst s20  }
0x26: {  	s31 =	simm.s32 $0x200;
	s25 =	sadd.s32 $0xCA00, s7;
	[smem:$0x7F8] =	sst s21  }
0x27: {  	s14 =	sadd.s32 s14, s13;
	s7 =	smax.u32 s3, $0x1;
	[dreg:$0xe] =	wrdreg s25  }
0x28: {  	s6 =	sadd.s32 s6, s13;
	s0 =	sshrl.u32 s8, $0x3;
	[dreg:$0x11] =	wrdreg s7  }
0x29: {  	s28 =	sadd.s32 $0x13000, s18;
	s3 =	sshrl.u32 s14, $0x3;
	[dreg:$0x12] =	wrdreg s0  }
0x2a: {  	s5 =	sshrl.u32 s22, $0x3;
	s8 =	sshrl.u32 s6, $0x3;
	[dreg:$0x16] =	wrdreg s3  }
0x2b: {  	s14 =	sadd.s32 $0x5000, s18;
	s22 =	sadd.s32 $0x9000, s18;
	[dreg:$0x18] =	wrdreg s5  }
0x2c: {  	s24 =	sadd.s32 $0xB000, s18;
	s26 =	sadd.s32 $0xD000, s18;
	[dreg:$0x1a] =	wrdreg s8  }
0x2d: {  	s11 =	simm.s32 $0x100;
	s4 =	simm.s32 $0x2A00;
	[dreg:$0x1f] =	wrdreg s14  }
0x2e: {  	s6 =	simm.s32 $0x6A00;
	s25 =	sshrl.u32 s10, $0x3;
	[smem:$0x7F9] =	sst s22  }
0x2f: {  	s7 =	sshrl.u32 s23, $0x3;
	s0 =	sor.u32 $0x100, s15;
	[smem:$0x7FB] =	sst s24  }
0x30: {  	s10 =	sadd.s32 $0x2000, s18;
	s23 =	sadd.s32 $0xA000, s18;
	[smem:$0x7FD] =	sst s26  }
0x31: {  	s22 =	sadd.s32 $0xE000, s18;
	s24 =	sadd.s32 $0x10000, s18;
	[dreg:$0x14] =	wrdreg s25  }
0x32: {  	s26 =	sadd.s32 $0x12000, s18;
	s3 =	simm.s32 $0x80;
	[dreg:$0x19] =	wrdreg s7  }
0x33: {  	s5 =	simm.s32 $0x180;
	s8 =	simm.s32 $0x2;
	[dreg:$0x1c] =	wrdreg s10  }
0x34: {  	[smem:$0x7FA] =	sst s23;
	s25 =	sadd.s32 $0xC000, s18;
	s23 =	sadd.s32 $0xF000, s18  }
0x35: {  	v0 =	vimm.f32 $0.0e+00;
	s7 =	simm.s32 $0x1;
	[smem:$0x7FC] =	sst s25;
	s25 =	sadd.s32 $0x11000, s18  }
.LBB2_1:
0x36: {  	s9 =	simm.s32 $0x0;
	s10 =	simm.s32 $0x200  }
.LBB2_2:
0x37: {  	p0 =	sne.s32 s10, $0x3E00;
	[tilespmem:s9+$0xAA70] =	vst v0  }
0x38: {  	[tilespmem:s9+$0xAA00] =	vst v0  }
0x39: {  	[tilespmem:s9+$0xAA10] =	vst v0  }
.Ltmp0:
0x3a: {  	[tilespmem:s9+$0xAA20] =	vst v0;
	(pc) =	sbr.rel @p0 .LBB2_2-.Ltmp0, $4  }
0x3b: {  	[tilespmem:s9+$0xAA30] =	vst v0  }
0x3c: {  	[tilespmem:s9+$0xAA40] =	vst v0  }
0x3d: {  	[tilespmem:s9+$0xAA50] =	vst v0  }
0x3e: {  	[tilespmem:s9+$0xAA60] =	vst v0;
	s9 =	sshra.s32 s10, $0x2;
	s10 =	sadd.s32 $0x200, s10  }
0x3f: {  	[tilespmem:s9+$0xAA70] =	vst v0  }
0x40: {  	[tilespmem:s9+$0xAA00] =	vst v0  }
0x41: {  	[tilespmem:s9+$0xAA10] =	vst v0  }
0x42: {  	[tilespmem:s9+$0xAA20] =	vst v0  }
0x43: {  	[tilespmem:s9+$0xAA30] =	vst v0  }
0x44: {  	[tilespmem:s9+$0xAA40] =	vst v0  }
0x45: {  	[tilespmem:s9+$0xAA50] =	vst v0  }
0x46: {  	[tilespmem:s9+$0xAA60] =	vst v0  }
0x47: {  	[spmem:s18] =	stream.linear.scatter [tilespmem:s29], [sflag:$0x3], $0x1000, $0x38;
	[tilespmem:$0x1FA00] =	vst v63  }
0x48: {  	_ =	swait.ge [sflag:s30], $0x1000  }
0x49: {  	[sflag:s30] =	ssyncset.done $0x0  }
0x4a: {  	s19 =	rddreg [dreg:$0x1b];
	[sflag:s30] =	ssyncadd.s32 $0xFFFFF000  }
0x4b: {  	[spmem:s19] =	stream.linear.scatter [tilespmem:s29], [sflag:$0x3], $0x1000, $0x38;
	[tilespmem:$0x1FA00] =	vst v63  }
0x4c: {  	_ =	swait.ge [sflag:s30], $0x1000  }
0x4d: {  	[sflag:s30] =	ssyncset.done $0x0  }
0x4e: {  	s20 =	rddreg [dreg:$0x1c];
	[sflag:s30] =	ssyncadd.s32 $0xFFFFF000  }
0x4f: {  	[spmem:s20] =	stream.linear.scatter [tilespmem:s29], [sflag:$0x3], $0x1000, $0x38;
	[tilespmem:$0x1FA00] =	vst v63  }
0x50: {  	_ =	swait.ge [sflag:s30], $0x1000  }
0x51: {  	[sflag:s30] =	ssyncset.done $0x0  }
0x52: {  	s21 =	rddreg [dreg:$0x1d];
	[sflag:s30] =	ssyncadd.s32 $0xFFFFF000  }
0x53: {  	[spmem:s21] =	stream.linear.scatter [tilespmem:s29], [sflag:$0x3], $0x1000, $0x38;
	[tilespmem:$0x1FA00] =	vst v63  }
0x54: {  	_ =	swait.ge [sflag:s30], $0x1000  }
0x55: {  	[sflag:s30] =	ssyncset.done $0x0  }
0x56: {  	s10 =	rddreg [dreg:$0x1e];
	[sflag:s30] =	ssyncadd.s32 $0xFFFFF000  }
0x57: {  	[spmem:s10] =	stream.linear.scatter [tilespmem:s29], [sflag:$0x3], $0x1000, $0x38;
	[tilespmem:$0x1FA00] =	vst v63  }
0x58: {  	_ =	swait.ge [sflag:s30], $0x1000  }
0x59: {  	[sflag:s30] =	ssyncset.done $0x0  }
0x5a: {  	s12 =	rddreg [dreg:$0x1f];
	[sflag:s30] =	ssyncadd.s32 $0xFFFFF000  }
0x5b: {  	[spmem:s12] =	stream.linear.scatter [tilespmem:s29], [sflag:$0x3], $0x1000, $0x38;
	[tilespmem:$0x1FA00] =	vst v63  }
0x5c: {  	_ =	swait.ge [sflag:s30], $0x1000  }
0x5d: {  	s14 =	sld [smem:$0x7F6]  }
0x5e: {  	[sflag:s30] =	ssyncset.done $0x0  }
0x5f: {  	[sflag:s30] =	ssyncadd.s32 $0xFFFFF000  }
0x60: {  	[spmem:s14] =	stream.linear.scatter [tilespmem:s29], [sflag:$0x3], $0x1000, $0x38;
	[tilespmem:$0x1FA00] =	vst v63  }
0x61: {  	_ =	swait.ge [sflag:s30], $0x1000  }
0x62: {  	s19 =	sld [smem:$0x7F7]  }
0x63: {  	[sflag:s30] =	ssyncset.done $0x0  }
0x64: {  	[sflag:s30] =	ssyncadd.s32 $0xFFFFF000  }
0x65: {  	[spmem:s19] =	stream.linear.scatter [tilespmem:s29], [sflag:$0x3], $0x1000, $0x38;
	[tilespmem:$0x1FA00] =	vst v63  }
0x66: {  	_ =	swait.ge [sflag:s30], $0x1000  }
0x67: {  	s20 =	sld [smem:$0x7F8]  }
0x68: {  	[sflag:s30] =	ssyncset.done $0x0  }
0x69: {  	[sflag:s30] =	ssyncadd.s32 $0xFFFFF000  }
0x6a: {  	[spmem:s20] =	stream.linear.scatter [tilespmem:s29], [sflag:$0x3], $0x1000, $0x38;
	[tilespmem:$0x1FA00] =	vst v63  }
0x6b: {  	_ =	swait.ge [sflag:s30], $0x1000  }
0x6c: {  	s21 =	sld [smem:$0x7F9]  }
0x6d: {  	[sflag:s30] =	ssyncset.done $0x0  }
0x6e: {  	[sflag:s30] =	ssyncadd.s32 $0xFFFFF000  }
0x6f: {  	[spmem:s21] =	stream.linear.scatter [tilespmem:s29], [sflag:$0x3], $0x1000, $0x38;
	[tilespmem:$0x1FA00] =	vst v63  }
0x70: {  	_ =	swait.ge [sflag:s30], $0x1000  }
0x71: {  	s10 =	sld [smem:$0x7FA]  }
0x72: {  	[sflag:s30] =	ssyncset.done $0x0  }
0x73: {  	[sflag:s30] =	ssyncadd.s32 $0xFFFFF000  }
0x74: {  	[spmem:s10] =	stream.linear.scatter [tilespmem:s29], [sflag:$0x3], $0x1000, $0x38;
	[tilespmem:$0x1FA00] =	vst v63  }
0x75: {  	_ =	swait.ge [sflag:s30], $0x1000  }
0x76: {  	s12 =	sld [smem:$0x7FB]  }
0x77: {  	[sflag:s30] =	ssyncset.done $0x0  }
0x78: {  	[sflag:s30] =	ssyncadd.s32 $0xFFFFF000  }
0x79: {  	[spmem:s12] =	stream.linear.scatter [tilespmem:s29], [sflag:$0x3], $0x1000, $0x38;
	[tilespmem:$0x1FA00] =	vst v63  }
0x7a: {  	_ =	swait.ge [sflag:s30], $0x1000  }
0x7b: {  	s14 =	sld [smem:$0x7FC]  }
0x7c: {  	[sflag:s30] =	ssyncset.done $0x0  }
0x7d: {  	[sflag:s30] =	ssyncadd.s32 $0xFFFFF000  }
0x7e: {  	[spmem:s14] =	stream.linear.scatter [tilespmem:s29], [sflag:$0x3], $0x1000, $0x38;
	[tilespmem:$0x1FA00] =	vst v63  }
0x7f: {  	_ =	swait.ge [sflag:s30], $0x1000  }
0x80: {  	s19 =	sld [smem:$0x7FD]  }
0x81: {  	[sflag:s30] =	ssyncset.done $0x0  }
0x82: {  	[sflag:s30] =	ssyncadd.s32 $0xFFFFF000  }
0x83: {  	[spmem:s19] =	stream.linear.scatter [tilespmem:s29], [sflag:$0x3], $0x1000, $0x38;
	[tilespmem:$0x1FA00] =	vst v63  }
0x84: {  	_ =	swait.ge [sflag:s30], $0x1000  }
0x85: {  	[sflag:s30] =	ssyncset.done $0x0  }
0x86: {  	[sflag:s30] =	ssyncadd.s32 $0xFFFFF000  }
0x87: {  	[spmem:s22] =	stream.linear.scatter [tilespmem:s29], [sflag:$0x3], $0x1000, $0x38;
	[tilespmem:$0x1FA00] =	vst v63  }
0x88: {  	_ =	swait.ge [sflag:s30], $0x1000  }
0x89: {  	[sflag:s30] =	ssyncset.done $0x0  }
0x8a: {  	[sflag:s30] =	ssyncadd.s32 $0xFFFFF000  }
0x8b: {  	[spmem:s23] =	stream.linear.scatter [tilespmem:s29], [sflag:$0x3], $0x1000, $0x38;
	[tilespmem:$0x1FA00] =	vst v63  }
0x8c: {  	_ =	swait.ge [sflag:s30], $0x1000  }
0x8d: {  	[sflag:s30] =	ssyncset.done $0x0  }
0x8e: {  	[sflag:s30] =	ssyncadd.s32 $0xFFFFF000  }
0x8f: {  	[spmem:s24] =	stream.linear.scatter [tilespmem:s29], [sflag:$0x3], $0x1000, $0x38;
	[tilespmem:$0x1FA00] =	vst v63  }
0x90: {  	_ =	swait.ge [sflag:s30], $0x1000  }
0x91: {  	[sflag:s30] =	ssyncset.done $0x0  }
0x92: {  	[sflag:s30] =	ssyncadd.s32 $0xFFFFF000  }
0x93: {  	[spmem:s25] =	stream.linear.scatter [tilespmem:s29], [sflag:$0x3], $0x1000, $0x38;
	[tilespmem:$0x1FA00] =	vst v63  }
0x94: {  	_ =	swait.ge [sflag:s30], $0x1000  }
0x95: {  	[sflag:s30] =	ssyncset.done $0x0  }
0x96: {  	[sflag:s30] =	ssyncadd.s32 $0xFFFFF000  }
0x97: {  	[spmem:s26] =	stream.linear.scatter [tilespmem:s29], [sflag:$0x3], $0x1000, $0x38;
	[tilespmem:$0x1FA00] =	vst v63  }
0x98: {  	_ =	swait.ge [sflag:s30], $0x1000  }
0x99: {  	[sflag:s30] =	ssyncset.done $0x0  }
0x9a: {  	[sflag:s30] =	ssyncadd.s32 $0xFFFFF000  }
0x9b: {  	[spmem:s28] =	stream.linear.scatter [tilespmem:s29], [sflag:$0x3], $0x1000, $0x38;
	[tilespmem:$0x1FA00] =	vst v63  }
0x9c: {  	_ =	swait.ge [sflag:s30], $0x1000  }
0x9d: {  	[sflag:s30] =	ssyncset.done $0x0  }
0x9e: {  	[sflag:s30] =	ssyncadd.s32 $0xFFFFF000  }
0x9f: {  	[bflag:$0x0] =	sbarrier.arrive $0xFFFF  }
0xa0: {  	s9 =	simm.s32 $0x0;
	s10 =	rddreg [dreg:$0xe]  }
0xa1: {  	[tilespmem:s31], [sflag:$0x3] =	stream.linear.gather [hbm4b:s10+s9], $0x2800, $0x38;
	[tilespmem:$0x1FA00] =	vst v63  }
0xa2: {  	_ =	swait.ge [sflag:s30], $0x2800  }
0xa3: {  	[sflag:s30] =	ssyncset.done $0x0  }
0xa4: {  	s20 =	rddreg [dreg:$0xf];
	[sflag:s30] =	ssyncadd.s32 $0xFFFFD800  }
0xa5: {  	[tilespmem:s9], [sflag:$0x3] =	stream.linear.gather [hbm4b:s20+s9], $0x80, $0x38;
	[tilespmem:$0x1FA00] =	vst v63  }
0xa6: {  	_ =	swait.ge [sflag:s30], $0x80  }
0xa7: {  	[sflag:s30] =	ssyncset.done $0x0  }
0xa8: {  	s21 =	rddreg [dreg:$0x10];
	[sflag:s30] =	ssyncadd.s32 $0xFFFFFF80  }
0xa9: {  	[tilespmem:s11], [sflag:$0x3] =	stream.linear.gather [hbm4b:s21+s9], $0x80, $0x38;
	[tilespmem:$0x1FA00] =	vst v63  }
0xaa: {  	_ =	swait.ge [sflag:s30], $0x80  }
0xab: {  	[sflag:s30] =	ssyncset.done $0x0  }
0xac: {  	s10 =	simm.s32 $0x0;
	[sflag:s30] =	ssyncadd.s32 $0xFFFFFF80  }
0xad: {  	[tilespmem:s4], [sflag:$0x1] =	stream.indirect.gather [hbm4b:s16+s3], $0x80, s9, s3, $0xb8;
	[tilespmem:$0x1FA00] =	vst v63  }
.LBB2_4:
0xae: {  	s12 =	sshllo.u32 s10, $0x1  }
0xaf: {  	s12 =	sshll.u32 s12, $0x7  }
0xb0: {  	s14 =	sadd.s32 s15, s12  }
0xb1: {  	s14 =	sshrl.u32 s14, $0x3  }
0xb2: {  	s19 =	sadd.s32 s17, s14  }
0xb3: {  	[tilespmem:s3], [sflag:$0x3] =	stream.linear.gather [hbm4b:s19+s9], $0x80, $0x38;
	[tilespmem:$0x1FA00] =	vst v63  }
0xb4: {  	_ =	swait.ge [sflag:s30], $0x80  }
0xb5: {  	[sflag:s30] =	ssyncset.done $0x0  }
0xb6: {  	s14 =	sadd.s32 s1, s14;
	[sflag:s30] =	ssyncadd.s32 $0xFFFFFF80  }
0xb7: {  	[tilespmem:s5], [sflag:$0x3] =	stream.linear.gather [hbm4b:s14+s9], $0x80, $0x38;
	[tilespmem:$0x1FA00] =	vst v63  }
0xb8: {  	_ =	swait.ge [sflag:s30], $0x80  }
0xb9: {  	s20 =	sshll.u32 s10, $0x8;
	v2 =	vmov s9;
	[sflag:s30] =	ssyncset.done $0x0  }
0xba: {  	v1 =	vmov s20;
	v2 =	vand.u32 $0x7F, v2;
	[sflag:s30] =	ssyncadd.s32 $0xFFFFFF80  }
0xbb: {  	v2 =	vadd.s32 v1, v2;
	[tilespmem:s6], [sflag:$0x2] =	stream.indirect.gather [hbm4b:s16+s3], $0x80, s3, s3, $0xb8;
	[tilespmem:$0x1FA00] =	vst v63  }
0xbc: {  	v2 =	vbroadcast v2, $0x0;
	_ =	swait.ge [sflag:s7], $0x4000  }
0xbd: {  	[sflag:s7] =	ssyncset.done $0x0  }
0xbe: {  	s14 =	simm.s32 $0x2A40;
	[sflag:s7] =	ssyncadd.s32 $0xFFFFC000  }
0xbf: {  	v6 =	vld [tilespmem:s14+$0x30]  }
0xc0: {  	v9 =	vld [tilespmem:s14+$0x10]  }
0xc1: {  	v7 =	vld [tilespmem:s14+$0xFFFFFFC0]  }
0xc2: {  	v3 =	vld.idx.msk [tilespmem:v2+s31+$0x0], $0xffff  }
0xc3: {  	v12 =	vld [tilespmem:s14+$0xFFFFFFE0]  }
0xc4: {  	v2 =	vld [tilespmem:s14+$0xFFFFFFF0]  }
0xc5: {  	v4 =	vld [tilespmem:s14+$0x20]  }
0xc6: {  	v5 =	vld [tilespmem:s14+$0xFFFFFFD0]  }
0xc7: {  	v10 =	vmul.f32 v6, v3;
	v6 =	vld [tilespmem:s14+$0x0]  }
0xc8: {  	s21 =	simm.s32 $0x1;
	v8 =	vmul.f32 v7, v3  }
0xc9: {  	s20 =	simm.s32 $0x2;
	v11 =	vmov s21;
	s19 =	simm.s32 $0x2A40;
	v7 =	vmul.f32 v12, v3;
	v9 =	vmul.f32 v9, v3  }
.LBB2_5:
0xca: {  	p0 =	sne.s32 s20, $0x7F  }
0xcb: {  	v11 =	vand.u32 $0x7F, v11;
	v5 =	vmul.f32 v5, v3;
	v4 =	vmul.f32 v4, v3;
	[tilespmem:s14+$0x30] =	vst v10;
	s19 =	sadd.s32 $0x80, s19;
	s21 =	smov.u32 s20;
	s20 =	sadd.s32 $0x1, s20  }
0xcc: {  	v10 =	vadd.s32 v1, v11;
	[tilespmem:s14+$0xFFFFFFC0] =	vst v8;
	v8 =	vmul.f32 v2, v3;
	v3 =	vmul.f32 v6, v3  }
0xcd: {  	v6 =	vbroadcast v10, $0x0;
	[tilespmem:s14+$0x10] =	vst v9  }
0xce: {  	[tilespmem:s14+$0xFFFFFFE0] =	vst v7  }
0xcf: {  	v2 =	vld [tilespmem:s19+$0xFFFFFFF0];
	[tilespmem:s14+$0xFFFFFFF0] =	vst v8  }
0xd0: {  	v7 =	vld [tilespmem:s19+$0x30];
	[tilespmem:s14+$0x0] =	vst v3  }
0xd1: {  	v9 =	vld [tilespmem:s19+$0x10];
	[tilespmem:s14+$0x20] =	vst v4  }
0xd2: {  	v8 =	vld [tilespmem:s19+$0xFFFFFFC0];
	[tilespmem:s14+$0xFFFFFFD0] =	vst v5;
	s14 =	smov.u32 s19  }
0xd3: {  	v3 =	vld.idx.msk [tilespmem:v6+s31+$0x0], $0xffff  }
0xd4: {  	v12 =	vld [tilespmem:s19+$0xFFFFFFE0]  }
0xd5: {  	v4 =	vld [tilespmem:s19+$0x20]  }
.Ltmp1:
0xd6: {  	v5 =	vld [tilespmem:s19+$0xFFFFFFD0];
	(pc) =	sbr.rel @p0 .LBB2_5-.Ltmp1, $3  }
0xd7: {  	v6 =	vld [tilespmem:s19+$0x0];
	_ =	sdelay $0x1  }
0xd8: {  	v8 =	vmul.f32 v8, v3;
	v10 =	vmul.f32 v7, v3  }
0xd9: {  	v11 =	vmov s21;
	v9 =	vmul.f32 v9, v3;
	v7 =	vmul.f32 v12, v3  }
0xda: {  	[tilespmem:s14+$0xFFFFFFC0] =	vst v8;
	v8 =	vand.u32 $0x7F, v11  }
0xdb: {  	[tilespmem:s14+$0x30] =	vst v10;
	v1 =	vadd.s32 v1, v8  }
0xdc: {  	v2 =	vmul.f32 v2, v3;
	[tilespmem:s14+$0x10] =	vst v9;
	v1 =	vbroadcast v1, $0x0  }
0xdd: {  	s19 =	sadd.s32 $0x80, s19;
	[tilespmem:s14+$0xFFFFFFE0] =	vst v7;
	v6 =	vmul.f32 v6, v3  }
0xde: {  	v4 =	vmul.f32 v4, v3;
	v7 =	vld [tilespmem:s19+$0xFFFFFFF0];
	[tilespmem:s14+$0xFFFFFFF0] =	vst v2  }
0xdf: {  	v3 =	vmul.f32 v5, v3;
	v2 =	vld [tilespmem:s19+$0x30];
	[tilespmem:s14+$0x0] =	vst v6  }
0xe0: {  	v5 =	vld [tilespmem:s19+$0x10];
	[tilespmem:s14+$0x20] =	vst v4  }
0xe1: {  	v4 =	vld [tilespmem:s19+$0xFFFFFFC0];
	[tilespmem:s14+$0xFFFFFFD0] =	vst v3  }
0xe2: {  	v1 =	vld.idx.msk [tilespmem:v1+s31+$0x0], $0xffff;
	_ =	sdelay $0x2  }
0xe3: {  	v3 =	vld [tilespmem:s19+$0xFFFFFFE0];
	_ =	sdelay $0x1  }
0xe4: {  	v6 =	vld [tilespmem:s19+$0x0];
	v2 =	vmul.f32 v2, v1  }
0xe5: {  	v8 =	vld [tilespmem:s19+$0x20];
	v4 =	vmul.f32 v4, v1  }
0xe6: {  	v9 =	vld [tilespmem:s19+$0xFFFFFFD0];
	v5 =	vmul.f32 v5, v1;
	[tilespmem:s19+$0x30] =	vst v2  }
0xe7: {  	v2 =	vmul.f32 v3, v1;
	[tilespmem:s19+$0xFFFFFFC0] =	vst v4  }
0xe8: {  	v3 =	vmul.f32 v7, v1;
	[tilespmem:s19+$0x10] =	vst v5  }
0xe9: {  	v4 =	vmul.f32 v6, v1;
	[tilespmem:s19+$0xFFFFFFE0] =	vst v2  }
0xea: {  	v2 =	vmul.f32 v8, v1;
	[tilespmem:s19+$0xFFFFFFF0] =	vst v3  }
0xeb: {  	v1 =	vmul.f32 v9, v1;
	[tilespmem:s19+$0x0] =	vst v4  }
0xec: {  	p0 =	seq.s32 s10, $0x27;
	[tilespmem:s19+$0x20] =	vst v2  }
0xed: {  	s14 =	sshll.u32 @!p0 s10, $0x8;
	[tilespmem:s19+$0xFFFFFFD0] =	vst v1  }
0xee: {  	[spmem:s13] =	stream.indirect.scatter.add.f32 [tilespmem:s4], [sflag:$0x3], $0x80, s11, s3, $0xb8;
	[tilespmem:$0x1FA00] =	vst v63  }
0xef: {  	s14 =	sadd.s32 @!p0 s14, s0;
	_ =	swait.ge [sflag:s30], $0x4000  }
0xf0: {  	s14 =	sshrl.u32 @!p0 s14, $0x3;
	[sflag:s30] =	ssyncset.done $0x0  }
0xf1: {  	s20 =	simm.s32 @!p0 $0x0;
	s19 =	sadd.s32 @!p0 s17, s14;
	[sflag:s30] =	ssyncadd.s32 $0xFFFFC000  }
0xf2: {  	[tilespmem:s20], [sflag:$0x3] =	stream.linear.gather @!p0 [hbm4b:s19+s20], $0x80, $0x38;
	[tilespmem:$0x1FA00] =	vst v63  }
0xf3: {  	s19 =	simm.s32 @!p0 $0x3  }
0xf4: {  	_ =	swait.ge @!p0 [sflag:s19], $0x80  }
0xf5: {  	[sflag:s19] =	ssyncset.done @!p0 $0x0  }
0xf6: {  	s21 =	simm.s32 @!p0 $0x100;
	s14 =	sadd.s32 @!p0 s1, s14;
	[sflag:s19] =	ssyncadd.s32 @!p0 $0xFFFFFF80  }
0xf7: {  	[tilespmem:s21], [sflag:$0x3] =	stream.linear.gather @!p0 [hbm4b:s14+s20], $0x80, $0x38;
	[tilespmem:$0x1FA00] =	vst v63  }
0xf8: {  	s21 =	simm.s32 $0x0;
	_ =	swait.ge @!p0 [sflag:s19], $0x80  }
0xf9: {  	v2 =	vmov s21;
	[sflag:s19] =	ssyncset.done @!p0 $0x0  }
0xfa: {  	v1 =	vmov s12;
	s14 =	simm.s32 @!p0 $0x80;
	v2 =	vand.u32 $0x7F, v2;
	[sflag:s19] =	ssyncadd.s32 @!p0 $0xFFFFFF80;
	s19 =	simm.s32 @!p0 $0x2A00  }
0xfb: {  	v2 =	vadd.s32 v1, v2;
	[tilespmem:s19], [sflag:$0x1] =	stream.indirect.gather @!p0 [hbm4b:s16+s14], $0x80, s20, s14, $0xb8;
	[tilespmem:$0x1FA00] =	vst v63  }
0xfc: {  	v2 =	vbroadcast v2, $0x0;
	_ =	swait.ge [sflag:s8], $0x4000  }
0xfd: {  	[sflag:s8] =	ssyncset.done $0x0  }
0xfe: {  	s12 =	simm.s32 $0x6A40;
	[sflag:s8] =	ssyncadd.s32 $0xFFFFC000  }
0xff: {  	v6 =	vld [tilespmem:s12+$0x30]  }
0x100: {  	v9 =	vld [tilespmem:s12+$0x10]  }
0x101: {  	v7 =	vld [tilespmem:s12+$0xFFFFFFC0]  }
0x102: {  	v3 =	vld.idx.msk [tilespmem:v2+s31+$0x0], $0xffff  }
0x103: {  	v12 =	vld [tilespmem:s12+$0xFFFFFFE0]  }
0x104: {  	v4 =	vld [tilespmem:s12+$0x20]  }
0x105: {  	v5 =	vld [tilespmem:s12+$0xFFFFFFD0]  }
0x106: {  	v2 =	vld [tilespmem:s12+$0xFFFFFFF0]  }
0x107: {  	v10 =	vmul.f32 v6, v3;
	v6 =	vld [tilespmem:s12+$0x0]  }
0x108: {  	s21 =	simm.s32 $0x1;
	v8 =	vmul.f32 v7, v3  }
0x109: {  	v11 =	vmov s21;
	s19 =	simm.s32 $0x2;
	s14 =	simm.s32 $0x6A40;
	v7 =	vmul.f32 v12, v3;
	v9 =	vmul.f32 v9, v3  }
.LBB2_7:
0x10a: {  	p0 =	sne.s32 s19, $0x7F  }
0x10b: {  	v11 =	vand.u32 $0x7F, v11;
	v5 =	vmul.f32 v5, v3;
	v4 =	vmul.f32 v4, v3;
	[tilespmem:s12+$0x30] =	vst v10;
	s14 =	sadd.s32 $0x80, s14;
	s20 =	smov.u32 s19;
	s19 =	sadd.s32 $0x1, s19  }
0x10c: {  	v10 =	vadd.s32 v1, v11;
	[tilespmem:s12+$0xFFFFFFC0] =	vst v8;
	v8 =	vmul.f32 v2, v3;
	v3 =	vmul.f32 v6, v3  }
0x10d: {  	v6 =	vbroadcast v10, $0x0;
	[tilespmem:s12+$0x10] =	vst v9  }
0x10e: {  	[tilespmem:s12+$0xFFFFFFE0] =	vst v7  }
0x10f: {  	v2 =	vld [tilespmem:s14+$0xFFFFFFF0];
	[tilespmem:s12+$0xFFFFFFF0] =	vst v8  }
0x110: {  	v7 =	vld [tilespmem:s14+$0x30];
	[tilespmem:s12+$0x0] =	vst v3  }
0x111: {  	v9 =	vld [tilespmem:s14+$0x10];
	[tilespmem:s12+$0x20] =	vst v4  }
0x112: {  	v8 =	vld [tilespmem:s14+$0xFFFFFFC0];
	[tilespmem:s12+$0xFFFFFFD0] =	vst v5;
	s12 =	smov.u32 s14  }
0x113: {  	v3 =	vld.idx.msk [tilespmem:v6+s31+$0x0], $0xffff  }
0x114: {  	v12 =	vld [tilespmem:s14+$0xFFFFFFE0]  }
0x115: {  	v4 =	vld [tilespmem:s14+$0x20]  }
.Ltmp2:
0x116: {  	v5 =	vld [tilespmem:s14+$0xFFFFFFD0];
	(pc) =	sbr.rel @p0 .LBB2_7-.Ltmp2, $3  }
0x117: {  	v6 =	vld [tilespmem:s14+$0x0];
	_ =	sdelay $0x1  }
0x118: {  	v8 =	vmul.f32 v8, v3;
	v10 =	vmul.f32 v7, v3  }
0x119: {  	v11 =	vmov s20;
	v9 =	vmul.f32 v9, v3;
	v7 =	vmul.f32 v12, v3  }
0x11a: {  	[tilespmem:s12+$0x30] =	vst v10;
	v58 =	vand.u32 $0x7F, v11  }
0x11b: {  	[tilespmem:s12+$0xFFFFFFC0] =	vst v8;
	v1 =	vadd.s32 v1, v58  }
0x11c: {  	v2 =	vmul.f32 v2, v3;
	[tilespmem:s12+$0x10] =	vst v9;
	v1 =	vbroadcast v1, $0x0  }
0x11d: {  	s14 =	sadd.s32 $0x80, s14;
	[tilespmem:s12+$0xFFFFFFE0] =	vst v7;
	v6 =	vmul.f32 v6, v3  }
0x11e: {  	v4 =	vmul.f32 v4, v3;
	v3 =	vmul.f32 v5, v3;
	v7 =	vld [tilespmem:s14+$0xFFFFFFF0];
	[tilespmem:s12+$0xFFFFFFF0] =	vst v2  }
0x11f: {  	v2 =	vld [tilespmem:s14+$0x30];
	[tilespmem:s12+$0x0] =	vst v6  }
0x120: {  	v60 =	vld [tilespmem:s14+$0xFFFFFFC0];
	[tilespmem:s12+$0xFFFFFFD0] =	vst v3  }
0x121: {  	v59 =	vld [tilespmem:s14+$0x10];
	[tilespmem:s12+$0x20] =	vst v4  }
0x122: {  	v1 =	vld.idx.msk [tilespmem:v1+s31+$0x0], $0xffff;
	_ =	sdelay $0x2  }
0x123: {  	v6 =	vld [tilespmem:s14+$0x0]  }
0x124: {  	v3 =	vld [tilespmem:s14+$0xFFFFFFE0]  }
0x125: {  	v2 =	vmul.f32 v2, v1  }
0x126: {  	v61 =	vld [tilespmem:s14+$0x20];
	v4 =	vmul.f32 v60, v1  }
0x127: {  	v62 =	vld [tilespmem:s14+$0xFFFFFFD0];
	v5 =	vmul.f32 v59, v1;
	[tilespmem:s14+$0x30] =	vst v2  }
0x128: {  	v63 =	vmul.f32 v6, v1;
	[tilespmem:s14+$0xFFFFFFC0] =	vst v4  }
0x129: {  	v2 =	vmul.f32 v3, v1;
	[tilespmem:s14+$0x10] =	vst v5  }
0x12a: {  	v3 =	vmul.f32 v7, v1;
	[tilespmem:s14+$0x0] =	vst v63  }
0x12b: {  	[tilespmem:s14+$0xFFFFFFE0] =	vst v2;
	v2 =	vmul.f32 v61, v1  }
0x12c: {  	s10 =	sadd.s32 $0x1, s10;
	[tilespmem:s14+$0xFFFFFFF0] =	vst v3;
	v1 =	vmul.f32 v62, v1  }
0x12d: {  	p0 =	sne.s32 s10, $0x28;
	[tilespmem:s14+$0x20] =	vst v2  }
.Ltmp3:
0x12e: {  	[tilespmem:s14+$0xFFFFFFD0] =	vst v1;
	(pc) =	sbr.rel @p0 .LBB2_4-.Ltmp3, $4  }
0x12f: {  	[spmem:s13] =	stream.indirect.scatter.add.f32 [tilespmem:s6], [sflag:$0x3], $0x80, s5, s3, $0xb8;
	[tilespmem:$0x1FA00] =	vst v63  }
0x130: {  	_ =	swait.ge [sflag:s30], $0x4000  }
0x131: {  	[sflag:s30] =	ssyncset.done $0x0  }
0x132: {  	[sflag:s30] =	ssyncadd.s32 $0xFFFFC000  }
0x133: {  	s9 =	stileid.u32  }
0x134: {  	[bflag:$0x0] =	sbarrier.arrive $0xFFFF;
	s9 =	sshll.u32 s9, $0x6  }
0x135: {  	s10 =	sshrl.u32 s18, $0x3;
	s12 =	rddreg [dreg:$0x4];
	s9 =	sor.u32 $0x1C03, s9  }
0x136: {  	[hbm:s12], [sflag:s9] =	dma.local [spmem:s10], $0x400  }
0x137: {  	_ =	swait.ge [sflag:s30], $0x400  }
0x138: {  	[sflag:s30] =	ssyncset.done $0x0;
	s20 =	rddreg [dreg:$0x5]  }
0x139: {  	s21 =	rddreg [dreg:$0x12];
	[sflag:s30] =	ssyncadd.s32 $0xFFFFFC00  }
0x13a: {  	[hbm:s20], [sflag:s9] =	dma.local [spmem:s21], $0x400  }
0x13b: {  	_ =	swait.ge [sflag:s30], $0x400  }
0x13c: {  	[sflag:s30] =	ssyncset.done $0x0;
	s14 =	rddreg [dreg:$0x6]  }
0x13d: {  	s19 =	rddreg [dreg:$0x13];
	[sflag:s30] =	ssyncadd.s32 $0xFFFFFC00  }
0x13e: {  	[hbm:s14], [sflag:s9] =	dma.local [spmem:s19], $0x400  }
0x13f: {  	_ =	swait.ge [sflag:s30], $0x400  }
0x140: {  	[sflag:s30] =	ssyncset.done $0x0;
	s20 =	rddreg [dreg:$0x7]  }
0x141: {  	s21 =	rddreg [dreg:$0x14];
	[sflag:s30] =	ssyncadd.s32 $0xFFFFFC00  }
0x142: {  	[hbm:s20], [sflag:s9] =	dma.local [spmem:s21], $0x400  }
0x143: {  	_ =	swait.ge [sflag:s30], $0x400  }
0x144: {  	[sflag:s30] =	ssyncset.done $0x0;
	s14 =	rddreg [dreg:$0x8]  }
0x145: {  	s19 =	rddreg [dreg:$0x15];
	[sflag:s30] =	ssyncadd.s32 $0xFFFFFC00  }
0x146: {  	[hbm:s14], [sflag:s9] =	dma.local [spmem:s19], $0x400  }
0x147: {  	_ =	swait.ge [sflag:s30], $0x400  }
0x148: {  	[sflag:s30] =	ssyncset.done $0x0;
	s20 =	rddreg [dreg:$0x9]  }
0x149: {  	s21 =	rddreg [dreg:$0x16];
	[sflag:s30] =	ssyncadd.s32 $0xFFFFFC00  }
0x14a: {  	[hbm:s20], [sflag:s9] =	dma.local [spmem:s21], $0x400  }
0x14b: {  	_ =	swait.ge [sflag:s30], $0x400  }
0x14c: {  	[sflag:s30] =	ssyncset.done $0x0;
	s14 =	rddreg [dreg:$0xa]  }
0x14d: {  	s19 =	rddreg [dreg:$0x17];
	[sflag:s30] =	ssyncadd.s32 $0xFFFFFC00  }
0x14e: {  	[hbm:s14], [sflag:s9] =	dma.local [spmem:s19], $0x400  }
0x14f: {  	_ =	swait.ge [sflag:s30], $0x400  }
0x150: {  	[sflag:s30] =	ssyncset.done $0x0;
	s20 =	rddreg [dreg:$0xb]  }
0x151: {  	s21 =	rddreg [dreg:$0x18];
	[sflag:s30] =	ssyncadd.s32 $0xFFFFFC00  }
0x152: {  	[hbm:s20], [sflag:s9] =	dma.local [spmem:s21], $0x400  }
0x153: {  	_ =	swait.ge [sflag:s30], $0x400  }
0x154: {  	[sflag:s30] =	ssyncset.done $0x0;
	s12 =	rddreg [dreg:$0xc]  }
0x155: {  	s14 =	rddreg [dreg:$0x19];
	[sflag:s30] =	ssyncadd.s32 $0xFFFFFC00  }
0x156: {  	[hbm:s12], [sflag:s9] =	dma.local [spmem:s14], $0x400  }
0x157: {  	_ =	swait.ge [sflag:s30], $0x400  }
0x158: {  	[sflag:s30] =	ssyncset.done $0x0;
	s19 =	rddreg [dreg:$0xd]  }
0x159: {  	s20 =	rddreg [dreg:$0x1a];
	[sflag:s30] =	ssyncadd.s32 $0xFFFFFC00  }
0x15a: {  	[hbm:s19], [sflag:s9] =	dma.local [spmem:s20], $0x400  }
0x15b: {  	_ =	swait.ge [sflag:s30], $0x400  }
0x15c: {  	s2 =	sadd.s32 $0x1, s2;
	s21 =	rddreg [dreg:$0x11]  }
0x15d: {  	p0 =	sne.s32 s2, s21  }
.Ltmp4:
0x15e: {  	_ = 	snop;
	(pc) =	sbr.rel @p0 .LBB2_1-.Ltmp4, $3  }
0x15f: {  	_ =	sdelay $0x1  }
0x160: {  	[sflag:s30] =	ssyncset.done $0x0  }
0x161: {  	[sflag:s30] =	ssyncadd.s32 $0xFFFFFC00  }
0x162: {  	_ =	sfence.sel $0x180000  }
0x163: {  	[bflag:$0x0] =	sbarrier.arrive $0xFFFF  }
0x164: {  	_ =	strace $0x9000004D  }
0x165: {  	s0 =	stileid.u32;
	[bflag:$0x2] =	sbarrier.arrive $0xFFFF  }
0x166: {  	p0 =	sne.s32 s0, $0x0;
	s0 =	rddreg [dreg:$0x3]  }
0x167: {  	s0 =	sadd.s32 @!p0 $0x100000, s0  }
0x168: {  	[sflag:s0] =	ssyncadd.tile.s32 @!p0 $0x1;
	_ =	shalt  }
.Lfunc_end2:
_tile_overlayer_lowered:
.L_overlay_start_2:
0x169: {  	(tag) =	ssettag $0x2  }
0x16a: {  	s0 =	rddreg [dreg:$0x0];
	s2 =	stileid.u32  }
0x16b: {  	s1 =	rddreg [dreg:$0x1];
	p0 =	sne.s32 s2, $0x0  }
0x16c: {  	s3 =	rddreg [dreg:$0x2];
	[bflag:$0x3] =	sbarrier.arrive $0xFFFF;
	s2 =	simm.s32 @!p0 $0x1C03  }
0x16d: {  	[timem:s3], [sflag:s2] =	dma.local @!p0 [hbm:s0], s1  }
0x16e: {  	s0 =	simm.s32 @!p0 $0x3  }
0x16f: {  	_ =	swait.ge @!p0 [sflag:s0], s1  }
0x170: {  	s1 =	ssub.s32 @!p0 $0x0, s1;
	[sflag:s0] =	ssyncset.done @!p0 $0x0  }
0x171: {  	[sflag:s0] =	ssyncadd.s32 @!p0 s1  }
0x172: {  	[bflag:$0x3] =	sbarrier.arrive $0xFFFF  }
0x173: {  	_ =	shalt  }

// kernel: kernel.9.cloned.1.call-start
scs
__scs_entry_jumppad:
0x0: {  	(pc) =	sbr.rel $0x88, $3  }
0x1: {  	(tag) =	ssettag $0x0;
	lr =	simm.s32 $0x1  }
0x2: {  	[smem:$0x3F98] =	sst lr;
	_ =	strace $0xD0000000  }
0x3: {  	_ = 	snop  }
0x4: {  	_ = 	snop  }
0x5: {  	_ = 	snop  }
0x6: {  	_ = 	snop  }
0x7: {  	_ = 	snop  }
__scs_overlays_trampoline_lowered:
0x8: {  	[smem:$0x3FA7] =	sst s0  }
0x9: {  	[smem:$0x3FA8] =	sst s1  }
0xa: {  	[smem:$0x3FA9] =	sst s2  }
0xb: {  	[smem:$0x3FAA] =	sst s3  }
0xc: {  	[smem:$0x3FAB] =	sst s4  }
0xd: {  	[smem:$0x3FAC] =	sst s5  }
0xe: {  	[smem:$0x3FAD] =	sst s6  }
0xf: {  	[smem:$0x3FAE] =	sst s7  }
0x10: {  	[smem:$0x3FAF] =	sst s8  }
0x11: {  	[smem:$0x3FB0] =	sst s9;
	s0 =	simm.s32 @!p0 $0x0  }
0x12: {  	s1 =	sld [smem:$0x3F96];
	s0 =	simm.s32 @p0 $0x1  }
0x13: {  	[smem:$0x3FB1] =	sst s0;
	s0 =	simm.s32 @!p1 $0x0  }
0x14: {  	s2 =	sld [smem:$0x3F95];
	s0 =	simm.s32 @p1 $0x1  }
0x15: {  	[smem:$0x3FB2] =	sst s0;
	s0 =	simm.s32 @!p2 $0x0  }
0x16: {  	s3 =	sld [smem:$0x3FDB];
	s0 =	simm.s32 @p2 $0x1  }
0x17: {  	s4 =	simm.s32 $0x1BF5;
	[smem:$0x3FB4] =	sst s0  }
0x18: {  	s0 =	sld [smem:$0x3F97];
	_ =	swait.ge [sflag:s4], $0x0  }
0x19: {  	s7 =	sld [smem:$0x3F98]  }
0x1a: {  	s8 =	sadd.s32 $0xFFFFE003, lr  }
0x1b: {  	s9 =	sadd.s32 $0xFFFFFEF7, lr;
	s5 =	simm.s32 $0xFFFFFFFF;
	p2 =	slt.u32 s8, $0xFFFFF086  }
0x1c: {  	p1 =	slt.u32 s9, $0xF7A;
	s5 =	simm.s32 @!p2 $0x0  }
0x1d: {  	s5 =	simm.s32 @p1 $0x1;
	p0 =	seq.s32 s7, s2  }
0x1e: {  	s7 =	smul.u32 @!p0 $0xF7A, s2;
	p2 =	seq.s32 @!p0 s5, $0x0  }
0x1f: {  	s9 =	smul.u32 $0xF7A, s1;
	s8 =	simm.s32 @!p0 $0x1BF5;
	p2 =	por !p2, p0  }
0x20: {  	[sflag:s8] =	ssyncset.s32 @!p0 $0xFFFFF086;
	s6 =	sadd.s32 @!p0 s3, s7;
	s7 =	simm.s32 @!p0 $0x108  }
0x21: {  	s3 =	sadd.s32 s3, s9;
	s6 =	sadd.s32 @!p0 $0x88, s6;
	s7 =	simm.s32 @p2 $0x1082  }
0x22: {  	[simem:s7], [sflag:s8] =	dma.local @!p0 [hbm:s6], $0xF7A  }
0x23: {  	s9 =	sor.u32 $0xD0000000, s2;
	s6 =	simm.s32 $0x108;
	_ =	swait.ge @!p0 [sflag:s8], $0x0  }
0x24: {  	s3 =	sadd.s32 $0x88, s3;
	s6 =	simm.s32 @!p1 $0x1082;
	[sflag:s4] =	ssyncset.s32 $0xFFFFF086  }
0x25: {  	[simem:s6], [sflag:s4] =	dma.local [hbm:s3], $0xF7A  }
0x26: {  	[smem:$0x3F98] =	sst s1;
	(tag) =	ssettag s2;
	_ =	strace s9  }
0x27: {  	s1 =	sld [smem:$0x3FA8]  }
0x28: {  	s2 =	sld [smem:$0x3FA9]  }
0x29: {  	s4 =	sld [smem:$0x3FAB]  }
0x2a: {  	p0 =	seq.s32 s5, $0x0;
	s5 =	sld [smem:$0x3FAC]  }
0x2b: {  	s6 =	sld [smem:$0x3FAD]  }
0x2c: {  	s7 =	sld [smem:$0x3FAE]  }
0x2d: {  	s3 =	simm.s32 $0x108;
	s8 =	sld [smem:$0x3FAF]  }
0x2e: {  	s3 =	simm.s32 @!p0 $0x1082;
	s9 =	sld [smem:$0x3FB0]  }
0x2f: {  	lr =	sadd.s32 s0, s3;
	s0 =	sld [smem:$0x3FA7]  }
0x30: {  	s3 =	sld [smem:$0x3FAA]  }
0x31: {  	[smem:$0x3FB3] =	sst s10  }
0x32: {  	s10 =	sld [smem:$0x3FB1];
	_ =	sdelay $0x3  }
0x33: {  	p0 =	seq.s32 s10, $0x1;
	s10 =	sld [smem:$0x3FB3];
	_ =	sdelay $0x3  }
0x34: {  	[smem:$0x3FB3] =	sst s10  }
0x35: {  	s10 =	sld [smem:$0x3FB2];
	_ =	sdelay $0x3  }
0x36: {  	p1 =	seq.s32 s10, $0x1;
	s10 =	sld [smem:$0x3FB3];
	_ =	sdelay $0x3  }
0x37: {  	[smem:$0x3FB3] =	sst s10  }
0x38: {  	s10 =	sld [smem:$0x3FB4]  }
0x39: {  	_ = 	snop;
	(pc) =	sbr.ind lr, $3  }
0x3a: {  	_ = 	snop  }
0x3b: {  	_ = 	snop  }
0x3c: {  	p2 =	seq.s32 s10, $0x1;
	s10 =	sld [smem:$0x3FB3]  }
0x3d: {  	_ =	shalt  }
0x3e: {  	_ =	shalt  }
0x3f: {  	_ =	shalt  }
0x40: {  	_ =	shalt  }
0x41: {  	_ =	shalt  }
0x42: {  	_ =	shalt  }
0x43: {  	_ =	shalt  }
0x44: {  	_ =	shalt  }
0x45: {  	_ =	shalt  }
0x46: {  	_ =	shalt  }
0x47: {  	_ =	shalt  }
0x48: {  	_ =	shalt  }
0x49: {  	_ =	shalt  }
0x4a: {  	_ =	shalt  }
0x4b: {  	_ =	shalt  }
0x4c: {  	_ =	shalt  }
0x4d: {  	_ =	shalt  }
0x4e: {  	_ =	shalt  }
0x4f: {  	_ =	shalt  }
0x50: {  	_ =	shalt  }
0x51: {  	_ =	shalt  }
0x52: {  	_ =	shalt  }
0x53: {  	_ =	shalt  }
0x54: {  	_ =	shalt  }
0x55: {  	_ =	shalt  }
0x56: {  	_ =	shalt  }
0x57: {  	_ =	shalt  }
0x58: {  	_ =	shalt  }
0x59: {  	_ =	shalt  }
0x5a: {  	_ =	shalt  }
0x5b: {  	_ =	shalt  }
0x5c: {  	_ =	shalt  }
0x5d: {  	_ =	shalt  }
0x5e: {  	_ =	shalt  }
0x5f: {  	_ =	shalt  }
0x60: {  	_ =	shalt  }
0x61: {  	_ =	shalt  }
0x62: {  	_ =	shalt  }
0x63: {  	_ =	shalt  }
0x64: {  	_ =	shalt  }
0x65: {  	_ =	shalt  }
0x66: {  	_ =	shalt  }
0x67: {  	_ =	shalt  }
0x68: {  	_ =	shalt  }
0x69: {  	_ =	shalt  }
0x6a: {  	_ =	shalt  }
0x6b: {  	_ =	shalt  }
0x6c: {  	_ =	shalt  }
0x6d: {  	_ =	shalt  }
0x6e: {  	_ =	shalt  }
0x6f: {  	_ =	shalt  }
0x70: {  	_ =	shalt  }
0x71: {  	_ =	shalt  }
0x72: {  	_ =	shalt  }
0x73: {  	_ =	shalt  }
0x74: {  	_ =	shalt  }
0x75: {  	_ =	shalt  }
0x76: {  	_ =	shalt  }
0x77: {  	_ =	shalt  }
0x78: {  	_ =	shalt  }
0x79: {  	_ =	shalt  }
0x7a: {  	_ =	shalt  }
0x7b: {  	_ =	shalt  }
0x7c: {  	_ =	shalt  }
0x7d: {  	_ =	shalt  }
0x7e: {  	_ =	shalt  }
0x7f: {  	_ =	shalt  }
0x80: {  	_ =	shalt  }
0x81: {  	_ =	shalt  }
0x82: {  	_ =	shalt  }
0x83: {  	_ =	shalt  }
0x84: {  	_ =	shalt  }
0x85: {  	_ =	shalt  }
0x86: {  	_ =	shalt  }
0x87: {  	_ =	shalt  }
.Lfunc_end0:
.L_simem_size_0:
called_computation_lowered:
.L_overlay_start_0:
0x88: {  	s2 =	sld [smem:$0x3FD9]  }
0x89: {  	s3 =	sld [smem:$0x3FFE];
	_ =	sdelay $0x1  }
0x8a: {  	s1 =	srdreg.scid  }
0x8b: {  	s0 =	sand.u32 $0x1, s1  }
0x8c: {  	s16 =	sshll.u32 s0, $0xA;
	s2 =	sadd.s32 s3, s2  }
0x8d: {  	s2 =	sadd.s32 s2, s16  }
0x8e: {  	[smem:$0x3FBF] =	sst s2  }
0x8f: {  	_ = 	snop  }
0x90: {  	(tm) =	ssettm $0x1  }
0x91: {  	s17 =	sld [smem:$0x3FFB];
	_ =	sdelay $0x3  }
0x92: {  	_ =	strace s17  }
0x93: {  	s2 =	sld [smem:$0x3FFC];
	_ =	sdelay $0x3  }
0x94: {  	_ =	strace s2  }
0x95: {  	s2 =	sld [smem:$0x3FFD];
	_ =	sdelay $0x3  }
0x96: {  	_ =	strace s2  }
0x97: {  	_ =	strace $0x8FFFFFFF  }
0x98: {  	s18 =	sld [smem:$0x3FDB];
	_ =	sdelay $0x1  }
0x99: {  	s19 =	simm.s32 $_scs_section_size  }
0x9a: {  	s4 =	simm.s32 $_size__tile_overlayer_lowered;
	s5 =	simm.s32 $_tile_overlayer_lowered  }
0x9b: {  	s22 =	simm.s32 $0x1BFF;
	s21 =	sshll.u32 s5, $0x1;
	s2 =	sadd.s32 s19, s18  }
0x9c: {  	s6 =	simm.s32 $0x0;
	s20 =	sshll.u32 s4, $0x1;
	s4 =	sadd.s32 s21, s2  }
0x9d: {  	[timem:s6], [sflag:s22] =	dma.local [hbm:s4], s20  }
0x9e: {  	_ =	swait.ge [sflag:s22], s20  }
0x9f: {  	s3 =	ssub.s32 $0x0, s20;
	[sflag:s22] =	ssyncset.done $0x0  }
0xa0: {  	[sflag:s22] =	ssyncadd.s32 s3;
	_ =	sdelay $0x1  }
0xa1: {  	s23 =	simm.s32 $0x1B8B  }
0xa2: {  	_ =	swait.ge [sflag:s23], $0x1  }
0xa3: {  	[sflag:s23] =	ssyncset.done $0x0  }
0xa4: {  	s25 =	simm.s32 $0x1B8E;
	s24 =	sld [smem:$0x3FFE];
	[sflag:s23] =	ssyncadd.s32 $0xFFFFFFFF  }
0xa5: {  	s26 =	simm.s32 $execute0_lowered;
	[smem:$0x3FD2] =	sst s25  }
0xa6: {  	s4 =	sshll.u32 s26, $0x1;
	_ =	strace $0x80000046;
	[dreg:$0x1] =	wrdreg $0xFFFFFFFF  }
0xa7: {  	s28 =	simm.s32 $_size_execute0_lowered;
	s2 =	sadd.s32 s2, s4;
	[dreg:$0x0] =	wrdreg $0x0  }
0xa8: {  	s4 =	sshll.u32 s28, $0x1;
	[dreg:$0x2] =	wrdreg s2  }
0xa9: {  	[dreg:$0x3] =	wrdreg s4  }
0xaa: {  	[dreg:$0x4] =	wrdreg $0xC0  }
0xab: {  	_ =	task [dreg:s6], $0x5FFFF  }
0xac: {  	[dreg:$0x1] =	wrdreg $0xFFFFFFFF  }
0xad: {  	[dreg:$0x0] =	wrdreg $0x60  }
0xae: {  	[dreg:$0x2] =	wrdreg s24  }
0xaf: {  	[dreg:$0x3] =	wrdreg $0xA0000  }
0xb0: {  	[dreg:$0x4] =	wrdreg $0x9  }
0xb1: {  	_ =	task.clear_ibuf [dreg:s6], $0x5FFFF;
	_ =	strace $0x90000046  }
0xb2: {  	s29 =	simm.s32 $0x9;
	_ =	strace $0x80000048  }
0xb3: {  	_ =	swait.ge [sflag:s29], $0x1  }
0xb4: {  	[sflag:s29] =	ssyncadd.s32 $0xFFFFFFFF  }
0xb5: {  	_ =	strace $0x90000048  }
0xb6: {  	_ =	sfence  }
0xb7: {  	s30 =	sld [smem:$0x0];
	_ =	sdelay $0x2  }
0xb8: {  	s31 =	sshll.u32 s1, $0xD;
	s1 =	sshrl.u32 s1, $0x2  }
0xb9: {  	s3 =	sand.u32 $0x4000, s31;
	s1 =	sadd.s32 s1, s30  }
0xba: {  	s0 =	sor.u32 s3, s0;
	s1 =	sshll.u32 s1, $0x11  }
0xbb: {  	s0 =	sor.u32 s1, s0  }
0xbc: {  	s0 =	sadd.s32 $0x8F2B, s0  }
0xbd: {  	[sflag:s0] =	ssyncadd.remote.s32 $0x1  }
0xbe: {  	_ =	sfence.sel $0xFFFF  }
0xbf: {  	[dreg:$0x0] =	wrdreg $0xFFFFFFFF;
	(pc) =	sbr.abs _section_cstart, $3  }
0xc0: {  	[dreg:$0x1] =	wrdreg $0xFFFFFFFF  }
0xc1: {  	_ =	task.clear_ibuf [dreg:s6], $0x2FFFF;
	_ =	strace $0x9FFFFFFF  }
0xc2: {  	(tm) =	ssettm $0x7FFFFFFF  }
0xc3: {  	_ =	shalt  }
tec
execute0_lowered:
.L_overlay_start_1:
0x0: {  	(tag) =	ssettag $0x1  }
0x1: {  	s0 =	srdreg.scid  }
0x2: {  	s1 =	rddreg [dreg:$0x0];
	s8 =	stileid.u32  }
0x3: {  	s3 =	rddreg [dreg:$0x1];
	s5 =	smul.u32 $0x500, s8  }
0x4: {  	s0 =	sand.u32 $0x1, s0;
	s11 =	sshrl.u32 s8, $0x3;
	s12 =	smul.u32 $0x5000, s8  }
0x5: {  	s14 =	sshll.u32 s8, $0x7;
	s2 =	sshll.u32 s0, $0x4;
	s6 =	sshll.u32 s0, $0x7  }
0x6: {  	s0 =	ssub.s32 $0x2, s0;
	s4 =	sor.u32 s8, s2;
	s2 =	simm.s32 $0x0  }
0x7: {  	s5 =	sor.u32 s6, s5;
	s7 =	sshrl.u32 s0, $0x1;
	s6 =	smul.u32 $0x50000, s11  }
0x8: {  	s4 =	smul.u32 $0x500, s4;
	[smem:$0x7FF] =	sst s2;
	s5 =	sshrl.u32 s5, $0x3  }
0x9: {  	s0 =	ssub.s32 s0, s7;
	s7 =	sand.u32 $0x380, s14;
	_ =	strace $0x80000047  }
0xa: {  	s6 =	sshrl.u32 s6, $0x2;
	s0 =	smax.u32 s0, $0x1;
	s4 =	sadd.s32 s4, s1  }
0xb: {  	s1 =	sadd.s32 s5, s1;
	[dreg:$0x16] =	wrdreg s0;
	s13 =	sadd.s32 $0x2A00, s4  }
0xc: {  	s6 =	sadd.s32 s6, s3;
	s4 =	sadd.s32 $0xCA00, s4;
	[dreg:$0x3] =	wrdreg s13  }
0xd: {  	s5 =	sshrl.u32 s12, $0x2;
	s15 =	sadd.s32 s7, s6;
	[dreg:$0x4] =	wrdreg s4  }
0xe: {  	s6 =	sadd.s32 s5, s3;
	s1 =	sadd.s32 $0x16A00, s1;
	[dreg:$0x5] =	wrdreg s15  }
0xf: {  	s3 =	sadd.s32 $0x80, s6;
	[dreg:$0x15] =	wrdreg s1  }
0x10: {  	s16 =	sadd.s32 $0x100, s6;
	[dreg:$0x6] =	wrdreg s3  }
0x11: {  	s17 =	sadd.s32 $0x180, s6;
	[dreg:$0x7] =	wrdreg s16  }
0x12: {  	s18 =	sadd.s32 $0x200, s6;
	[dreg:$0x8] =	wrdreg s17  }
0x13: {  	s19 =	sadd.s32 $0x280, s6;
	[dreg:$0x9] =	wrdreg s18  }
0x14: {  	s20 =	sadd.s32 $0x300, s6;
	[dreg:$0xa] =	wrdreg s19  }
0x15: {  	s21 =	sadd.s32 $0x380, s6;
	[dreg:$0xb] =	wrdreg s20  }
0x16: {  	s22 =	sadd.s32 $0x14000, s6;
	[dreg:$0xc] =	wrdreg s21  }
0x17: {  	s23 =	sadd.s32 $0x14080, s6;
	[dreg:$0xd] =	wrdreg s22  }
0x18: {  	s24 =	sadd.s32 $0x14100, s6;
	[dreg:$0xe] =	wrdreg s23  }
0x19: {  	s25 =	sadd.s32 $0x14180, s6;
	[dreg:$0xf] =	wrdreg s24  }
0x1a: {  	s26 =	sadd.s32 $0x14200, s6;
	[dreg:$0x10] =	wrdreg s25  }
0x1b: {  	s4 =	sadd.s32 $0x14280, s6;
	[dreg:$0x11] =	wrdreg s26  }
0x1c: {  	s5 =	sadd.s32 $0x14300, s6;
	[dreg:$0x12] =	wrdreg s4  }
0x1d: {  	s7 =	sadd.s32 $0x14380, s6;
	[dreg:$0x13] =	wrdreg s5  }
0x1e: {  	s8 =	sadd.s32 $0x400, s6;
	[dreg:$0x14] =	wrdreg s7  }
0x1f: {  	s9 =	sadd.s32 $0x800, s6;
	[dreg:$0x17] =	wrdreg s8  }
0x20: {  	s10 =	sadd.s32 $0xC00, s6;
	[dreg:$0x18] =	wrdreg s9  }
0x21: {  	s11 =	sadd.s32 $0x1000, s6;
	[dreg:$0x19] =	wrdreg s10  }
0x22: {  	s12 =	sadd.s32 $0x480, s6;
	[dreg:$0x1a] =	wrdreg s11  }
0x23: {  	s13 =	sadd.s32 $0x880, s6;
	[dreg:$0x1b] =	wrdreg s12  }
0x24: {  	s14 =	sadd.s32 $0xC80, s6;
	[dreg:$0x1c] =	wrdreg s13  }
0x25: {  	s15 =	sadd.s32 $0x1080, s6;
	[dreg:$0x1d] =	wrdreg s14  }
0x26: {  	s1 =	sadd.s32 $0x1200, s6;
	[dreg:$0x1e] =	wrdreg s15  }
0x27: {  	s16 =	sadd.s32 $0x500, s6;
	[smem:$0x7E6] =	sst s1  }
0x28: {  	s17 =	sadd.s32 $0x900, s6;
	[dreg:$0x1f] =	wrdreg s16  }
0x29: {  	s18 =	sadd.s32 $0xD00, s6;
	[smem:$0x7DC] =	sst s17  }
0x2a: {  	s19 =	sadd.s32 $0x1100, s6;
	[smem:$0x7DD] =	sst s18  }
0x2b: {  	s20 =	sadd.s32 $0x580, s6;
	[smem:$0x7DE] =	sst s19  }
0x2c: {  	s21 =	sadd.s32 $0x980, s6;
	[smem:$0x7DF] =	sst s20  }
0x2d: {  	s22 =	sadd.s32 $0xD80, s6;
	[smem:$0x7E0] =	sst s21  }
0x2e: {  	s23 =	sadd.s32 $0x1180, s6;
	[smem:$0x7E1] =	sst s22  }
0x2f: {  	s24 =	sadd.s32 $0x600, s6;
	[smem:$0x7E2] =	sst s23  }
0x30: {  	s25 =	sadd.s32 $0xA00, s6;
	[smem:$0x7E3] =	sst s24  }
0x31: {  	s26 =	sadd.s32 $0xE00, s6;
	[smem:$0x7E4] =	sst s25  }
0x32: {  	s3 =	sadd.s32 $0x680, s6;
	[smem:$0x7E5] =	sst s26  }
0x33: {  	s4 =	sadd.s32 $0xA80, s6;
	[smem:$0x7E7] =	sst s3  }
0x34: {  	s5 =	sadd.s32 $0xE80, s6;
	[smem:$0x7E8] =	sst s4  }
0x35: {  	s7 =	sadd.s32 $0x1280, s6;
	[smem:$0x7E9] =	sst s5  }
0x36: {  	s8 =	sadd.s32 $0x700, s6;
	[smem:$0x7EA] =	sst s7  }
0x37: {  	s9 =	sadd.s32 $0xB00, s6;
	[smem:$0x7EB] =	sst s8  }
0x38: {  	s10 =	sadd.s32 $0xF00, s6;
	[smem:$0x7EC] =	sst s9  }
0x39: {  	s11 =	sadd.s32 $0x1300, s6;
	[smem:$0x7ED] =	sst s10  }
0x3a: {  	s12 =	sadd.s32 $0x780, s6;
	[smem:$0x7EE] =	sst s11  }
0x3b: {  	s13 =	sadd.s32 $0xB80, s6;
	[smem:$0x7EF] =	sst s12  }
0x3c: {  	s31 =	simm.s32 $0x1;
	s14 =	sadd.s32 $0xF80, s6;
	[smem:$0x7F0] =	sst s13  }
0x3d: {  	s0 =	simm.s32 $0x0;
	s15 =	sadd.s32 $0x1380, s6;
	[smem:$0x7F1] =	sst s14  }
0x3e: {  	s28 =	sadd.s32 $0x14B80, s6;
	[smem:$0x7F2] =	sst s15;
	s16 =	sadd.s32 $0x14400, s6  }
0x3f: {  	s29 =	sadd.s32 $0x14F80, s6;
	s17 =	sadd.s32 $0x14800, s6;
	[smem:$0x7F3] =	sst s16  }
0x40: {  	s30 =	sadd.s32 $0x15380, s6;
	s18 =	sadd.s32 $0x14C00, s6;
	[smem:$0x7F4] =	sst s17  }
0x41: {  	s1 =	simm.s32 $0x80;
	s19 =	sadd.s32 $0x15000, s6;
	[smem:$0x7F5] =	sst s18  }
0x42: {  	s20 =	sadd.s32 $0x14480, s6;
	s21 =	sadd.s32 $0x14880, s6;
	[smem:$0x7F6] =	sst s19  }
0x43: {  	s22 =	sadd.s32 $0x14C80, s6;
	s23 =	sadd.s32 $0x15080, s6;
	[smem:$0x7F7] =	sst s20  }
0x44: {  	s24 =	sadd.s32 $0x14500, s6;
	s25 =	sadd.s32 $0x14900, s6;
	[smem:$0x7F8] =	sst s21  }
0x45: {  	s26 =	sadd.s32 $0x14D00, s6;
	s9 =	sadd.s32 $0x15100, s6;
	[smem:$0x7F9] =	sst s22  }
0x46: {  	s10 =	sadd.s32 $0x14580, s6;
	s11 =	sadd.s32 $0x14980, s6;
	[smem:$0x7FA] =	sst s23  }
0x47: {  	s12 =	sadd.s32 $0x14D80, s6;
	s13 =	sadd.s32 $0x15180, s6;
	[smem:$0x7FB] =	sst s24  }
0x48: {  	s14 =	sadd.s32 $0x14600, s6;
	s15 =	sadd.s32 $0x14A00, s6;
	[smem:$0x7FC] =	sst s25  }
0x49: {  	[smem:$0x7FD] =	sst s26;
	s16 =	sadd.s32 $0x14E00, s6;
	s17 =	sadd.s32 $0x15200, s6  }
0x4a: {  	s18 =	sadd.s32 $0x14680, s6;
	s19 =	sadd.s32 $0x14A80, s6;
	s20 =	sadd.s32 $0x14E80, s6  }
0x4b: {  	s21 =	sadd.s32 $0x15280, s6;
	s22 =	sadd.s32 $0x14700, s6;
	s23 =	sadd.s32 $0x14B00, s6  }
0x4c: {  	v0 =	vimm.f32 $0.0e+00;
	s24 =	sadd.s32 $0x14F00, s6;
	s25 =	sadd.s32 $0x15300, s6;
	s26 =	sadd.s32 $0x14780, s6  }
.LBB2_1:
0x4d: {  	s3 =	simm.s32 $0x40;
	s4 =	simm.s32 $0x0  }
.LBB2_2:
0x4e: {  	p0 =	sne.s32 s3, $0x9FC0;
	[tilespmem:s4+$0x0] =	vst v0;
	s4 =	smov.u32 s3;
	s3 =	sadd.s32 $0x40, s3  }
.Ltmp0:
0x4f: {  	(pc) =	sbr.rel @p0 .LBB2_2-.Ltmp0, $2  }
0x50: {  	_ =	sdelay $0x2  }
0x51: {  	s4 =	sshra.s32 s4, $0x2  }
0x52: {  	[tilespmem:s4+$0x0] =	vst v0;
	s3 =	simm.s32 $0x0;
	s8 =	rddreg [dreg:$0x3];
	s5 =	simm.s32 $0x2800  }
0x53: {  	[tilespmem:s5], [sflag:$0x1] =	stream.linear.gather [hbm4b:s8+s3], $0x2800, $0x38;
	[tilespmem:$0xC800] =	vst v63  }
0x54: {  	_ =	swait.ge [sflag:s31], $0x2800  }
0x55: {  	[sflag:s31] =	ssyncset.done $0x0  }
0x56: {  	s8 =	simm.s32 $0x5000;
	s7 =	rddreg [dreg:$0x4];
	[sflag:s31] =	ssyncadd.s32 $0xFFFFD800  }
0x57: {  	[tilespmem:s8], [sflag:$0x1] =	stream.linear.gather [hbm4b:s7+s3], $0x2800, $0x38;
	[tilespmem:$0xC800] =	vst v63  }
0x58: {  	_ =	swait.ge [sflag:s31], $0x2800  }
0x59: {  	[sflag:s31] =	ssyncset.done $0x0  }
0x5a: {  	[sflag:s31] =	ssyncadd.s32 $0xFFFFD800  }
.LBB2_4:
0x5b: {  	s4 =	sshra.s32 s3, $0x2  }
0x5c: {  	v1 =	vld [tilespmem:s4+$0x2800];
	_ =	sdelay $0x2  }
0x5d: {  	v2 =	vld [tilespmem:s4+$0x5000];
	_ =	sdelay $0x4  }
0x5e: {  	[tilespmem:v1+s2+$0x0] =	vst.idx.add.f32.msk $0xffff, v2  }
0x5f: {  	v1 =	vld [tilespmem:s4+$0x2810];
	_ =	sdelay $0x2  }
0x60: {  	v2 =	vld [tilespmem:s4+$0x5010];
	_ =	sdelay $0x4  }
0x61: {  	[tilespmem:v1+s2+$0x0] =	vst.idx.add.f32.msk $0xffff, v2  }
0x62: {  	v1 =	vld [tilespmem:s4+$0x2820];
	_ =	sdelay $0x2  }
0x63: {  	v2 =	vld [tilespmem:s4+$0x5020];
	_ =	sdelay $0x4  }
0x64: {  	[tilespmem:v1+s2+$0x0] =	vst.idx.add.f32.msk $0xffff, v2  }
0x65: {  	v1 =	vld [tilespmem:s4+$0x2830];
	_ =	sdelay $0x2  }
0x66: {  	v2 =	vld [tilespmem:s4+$0x5030];
	_ =	sdelay $0x4  }
0x67: {  	[tilespmem:v1+s2+$0x0] =	vst.idx.add.f32.msk $0xffff, v2  }
0x68: {  	v1 =	vld [tilespmem:s4+$0x2840];
	_ =	sdelay $0x2  }
0x69: {  	v2 =	vld [tilespmem:s4+$0x5040];
	_ =	sdelay $0x4  }
0x6a: {  	[tilespmem:v1+s2+$0x0] =	vst.idx.add.f32.msk $0xffff, v2  }
0x6b: {  	v1 =	vld [tilespmem:s4+$0x2850];
	_ =	sdelay $0x2  }
0x6c: {  	v2 =	vld [tilespmem:s4+$0x5050];
	_ =	sdelay $0x4  }
0x6d: {  	[tilespmem:v1+s2+$0x0] =	vst.idx.add.f32.msk $0xffff, v2  }
0x6e: {  	v1 =	vld [tilespmem:s4+$0x2860];
	_ =	sdelay $0x2  }
0x6f: {  	v2 =	vld [tilespmem:s4+$0x5060];
	_ =	sdelay $0x4  }
0x70: {  	[tilespmem:v1+s2+$0x0] =	vst.idx.add.f32.msk $0xffff, v2  }
0x71: {  	v1 =	vld [tilespmem:s4+$0x2870];
	_ =	sdelay $0x2  }
0x72: {  	p0 =	sne.s32 s3, $0x9E00;
	v2 =	vld [tilespmem:s4+$0x5070]  }
.Ltmp1:
0x73: {  	_ = 	snop;
	(pc) =	sbr.rel @p0 .LBB2_4-.Ltmp1, $2  }
0x74: {  	_ =	sdelay $0x2  }
0x75: {  	s3 =	sadd.s32 $0x200, s3;
	[tilespmem:v1+s2+$0x0] =	vst.idx.add.f32.msk $0xffff, v2  }
0x76: {  	s3 =	simm.s32 $0x0;
	s4 =	rddreg [dreg:$0x5];
	s5 =	simm.s32 $0x400  }
0x77: {  	[spmem:s4] =	stream.strided.scatter [tilespmem:s3], [sflag:$0x1], $0x2800, s5, s1, $0x38;
	[tilespmem:$0xC800] =	vst v63  }
0x78: {  	_ =	swait.ge [sflag:s31], $0x2800  }
0x79: {  	[sflag:s31] =	ssyncset.done $0x0  }
0x7a: {  	[sflag:s31] =	ssyncadd.s32 $0xFFFFD800  }
0x7b: {  	s5 =	simm.s32 $0x7800;
	[bflag:$0x0] =	sbarrier.arrive $0xFFFF  }
0x7c: {  	[tilespmem:s5], [sflag:$0x1] =	stream.linear.gather [spmem:s6], $0x80, $0x38;
	[tilespmem:$0xC800] =	vst v63  }
0x7d: {  	s8 =	simm.s32 $0x7C00;
	s7 =	rddreg [dreg:$0x17]  }
0x7e: {  	[tilespmem:s8], [sflag:$0x1] =	stream.linear.gather [spmem:s7], $0x80, $0x38;
	[tilespmem:$0xC800] =	vst v63  }
0x7f: {  	s7 =	rddreg [dreg:$0x18];
	s8 =	simm.s32 $0x8000  }
0x80: {  	[tilespmem:s8], [sflag:$0x1] =	stream.linear.gather [spmem:s7], $0x80, $0x38;
	[tilespmem:$0xC800] =	vst v63  }
0x81: {  	s7 =	rddreg [dreg:$0x19];
	s8 =	simm.s32 $0x8400  }
0x82: {  	[tilespmem:s8], [sflag:$0x1] =	stream.linear.gather [spmem:s7], $0x80, $0x38;
	[tilespmem:$0xC800] =	vst v63  }
0x83: {  	s7 =	rddreg [dreg:$0x1a];
	s8 =	simm.s32 $0x8800  }
0x84: {  	[tilespmem:s8], [sflag:$0x1] =	stream.linear.gather [spmem:s7], $0x80, $0x38;
	[tilespmem:$0xC800] =	vst v63  }
0x85: {  	_ =	swait.ge [sflag:s31], $0x280  }
0x86: {  	[sflag:s31] =	ssyncset.done $0x0  }
0x87: {  	s8 =	simm.s32 $0x7880;
	s7 =	rddreg [dreg:$0x6];
	[sflag:s31] =	ssyncadd.s32 $0xFFFFFD80  }
0x88: {  	[tilespmem:s8], [sflag:$0x1] =	stream.linear.gather [spmem:s7], $0x80, $0x38;
	[tilespmem:$0xC800] =	vst v63  }
0x89: {  	s7 =	rddreg [dreg:$0x1b];
	s8 =	simm.s32 $0x7C80  }
0x8a: {  	[tilespmem:s8], [sflag:$0x1] =	stream.linear.gather [spmem:s7], $0x80, $0x38;
	[tilespmem:$0xC800] =	vst v63  }
0x8b: {  	s7 =	rddreg [dreg:$0x1c];
	s8 =	simm.s32 $0x8080  }
0x8c: {  	[tilespmem:s8], [sflag:$0x1] =	stream.linear.gather [spmem:s7], $0x80, $0x38;
	[tilespmem:$0xC800] =	vst v63  }
0x8d: {  	s7 =	rddreg [dreg:$0x1d];
	s8 =	simm.s32 $0x8480  }
0x8e: {  	[tilespmem:s8], [sflag:$0x1] =	stream.linear.gather [spmem:s7], $0x80, $0x38;
	[tilespmem:$0xC800] =	vst v63  }
0x8f: {  	s7 =	rddreg [dreg:$0x1e];
	s8 =	simm.s32 $0x8880  }
0x90: {  	[tilespmem:s8], [sflag:$0x1] =	stream.linear.gather [spmem:s7], $0x80, $0x38;
	[tilespmem:$0xC800] =	vst v63  }
0x91: {  	_ =	swait.ge [sflag:s31], $0x280  }
0x92: {  	[sflag:s31] =	ssyncset.done $0x0  }
0x93: {  	s8 =	simm.s32 $0x7900;
	s7 =	rddreg [dreg:$0x7];
	[sflag:s31] =	ssyncadd.s32 $0xFFFFFD80  }
0x94: {  	[tilespmem:s8], [sflag:$0x1] =	stream.linear.gather [spmem:s7], $0x80, $0x38;
	[tilespmem:$0xC800] =	vst v63  }
0x95: {  	s7 =	rddreg [dreg:$0x1f];
	s8 =	simm.s32 $0x7D00  }
0x96: {  	[tilespmem:s8], [sflag:$0x1] =	stream.linear.gather [spmem:s7], $0x80, $0x38;
	[tilespmem:$0xC800] =	vst v63  }
0x97: {  	s7 =	sld [smem:$0x7DC];
	_ =	sdelay $0x1  }
0x98: {  	s8 =	simm.s32 $0x8100  }
0x99: {  	[tilespmem:s8], [sflag:$0x1] =	stream.linear.gather [spmem:s7], $0x80, $0x38;
	[tilespmem:$0xC800] =	vst v63  }
0x9a: {  	s7 =	sld [smem:$0x7DD];
	_ =	sdelay $0x1  }
0x9b: {  	s8 =	simm.s32 $0x8500  }
0x9c: {  	[tilespmem:s8], [sflag:$0x1] =	stream.linear.gather [spmem:s7], $0x80, $0x38;
	[tilespmem:$0xC800] =	vst v63  }
0x9d: {  	s7 =	sld [smem:$0x7DE];
	_ =	sdelay $0x1  }
0x9e: {  	s8 =	simm.s32 $0x8900  }
0x9f: {  	[tilespmem:s8], [sflag:$0x1] =	stream.linear.gather [spmem:s7], $0x80, $0x38;
	[tilespmem:$0xC800] =	vst v63  }
0xa0: {  	_ =	swait.ge [sflag:s31], $0x280  }
0xa1: {  	[sflag:s31] =	ssyncset.done $0x0  }
0xa2: {  	s8 =	simm.s32 $0x7980;
	s7 =	rddreg [dreg:$0x8];
	[sflag:s31] =	ssyncadd.s32 $0xFFFFFD80  }
0xa3: {  	[tilespmem:s8], [sflag:$0x1] =	stream.linear.gather [spmem:s7], $0x80, $0x38;
	[tilespmem:$0xC800] =	vst v63  }
0xa4: {  	s7 =	sld [smem:$0x7DF];
	_ =	sdelay $0x1  }
0xa5: {  	s8 =	simm.s32 $0x7D80  }
0xa6: {  	[tilespmem:s8], [sflag:$0x1] =	stream.linear.gather [spmem:s7], $0x80, $0x38;
	[tilespmem:$0xC800] =	vst v63  }
0xa7: {  	s7 =	sld [smem:$0x7E0];
	_ =	sdelay $0x1  }
0xa8: {  	s8 =	simm.s32 $0x8180  }
0xa9: {  	[tilespmem:s8], [sflag:$0x1] =	stream.linear.gather [spmem:s7], $0x80, $0x38;
	[tilespmem:$0xC800] =	vst v63  }
0xaa: {  	s7 =	sld [smem:$0x7E1];
	_ =	sdelay $0x1  }
0xab: {  	s8 =	simm.s32 $0x8580  }
0xac: {  	[tilespmem:s8], [sflag:$0x1] =	stream.linear.gather [spmem:s7], $0x80, $0x38;
	[tilespmem:$0xC800] =	vst v63  }
0xad: {  	s7 =	sld [smem:$0x7E2];
	_ =	sdelay $0x1  }
0xae: {  	s8 =	simm.s32 $0x8980  }
0xaf: {  	[tilespmem:s8], [sflag:$0x1] =	stream.linear.gather [spmem:s7], $0x80, $0x38;
	[tilespmem:$0xC800] =	vst v63  }
0xb0: {  	_ =	swait.ge [sflag:s31], $0x280  }
0xb1: {  	[sflag:s31] =	ssyncset.done $0x0  }
0xb2: {  	s8 =	simm.s32 $0x7A00;
	s7 =	rddreg [dreg:$0x9];
	[sflag:s31] =	ssyncadd.s32 $0xFFFFFD80  }
0xb3: {  	[tilespmem:s8], [sflag:$0x1] =	stream.linear.gather [spmem:s7], $0x80, $0x38;
	[tilespmem:$0xC800] =	vst v63  }
0xb4: {  	s7 =	sld [smem:$0x7E3];
	_ =	sdelay $0x1  }
0xb5: {  	s8 =	simm.s32 $0x7E00  }
0xb6: {  	[tilespmem:s8], [sflag:$0x1] =	stream.linear.gather [spmem:s7], $0x80, $0x38;
	[tilespmem:$0xC800] =	vst v63  }
0xb7: {  	s7 =	sld [smem:$0x7E4];
	_ =	sdelay $0x1  }
0xb8: {  	s8 =	simm.s32 $0x8200  }
0xb9: {  	[tilespmem:s8], [sflag:$0x1] =	stream.linear.gather [spmem:s7], $0x80, $0x38;
	[tilespmem:$0xC800] =	vst v63  }
0xba: {  	s7 =	sld [smem:$0x7E5];
	_ =	sdelay $0x1  }
0xbb: {  	s8 =	simm.s32 $0x8600  }
0xbc: {  	[tilespmem:s8], [sflag:$0x1] =	stream.linear.gather [spmem:s7], $0x80, $0x38;
	[tilespmem:$0xC800] =	vst v63  }
0xbd: {  	s7 =	sld [smem:$0x7E6];
	_ =	sdelay $0x1  }
0xbe: {  	s8 =	simm.s32 $0x8A00  }
0xbf: {  	[tilespmem:s8], [sflag:$0x1] =	stream.linear.gather [spmem:s7], $0x80, $0x38;
	[tilespmem:$0xC800] =	vst v63  }
0xc0: {  	_ =	swait.ge [sflag:s31], $0x280  }
0xc1: {  	[sflag:s31] =	ssyncset.done $0x0  }
0xc2: {  	s8 =	simm.s32 $0x7A80;
	s7 =	rddreg [dreg:$0xa];
	[sflag:s31] =	ssyncadd.s32 $0xFFFFFD80  }
0xc3: {  	[tilespmem:s8], [sflag:$0x1] =	stream.linear.gather [spmem:s7], $0x80, $0x38;
	[tilespmem:$0xC800] =	vst v63  }
0xc4: {  	s7 =	sld [smem:$0x7E7];
	_ =	sdelay $0x1  }
0xc5: {  	s8 =	simm.s32 $0x7E80  }
0xc6: {  	[tilespmem:s8], [sflag:$0x1] =	stream.linear.gather [spmem:s7], $0x80, $0x38;
	[tilespmem:$0xC800] =	vst v63  }
0xc7: {  	s7 =	sld [smem:$0x7E8];
	_ =	sdelay $0x1  }
0xc8: {  	s8 =	simm.s32 $0x8280  }
0xc9: {  	[tilespmem:s8], [sflag:$0x1] =	stream.linear.gather [spmem:s7], $0x80, $0x38;
	[tilespmem:$0xC800] =	vst v63  }
0xca: {  	s7 =	sld [smem:$0x7E9];
	_ =	sdelay $0x1  }
0xcb: {  	s8 =	simm.s32 $0x8680  }
0xcc: {  	[tilespmem:s8], [sflag:$0x1] =	stream.linear.gather [spmem:s7], $0x80, $0x38;
	[tilespmem:$0xC800] =	vst v63  }
0xcd: {  	s7 =	sld [smem:$0x7EA];
	_ =	sdelay $0x1  }
0xce: {  	s8 =	simm.s32 $0x8A80  }
0xcf: {  	[tilespmem:s8], [sflag:$0x1] =	stream.linear.gather [spmem:s7], $0x80, $0x38;
	[tilespmem:$0xC800] =	vst v63  }
0xd0: {  	_ =	swait.ge [sflag:s31], $0x280  }
0xd1: {  	[sflag:s31] =	ssyncset.done $0x0  }
0xd2: {  	s8 =	simm.s32 $0x7B00;
	s7 =	rddreg [dreg:$0xb];
	[sflag:s31] =	ssyncadd.s32 $0xFFFFFD80  }
0xd3: {  	[tilespmem:s8], [sflag:$0x1] =	stream.linear.gather [spmem:s7], $0x80, $0x38;
	[tilespmem:$0xC800] =	vst v63  }
0xd4: {  	s7 =	sld [smem:$0x7EB];
	_ =	sdelay $0x1  }
0xd5: {  	s8 =	simm.s32 $0x7F00  }
0xd6: {  	[tilespmem:s8], [sflag:$0x1] =	stream.linear.gather [spmem:s7], $0x80, $0x38;
	[tilespmem:$0xC800] =	vst v63  }
0xd7: {  	s7 =	sld [smem:$0x7EC];
	_ =	sdelay $0x1  }
0xd8: {  	s8 =	simm.s32 $0x8300  }
0xd9: {  	[tilespmem:s8], [sflag:$0x1] =	stream.linear.gather [spmem:s7], $0x80, $0x38;
	[tilespmem:$0xC800] =	vst v63  }
0xda: {  	s7 =	sld [smem:$0x7ED];
	_ =	sdelay $0x1  }
0xdb: {  	s8 =	simm.s32 $0x8700  }
0xdc: {  	[tilespmem:s8], [sflag:$0x1] =	stream.linear.gather [spmem:s7], $0x80, $0x38;
	[tilespmem:$0xC800] =	vst v63  }
0xdd: {  	s7 =	sld [smem:$0x7EE];
	_ =	sdelay $0x1  }
0xde: {  	s8 =	simm.s32 $0x8B00  }
0xdf: {  	[tilespmem:s8], [sflag:$0x1] =	stream.linear.gather [spmem:s7], $0x80, $0x38;
	[tilespmem:$0xC800] =	vst v63  }
0xe0: {  	_ =	swait.ge [sflag:s31], $0x280  }
0xe1: {  	[sflag:s31] =	ssyncset.done $0x0  }
0xe2: {  	s8 =	simm.s32 $0x7B80;
	s7 =	rddreg [dreg:$0xc];
	[sflag:s31] =	ssyncadd.s32 $0xFFFFFD80  }
0xe3: {  	[tilespmem:s8], [sflag:$0x1] =	stream.linear.gather [spmem:s7], $0x80, $0x38;
	[tilespmem:$0xC800] =	vst v63  }
0xe4: {  	s7 =	sld [smem:$0x7EF];
	_ =	sdelay $0x1  }
0xe5: {  	s8 =	simm.s32 $0x7F80  }
0xe6: {  	[tilespmem:s8], [sflag:$0x1] =	stream.linear.gather [spmem:s7], $0x80, $0x38;
	[tilespmem:$0xC800] =	vst v63  }
0xe7: {  	s7 =	sld [smem:$0x7F0];
	_ =	sdelay $0x1  }
0xe8: {  	s8 =	simm.s32 $0x8380  }
0xe9: {  	[tilespmem:s8], [sflag:$0x1] =	stream.linear.gather [spmem:s7], $0x80, $0x38;
	[tilespmem:$0xC800] =	vst v63  }
0xea: {  	s7 =	sld [smem:$0x7F1];
	_ =	sdelay $0x1  }
0xeb: {  	s8 =	simm.s32 $0x8780  }
0xec: {  	[tilespmem:s8], [sflag:$0x1] =	stream.linear.gather [spmem:s7], $0x80, $0x38;
	[tilespmem:$0xC800] =	vst v63  }
0xed: {  	s7 =	sld [smem:$0x7F2];
	_ =	sdelay $0x1  }
0xee: {  	s8 =	simm.s32 $0x8B80  }
0xef: {  	[tilespmem:s8], [sflag:$0x1] =	stream.linear.gather [spmem:s7], $0x80, $0x38;
	[tilespmem:$0xC800] =	vst v63  }
0xf0: {  	_ =	swait.ge [sflag:s31], $0x280  }
0xf1: {  	[sflag:s31] =	ssyncset.done $0x0  }
0xf2: {  	s8 =	simm.s32 $0x8C00;
	s7 =	rddreg [dreg:$0xd];
	[sflag:s31] =	ssyncadd.s32 $0xFFFFFD80  }
0xf3: {  	[tilespmem:s8], [sflag:$0x1] =	stream.linear.gather [spmem:s7], $0x80, $0x38;
	[tilespmem:$0xC800] =	vst v63  }
0xf4: {  	s7 =	sld [smem:$0x7F3];
	_ =	sdelay $0x1  }
0xf5: {  	s8 =	simm.s32 $0x9000  }
0xf6: {  	[tilespmem:s8], [sflag:$0x1] =	stream.linear.gather [spmem:s7], $0x80, $0x38;
	[tilespmem:$0xC800] =	vst v63  }
0xf7: {  	s7 =	sld [smem:$0x7F4];
	_ =	sdelay $0x1  }
0xf8: {  	s8 =	simm.s32 $0x9400  }
0xf9: {  	[tilespmem:s8], [sflag:$0x1] =	stream.linear.gather [spmem:s7], $0x80, $0x38;
	[tilespmem:$0xC800] =	vst v63  }
0xfa: {  	s7 =	sld [smem:$0x7F5];
	_ =	sdelay $0x1  }
0xfb: {  	s8 =	simm.s32 $0x9800  }
0xfc: {  	[tilespmem:s8], [sflag:$0x1] =	stream.linear.gather [spmem:s7], $0x80, $0x38;
	[tilespmem:$0xC800] =	vst v63  }
0xfd: {  	s7 =	sld [smem:$0x7F6];
	_ =	sdelay $0x1  }
0xfe: {  	s8 =	simm.s32 $0x9C00  }
0xff: {  	[tilespmem:s8], [sflag:$0x1] =	stream.linear.gather [spmem:s7], $0x80, $0x38;
	[tilespmem:$0xC800] =	vst v63  }
0x100: {  	_ =	swait.ge [sflag:s31], $0x280  }
0x101: {  	[sflag:s31] =	ssyncset.done $0x0  }
0x102: {  	s8 =	simm.s32 $0x8C80;
	s7 =	rddreg [dreg:$0xe];
	[sflag:s31] =	ssyncadd.s32 $0xFFFFFD80  }
0x103: {  	[tilespmem:s8], [sflag:$0x1] =	stream.linear.gather [spmem:s7], $0x80, $0x38;
	[tilespmem:$0xC800] =	vst v63  }
0x104: {  	s7 =	sld [smem:$0x7F7];
	_ =	sdelay $0x1  }
0x105: {  	s8 =	simm.s32 $0x9080  }
0x106: {  	[tilespmem:s8], [sflag:$0x1] =	stream.linear.gather [spmem:s7], $0x80, $0x38;
	[tilespmem:$0xC800] =	vst v63  }
0x107: {  	s7 =	sld [smem:$0x7F8];
	_ =	sdelay $0x1  }
0x108: {  	s8 =	simm.s32 $0x9480  }
0x109: {  	[tilespmem:s8], [sflag:$0x1] =	stream.linear.gather [spmem:s7], $0x80, $0x38;
	[tilespmem:$0xC800] =	vst v63  }
0x10a: {  	s7 =	sld [smem:$0x7F9];
	_ =	sdelay $0x1  }
0x10b: {  	s8 =	simm.s32 $0x9880  }
0x10c: {  	[tilespmem:s8], [sflag:$0x1] =	stream.linear.gather [spmem:s7], $0x80, $0x38;
	[tilespmem:$0xC800] =	vst v63  }
0x10d: {  	s7 =	sld [smem:$0x7FA];
	_ =	sdelay $0x1  }
0x10e: {  	s8 =	simm.s32 $0x9C80  }
0x10f: {  	[tilespmem:s8], [sflag:$0x1] =	stream.linear.gather [spmem:s7], $0x80, $0x38;
	[tilespmem:$0xC800] =	vst v63  }
0x110: {  	_ =	swait.ge [sflag:s31], $0x280  }
0x111: {  	[sflag:s31] =	ssyncset.done $0x0  }
0x112: {  	s8 =	simm.s32 $0x8D00;
	s7 =	rddreg [dreg:$0xf];
	[sflag:s31] =	ssyncadd.s32 $0xFFFFFD80  }
0x113: {  	[tilespmem:s8], [sflag:$0x1] =	stream.linear.gather [spmem:s7], $0x80, $0x38;
	[tilespmem:$0xC800] =	vst v63  }
0x114: {  	s7 =	sld [smem:$0x7FB];
	_ =	sdelay $0x1  }
0x115: {  	s8 =	simm.s32 $0x9100  }
0x116: {  	[tilespmem:s8], [sflag:$0x1] =	stream.linear.gather [spmem:s7], $0x80, $0x38;
	[tilespmem:$0xC800] =	vst v63  }
0x117: {  	s7 =	sld [smem:$0x7FC];
	_ =	sdelay $0x1  }
0x118: {  	s5 =	sld [smem:$0x7FD];
	s8 =	simm.s32 $0x9500  }
0x119: {  	[tilespmem:s8], [sflag:$0x1] =	stream.linear.gather [spmem:s7], $0x80, $0x38;
	[tilespmem:$0xC800] =	vst v63  }
0x11a: {  	s7 =	simm.s32 $0x9900  }
0x11b: {  	[tilespmem:s7], [sflag:$0x1] =	stream.linear.gather [spmem:s5], $0x80, $0x38;
	[tilespmem:$0xC800] =	vst v63  }
0x11c: {  	s8 =	simm.s32 $0x9D00  }
0x11d: {  	[tilespmem:s8], [sflag:$0x1] =	stream.linear.gather [spmem:s9], $0x80, $0x38;
	[tilespmem:$0xC800] =	vst v63  }
0x11e: {  	_ =	swait.ge [sflag:s31], $0x280  }
0x11f: {  	[sflag:s31] =	ssyncset.done $0x0  }
0x120: {  	s7 =	simm.s32 $0x8D80;
	s5 =	rddreg [dreg:$0x10];
	[sflag:s31] =	ssyncadd.s32 $0xFFFFFD80  }
0x121: {  	[tilespmem:s7], [sflag:$0x1] =	stream.linear.gather [spmem:s5], $0x80, $0x38;
	[tilespmem:$0xC800] =	vst v63  }
0x122: {  	s8 =	simm.s32 $0x9180  }
0x123: {  	[tilespmem:s8], [sflag:$0x1] =	stream.linear.gather [spmem:s10], $0x80, $0x38;
	[tilespmem:$0xC800] =	vst v63  }
0x124: {  	s5 =	simm.s32 $0x9580  }
0x125: {  	[tilespmem:s5], [sflag:$0x1] =	stream.linear.gather [spmem:s11], $0x80, $0x38;
	[tilespmem:$0xC800] =	vst v63  }
0x126: {  	s7 =	simm.s32 $0x9980  }
0x127: {  	[tilespmem:s7], [sflag:$0x1] =	stream.linear.gather [spmem:s12], $0x80, $0x38;
	[tilespmem:$0xC800] =	vst v63  }
0x128: {  	s8 =	simm.s32 $0x9D80  }
0x129: {  	[tilespmem:s8], [sflag:$0x1] =	stream.linear.gather [spmem:s13], $0x80, $0x38;
	[tilespmem:$0xC800] =	vst v63  }
0x12a: {  	_ =	swait.ge [sflag:s31], $0x280  }
0x12b: {  	[sflag:s31] =	ssyncset.done $0x0  }
0x12c: {  	s7 =	simm.s32 $0x8E00;
	s5 =	rddreg [dreg:$0x11];
	[sflag:s31] =	ssyncadd.s32 $0xFFFFFD80  }
0x12d: {  	[tilespmem:s7], [sflag:$0x1] =	stream.linear.gather [spmem:s5], $0x80, $0x38;
	[tilespmem:$0xC800] =	vst v63  }
0x12e: {  	s8 =	simm.s32 $0x9200  }
0x12f: {  	[tilespmem:s8], [sflag:$0x1] =	stream.linear.gather [spmem:s14], $0x80, $0x38;
	[tilespmem:$0xC800] =	vst v63  }
0x130: {  	s5 =	simm.s32 $0x9600  }
0x131: {  	[tilespmem:s5], [sflag:$0x1] =	stream.linear.gather [spmem:s15], $0x80, $0x38;
	[tilespmem:$0xC800] =	vst v63  }
0x132: {  	s7 =	simm.s32 $0x9A00  }
0x133: {  	[tilespmem:s7], [sflag:$0x1] =	stream.linear.gather [spmem:s16], $0x80, $0x38;
	[tilespmem:$0xC800] =	vst v63  }
0x134: {  	s8 =	simm.s32 $0x9E00  }
0x135: {  	[tilespmem:s8], [sflag:$0x1] =	stream.linear.gather [spmem:s17], $0x80, $0x38;
	[tilespmem:$0xC800] =	vst v63  }
0x136: {  	_ =	swait.ge [sflag:s31], $0x280  }
0x137: {  	[sflag:s31] =	ssyncset.done $0x0  }
0x138: {  	s7 =	simm.s32 $0x8E80;
	s5 =	rddreg [dreg:$0x12];
	[sflag:s31] =	ssyncadd.s32 $0xFFFFFD80  }
0x139: {  	[tilespmem:s7], [sflag:$0x1] =	stream.linear.gather [spmem:s5], $0x80, $0x38;
	[tilespmem:$0xC800] =	vst v63  }
0x13a: {  	s8 =	simm.s32 $0x9280  }
0x13b: {  	[tilespmem:s8], [sflag:$0x1] =	stream.linear.gather [spmem:s18], $0x80, $0x38;
	[tilespmem:$0xC800] =	vst v63  }
0x13c: {  	s5 =	simm.s32 $0x9680  }
0x13d: {  	[tilespmem:s5], [sflag:$0x1] =	stream.linear.gather [spmem:s19], $0x80, $0x38;
	[tilespmem:$0xC800] =	vst v63  }
0x13e: {  	s7 =	simm.s32 $0x9A80  }
0x13f: {  	[tilespmem:s7], [sflag:$0x1] =	stream.linear.gather [spmem:s20], $0x80, $0x38;
	[tilespmem:$0xC800] =	vst v63  }
0x140: {  	s8 =	simm.s32 $0x9E80  }
0x141: {  	[tilespmem:s8], [sflag:$0x1] =	stream.linear.gather [spmem:s21], $0x80, $0x38;
	[tilespmem:$0xC800] =	vst v63  }
0x142: {  	_ =	swait.ge [sflag:s31], $0x280  }
0x143: {  	[sflag:s31] =	ssyncset.done $0x0  }
0x144: {  	s7 =	simm.s32 $0x8F00;
	s5 =	rddreg [dreg:$0x13];
	[sflag:s31] =	ssyncadd.s32 $0xFFFFFD80  }
0x145: {  	[tilespmem:s7], [sflag:$0x1] =	stream.linear.gather [spmem:s5], $0x80, $0x38;
	[tilespmem:$0xC800] =	vst v63  }
0x146: {  	s8 =	simm.s32 $0x9300  }
0x147: {  	[tilespmem:s8], [sflag:$0x1] =	stream.linear.gather [spmem:s22], $0x80, $0x38;
	[tilespmem:$0xC800] =	vst v63  }
0x148: {  	s5 =	simm.s32 $0x9700  }
0x149: {  	[tilespmem:s5], [sflag:$0x1] =	stream.linear.gather [spmem:s23], $0x80, $0x38;
	[tilespmem:$0xC800] =	vst v63  }
0x14a: {  	s7 =	simm.s32 $0x9B00  }
0x14b: {  	[tilespmem:s7], [sflag:$0x1] =	stream.linear.gather [spmem:s24], $0x80, $0x38;
	[tilespmem:$0xC800] =	vst v63  }
0x14c: {  	s8 =	simm.s32 $0x9F00  }
0x14d: {  	[tilespmem:s8], [sflag:$0x1] =	stream.linear.gather [spmem:s25], $0x80, $0x38;
	[tilespmem:$0xC800] =	vst v63  }
0x14e: {  	_ =	swait.ge [sflag:s31], $0x280  }
0x14f: {  	[sflag:s31] =	ssyncset.done $0x0  }
0x150: {  	s7 =	simm.s32 $0x8F80;
	s5 =	rddreg [dreg:$0x14];
	[sflag:s31] =	ssyncadd.s32 $0xFFFFFD80  }
0x151: {  	[tilespmem:s7], [sflag:$0x1] =	stream.linear.gather [spmem:s5], $0x80, $0x38;
	[tilespmem:$0xC800] =	vst v63  }
0x152: {  	s8 =	simm.s32 $0x9380  }
0x153: {  	[tilespmem:s8], [sflag:$0x1] =	stream.linear.gather [spmem:s26], $0x80, $0x38;
	[tilespmem:$0xC800] =	vst v63  }
0x154: {  	s5 =	simm.s32 $0x9780  }
0x155: {  	[tilespmem:s5], [sflag:$0x1] =	stream.linear.gather [spmem:s28], $0x80, $0x38;
	[tilespmem:$0xC800] =	vst v63  }
0x156: {  	s7 =	simm.s32 $0x9B80  }
0x157: {  	[tilespmem:s7], [sflag:$0x1] =	stream.linear.gather [spmem:s29], $0x80, $0x38;
	[tilespmem:$0xC800] =	vst v63  }
0x158: {  	s8 =	simm.s32 $0x9F80  }
0x159: {  	[tilespmem:s8], [sflag:$0x1] =	stream.linear.gather [spmem:s30], $0x80, $0x38;
	[tilespmem:$0xC800] =	vst v63  }
0x15a: {  	_ =	swait.ge [sflag:s31], $0x280  }
0x15b: {  	s5 =	sand.u32 $0x70, s3;
	s7 =	sand.u32 $0x1C00, s3;
	[sflag:s31] =	ssyncset.done $0x0  }
0x15c: {  	s4 =	sor.u32 s5, s7;
	[sflag:s31] =	ssyncadd.s32 $0xFFFFFD80  }
0x15d: {  	v1 =	vld [tilespmem:s4+$0x7880]  }
0x15e: {  	v2 =	vld [tilespmem:s4+$0x7800];
	_ =	sdelay $0x1  }
0x15f: {  	v3 =	vld [tilespmem:s4+$0x7900];
	_ =	sdelay $0x1  }
0x160: {  	v4 =	vld [tilespmem:s4+$0x7980]  }
0x161: {  	v1 =	vadd.f32 v1, v2  }
0x162: {  	v2 =	vld [tilespmem:s4+$0x7A00]  }
0x163: {  	v1 =	vadd.f32 v3, v1  }
0x164: {  	v3 =	vld [tilespmem:s4+$0x7A80]  }
0x165: {  	v1 =	vadd.f32 v4, v1  }
0x166: {  	v60 =	vld [tilespmem:s4+$0x7B00]  }
0x167: {  	v1 =	vadd.f32 v2, v1  }
0x168: {  	v2 =	vld [tilespmem:s4+$0x7B80]  }
0x169: {  	v1 =	vadd.f32 v3, v1  }
0x16a: {  	v3 =	vld [tilespmem:s4+$0x8C00]  }
0x16b: {  	v1 =	vadd.f32 v60, v1  }
0x16c: {  	v61 =	vld [tilespmem:s4+$0x8C80]  }
0x16d: {  	v1 =	vadd.f32 v2, v1  }
0x16e: {  	v2 =	vld [tilespmem:s4+$0x8D00]  }
0x16f: {  	v1 =	vadd.f32 v3, v1  }
0x170: {  	v3 =	vld [tilespmem:s4+$0x8D80]  }
0x171: {  	v1 =	vadd.f32 v61, v1  }
0x172: {  	v62 =	vld [tilespmem:s4+$0x8E00]  }
0x173: {  	v1 =	vadd.f32 v2, v1  }
0x174: {  	v2 =	vld [tilespmem:s4+$0x8E80]  }
0x175: {  	v1 =	vadd.f32 v3, v1  }
0x176: {  	v3 =	vld [tilespmem:s4+$0x8F00]  }
0x177: {  	v1 =	vadd.f32 v62, v1  }
0x178: {  	v63 =	vld [tilespmem:s4+$0x8F80]  }
0x179: {  	v1 =	vadd.f32 v2, v1;
	_ =	sdelay $0x1  }
0x17a: {  	v1 =	vadd.f32 v3, v1;
	_ =	sdelay $0x1  }
0x17b: {  	s5 =	simm.s32 $0x80;
	s8 =	simm.s32 $0x10;
	v1 =	vadd.f32 v63, v1  }
0x17c: {  	s7 =	sand.u32 $0x1C00, s5;
	s4 =	sand.u32 $0x70, s8  }
0x17d: {  	s4 =	sor.u32 s4, s7;
	s7 =	simm.s32 $0x20;
	[tilespmem:s3+$0x0] =	vst v1  }
.LBB2_6:
0x17e: {  	p0 =	sne.s32 s7, $0x270;
	v1 =	vld [tilespmem:s4+$0x7880]  }
0x17f: {  	v2 =	vld [tilespmem:s4+$0x7800];
	_ =	sdelay $0x1  }
0x180: {  	v3 =	vld [tilespmem:s4+$0x7900];
	_ =	sdelay $0x1  }
0x181: {  	v4 =	vld [tilespmem:s4+$0x7980]  }
0x182: {  	v1 =	vadd.f32 v1, v2  }
0x183: {  	v2 =	vld [tilespmem:s4+$0x7A00]  }
0x184: {  	v1 =	vadd.f32 v3, v1  }
0x185: {  	v3 =	vld [tilespmem:s4+$0x7A80]  }
0x186: {  	v1 =	vadd.f32 v4, v1  }
0x187: {  	v4 =	vld [tilespmem:s4+$0x7B00]  }
0x188: {  	v1 =	vadd.f32 v2, v1  }
0x189: {  	v2 =	vld [tilespmem:s4+$0x7B80]  }
0x18a: {  	v1 =	vadd.f32 v3, v1  }
0x18b: {  	v3 =	vld [tilespmem:s4+$0x8C00]  }
0x18c: {  	v1 =	vadd.f32 v4, v1  }
0x18d: {  	v4 =	vld [tilespmem:s4+$0x8C80]  }
0x18e: {  	v1 =	vadd.f32 v2, v1  }
0x18f: {  	v2 =	vld [tilespmem:s4+$0x8D00]  }
0x190: {  	v1 =	vadd.f32 v3, v1  }
0x191: {  	v3 =	vld [tilespmem:s4+$0x8D80]  }
0x192: {  	v1 =	vadd.f32 v4, v1  }
0x193: {  	v4 =	vld [tilespmem:s4+$0x8E00]  }
0x194: {  	v1 =	vadd.f32 v2, v1  }
0x195: {  	v2 =	vld [tilespmem:s4+$0x8E80]  }
0x196: {  	v1 =	vadd.f32 v3, v1  }
0x197: {  	v3 =	vld [tilespmem:s4+$0x8F00]  }
0x198: {  	v1 =	vadd.f32 v4, v1  }
0x199: {  	v4 =	vld [tilespmem:s4+$0x8F80]  }
0x19a: {  	v1 =	vadd.f32 v2, v1;
	_ =	sdelay $0x1  }
.Ltmp2:
0x19b: {  	v1 =	vadd.f32 v3, v1;
	(pc) =	sbr.rel @p0 .LBB2_6-.Ltmp2, $4  }
0x19c: {  	_ = 	snop  }
0x19d: {  	s5 =	sadd.s32 $0x80, s5;
	v1 =	vadd.f32 v4, v1  }
0x19e: {  	s3 =	sadd.s32 $0x10, s3;
	s8 =	sand.u32 $0x1C00, s5;
	s4 =	sand.u32 $0x70, s7  }
0x19f: {  	s7 =	sadd.s32 $0x10, s7;
	s4 =	sor.u32 s4, s8;
	[tilespmem:s3+$0x0] =	vst v1  }
0x1a0: {  	v1 =	vld [tilespmem:s4+$0x7880]  }
0x1a1: {  	v2 =	vld [tilespmem:s4+$0x7800];
	_ =	sdelay $0x1  }
0x1a2: {  	v3 =	vld [tilespmem:s4+$0x7900];
	_ =	sdelay $0x1  }
0x1a3: {  	v4 =	vld [tilespmem:s4+$0x7980]  }
0x1a4: {  	v1 =	vadd.f32 v1, v2  }
0x1a5: {  	v2 =	vld [tilespmem:s4+$0x7A00]  }
0x1a6: {  	v1 =	vadd.f32 v3, v1  }
0x1a7: {  	v3 =	vld [tilespmem:s4+$0x7A80]  }
0x1a8: {  	v1 =	vadd.f32 v4, v1  }
0x1a9: {  	v60 =	vld [tilespmem:s4+$0x7B00]  }
0x1aa: {  	v1 =	vadd.f32 v2, v1  }
0x1ab: {  	v2 =	vld [tilespmem:s4+$0x7B80]  }
0x1ac: {  	v1 =	vadd.f32 v3, v1  }
0x1ad: {  	v3 =	vld [tilespmem:s4+$0x8C00]  }
0x1ae: {  	v1 =	vadd.f32 v60, v1  }
0x1af: {  	v61 =	vld [tilespmem:s4+$0x8C80]  }
0x1b0: {  	v1 =	vadd.f32 v2, v1  }
0x1b1: {  	v2 =	vld [tilespmem:s4+$0x8D00]  }
0x1b2: {  	v1 =	vadd.f32 v3, v1  }
0x1b3: {  	v3 =	vld [tilespmem:s4+$0x8D80]  }
0x1b4: {  	v1 =	vadd.f32 v61, v1  }
0x1b5: {  	v62 =	vld [tilespmem:s4+$0x8E00]  }
0x1b6: {  	v1 =	vadd.f32 v2, v1  }
0x1b7: {  	v2 =	vld [tilespmem:s4+$0x8E80]  }
0x1b8: {  	v1 =	vadd.f32 v3, v1  }
0x1b9: {  	v3 =	vld [tilespmem:s4+$0x8F00]  }
0x1ba: {  	v1 =	vadd.f32 v62, v1  }
0x1bb: {  	v63 =	vld [tilespmem:s4+$0x8F80]  }
0x1bc: {  	v1 =	vadd.f32 v2, v1;
	_ =	sdelay $0x1  }
0x1bd: {  	v1 =	vadd.f32 v3, v1;
	_ =	sdelay $0x1  }
0x1be: {  	v1 =	vadd.f32 v63, v1  }
0x1bf: {  	s3 =	sadd.s32 $0x10, s3  }
0x1c0: {  	s5 =	rddreg [dreg:$0x15];
	s7 =	simm.s32 $0x100;
	[tilespmem:s3+$0x0] =	vst v1  }
0x1c1: {  	[hbm4b:s5+s1] =	stream.strided.scatter [tilespmem:s2], [sflag:$0x1], $0x280, s7, s1, $0x38;
	[tilespmem:$0xC800] =	vst v63  }
0x1c2: {  	_ =	swait.ge [sflag:s31], $0x280  }
0x1c3: {  	s0 =	sadd.s32 $0x1, s0;
	s8 =	rddreg [dreg:$0x16]  }
0x1c4: {  	p0 =	sne.s32 s0, s8  }
.Ltmp3:
0x1c5: {  	_ = 	snop;
	(pc) =	sbr.rel @p0 .LBB2_1-.Ltmp3, $3  }
0x1c6: {  	_ =	sdelay $0x1  }
0x1c7: {  	[sflag:s31] =	ssyncset.done $0x0  }
0x1c8: {  	[sflag:s31] =	ssyncadd.s32 $0xFFFFFD80  }
0x1c9: {  	_ =	sfence.sel $0x180000  }
0x1ca: {  	[bflag:$0x0] =	sbarrier.arrive $0xFFFF  }
0x1cb: {  	_ =	strace $0x90000047  }
0x1cc: {  	s0 =	stileid.u32;
	[bflag:$0x2] =	sbarrier.arrive $0xFFFF  }
0x1cd: {  	p0 =	sne.s32 s0, $0x0;
	s0 =	rddreg [dreg:$0x2]  }
0x1ce: {  	s0 =	sadd.s32 @!p0 $0x100000, s0  }
0x1cf: {  	[sflag:s0] =	ssyncadd.tile.s32 @!p0 $0x1;
	_ =	shalt  }
.Lfunc_end2:
_tile_overlayer_lowered:
.L_overlay_start_2:
0x1d0: {  	(tag) =	ssettag $0x2  }
0x1d1: {  	s0 =	rddreg [dreg:$0x0];
	s2 =	stileid.u32  }
0x1d2: {  	s1 =	rddreg [dreg:$0x1];
	p0 =	sne.s32 s2, $0x0  }
0x1d3: {  	s3 =	rddreg [dreg:$0x2];
	[bflag:$0x3] =	sbarrier.arrive $0xFFFF;
	s2 =	simm.s32 @!p0 $0x1C01  }
0x1d4: {  	[timem:s3], [sflag:s2] =	dma.local @!p0 [hbm:s0], s1  }
0x1d5: {  	s0 =	simm.s32 @!p0 $0x1  }
0x1d6: {  	_ =	swait.ge @!p0 [sflag:s0], s1  }
0x1d7: {  	s1 =	ssub.s32 @!p0 $0x0, s1;
	[sflag:s0] =	ssyncset.done @!p0 $0x0  }
0x1d8: {  	[sflag:s0] =	ssyncadd.s32 @!p0 s1  }
0x1d9: {  	[bflag:$0x3] =	sbarrier.arrive $0xFFFF  }
0x1da: {  	_ =	shalt  }

</sc_bundles>
